<compile_context>
chip_gen: v7x
topology: tpu7x:2x2x1
jax: 0.10.2.dev20260603
libtpu: 0.0.44.dev20260713+nightly
codegen_flags: <defaults>
</compile_context>

<pallas_src>
import functools

import jax
import jax.numpy as jnp
from jax import lax
from jax.experimental import pallas as pl
from jax.experimental.pallas import tpu as pltpu
from jax.experimental.pallas import tpu_sc as plsc

N = 10000
D = 128
D_OUT = 2
E = 320000

NC = 2
NS = 16
NW = NC * NS

CHUNK = 64
NCHUNKS = E // CHUNK
K = 160
KQ = K // 4
NBUF = 4
ACC_ROWS = N
ROWS_PER_TILE_ZERO = ACC_ROWS // NS
ROWS_PER_TILE_OUT = 624
OUT_TAIL = N - NS * ROWS_PER_TILE_OUT


def _segsum_body(table_hbm, src_hbm, dst_hbm, out_hbm,
                 src_idx_v, dst_idx_v, r0, r1, r2, r3, acc_sh,
                 g0, g1, g2, g3, h0, h1, h2, h3, s0, s1, s2, s3):
    c = lax.axis_index("c")
    s = lax.axis_index("s")
    wid = c * NS + s
    R = (r0, r1, r2, r3)
    GS = (g0, g1, g2, g3)
    GS2 = (h0, h1, h2, h3)
    SS = (s0, s1, s2, s3)
    HC = CHUNK // 2

    def _zrow(i, carry):
        for j in range(D // 16):
            r0[i, pl.ds(j * 16, 16)] = jnp.zeros((16,), jnp.float32)
        return carry
    lax.fori_loop(0, CHUNK, _zrow, 0)

    zbase = s * ROWS_PER_TILE_OUT
    zfull = ROWS_PER_TILE_OUT // CHUNK
    ztail = ROWS_PER_TILE_OUT - zfull * CHUNK

    def _zcopy(r, carry):
        pltpu.sync_copy(r0, acc_sh.at[pl.ds(zbase + r * CHUNK, CHUNK)])
        return carry
    lax.fori_loop(0, zfull, _zcopy, 0)
    pltpu.sync_copy(r0.at[pl.ds(0, ztail)],
                    acc_sh.at[pl.ds(zbase + zfull * CHUNK, ztail)])

    @pl.when(s == 0)
    def _ztail():
        pltpu.sync_copy(r0.at[pl.ds(0, OUT_TAIL)],
                        acc_sh.at[pl.ds(NS * ROWS_PER_TILE_OUT, OUT_TAIL)])

    plsc.subcore_barrier()

    def _gs(j, t):
        pltpu.async_copy(table_hbm.at[src_idx_v.at[j, pl.ds(0, HC)]],
                         R[t].at[pl.ds(0, HC)], GS[t])
        pltpu.async_copy(table_hbm.at[src_idx_v.at[j, pl.ds(HC, HC)]],
                         R[t].at[pl.ds(HC, HC)], GS2[t])

    def _gw(b):
        pltpu.make_async_copy(table_hbm.at[src_idx_v.at[0, pl.ds(0, HC)]],
                              R[b].at[pl.ds(0, HC)], GS[b]).wait()
        pltpu.make_async_copy(table_hbm.at[src_idx_v.at[0, pl.ds(0, HC)]],
                              R[b].at[pl.ds(HC, HC)], GS2[b]).wait()

    def _sw(b):
        pltpu.make_async_copy(R[b], acc_sh.at[dst_idx_v.at[0]], SS[b]).wait()

    cb = wid * K

    def _quarter(q):
        pltpu.sync_copy(src_hbm.at[pl.ds(cb + q * KQ, KQ)], src_idx_v)
        pltpu.sync_copy(dst_hbm.at[pl.ds(cb + q * KQ, KQ)], dst_idx_v)
        for b in range(NBUF - 1):
            _gs(b, b)

        def _grp(i, carry):
            for b in range(NBUF):
                j = NBUF * i + b
                t = (b + NBUF - 1) % NBUF
                jn = j + NBUF - 1
                _gw(b)
                if b == 0:
                    @pl.when(i > 0)
                    def _():
                        _sw(t)
                else:
                    _sw(t)
                pltpu.async_copy(R[b], acc_sh.at[dst_idx_v.at[j]], SS[b],
                                 add=True)

                @pl.when(jn < KQ)
                def _():
                    _gs(jn, t)
            return carry
        lax.fori_loop(0, KQ // NBUF, _grp, 0)
        _sw(NBUF - 1)

    nq = jnp.where(wid == NW - 1, 1, 4)
    _quarter(0)
    for q in range(1, 4):
        @pl.when(q < nq)
        def _q():
            _quarter(q)

    plsc.subcore_barrier()

    pltpu.sync_copy(acc_sh.at[pl.ds(s * ROWS_PER_TILE_OUT, ROWS_PER_TILE_OUT)],
                    out_hbm.at[c, pl.ds(s * ROWS_PER_TILE_OUT, ROWS_PER_TILE_OUT)])

    @pl.when(s == 0)
    def _tail():
        pltpu.sync_copy(acc_sh.at[pl.ds(NS * ROWS_PER_TILE_OUT, OUT_TAIL)],
                        out_hbm.at[c, pl.ds(NS * ROWS_PER_TILE_OUT, OUT_TAIL)])


def _segment_sum_sc(table, src2, dst2):
    mesh = plsc.VectorSubcoreMesh(core_axis_name="c", subcore_axis_name="s")
    f = pl.kernel(
        _segsum_body,
        out_type=jax.ShapeDtypeStruct((NC, N, D), jnp.float32),
        mesh=mesh,
        scratch_types=[
            pltpu.VMEM((KQ, CHUNK), jnp.int32),
            pltpu.VMEM((KQ, CHUNK), jnp.int32),
        ] + [pltpu.VMEM((CHUNK, D), jnp.float32)] * NBUF + [
            pltpu.VMEM_SHARED((ACC_ROWS, D), jnp.float32),
        ] + [pltpu.SemaphoreType.DMA] * (3 * NBUF),
    )
    return f(table, src2, dst2)


def _mlp1_body(p0_ref, p1_ref, x_ref, wa_ref, ba_ref, wb_ref, bb_ref, o_ref):
    hin = p0_ref[0] + p1_ref[0] + x_ref[...]
    t = jnp.dot(hin, wa_ref[...], preferred_element_type=jnp.float32) + ba_ref[...]
    t = jnp.maximum(t, 0.0)
    u = jnp.dot(t, wb_ref[...], preferred_element_type=jnp.float32) + bb_ref[...]
    o_ref[...] = jnp.maximum(u, 0.0)


def _mlp2_body(p0_ref, p1_ref, x_ref, wa_ref, ba_ref, wb_ref, bb_ref,
               wf_ref, bf_ref, o_ref):
    hin = p0_ref[0] + p1_ref[0] + x_ref[...]
    t = jnp.dot(hin, wa_ref[...], preferred_element_type=jnp.float32) + ba_ref[...]
    t = jnp.maximum(t, 0.0)
    h2 = jnp.dot(t, wb_ref[...], preferred_element_type=jnp.float32) + bb_ref[...]
    o_ref[...] = jnp.dot(h2, wf_ref[...], preferred_element_type=jnp.float32) + bf_ref[...]


_BR = 2000


def _row_spec():
    return pl.BlockSpec((_BR, D), lambda i: (i, 0))


def _part_spec(k):
    return pl.BlockSpec((1, _BR, D), lambda i, _k=k: (_k, i, 0))


def _w_spec():
    return pl.BlockSpec((D, D), lambda i: (0, 0))


def _b_spec():
    return pl.BlockSpec((1, D), lambda i: (0, 0))


def _mlp1(p, x, W1a, b1a, W1b, b1b):
    return pl.pallas_call(
        _mlp1_body,
        grid=(N // _BR,),
        in_specs=[_part_spec(0), _part_spec(1), _row_spec(),
                  _w_spec(), _b_spec(), _w_spec(), _b_spec()],
        out_specs=_row_spec(),
        out_shape=jax.ShapeDtypeStruct((N, D), jnp.float32),
    )(p, p, x, W1a, b1a.reshape(1, D), W1b, b1b.reshape(1, D))


def _mlp2(p, h, W2a, b2a, W2b, b2b, Wfc, bfc):
    return pl.pallas_call(
        _mlp2_body,
        grid=(N // _BR,),
        in_specs=[_part_spec(0), _part_spec(1), _row_spec(),
                  _w_spec(), _b_spec(), _w_spec(), _b_spec(),
                  pl.BlockSpec((D, D_OUT), lambda i: (0, 0)),
                  pl.BlockSpec((1, D_OUT), lambda i: (0, 0))],
        out_specs=pl.BlockSpec((_BR, D_OUT), lambda i: (i, 0)),
        out_shape=jax.ShapeDtypeStruct((N, D_OUT), jnp.float32),
    )(p, p, h, W2a, b2a.reshape(1, D), W2b, b2b.reshape(1, D),
      Wfc, bfc.reshape(1, D_OUT))


def kernel(x, edge_index, W1a, b1a, W1b, b1b, W2a, b2a, W2b, b2b, Wfc, bfc):
    src3 = edge_index[0].astype(jnp.int32).reshape(NCHUNKS, CHUNK)
    dst3 = edge_index[1].astype(jnp.int32).reshape(NCHUNKS, CHUNK)

    agg = _segment_sum_sc(x, src3, dst3)
    h = _mlp1(agg, x, W1a, b1a, W1b, b1b)
    agg2 = _segment_sum_sc(h, src3, dst3)
    return _mlp2(agg2, h, W2a, b2a, W2b, b2b, Wfc, bfc)

# --- scband reference (transcript-rebuilt; emitter-appended) ---
"""Pipeline reference for scband-ginnet-2688649527833 (READ-ONLY COPY).

The authoritative reference and input builder live on the scoring server;
editing this copy changes nothing except your own understanding.
"""

import jax, jax.numpy as jnp
import numpy as np

N_NODES = 10000
N_EDGES = 320000
D_IN = 128
D_HID = 128
D_OUT = 2


def setup_inputs(seed: int = 0) -> dict:
    key = jax.random.key(seed)
    ks = jax.random.split(key, 12)
    x = jax.random.normal(ks[0], (N_NODES, D_IN), dtype=jnp.float32)
    edge_index = jax.random.randint(ks[1], (2, N_EDGES), 0, N_NODES, dtype=jnp.int64)
    s1 = 1.0 / np.sqrt(D_IN)
    s2 = 1.0 / np.sqrt(D_HID)
    W1a = jax.random.uniform(ks[2], (D_IN, D_HID), jnp.float32, -s1, s1)
    b1a = jax.random.uniform(ks[3], (D_HID,), jnp.float32, -s1, s1)
    W1b = jax.random.uniform(ks[4], (D_HID, D_HID), jnp.float32, -s2, s2)
    b1b = jax.random.uniform(ks[5], (D_HID,), jnp.float32, -s2, s2)
    W2a = jax.random.uniform(ks[6], (D_HID, D_HID), jnp.float32, -s2, s2)
    b2a = jax.random.uniform(ks[7], (D_HID,), jnp.float32, -s2, s2)
    W2b = jax.random.uniform(ks[8], (D_HID, D_HID), jnp.float32, -s2, s2)
    b2b = jax.random.uniform(ks[9], (D_HID,), jnp.float32, -s2, s2)
    Wfc = jax.random.uniform(ks[10], (D_HID, D_OUT), jnp.float32, -s2, s2)
    bfc = jax.random.uniform(ks[11], (D_OUT,), jnp.float32, -s2, s2)
    return {"x": x, "edge_index": edge_index, "W1a": W1a, "b1a": b1a, "W1b": W1b, "b1b": b1b, "W2a": W2a, "b2a": b2a, "W2b": W2b, "b2b": b2b, "Wfc": Wfc, "bfc": bfc}


def reference(x, edge_index, W1a, b1a, W1b, b1b, W2a, b2a, W2b, b2b, Wfc, bfc):
    src = edge_index[0]
    dst = edge_index[1]
    n = x.shape[0]
    # GINConv 1: out = nn1((1+eps)*x + sum_{j in N(i)} x_j), eps=0
    agg = jax.ops.segment_sum(jnp.take(x, src, axis=0), dst, num_segments=n)
    h = agg + x
    h = jnp.maximum(h @ W1a + b1a, 0.0) @ W1b + b1b
    h = jnp.maximum(h, 0.0)  # torch.relu after conv1
    # dropout p=0.0 / eval mode -> identity
    # GINConv 2
    agg2 = jax.ops.segment_sum(jnp.take(h, src, axis=0), dst, num_segments=n)
    h2 = agg2 + h
    h2 = jnp.maximum(h2 @ W2a + b2a, 0.0) @ W2b + b2b
    out = h2 @ Wfc + bfc
    return out

if __name__ == "__main__":
    import jax
    _d = setup_inputs()
    print(jax.jit(kernel)(*tuple(_d.values())))

</pallas_src>

<mosaic_0001>
#map = affine_map<(d0, d1) -> (0, 0)>
#map1 = affine_map<(d0, d1) -> (0, 0, 0)>
module attributes {stable_mosaic.version = 14 : i64} {
  func.func @_segsum_body(%arg0: i32, %arg1: i32, %arg2: memref<10000x128xf32, #tpu.memory_space<hbm>>, %arg3: memref<5000x64xi32, #tpu.memory_space<hbm>>, %arg4: memref<5000x64xi32, #tpu.memory_space<hbm>>, %arg5: memref<2x10000x128xf32, #tpu.memory_space<hbm>>, %arg6: memref<40x64xi32, #tpu.memory_space<vmem>>, %arg7: memref<40x64xi32, #tpu.memory_space<vmem>>, %arg8: memref<64x128xf32, #tpu.memory_space<vmem>>, %arg9: memref<64x128xf32, #tpu.memory_space<vmem>>, %arg10: memref<64x128xf32, #tpu.memory_space<vmem>>, %arg11: memref<64x128xf32, #tpu.memory_space<vmem>>, %arg12: memref<10000x128xf32, #tpu.memory_space<vmem_shared>>, %arg13: memref<!tpu.dma_semaphore, #tpu.memory_space<semaphore_mem>>, %arg14: memref<!tpu.dma_semaphore, #tpu.memory_space<semaphore_mem>>, %arg15: memref<!tpu.dma_semaphore, #tpu.memory_space<semaphore_mem>>, %arg16: memref<!tpu.dma_semaphore, #tpu.memory_space<semaphore_mem>>, %arg17: memref<!tpu.dma_semaphore, #tpu.memory_space<semaphore_mem>>, %arg18: memref<!tpu.dma_semaphore, #tpu.memory_space<semaphore_mem>>, %arg19: memref<!tpu.dma_semaphore, #tpu.memory_space<semaphore_mem>>, %arg20: memref<!tpu.dma_semaphore, #tpu.memory_space<semaphore_mem>>, %arg21: memref<!tpu.dma_semaphore, #tpu.memory_space<semaphore_mem>>, %arg22: memref<!tpu.dma_semaphore, #tpu.memory_space<semaphore_mem>>, %arg23: memref<!tpu.dma_semaphore, #tpu.memory_space<semaphore_mem>>, %arg24: memref<!tpu.dma_semaphore, #tpu.memory_space<semaphore_mem>>) attributes {dimension_semantics = [#tpu.dimension_semantics<core_parallel>, #tpu.dimension_semantics<subcore_parallel>], iteration_bounds = array<i64: 2, 16>, scalar_prefetch = 0 : i64, scratch_operands = 19 : i64, tpu.core_type = #tpu.core_type<sc_vector_subcore>, window_params = [{transform_indices = #map}, {transform_indices = #map}, {transform_indices = #map}, {transform_indices = #map1}]} {
    %mul3A = arith.constant 16 : i32
    %mul3A_0 = arith.muli %arg0, %mul3A : i32
    %add3A = arith.addi %mul3A_0, %arg1 : i32
    %scan3A = arith.constant 0 : i32
    %scan3A_1 = arith.constant 0 : i32
    %scan3A_2 = arith.constant 64 : i32
    %scan3A_3 = arith.addi %scan3A_1, %scan3A_2 : i32
    %scan3A_4 = arith.constant 1 : i32
    scf.for %scan3A_122 = %scan3A_1 to %scan3A_3 step %scan3A_4  : i32 {
      %broadcast_in_dim3A = arith.constant 0.000000e+00 : f32
      %broadcast_in_dim3A_123 = vector.broadcast %broadcast_in_dim3A : f32 to vector<16xf32>
      %swap3A = arith.index_cast %scan3A_122 : i32 to index
      %swap3A_124 = arith.constant 0 : index
      %swap3A_125 = tpu.vector_load %arg8[%swap3A, %swap3A_124] {strides = array<i32>} : memref<64x128xf32, #tpu.memory_space<vmem>>, vector<1x16xf32>,
      %swap3A_126 = vector.shape_cast %swap3A_125 : vector<1x16xf32> to vector<16xf32>
      %swap3A_127 = vector.shape_cast %broadcast_in_dim3A_123 : vector<16xf32> to vector<1x16xf32>
      tpu.vector_store %arg8[%swap3A, %swap3A_124], %swap3A_127 {strides = array<i32>} : memref<64x128xf32, #tpu.memory_space<vmem>>, vector<1x16xf32>,
      %broadcast_in_dim3A_128 = arith.constant 0.000000e+00 : f32
      %broadcast_in_dim3A_129 = vector.broadcast %broadcast_in_dim3A_128 : f32 to vector<16xf32>
      %swap3A_130 = arith.index_cast %scan3A_122 : i32 to index
      %swap3A_131 = arith.constant 16 : index
      %swap3A_132 = tpu.vector_load %arg8[%swap3A_130, %swap3A_131] {strides = array<i32>} : memref<64x128xf32, #tpu.memory_space<vmem>>, vector<1x16xf32>,
      %swap3A_133 = vector.shape_cast %swap3A_132 : vector<1x16xf32> to vector<16xf32>
      %swap3A_134 = vector.shape_cast %broadcast_in_dim3A_129 : vector<16xf32> to vector<1x16xf32>
      tpu.vector_store %arg8[%swap3A_130, %swap3A_131], %swap3A_134 {strides = array<i32>} : memref<64x128xf32, #tpu.memory_space<vmem>>, vector<1x16xf32>,
      %broadcast_in_dim3A_135 = arith.constant 0.000000e+00 : f32
      %broadcast_in_dim3A_136 = vector.broadcast %broadcast_in_dim3A_135 : f32 to vector<16xf32>
      %swap3A_137 = arith.index_cast %scan3A_122 : i32 to index
      %swap3A_138 = arith.constant 32 : index
      %swap3A_139 = tpu.vector_load %arg8[%swap3A_137, %swap3A_138] {strides = array<i32>} : memref<64x128xf32, #tpu.memory_space<vmem>>, vector<1x16xf32>,
      %swap3A_140 = vector.shape_cast %swap3A_139 : vector<1x16xf32> to vector<16xf32>
      %swap3A_141 = vector.shape_cast %broadcast_in_dim3A_136 : vector<16xf32> to vector<1x16xf32>
      tpu.vector_store %arg8[%swap3A_137, %swap3A_138], %swap3A_141 {strides = array<i32>} : memref<64x128xf32, #tpu.memory_space<vmem>>, vector<1x16xf32>,
      %broadcast_in_dim3A_142 = arith.constant 0.000000e+00 : f32
      %broadcast_in_dim3A_143 = vector.broadcast %broadcast_in_dim3A_142 : f32 to vector<16xf32>
      %swap3A_144 = arith.index_cast %scan3A_122 : i32 to index
      %swap3A_145 = arith.constant 48 : index
      %swap3A_146 = tpu.vector_load %arg8[%swap3A_144, %swap3A_145] {strides = array<i32>} : memref<64x128xf32, #tpu.memory_space<vmem>>, vector<1x16xf32>,
      %swap3A_147 = vector.shape_cast %swap3A_146 : vector<1x16xf32> to vector<16xf32>
      %swap3A_148 = vector.shape_cast %broadcast_in_dim3A_143 : vector<16xf32> to vector<1x16xf32>
      tpu.vector_store %arg8[%swap3A_144, %swap3A_145], %swap3A_148 {strides = array<i32>} : memref<64x128xf32, #tpu.memory_space<vmem>>, vector<1x16xf32>,
      %broadcast_in_dim3A_149 = arith.constant 0.000000e+00 : f32
      %broadcast_in_dim3A_150 = vector.broadcast %broadcast_in_dim3A_149 : f32 to vector<16xf32>
      %swap3A_151 = arith.index_cast %scan3A_122 : i32 to index
      %swap3A_152 = arith.constant 64 : index
      %swap3A_153 = tpu.vector_load %arg8[%swap3A_151, %swap3A_152] {strides = array<i32>} : memref<64x128xf32, #tpu.memory_space<vmem>>, vector<1x16xf32>,
      %swap3A_154 = vector.shape_cast %swap3A_153 : vector<1x16xf32> to vector<16xf32>
      %swap3A_155 = vector.shape_cast %broadcast_in_dim3A_150 : vector<16xf32> to vector<1x16xf32>
      tpu.vector_store %arg8[%swap3A_151, %swap3A_152], %swap3A_155 {strides = array<i32>} : memref<64x128xf32, #tpu.memory_space<vmem>>, vector<1x16xf32>,
      %broadcast_in_dim3A_156 = arith.constant 0.000000e+00 : f32
      %broadcast_in_dim3A_157 = vector.broadcast %broadcast_in_dim3A_156 : f32 to vector<16xf32>
      %swap3A_158 = arith.index_cast %scan3A_122 : i32 to index
      %swap3A_159 = arith.constant 80 : index
      %swap3A_160 = tpu.vector_load %arg8[%swap3A_158, %swap3A_159] {strides = array<i32>} : memref<64x128xf32, #tpu.memory_space<vmem>>, vector<1x16xf32>,
      %swap3A_161 = vector.shape_cast %swap3A_160 : vector<1x16xf32> to vector<16xf32>
      %swap3A_162 = vector.shape_cast %broadcast_in_dim3A_157 : vector<16xf32> to vector<1x16xf32>
      tpu.vector_store %arg8[%swap3A_158, %swap3A_159], %swap3A_162 {strides = array<i32>} : memref<64x128xf32, #tpu.memory_space<vmem>>, vector<1x16xf32>,
      %broadcast_in_dim3A_163 = arith.constant 0.000000e+00 : f32
      %broadcast_in_dim3A_164 = vector.broadcast %broadcast_in_dim3A_163 : f32 to vector<16xf32>
      %swap3A_165 = arith.index_cast %scan3A_122 : i32 to index
      %swap3A_166 = arith.constant 96 : index
      %swap3A_167 = tpu.vector_load %arg8[%swap3A_165, %swap3A_166] {strides = array<i32>} : memref<64x128xf32, #tpu.memory_space<vmem>>, vector<1x16xf32>,
      %swap3A_168 = vector.shape_cast %swap3A_167 : vector<1x16xf32> to vector<16xf32>
      %swap3A_169 = vector.shape_cast %broadcast_in_dim3A_164 : vector<16xf32> to vector<1x16xf32>
      tpu.vector_store %arg8[%swap3A_165, %swap3A_166], %swap3A_169 {strides = array<i32>} : memref<64x128xf32, #tpu.memory_space<vmem>>, vector<1x16xf32>,
      %broadcast_in_dim3A_170 = arith.constant 0.000000e+00 : f32
      %broadcast_in_dim3A_171 = vector.broadcast %broadcast_in_dim3A_170 : f32 to vector<16xf32>
      %swap3A_172 = arith.index_cast %scan3A_122 : i32 to index
      %swap3A_173 = arith.constant 112 : index
      %swap3A_174 = tpu.vector_load %arg8[%swap3A_172, %swap3A_173] {strides = array<i32>} : memref<64x128xf32, #tpu.memory_space<vmem>>, vector<1x16xf32>,
      %swap3A_175 = vector.shape_cast %swap3A_174 : vector<1x16xf32> to vector<16xf32>
      %swap3A_176 = vector.shape_cast %broadcast_in_dim3A_171 : vector<16xf32> to vector<1x16xf32>
      tpu.vector_store %arg8[%swap3A_172, %swap3A_173], %swap3A_176 {strides = array<i32>} : memref<64x128xf32, #tpu.memory_space<vmem>>, vector<1x16xf32>,
    }
    %scan3A_5 = arith.constant 64 : i32
    %mul3A_6 = arith.constant 624 : i32
    %mul3A_7 = arith.muli %arg1, %mul3A_6 : i32
    %scan3A_8 = arith.constant 0 : i32
    %scan3A_9 = arith.constant 0 : i32
    %scan3A_10 = arith.constant 9 : i32
    %scan3A_11 = arith.addi %scan3A_9, %scan3A_10 : i32
    %scan3A_12 = arith.constant 1 : i32
    scf.for %scan3A_122 = %scan3A_9 to %scan3A_11 step %scan3A_12  : i32 {
      %mul3A_123 = arith.constant 64 : i32
      %mul3A_124 = arith.muli %scan3A_122, %mul3A_123 : i32
      %add3A_125 = arith.addi %mul3A_7, %mul3A_124 : i32
      "tpu.region"() ({
        %run_scoped3A = tpu.sem_alloc : memref<!tpu.dma_semaphore, #tpu.memory_space<semaphore_mem>>
        %dma_start3A_126 = arith.constant 0 : i32
        %dma_start3A_127 = tpu.memref_slice %arg12[%add3A_125, %dma_start3A_126] : memref<10000x128xf32, #tpu.memory_space<vmem_shared>> -> memref<64x128xf32, #tpu.memory_space<vmem_shared>>
        %dma_start3A_128 = arith.constant 0 : i32
        %dma_start3A_129 = tpu.memref_slice %arg12[%add3A_125, %dma_start3A_128] : memref<10000x128xf32, #tpu.memory_space<vmem_shared>> -> memref<64x128xf32, #tpu.memory_space<vmem_shared>>
        tpu.enqueue_dma source(%arg8 : memref<64x128xf32, #tpu.memory_space<vmem>>) target(%dma_start3A_129 : memref<64x128xf32, #tpu.memory_space<vmem_shared>>) target_semaphore(%run_scoped3A : memref<!tpu.dma_semaphore, #tpu.memory_space<semaphore_mem>>)
        %dma_wait3A_130 = arith.constant 0 : i32
        %dma_wait3A_131 = tpu.memref_slice %arg12[%add3A_125, %dma_wait3A_130] : memref<10000x128xf32, #tpu.memory_space<vmem_shared>> -> memref<64x128xf32, #tpu.memory_space<vmem_shared>>
        %dma_wait3A_132 = arith.constant 0 : i32
        %dma_wait3A_133 = tpu.memref_slice %arg12[%add3A_125, %dma_wait3A_132] : memref<10000x128xf32, #tpu.memory_space<vmem_shared>> -> memref<64x128xf32, #tpu.memory_space<vmem_shared>>
        tpu.wait_dma2 semaphore(%run_scoped3A : memref<!tpu.dma_semaphore, #tpu.memory_space<semaphore_mem>>) src(%arg8 : memref<64x128xf32, #tpu.memory_space<vmem>>) dst(%dma_wait3A_133 : memref<64x128xf32, #tpu.memory_space<vmem_shared>>)
        tpu.yield
      }) : () -> ()
    }
    %scan3A_13 = arith.constant 9 : i32
    %add3A_14 = arith.constant 576 : i32
    %add3A_15 = arith.addi %mul3A_7, %add3A_14 : i32
    "tpu.region"() ({
      %run_scoped3A = tpu.sem_alloc : memref<!tpu.dma_semaphore, #tpu.memory_space<semaphore_mem>>
      %dma_start3A_122 = arith.constant 0 : i32
      %dma_start3A_123 = arith.constant 0 : i32
      %dma_start3A_124 = tpu.memref_slice %arg8[%dma_start3A_122, %dma_start3A_123] : memref<64x128xf32, #tpu.memory_space<vmem>> -> memref<48x128xf32, #tpu.memory_space<vmem>>
      %dma_start3A_125 = arith.constant 0 : i32
      %dma_start3A_126 = tpu.memref_slice %arg12[%add3A_15, %dma_start3A_125] : memref<10000x128xf32, #tpu.memory_space<vmem_shared>> -> memref<48x128xf32, #tpu.memory_space<vmem_shared>>
      %dma_start3A_127 = arith.constant 0 : i32
      %dma_start3A_128 = tpu.memref_slice %arg12[%add3A_15, %dma_start3A_127] : memref<10000x128xf32, #tpu.memory_space<vmem_shared>> -> memref<48x128xf32, #tpu.memory_space<vmem_shared>>
      %dma_start3A_129 = arith.constant 0 : i32
      %dma_start3A_130 = arith.constant 0 : i32
      %dma_start3A_131 = tpu.memref_slice %arg8[%dma_start3A_129, %dma_start3A_130] : memref<64x128xf32, #tpu.memory_space<vmem>> -> memref<48x128xf32, #tpu.memory_space<vmem>>
      tpu.enqueue_dma source(%dma_start3A_131 : memref<48x128xf32, #tpu.memory_space<vmem>>) target(%dma_start3A_128 : memref<48x128xf32, #tpu.memory_space<vmem_shared>>) target_semaphore(%run_scoped3A : memref<!tpu.dma_semaphore, #tpu.memory_space<semaphore_mem>>)
      %dma_wait3A_132 = arith.constant 0 : i32
      %dma_wait3A_133 = arith.constant 0 : i32
      %dma_wait3A_134 = tpu.memref_slice %arg8[%dma_wait3A_132, %dma_wait3A_133] : memref<64x128xf32, #tpu.memory_space<vmem>> -> memref<48x128xf32, #tpu.memory_space<vmem>>
      %dma_wait3A_135 = arith.constant 0 : i32
      %dma_wait3A_136 = tpu.memref_slice %arg12[%add3A_15, %dma_wait3A_135] : memref<10000x128xf32, #tpu.memory_space<vmem_shared>> -> memref<48x128xf32, #tpu.memory_space<vmem_shared>>
      %dma_wait3A_137 = arith.constant 0 : i32
      %dma_wait3A_138 = tpu.memref_slice %arg12[%add3A_15, %dma_wait3A_137] : memref<10000x128xf32, #tpu.memory_space<vmem_shared>> -> memref<48x128xf32, #tpu.memory_space<vmem_shared>>
      %dma_wait3A_139 = arith.constant 0 : i32
      %dma_wait3A_140 = arith.constant 0 : i32
      %dma_wait3A_141 = tpu.memref_slice %arg8[%dma_wait3A_139, %dma_wait3A_140] : memref<64x128xf32, #tpu.memory_space<vmem>> -> memref<48x128xf32, #tpu.memory_space<vmem>>
      tpu.wait_dma2 semaphore(%run_scoped3A : memref<!tpu.dma_semaphore, #tpu.memory_space<semaphore_mem>>) src(%dma_wait3A_141 : memref<48x128xf32, #tpu.memory_space<vmem>>) dst(%dma_wait3A_138 : memref<48x128xf32, #tpu.memory_space<vmem_shared>>)
      tpu.yield
    }) : () -> ()
    %eq3A = arith.constant 0 : i32
    %eq3A_16 = arith.cmpi eq, %arg1, %eq3A : i32
    %convert_element_type3A = arith.extui %eq3A_16 : i1 to i32
    %cond3A = arith.constant 0 : i32
    %cond3A_17 = arith.cmpi ne, %convert_element_type3A, %cond3A : i32
    scf.if %cond3A_17 {
      "tpu.region"() ({
        %run_scoped3A = tpu.sem_alloc : memref<!tpu.dma_semaphore, #tpu.memory_space<semaphore_mem>>
        %dma_start3A_122 = arith.constant 0 : i32
        %dma_start3A_123 = arith.constant 0 : i32
        %dma_start3A_124 = tpu.memref_slice %arg8[%dma_start3A_122, %dma_start3A_123] : memref<64x128xf32, #tpu.memory_space<vmem>> -> memref<16x128xf32, #tpu.memory_space<vmem>>
        %dma_start3A_125 = arith.constant 9984 : i32
        %dma_start3A_126 = arith.constant 0 : i32
        %dma_start3A_127 = tpu.memref_slice %arg12[%dma_start3A_125, %dma_start3A_126] : memref<10000x128xf32, #tpu.memory_space<vmem_shared>> -> memref<16x128xf32, #tpu.memory_space<vmem_shared>>
        %dma_start3A_128 = arith.constant 9984 : i32
        %dma_start3A_129 = arith.constant 0 : i32
        %dma_start3A_130 = tpu.memref_slice %arg12[%dma_start3A_128, %dma_start3A_129] : memref<10000x128xf32, #tpu.memory_space<vmem_shared>> -> memref<16x128xf32, #tpu.memory_space<vmem_shared>>
        %dma_start3A_131 = arith.constant 0 : i32
        %dma_start3A_132 = arith.constant 0 : i32
        %dma_start3A_133 = tpu.memref_slice %arg8[%dma_start3A_131, %dma_start3A_132] : memref<64x128xf32, #tpu.memory_space<vmem>> -> memref<16x128xf32, #tpu.memory_space<vmem>>
        tpu.enqueue_dma source(%dma_start3A_133 : memref<16x128xf32, #tpu.memory_space<vmem>>) target(%dma_start3A_130 : memref<16x128xf32, #tpu.memory_space<vmem_shared>>) target_semaphore(%run_scoped3A : memref<!tpu.dma_semaphore, #tpu.memory_space<semaphore_mem>>)
        %dma_wait3A_134 = arith.constant 0 : i32
        %dma_wait3A_135 = arith.constant 0 : i32
        %dma_wait3A_136 = tpu.memref_slice %arg8[%dma_wait3A_134, %dma_wait3A_135] : memref<64x128xf32, #tpu.memory_space<vmem>> -> memref<16x128xf32, #tpu.memory_space<vmem>>
        %dma_wait3A_137 = arith.constant 9984 : i32
        %dma_wait3A_138 = arith.constant 0 : i32
        %dma_wait3A_139 = tpu.memref_slice %arg12[%dma_wait3A_137, %dma_wait3A_138] : memref<10000x128xf32, #tpu.memory_space<vmem_shared>> -> memref<16x128xf32, #tpu.memory_space<vmem_shared>>
        %dma_wait3A_140 = arith.constant 9984 : i32
        %dma_wait3A_141 = arith.constant 0 : i32
        %dma_wait3A_142 = tpu.memref_slice %arg12[%dma_wait3A_140, %dma_wait3A_141] : memref<10000x128xf32, #tpu.memory_space<vmem_shared>> -> memref<16x128xf32, #tpu.memory_space<vmem_shared>>
        %dma_wait3A_143 = arith.constant 0 : i32
        %dma_wait3A_144 = arith.constant 0 : i32
        %dma_wait3A_145 = tpu.memref_slice %arg8[%dma_wait3A_143, %dma_wait3A_144] : memref<64x128xf32, #tpu.memory_space<vmem>> -> memref<16x128xf32, #tpu.memory_space<vmem>>
        tpu.wait_dma2 semaphore(%run_scoped3A : memref<!tpu.dma_semaphore, #tpu.memory_space<semaphore_mem>>) src(%dma_wait3A_145 : memref<16x128xf32, #tpu.memory_space<vmem>>) dst(%dma_wait3A_142 : memref<16x128xf32, #tpu.memory_space<vmem_shared>>)
        tpu.yield
      }) : () -> ()
    } else {
    }
    %barrier3A = arith.constant 0 : index
    tpu.barrier barrier_id(%barrier3A)
    %mul3A_18 = arith.constant 160 : i32
    %mul3A_19 = arith.muli %add3A, %mul3A_18 : i32
    %eq3A_20 = arith.constant 31 : i32
    %eq3A_21 = arith.cmpi eq, %add3A, %eq3A_20 : i32
    %jit3A = arith.constant 1 : i32
    %jit3A_22 = arith.constant 4 : i32
    %select_n3A = arith.select %eq3A_21, %jit3A, %jit3A_22 : i32
    %add3A_23 = arith.constant 0 : i32
    %add3A_24 = arith.addi %mul3A_19, %add3A_23 : i32
    "tpu.region"() ({
      %run_scoped3A = tpu.sem_alloc : memref<!tpu.dma_semaphore, #tpu.memory_space<semaphore_mem>>
      %dma_start3A_122 = arith.constant 0 : i32
      %dma_start3A_123 = tpu.memref_slice %arg3[%add3A_24, %dma_start3A_122] : memref<5000x64xi32, #tpu.memory_space<hbm>> -> memref<40x64xi32, #tpu.memory_space<hbm>>
      %dma_start3A_124 = arith.constant 0 : i32
      %dma_start3A_125 = tpu.memref_slice %arg3[%add3A_24, %dma_start3A_124] : memref<5000x64xi32, #tpu.memory_space<hbm>> -> memref<40x64xi32, #tpu.memory_space<hbm>>
      tpu.enqueue_dma source(%dma_start3A_125 : memref<40x64xi32, #tpu.memory_space<hbm>>) target(%arg6 : memref<40x64xi32, #tpu.memory_space<vmem>>) target_semaphore(%run_scoped3A : memref<!tpu.dma_semaphore, #tpu.memory_space<semaphore_mem>>)
      %dma_wait3A_126 = arith.constant 0 : i32
      %dma_wait3A_127 = tpu.memref_slice %arg3[%add3A_24, %dma_wait3A_126] : memref<5000x64xi32, #tpu.memory_space<hbm>> -> memref<40x64xi32, #tpu.memory_space<hbm>>
      %dma_wait3A_128 = arith.constant 0 : i32
      %dma_wait3A_129 = tpu.memref_slice %arg3[%add3A_24, %dma_wait3A_128] : memref<5000x64xi32, #tpu.memory_space<hbm>> -> memref<40x64xi32, #tpu.memory_space<hbm>>
      tpu.wait_dma2 semaphore(%run_scoped3A : memref<!tpu.dma_semaphore, #tpu.memory_space<semaphore_mem>>) src(%dma_wait3A_129 : memref<40x64xi32, #tpu.memory_space<hbm>>) dst(%arg6 : memref<40x64xi32, #tpu.memory_space<vmem>>)
      tpu.yield
    }) : () -> ()
    %add3A_25 = arith.constant 0 : i32
    %add3A_26 = arith.addi %mul3A_19, %add3A_25 : i32
    "tpu.region"() ({
      %run_scoped3A = tpu.sem_alloc : memref<!tpu.dma_semaphore, #tpu.memory_space<semaphore_mem>>
      %dma_start3A_122 = arith.constant 0 : i32
      %dma_start3A_123 = tpu.memref_slice %arg4[%add3A_26, %dma_start3A_122] : memref<5000x64xi32, #tpu.memory_space<hbm>> -> memref<40x64xi32, #tpu.memory_space<hbm>>
      %dma_start3A_124 = arith.constant 0 : i32
      %dma_start3A_125 = tpu.memref_slice %arg4[%add3A_26, %dma_start3A_124] : memref<5000x64xi32, #tpu.memory_space<hbm>> -> memref<40x64xi32, #tpu.memory_space<hbm>>
      tpu.enqueue_dma source(%dma_start3A_125 : memref<40x64xi32, #tpu.memory_space<hbm>>) target(%arg7 : memref<40x64xi32, #tpu.memory_space<vmem>>) target_semaphore(%run_scoped3A : memref<!tpu.dma_semaphore, #tpu.memory_space<semaphore_mem>>)
      %dma_wait3A_126 = arith.constant 0 : i32
      %dma_wait3A_127 = tpu.memref_slice %arg4[%add3A_26, %dma_wait3A_126] : memref<5000x64xi32, #tpu.memory_space<hbm>> -> memref<40x64xi32, #tpu.memory_space<hbm>>
      %dma_wait3A_128 = arith.constant 0 : i32
      %dma_wait3A_129 = tpu.memref_slice %arg4[%add3A_26, %dma_wait3A_128] : memref<5000x64xi32, #tpu.memory_space<hbm>> -> memref<40x64xi32, #tpu.memory_space<hbm>>
      tpu.wait_dma2 semaphore(%run_scoped3A : memref<!tpu.dma_semaphore, #tpu.memory_space<semaphore_mem>>) src(%dma_wait3A_129 : memref<40x64xi32, #tpu.memory_space<hbm>>) dst(%arg7 : memref<40x64xi32, #tpu.memory_space<vmem>>)
      tpu.yield
    }) : () -> ()
    %dma_start3A = arith.constant 0 : i32
    %dma_start3A_27 = arith.constant 0 : i32
    %dma_start3A_28 = arith.constant 0 : i32
    %dma_start3A_29 = tpu.memref_slice %arg8[%dma_start3A_27, %dma_start3A_28] : memref<64x128xf32, #tpu.memory_space<vmem>> -> memref<32x128xf32, #tpu.memory_space<vmem>>
    %dma_start3A_30 = arith.constant 0 : i32
    %dma_start3A_31 = tpu.memref_slice %arg6[%dma_start3A, %dma_start3A_30] : memref<40x64xi32, #tpu.memory_space<vmem>> -> memref<1x32xi32, #tpu.memory_space<vmem>>
    %dma_start3A_32 = tpu.memref_squeeze %dma_start3A_31 : memref<1x32xi32, #tpu.memory_space<vmem>> -> memref<32xi32, #tpu.memory_space<vmem>>
    %dma_start3A_33 = arith.constant 0 : i32
    %dma_start3A_34 = arith.constant 0 : i32
    %dma_start3A_35 = tpu.memref_slice %arg2[%dma_start3A_33, %dma_start3A_34] : memref<10000x128xf32, #tpu.memory_space<hbm>> -> memref<10000x128xf32, #tpu.memory_space<hbm>>
    tpu.enqueue_indirect_dma source(%dma_start3A_35 : memref<10000x128xf32, #tpu.memory_space<hbm>>) target(%dma_start3A_29 : memref<32x128xf32, #tpu.memory_space<vmem>>) offsets(%dma_start3A_32 : memref<32xi32, #tpu.memory_space<vmem>>) semaphore(%arg13 : memref<!tpu.dma_semaphore, #tpu.memory_space<semaphore_mem>>)
    %dma_start3A_36 = arith.constant 0 : i32
    %dma_start3A_37 = arith.constant 32 : i32
    %dma_start3A_38 = arith.constant 0 : i32
    %dma_start3A_39 = tpu.memref_slice %arg8[%dma_start3A_37, %dma_start3A_38] : memref<64x128xf32, #tpu.memory_space<vmem>> -> memref<32x128xf32, #tpu.memory_space<vmem>>
    %dma_start3A_40 = arith.constant 32 : i32
    %dma_start3A_41 = tpu.memref_slice %arg6[%dma_start3A_36, %dma_start3A_40] : memref<40x64xi32, #tpu.memory_space<vmem>> -> memref<1x32xi32, #tpu.memory_space<vmem>>
    %dma_start3A_42 = tpu.memref_squeeze %dma_start3A_41 : memref<1x32xi32, #tpu.memory_space<vmem>> -> memref<32xi32, #tpu.memory_space<vmem>>
    %dma_start3A_43 = arith.constant 0 : i32
    %dma_start3A_44 = arith.constant 0 : i32
    %dma_start3A_45 = tpu.memref_slice %arg2[%dma_start3A_43, %dma_start3A_44] : memref<10000x128xf32, #tpu.memory_space<hbm>> -> memref<10000x128xf32, #tpu.memory_space<hbm>>
    tpu.enqueue_indirect_dma source(%dma_start3A_45 : memref<10000x128xf32, #tpu.memory_space<hbm>>) target(%dma_start3A_39 : memref<32x128xf32, #tpu.memory_space<vmem>>) offsets(%dma_start3A_42 : memref<32xi32, #tpu.memory_space<vmem>>) semaphore(%arg17 : memref<!tpu.dma_semaphore, #tpu.memory_space<semaphore_mem>>)
    %dma_start3A_46 = arith.constant 1 : i32
    %dma_start3A_47 = arith.constant 0 : i32
    %dma_start3A_48 = arith.constant 0 : i32
    %dma_start3A_49 = tpu.memref_slice %arg9[%dma_start3A_47, %dma_start3A_48] : memref<64x128xf32, #tpu.memory_space<vmem>> -> memref<32x128xf32, #tpu.memory_space<vmem>>
    %dma_start3A_50 = arith.constant 0 : i32
    %dma_start3A_51 = tpu.memref_slice %arg6[%dma_start3A_46, %dma_start3A_50] : memref<40x64xi32, #tpu.memory_space<vmem>> -> memref<1x32xi32, #tpu.memory_space<vmem>>
    %dma_start3A_52 = tpu.memref_squeeze %dma_start3A_51 : memref<1x32xi32, #tpu.memory_space<vmem>> -> memref<32xi32, #tpu.memory_space<vmem>>
    %dma_start3A_53 = arith.constant 0 : i32
    %dma_start3A_54 = arith.constant 0 : i32
    %dma_start3A_55 = tpu.memref_slice %arg2[%dma_start3A_53, %dma_start3A_54] : memref<10000x128xf32, #tpu.memory_space<hbm>> -> memref<10000x128xf32, #tpu.memory_space<hbm>>
    tpu.enqueue_indirect_dma source(%dma_start3A_55 : memref<10000x128xf32, #tpu.memory_space<hbm>>) target(%dma_start3A_49 : memref<32x128xf32, #tpu.memory_space<vmem>>) offsets(%dma_start3A_52 : memref<32xi32, #tpu.memory_space<vmem>>) semaphore(%arg14 : memref<!tpu.dma_semaphore, #tpu.memory_space<semaphore_mem>>)
    %dma_start3A_56 = arith.constant 1 : i32
    %dma_start3A_57 = arith.constant 32 : i32
    %dma_start3A_58 = arith.constant 0 : i32
    %dma_start3A_59 = tpu.memref_slice %arg9[%dma_start3A_57, %dma_start3A_58] : memref<64x128xf32, #tpu.memory_space<vmem>> -> memref<32x128xf32, #tpu.memory_space<vmem>>
    %dma_start3A_60 = arith.constant 32 : i32
    %dma_start3A_61 = tpu.memref_slice %arg6[%dma_start3A_56, %dma_start3A_60] : memref<40x64xi32, #tpu.memory_space<vmem>> -> memref<1x32xi32, #tpu.memory_space<vmem>>
    %dma_start3A_62 = tpu.memref_squeeze %dma_start3A_61 : memref<1x32xi32, #tpu.memory_space<vmem>> -> memref<32xi32, #tpu.memory_space<vmem>>
    %dma_start3A_63 = arith.constant 0 : i32
    %dma_start3A_64 = arith.constant 0 : i32
    %dma_start3A_65 = tpu.memref_slice %arg2[%dma_start3A_63, %dma_start3A_64] : memref<10000x128xf32, #tpu.memory_space<hbm>> -> memref<10000x128xf32, #tpu.memory_space<hbm>>
    tpu.enqueue_indirect_dma source(%dma_start3A_65 : memref<10000x128xf32, #tpu.memory_space<hbm>>) target(%dma_start3A_59 : memref<32x128xf32, #tpu.memory_space<vmem>>) offsets(%dma_start3A_62 : memref<32xi32, #tpu.memory_space<vmem>>) semaphore(%arg18 : memref<!tpu.dma_semaphore, #tpu.memory_space<semaphore_mem>>)
    %dma_start3A_66 = arith.constant 2 : i32
    %dma_start3A_67 = arith.constant 0 : i32
    %dma_start3A_68 = arith.constant 0 : i32
    %dma_start3A_69 = tpu.memref_slice %arg10[%dma_start3A_67, %dma_start3A_68] : memref<64x128xf32, #tpu.memory_space<vmem>> -> memref<32x128xf32, #tpu.memory_space<vmem>>
    %dma_start3A_70 = arith.constant 0 : i32
    %dma_start3A_71 = tpu.memref_slice %arg6[%dma_start3A_66, %dma_start3A_70] : memref<40x64xi32, #tpu.memory_space<vmem>> -> memref<1x32xi32, #tpu.memory_space<vmem>>
    %dma_start3A_72 = tpu.memref_squeeze %dma_start3A_71 : memref<1x32xi32, #tpu.memory_space<vmem>> -> memref<32xi32, #tpu.memory_space<vmem>>
    %dma_start3A_73 = arith.constant 0 : i32
    %dma_start3A_74 = arith.constant 0 : i32
    %dma_start3A_75 = tpu.memref_slice %arg2[%dma_start3A_73, %dma_start3A_74] : memref<10000x128xf32, #tpu.memory_space<hbm>> -> memref<10000x128xf32, #tpu.memory_space<hbm>>
    tpu.enqueue_indirect_dma source(%dma_start3A_75 : memref<10000x128xf32, #tpu.memory_space<hbm>>) target(%dma_start3A_69 : memref<32x128xf32, #tpu.memory_space<vmem>>) offsets(%dma_start3A_72 : memref<32xi32, #tpu.memory_space<vmem>>) semaphore(%arg15 : memref<!tpu.dma_semaphore, #tpu.memory_space<semaphore_mem>>)
    %dma_start3A_76 = arith.constant 2 : i32
    %dma_start3A_77 = arith.constant 32 : i32
    %dma_start3A_78 = arith.constant 0 : i32
    %dma_start3A_79 = tpu.memref_slice %arg10[%dma_start3A_77, %dma_start3A_78] : memref<64x128xf32, #tpu.memory_space<vmem>> -> memref<32x128xf32, #tpu.memory_space<vmem>>
    %dma_start3A_80 = arith.constant 32 : i32
    %dma_start3A_81 = tpu.memref_slice %arg6[%dma_start3A_76, %dma_start3A_80] : memref<40x64xi32, #tpu.memory_space<vmem>> -> memref<1x32xi32, #tpu.memory_space<vmem>>
    %dma_start3A_82 = tpu.memref_squeeze %dma_start3A_81 : memref<1x32xi32, #tpu.memory_space<vmem>> -> memref<32xi32, #tpu.memory_space<vmem>>
    %dma_start3A_83 = arith.constant 0 : i32
    %dma_start3A_84 = arith.constant 0 : i32
    %dma_start3A_85 = tpu.memref_slice %arg2[%dma_start3A_83, %dma_start3A_84] : memref<10000x128xf32, #tpu.memory_space<hbm>> -> memref<10000x128xf32, #tpu.memory_space<hbm>>
    tpu.enqueue_indirect_dma source(%dma_start3A_85 : memref<10000x128xf32, #tpu.memory_space<hbm>>) target(%dma_start3A_79 : memref<32x128xf32, #tpu.memory_space<vmem>>) offsets(%dma_start3A_82 : memref<32xi32, #tpu.memory_space<vmem>>) semaphore(%arg19 : memref<!tpu.dma_semaphore, #tpu.memory_space<semaphore_mem>>)
    %scan3A_86 = arith.constant 0 : i32
    %scan3A_87 = arith.constant 0 : i32
    %scan3A_88 = arith.constant 10 : i32
    %scan3A_89 = arith.addi %scan3A_87, %scan3A_88 : i32
    %scan3A_90 = arith.constant 1 : i32
    scf.for %scan3A_122 = %scan3A_87 to %scan3A_89 step %scan3A_90  : i32 {
      %mul3A_123 = arith.constant 4 : i32
      %mul3A_124 = arith.muli %mul3A_123, %scan3A_122 : i32
      %add3A_125 = arith.constant 0 : i32
      %add3A_126 = arith.addi %mul3A_124, %add3A_125 : i32
      %add3A_127 = arith.constant 4 : i32
      %add3A_128 = arith.addi %add3A_126, %add3A_127 : i32
      %sub3A = arith.constant 1 : i32
      %sub3A_129 = arith.subi %add3A_128, %sub3A : i32
      %dma_wait3A_130 = arith.constant 0 : i32
      %dma_wait3A_131 = arith.constant 0 : i32
      %dma_wait3A_132 = arith.constant 0 : i32
      %dma_wait3A_133 = tpu.memref_slice %arg8[%dma_wait3A_131, %dma_wait3A_132] : memref<64x128xf32, #tpu.memory_space<vmem>> -> memref<32x128xf32, #tpu.memory_space<vmem>>
      %dma_wait3A_134 = arith.constant 0 : i32
      %dma_wait3A_135 = tpu.memref_slice %arg6[%dma_wait3A_130, %dma_wait3A_134] : memref<40x64xi32, #tpu.memory_space<vmem>> -> memref<1x32xi32, #tpu.memory_space<vmem>>
      %dma_wait3A_136 = tpu.memref_squeeze %dma_wait3A_135 : memref<1x32xi32, #tpu.memory_space<vmem>> -> memref<32xi32, #tpu.memory_space<vmem>>
      %dma_wait3A_137 = arith.constant 0 : i32
      %dma_wait3A_138 = arith.constant 0 : i32
      %dma_wait3A_139 = tpu.memref_slice %arg2[%dma_wait3A_137, %dma_wait3A_138] : memref<10000x128xf32, #tpu.memory_space<hbm>> -> memref<10000x128xf32, #tpu.memory_space<hbm>>
      tpu.wait_indirect_dma semaphore(%arg13 : memref<!tpu.dma_semaphore, #tpu.memory_space<semaphore_mem>>) src(%dma_wait3A_139 : memref<10000x128xf32, #tpu.memory_space<hbm>>) dst(%dma_wait3A_133 : memref<32x128xf32, #tpu.memory_space<vmem>>)
      %dma_wait3A_140 = arith.constant 0 : i32
      %dma_wait3A_141 = arith.constant 32 : i32
      %dma_wait3A_142 = arith.constant 0 : i32
      %dma_wait3A_143 = tpu.memref_slice %arg8[%dma_wait3A_141, %dma_wait3A_142] : memref<64x128xf32, #tpu.memory_space<vmem>> -> memref<32x128xf32, #tpu.memory_space<vmem>>
      %dma_wait3A_144 = arith.constant 0 : i32
      %dma_wait3A_145 = tpu.memref_slice %arg6[%dma_wait3A_140, %dma_wait3A_144] : memref<40x64xi32, #tpu.memory_space<vmem>> -> memref<1x32xi32, #tpu.memory_space<vmem>>
      %dma_wait3A_146 = tpu.memref_squeeze %dma_wait3A_145 : memref<1x32xi32, #tpu.memory_space<vmem>> -> memref<32xi32, #tpu.memory_space<vmem>>
      %dma_wait3A_147 = arith.constant 0 : i32
      %dma_wait3A_148 = arith.constant 0 : i32
      %dma_wait3A_149 = tpu.memref_slice %arg2[%dma_wait3A_147, %dma_wait3A_148] : memref<10000x128xf32, #tpu.memory_space<hbm>> -> memref<10000x128xf32, #tpu.memory_space<hbm>>
      tpu.wait_indirect_dma semaphore(%arg17 : memref<!tpu.dma_semaphore, #tpu.memory_space<semaphore_mem>>) src(%dma_wait3A_149 : memref<10000x128xf32, #tpu.memory_space<hbm>>) dst(%dma_wait3A_143 : memref<32x128xf32, #tpu.memory_space<vmem>>)
      %gt3A_150 = arith.constant 0 : i32
      %gt3A_151 = arith.cmpi sgt, %scan3A_122, %gt3A_150 : i32
      %convert_element_type3A_152 = arith.extui %gt3A_151 : i1 to i32
      %cond3A_153 = arith.constant 0 : i32
      %cond3A_154 = arith.cmpi ne, %convert_element_type3A_152, %cond3A_153 : i32
      scf.if %cond3A_154 {
        %dma_wait3A_303 = arith.constant 0 : i32
        %dma_wait3A_304 = arith.constant 0 : i32
        %dma_wait3A_305 = tpu.memref_slice %arg7[%dma_wait3A_303, %dma_wait3A_304] : memref<40x64xi32, #tpu.memory_space<vmem>> -> memref<1x64xi32, #tpu.memory_space<vmem>>
        %dma_wait3A_306 = tpu.memref_squeeze %dma_wait3A_305 : memref<1x64xi32, #tpu.memory_space<vmem>> -> memref<64xi32, #tpu.memory_space<vmem>>
        %dma_wait3A_307 = arith.constant 0 : i32
        %dma_wait3A_308 = arith.constant 0 : i32
        %dma_wait3A_309 = tpu.memref_slice %arg12[%dma_wait3A_307, %dma_wait3A_308] : memref<10000x128xf32, #tpu.memory_space<vmem_shared>> -> memref<10000x128xf32, #tpu.memory_space<vmem_shared>>
        tpu.wait_indirect_dma semaphore(%arg24 : memref<!tpu.dma_semaphore, #tpu.memory_space<semaphore_mem>>) src(%arg11 : memref<64x128xf32, #tpu.memory_space<vmem>>) dst(%dma_wait3A_309 : memref<10000x128xf32, #tpu.memory_space<vmem_shared>>)
      } else {
      }
      %dma_start3A_155 = arith.constant 0 : i32
      %dma_start3A_156 = tpu.memref_slice %arg7[%add3A_126, %dma_start3A_155] : memref<40x64xi32, #tpu.memory_space<vmem>> -> memref<1x64xi32, #tpu.memory_space<vmem>>
      %dma_start3A_157 = tpu.memref_squeeze %dma_start3A_156 : memref<1x64xi32, #tpu.memory_space<vmem>> -> memref<64xi32, #tpu.memory_space<vmem>>
      %dma_start3A_158 = arith.constant 0 : i32
      %dma_start3A_159 = arith.constant 0 : i32
      %dma_start3A_160 = tpu.memref_slice %arg12[%dma_start3A_158, %dma_start3A_159] : memref<10000x128xf32, #tpu.memory_space<vmem_shared>> -> memref<10000x128xf32, #tpu.memory_space<vmem_shared>>
      tpu.enqueue_indirect_dma source(%arg8 : memref<64x128xf32, #tpu.memory_space<vmem>>) target(%dma_start3A_160 : memref<10000x128xf32, #tpu.memory_space<vmem_shared>>) offsets(%dma_start3A_157 : memref<64xi32, #tpu.memory_space<vmem>>) semaphore(%arg21 : memref<!tpu.dma_semaphore, #tpu.memory_space<semaphore_mem>>) {add = true}
      %lt3A = arith.constant 40 : i32
      %lt3A_161 = arith.cmpi slt, %sub3A_129, %lt3A : i32
      %convert_element_type3A_162 = arith.extui %lt3A_161 : i1 to i32
      %cond3A_163 = arith.constant 0 : i32
      %cond3A_164 = arith.cmpi ne, %convert_element_type3A_162, %cond3A_163 : i32
      scf.if %cond3A_164 {
        %dma_start3A_303 = arith.constant 0 : i32
        %dma_start3A_304 = arith.constant 0 : i32
        %dma_start3A_305 = tpu.memref_slice %arg11[%dma_start3A_303, %dma_start3A_304] : memref<64x128xf32, #tpu.memory_space<vmem>> -> memref<32x128xf32, #tpu.memory_space<vmem>>
        %dma_start3A_306 = arith.constant 0 : i32
        %dma_start3A_307 = tpu.memref_slice %arg6[%sub3A_129, %dma_start3A_306] : memref<40x64xi32, #tpu.memory_space<vmem>> -> memref<1x32xi32, #tpu.memory_space<vmem>>
        %dma_start3A_308 = tpu.memref_squeeze %dma_start3A_307 : memref<1x32xi32, #tpu.memory_space<vmem>> -> memref<32xi32, #tpu.memory_space<vmem>>
        %dma_start3A_309 = arith.constant 0 : i32
        %dma_start3A_310 = arith.constant 0 : i32
        %dma_start3A_311 = tpu.memref_slice %arg2[%dma_start3A_309, %dma_start3A_310] : memref<10000x128xf32, #tpu.memory_space<hbm>> -> memref<10000x128xf32, #tpu.memory_space<hbm>>
        tpu.enqueue_indirect_dma source(%dma_start3A_311 : memref<10000x128xf32, #tpu.memory_space<hbm>>) target(%dma_start3A_305 : memref<32x128xf32, #tpu.memory_space<vmem>>) offsets(%dma_start3A_308 : memref<32xi32, #tpu.memory_space<vmem>>) semaphore(%arg16 : memref<!tpu.dma_semaphore, #tpu.memory_space<semaphore_mem>>)
        %dma_start3A_312 = arith.constant 32 : i32
        %dma_start3A_313 = arith.constant 0 : i32
        %dma_start3A_314 = tpu.memref_slice %arg11[%dma_start3A_312, %dma_start3A_313] : memref<64x128xf32, #tpu.memory_space<vmem>> -> memref<32x128xf32, #tpu.memory_space<vmem>>
        %dma_start3A_315 = arith.constant 32 : i32
        %dma_start3A_316 = tpu.memref_slice %arg6[%sub3A_129, %dma_start3A_315] : memref<40x64xi32, #tpu.memory_space<vmem>> -> memref<1x32xi32, #tpu.memory_space<vmem>>
        %dma_start3A_317 = tpu.memref_squeeze %dma_start3A_316 : memref<1x32xi32, #tpu.memory_space<vmem>> -> memref<32xi32, #tpu.memory_space<vmem>>
        %dma_start3A_318 = arith.constant 0 : i32
        %dma_start3A_319 = arith.constant 0 : i32
        %dma_start3A_320 = tpu.memref_slice %arg2[%dma_start3A_318, %dma_start3A_319] : memref<10000x128xf32, #tpu.memory_space<hbm>> -> memref<10000x128xf32, #tpu.memory_space<hbm>>
        tpu.enqueue_indirect_dma source(%dma_start3A_320 : memref<10000x128xf32, #tpu.memory_space<hbm>>) target(%dma_start3A_314 : memref<32x128xf32, #tpu.memory_space<vmem>>) offsets(%dma_start3A_317 : memref<32xi32, #tpu.memory_space<vmem>>) semaphore(%arg20 : memref<!tpu.dma_semaphore, #tpu.memory_space<semaphore_mem>>)
      } else {
      }
      %mul3A_165 = arith.constant 4 : i32
      %mul3A_166 = arith.muli %mul3A_165, %scan3A_122 : i32
      %add3A_167 = arith.constant 1 : i32
      %add3A_168 = arith.addi %mul3A_166, %add3A_167 : i32
      %add3A_169 = arith.constant 4 : i32
      %add3A_170 = arith.addi %add3A_168, %add3A_169 : i32
      %sub3A_171 = arith.constant 1 : i32
      %sub3A_172 = arith.subi %add3A_170, %sub3A_171 : i32
      %dma_wait3A_173 = arith.constant 0 : i32
      %dma_wait3A_174 = arith.constant 0 : i32
      %dma_wait3A_175 = arith.constant 0 : i32
      %dma_wait3A_176 = tpu.memref_slice %arg9[%dma_wait3A_174, %dma_wait3A_175] : memref<64x128xf32, #tpu.memory_space<vmem>> -> memref<32x128xf32, #tpu.memory_space<vmem>>
      %dma_wait3A_177 = arith.constant 0 : i32
      %dma_wait3A_178 = tpu.memref_slice %arg6[%dma_wait3A_173, %dma_wait3A_177] : memref<40x64xi32, #tpu.memory_space<vmem>> -> memref<1x32xi32, #tpu.memory_space<vmem>>
      %dma_wait3A_179 = tpu.memref_squeeze %dma_wait3A_178 : memref<1x32xi32, #tpu.memory_space<vmem>> -> memref<32xi32, #tpu.memory_space<vmem>>
      %dma_wait3A_180 = arith.constant 0 : i32
      %dma_wait3A_181 = arith.constant 0 : i32
      %dma_wait3A_182 = tpu.memref_slice %arg2[%dma_wait3A_180, %dma_wait3A_181] : memref<10000x128xf32, #tpu.memory_space<hbm>> -> memref<10000x128xf32, #tpu.memory_space<hbm>>
      tpu.wait_indirect_dma semaphore(%arg14 : memref<!tpu.dma_semaphore, #tpu.memory_space<semaphore_mem>>) src(%dma_wait3A_182 : memref<10000x128xf32, #tpu.memory_space<hbm>>) dst(%dma_wait3A_176 : memref<32x128xf32, #tpu.memory_space<vmem>>)
      %dma_wait3A_183 = arith.constant 0 : i32
      %dma_wait3A_184 = arith.constant 32 : i32
      %dma_wait3A_185 = arith.constant 0 : i32
      %dma_wait3A_186 = tpu.memref_slice %arg9[%dma_wait3A_184, %dma_wait3A_185] : memref<64x128xf32, #tpu.memory_space<vmem>> -> memref<32x128xf32, #tpu.memory_space<vmem>>
      %dma_wait3A_187 = arith.constant 0 : i32
      %dma_wait3A_188 = tpu.memref_slice %arg6[%dma_wait3A_183, %dma_wait3A_187] : memref<40x64xi32, #tpu.memory_space<vmem>> -> memref<1x32xi32, #tpu.memory_space<vmem>>
      %dma_wait3A_189 = tpu.memref_squeeze %dma_wait3A_188 : memref<1x32xi32, #tpu.memory_space<vmem>> -> memref<32xi32, #tpu.memory_space<vmem>>
      %dma_wait3A_190 = arith.constant 0 : i32
      %dma_wait3A_191 = arith.constant 0 : i32
      %dma_wait3A_192 = tpu.memref_slice %arg2[%dma_wait3A_190, %dma_wait3A_191] : memref<10000x128xf32, #tpu.memory_space<hbm>> -> memref<10000x128xf32, #tpu.memory_space<hbm>>
      tpu.wait_indirect_dma semaphore(%arg18 : memref<!tpu.dma_semaphore, #tpu.memory_space<semaphore_mem>>) src(%dma_wait3A_192 : memref<10000x128xf32, #tpu.memory_space<hbm>>) dst(%dma_wait3A_186 : memref<32x128xf32, #tpu.memory_space<vmem>>)
      %dma_wait3A_193 = arith.constant 0 : i32
      %dma_wait3A_194 = arith.constant 0 : i32
      %dma_wait3A_195 = tpu.memref_slice %arg7[%dma_wait3A_193, %dma_wait3A_194] : memref<40x64xi32, #tpu.memory_space<vmem>> -> memref<1x64xi32, #tpu.memory_space<vmem>>
      %dma_wait3A_196 = tpu.memref_squeeze %dma_wait3A_195 : memref<1x64xi32, #tpu.memory_space<vmem>> -> memref<64xi32, #tpu.memory_space<vmem>>
      %dma_wait3A_197 = arith.constant 0 : i32
      %dma_wait3A_198 = arith.constant 0 : i32
      %dma_wait3A_199 = tpu.memref_slice %arg12[%dma_wait3A_197, %dma_wait3A_198] : memref<10000x128xf32, #tpu.memory_space<vmem_shared>> -> memref<10000x128xf32, #tpu.memory_space<vmem_shared>>
      tpu.wait_indirect_dma semaphore(%arg21 : memref<!tpu.dma_semaphore, #tpu.memory_space<semaphore_mem>>) src(%arg8 : memref<64x128xf32, #tpu.memory_space<vmem>>) dst(%dma_wait3A_199 : memref<10000x128xf32, #tpu.memory_space<vmem_shared>>)
      %dma_start3A_200 = arith.constant 0 : i32
      %dma_start3A_201 = tpu.memref_slice %arg7[%add3A_168, %dma_start3A_200] : memref<40x64xi32, #tpu.memory_space<vmem>> -> memref<1x64xi32, #tpu.memory_space<vmem>>
      %dma_start3A_202 = tpu.memref_squeeze %dma_start3A_201 : memref<1x64xi32, #tpu.memory_space<vmem>> -> memref<64xi32, #tpu.memory_space<vmem>>
      %dma_start3A_203 = arith.constant 0 : i32
      %dma_start3A_204 = arith.constant 0 : i32
      %dma_start3A_205 = tpu.memref_slice %arg12[%dma_start3A_203, %dma_start3A_204] : memref<10000x128xf32, #tpu.memory_space<vmem_shared>> -> memref<10000x128xf32, #tpu.memory_space<vmem_shared>>
      tpu.enqueue_indirect_dma source(%arg9 : memref<64x128xf32, #tpu.memory_space<vmem>>) target(%dma_start3A_205 : memref<10000x128xf32, #tpu.memory_space<vmem_shared>>) offsets(%dma_start3A_202 : memref<64xi32, #tpu.memory_space<vmem>>) semaphore(%arg22 : memref<!tpu.dma_semaphore, #tpu.memory_space<semaphore_mem>>) {add = true}
      %lt3A_206 = arith.constant 40 : i32
      %lt3A_207 = arith.cmpi slt, %sub3A_172, %lt3A_206 : i32
      %convert_element_type3A_208 = arith.extui %lt3A_207 : i1 to i32
      %cond3A_209 = arith.constant 0 : i32
      %cond3A_210 = arith.cmpi ne, %convert_element_type3A_208, %cond3A_209 : i32
      scf.if %cond3A_210 {
        %dma_start3A_303 = arith.constant 0 : i32
        %dma_start3A_304 = arith.constant 0 : i32
        %dma_start3A_305 = tpu.memref_slice %arg8[%dma_start3A_303, %dma_start3A_304] : memref<64x128xf32, #tpu.memory_space<vmem>> -> memref<32x128xf32, #tpu.memory_space<vmem>>
        %dma_start3A_306 = arith.constant 0 : i32
        %dma_start3A_307 = tpu.memref_slice %arg6[%sub3A_172, %dma_start3A_306] : memref<40x64xi32, #tpu.memory_space<vmem>> -> memref<1x32xi32, #tpu.memory_space<vmem>>
        %dma_start3A_308 = tpu.memref_squeeze %dma_start3A_307 : memref<1x32xi32, #tpu.memory_space<vmem>> -> memref<32xi32, #tpu.memory_space<vmem>>
        %dma_start3A_309 = arith.constant 0 : i32
        %dma_start3A_310 = arith.constant 0 : i32
        %dma_start3A_311 = tpu.memref_slice %arg2[%dma_start3A_309, %dma_start3A_310] : memref<10000x128xf32, #tpu.memory_space<hbm>> -> memref<10000x128xf32, #tpu.memory_space<hbm>>
        tpu.enqueue_indirect_dma source(%dma_start3A_311 : memref<10000x128xf32, #tpu.memory_space<hbm>>) target(%dma_start3A_305 : memref<32x128xf32, #tpu.memory_space<vmem>>) offsets(%dma_start3A_308 : memref<32xi32, #tpu.memory_space<vmem>>) semaphore(%arg13 : memref<!tpu.dma_semaphore, #tpu.memory_space<semaphore_mem>>)
        %dma_start3A_312 = arith.constant 32 : i32
        %dma_start3A_313 = arith.constant 0 : i32
        %dma_start3A_314 = tpu.memref_slice %arg8[%dma_start3A_312, %dma_start3A_313] : memref<64x128xf32, #tpu.memory_space<vmem>> -> memref<32x128xf32, #tpu.memory_space<vmem>>
        %dma_start3A_315 = arith.constant 32 : i32
        %dma_start3A_316 = tpu.memref_slice %arg6[%sub3A_172, %dma_start3A_315] : memref<40x64xi32, #tpu.memory_space<vmem>> -> memref<1x32xi32, #tpu.memory_space<vmem>>
        %dma_start3A_317 = tpu.memref_squeeze %dma_start3A_316 : memref<1x32xi32, #tpu.memory_space<vmem>> -> memref<32xi32, #tpu.memory_space<vmem>>
        %dma_start3A_318 = arith.constant 0 : i32
        %dma_start3A_319 = arith.constant 0 : i32
        %dma_start3A_320 = tpu.memref_slice %arg2[%dma_start3A_318, %dma_start3A_319] : memref<10000x128xf32, #tpu.memory_space<hbm>> -> memref<10000x128xf32, #tpu.memory_space<hbm>>
        tpu.enqueue_indirect_dma source(%dma_start3A_320 : memref<10000x128xf32, #tpu.memory_space<hbm>>) target(%dma_start3A_314 : memref<32x128xf32, #tpu.memory_space<vmem>>) offsets(%dma_start3A_317 : memref<32xi32, #tpu.memory_space<vmem>>) semaphore(%arg17 : memref<!tpu.dma_semaphore, #tpu.memory_space<semaphore_mem>>)
      } else {
      }
      %mul3A_211 = arith.constant 4 : i32
      %mul3A_212 = arith.muli %mul3A_211, %scan3A_122 : i32
      %add3A_213 = arith.constant 2 : i32
      %add3A_214 = arith.addi %mul3A_212, %add3A_213 : i32
      %add3A_215 = arith.constant 4 : i32
      %add3A_216 = arith.addi %add3A_214, %add3A_215 : i32
      %sub3A_217 = arith.constant 1 : i32
      %sub3A_218 = arith.subi %add3A_216, %sub3A_217 : i32
      %dma_wait3A_219 = arith.constant 0 : i32
      %dma_wait3A_220 = arith.constant 0 : i32
      %dma_wait3A_221 = arith.constant 0 : i32
      %dma_wait3A_222 = tpu.memref_slice %arg10[%dma_wait3A_220, %dma_wait3A_221] : memref<64x128xf32, #tpu.memory_space<vmem>> -> memref<32x128xf32, #tpu.memory_space<vmem>>
      %dma_wait3A_223 = arith.constant 0 : i32
      %dma_wait3A_224 = tpu.memref_slice %arg6[%dma_wait3A_219, %dma_wait3A_223] : memref<40x64xi32, #tpu.memory_space<vmem>> -> memref<1x32xi32, #tpu.memory_space<vmem>>
      %dma_wait3A_225 = tpu.memref_squeeze %dma_wait3A_224 : memref<1x32xi32, #tpu.memory_space<vmem>> -> memref<32xi32, #tpu.memory_space<vmem>>
      %dma_wait3A_226 = arith.constant 0 : i32
      %dma_wait3A_227 = arith.constant 0 : i32
      %dma_wait3A_228 = tpu.memref_slice %arg2[%dma_wait3A_226, %dma_wait3A_227] : memref<10000x128xf32, #tpu.memory_space<hbm>> -> memref<10000x128xf32, #tpu.memory_space<hbm>>
      tpu.wait_indirect_dma semaphore(%arg15 : memref<!tpu.dma_semaphore, #tpu.memory_space<semaphore_mem>>) src(%dma_wait3A_228 : memref<10000x128xf32, #tpu.memory_space<hbm>>) dst(%dma_wait3A_222 : memref<32x128xf32, #tpu.memory_space<vmem>>)
      %dma_wait3A_229 = arith.constant 0 : i32
      %dma_wait3A_230 = arith.constant 32 : i32
      %dma_wait3A_231 = arith.constant 0 : i32
      %dma_wait3A_232 = tpu.memref_slice %arg10[%dma_wait3A_230, %dma_wait3A_231] : memref<64x128xf32, #tpu.memory_space<vmem>> -> memref<32x128xf32, #tpu.memory_space<vmem>>
      %dma_wait3A_233 = arith.constant 0 : i32
      %dma_wait3A_234 = tpu.memref_slice %arg6[%dma_wait3A_229, %dma_wait3A_233] : memref<40x64xi32, #tpu.memory_space<vmem>> -> memref<1x32xi32, #tpu.memory_space<vmem>>
      %dma_wait3A_235 = tpu.memref_squeeze %dma_wait3A_234 : memref<1x32xi32, #tpu.memory_space<vmem>> -> memref<32xi32, #tpu.memory_space<vmem>>
      %dma_wait3A_236 = arith.constant 0 : i32
      %dma_wait3A_237 = arith.constant 0 : i32
      %dma_wait3A_238 = tpu.memref_slice %arg2[%dma_wait3A_236, %dma_wait3A_237] : memref<10000x128xf32, #tpu.memory_space<hbm>> -> memref<10000x128xf32, #tpu.memory_space<hbm>>
      tpu.wait_indirect_dma semaphore(%arg19 : memref<!tpu.dma_semaphore, #tpu.memory_space<semaphore_mem>>) src(%dma_wait3A_238 : memref<10000x128xf32, #tpu.memory_space<hbm>>) dst(%dma_wait3A_232 : memref<32x128xf32, #tpu.memory_space<vmem>>)
      %dma_wait3A_239 = arith.constant 0 : i32
      %dma_wait3A_240 = arith.constant 0 : i32
      %dma_wait3A_241 = tpu.memref_slice %arg7[%dma_wait3A_239, %dma_wait3A_240] : memref<40x64xi32, #tpu.memory_space<vmem>> -> memref<1x64xi32, #tpu.memory_space<vmem>>
      %dma_wait3A_242 = tpu.memref_squeeze %dma_wait3A_241 : memref<1x64xi32, #tpu.memory_space<vmem>> -> memref<64xi32, #tpu.memory_space<vmem>>
      %dma_wait3A_243 = arith.constant 0 : i32
      %dma_wait3A_244 = arith.constant 0 : i32
      %dma_wait3A_245 = tpu.memref_slice %arg12[%dma_wait3A_243, %dma_wait3A_244] : memref<10000x128xf32, #tpu.memory_space<vmem_shared>> -> memref<10000x128xf32, #tpu.memory_space<vmem_shared>>
      tpu.wait_indirect_dma semaphore(%arg22 : memref<!tpu.dma_semaphore, #tpu.memory_space<semaphore_mem>>) src(%arg9 : memref<64x128xf32, #tpu.memory_space<vmem>>) dst(%dma_wait3A_245 : memref<10000x128xf32, #tpu.memory_space<vmem_shared>>)
      %dma_start3A_246 = arith.constant 0 : i32
      %dma_start3A_247 = tpu.memref_slice %arg7[%add3A_214, %dma_start3A_246] : memref<40x64xi32, #tpu.memory_space<vmem>> -> memref<1x64xi32, #tpu.memory_space<vmem>>
      %dma_start3A_248 = tpu.memref_squeeze %dma_start3A_247 : memref<1x64xi32, #tpu.memory_space<vmem>> -> memref<64xi32, #tpu.memory_space<vmem>>
      %dma_start3A_249 = arith.constant 0 : i32
      %dma_start3A_250 = arith.constant 0 : i32
      %dma_start3A_251 = tpu.memref_slice %arg12[%dma_start3A_249, %dma_start3A_250] : memref<10000x128xf32, #tpu.memory_space<vmem_shared>> -> memref<10000x128xf32, #tpu.memory_space<vmem_shared>>
      tpu.enqueue_indirect_dma source(%arg10 : memref<64x128xf32, #tpu.memory_space<vmem>>) target(%dma_start3A_251 : memref<10000x128xf32, #tpu.memory_space<vmem_shared>>) offsets(%dma_start3A_248 : memref<64xi32, #tpu.memory_space<vmem>>) semaphore(%arg23 : memref<!tpu.dma_semaphore, #tpu.memory_space<semaphore_mem>>) {add = true}
      %lt3A_252 = arith.constant 40 : i32
      %lt3A_253 = arith.cmpi slt, %sub3A_218, %lt3A_252 : i32
      %convert_element_type3A_254 = arith.extui %lt3A_253 : i1 to i32
      %cond3A_255 = arith.constant 0 : i32
      %cond3A_256 = arith.cmpi ne, %convert_element_type3A_254, %cond3A_255 : i32
      scf.if %cond3A_256 {
        %dma_start3A_303 = arith.constant 0 : i32
        %dma_start3A_304 = arith.constant 0 : i32
        %dma_start3A_305 = tpu.memref_slice %arg9[%dma_start3A_303, %dma_start3A_304] : memref<64x128xf32, #tpu.memory_space<vmem>> -> memref<32x128xf32, #tpu.memory_space<vmem>>
        %dma_start3A_306 = arith.constant 0 : i32
        %dma_start3A_307 = tpu.memref_slice %arg6[%sub3A_218, %dma_start3A_306] : memref<40x64xi32, #tpu.memory_space<vmem>> -> memref<1x32xi32, #tpu.memory_space<vmem>>
        %dma_start3A_308 = tpu.memref_squeeze %dma_start3A_307 : memref<1x32xi32, #tpu.memory_space<vmem>> -> memref<32xi32, #tpu.memory_space<vmem>>
        %dma_start3A_309 = arith.constant 0 : i32
        %dma_start3A_310 = arith.constant 0 : i32
        %dma_start3A_311 = tpu.memref_slice %arg2[%dma_start3A_309, %dma_start3A_310] : memref<10000x128xf32, #tpu.memory_space<hbm>> -> memref<10000x128xf32, #tpu.memory_space<hbm>>
        tpu.enqueue_indirect_dma source(%dma_start3A_311 : memref<10000x128xf32, #tpu.memory_space<hbm>>) target(%dma_start3A_305 : memref<32x128xf32, #tpu.memory_space<vmem>>) offsets(%dma_start3A_308 : memref<32xi32, #tpu.memory_space<vmem>>) semaphore(%arg14 : memref<!tpu.dma_semaphore, #tpu.memory_space<semaphore_mem>>)
        %dma_start3A_312 = arith.constant 32 : i32
        %dma_start3A_313 = arith.constant 0 : i32
        %dma_start3A_314 = tpu.memref_slice %arg9[%dma_start3A_312, %dma_start3A_313] : memref<64x128xf32, #tpu.memory_space<vmem>> -> memref<32x128xf32, #tpu.memory_space<vmem>>
        %dma_start3A_315 = arith.constant 32 : i32
        %dma_start3A_316 = tpu.memref_slice %arg6[%sub3A_218, %dma_start3A_315] : memref<40x64xi32, #tpu.memory_space<vmem>> -> memref<1x32xi32, #tpu.memory_space<vmem>>
        %dma_start3A_317 = tpu.memref_squeeze %dma_start3A_316 : memref<1x32xi32, #tpu.memory_space<vmem>> -> memref<32xi32, #tpu.memory_space<vmem>>
        %dma_start3A_318 = arith.constant 0 : i32
        %dma_start3A_319 = arith.constant 0 : i32
        %dma_start3A_320 = tpu.memref_slice %arg2[%dma_start3A_318, %dma_start3A_319] : memref<10000x128xf32, #tpu.memory_space<hbm>> -> memref<10000x128xf32, #tpu.memory_space<hbm>>
        tpu.enqueue_indirect_dma source(%dma_start3A_320 : memref<10000x128xf32, #tpu.memory_space<hbm>>) target(%dma_start3A_314 : memref<32x128xf32, #tpu.memory_space<vmem>>) offsets(%dma_start3A_317 : memref<32xi32, #tpu.memory_space<vmem>>) semaphore(%arg18 : memref<!tpu.dma_semaphore, #tpu.memory_space<semaphore_mem>>)
      } else {
      }
      %mul3A_257 = arith.constant 4 : i32
      %mul3A_258 = arith.muli %mul3A_257, %scan3A_122 : i32
      %add3A_259 = arith.constant 3 : i32
      %add3A_260 = arith.addi %mul3A_258, %add3A_259 : i32
      %add3A_261 = arith.constant 4 : i32
      %add3A_262 = arith.addi %add3A_260, %add3A_261 : i32
      %sub3A_263 = arith.constant 1 : i32
      %sub3A_264 = arith.subi %add3A_262, %sub3A_263 : i32
      %dma_wait3A_265 = arith.constant 0 : i32
      %dma_wait3A_266 = arith.constant 0 : i32
      %dma_wait3A_267 = arith.constant 0 : i32
      %dma_wait3A_268 = tpu.memref_slice %arg11[%dma_wait3A_266, %dma_wait3A_267] : memref<64x128xf32, #tpu.memory_space<vmem>> -> memref<32x128xf32, #tpu.memory_space<vmem>>
      %dma_wait3A_269 = arith.constant 0 : i32
      %dma_wait3A_270 = tpu.memref_slice %arg6[%dma_wait3A_265, %dma_wait3A_269] : memref<40x64xi32, #tpu.memory_space<vmem>> -> memref<1x32xi32, #tpu.memory_space<vmem>>
      %dma_wait3A_271 = tpu.memref_squeeze %dma_wait3A_270 : memref<1x32xi32, #tpu.memory_space<vmem>> -> memref<32xi32, #tpu.memory_space<vmem>>
      %dma_wait3A_272 = arith.constant 0 : i32
      %dma_wait3A_273 = arith.constant 0 : i32
      %dma_wait3A_274 = tpu.memref_slice %arg2[%dma_wait3A_272, %dma_wait3A_273] : memref<10000x128xf32, #tpu.memory_space<hbm>> -> memref<10000x128xf32, #tpu.memory_space<hbm>>
      tpu.wait_indirect_dma semaphore(%arg16 : memref<!tpu.dma_semaphore, #tpu.memory_space<semaphore_mem>>) src(%dma_wait3A_274 : memref<10000x128xf32, #tpu.memory_space<hbm>>) dst(%dma_wait3A_268 : memref<32x128xf32, #tpu.memory_space<vmem>>)
      %dma_wait3A_275 = arith.constant 0 : i32
      %dma_wait3A_276 = arith.constant 32 : i32
      %dma_wait3A_277 = arith.constant 0 : i32
      %dma_wait3A_278 = tpu.memref_slice %arg11[%dma_wait3A_276, %dma_wait3A_277] : memref<64x128xf32, #tpu.memory_space<vmem>> -> memref<32x128xf32, #tpu.memory_space<vmem>>
      %dma_wait3A_279 = arith.constant 0 : i32
      %dma_wait3A_280 = tpu.memref_slice %arg6[%dma_wait3A_275, %dma_wait3A_279] : memref<40x64xi32, #tpu.memory_space<vmem>> -> memref<1x32xi32, #tpu.memory_space<vmem>>
      %dma_wait3A_281 = tpu.memref_squeeze %dma_wait3A_280 : memref<1x32xi32, #tpu.memory_space<vmem>> -> memref<32xi32, #tpu.memory_space<vmem>>
      %dma_wait3A_282 = arith.constant 0 : i32
      %dma_wait3A_283 = arith.constant 0 : i32
      %dma_wait3A_284 = tpu.memref_slice %arg2[%dma_wait3A_282, %dma_wait3A_283] : memref<10000x128xf32, #tpu.memory_space<hbm>> -> memref<10000x128xf32, #tpu.memory_space<hbm>>
      tpu.wait_indirect_dma semaphore(%arg20 : memref<!tpu.dma_semaphore, #tpu.memory_space<semaphore_mem>>) src(%dma_wait3A_284 : memref<10000x128xf32, #tpu.memory_space<hbm>>) dst(%dma_wait3A_278 : memref<32x128xf32, #tpu.memory_space<vmem>>)
      %dma_wait3A_285 = arith.constant 0 : i32
      %dma_wait3A_286 = arith.constant 0 : i32
      %dma_wait3A_287 = tpu.memref_slice %arg7[%dma_wait3A_285, %dma_wait3A_286] : memref<40x64xi32, #tpu.memory_space<vmem>> -> memref<1x64xi32, #tpu.memory_space<vmem>>
      %dma_wait3A_288 = tpu.memref_squeeze %dma_wait3A_287 : memref<1x64xi32, #tpu.memory_space<vmem>> -> memref<64xi32, #tpu.memory_space<vmem>>
      %dma_wait3A_289 = arith.constant 0 : i32
      %dma_wait3A_290 = arith.constant 0 : i32
      %dma_wait3A_291 = tpu.memref_slice %arg12[%dma_wait3A_289, %dma_wait3A_290] : memref<10000x128xf32, #tpu.memory_space<vmem_shared>> -> memref<10000x128xf32, #tpu.memory_space<vmem_shared>>
      tpu.wait_indirect_dma semaphore(%arg23 : memref<!tpu.dma_semaphore, #tpu.memory_space<semaphore_mem>>) src(%arg10 : memref<64x128xf32, #tpu.memory_space<vmem>>) dst(%dma_wait3A_291 : memref<10000x128xf32, #tpu.memory_space<vmem_shared>>)
      %dma_start3A_292 = arith.constant 0 : i32
      %dma_start3A_293 = tpu.memref_slice %arg7[%add3A_260, %dma_start3A_292] : memref<40x64xi32, #tpu.memory_space<vmem>> -> memref<1x64xi32, #tpu.memory_space<vmem>>
      %dma_start3A_294 = tpu.memref_squeeze %dma_start3A_293 : memref<1x64xi32, #tpu.memory_space<vmem>> -> memref<64xi32, #tpu.memory_space<vmem>>
      %dma_start3A_295 = arith.constant 0 : i32
      %dma_start3A_296 = arith.constant 0 : i32
      %dma_start3A_297 = tpu.memref_slice %arg12[%dma_start3A_295, %dma_start3A_296] : memref<10000x128xf32, #tpu.memory_space<vmem_shared>> -> memref<10000x128xf32, #tpu.memory_space<vmem_shared>>
      tpu.enqueue_indirect_dma source(%arg11 : memref<64x128xf32, #tpu.memory_space<vmem>>) target(%dma_start3A_297 : memref<10000x128xf32, #tpu.memory_space<vmem_shared>>) offsets(%dma_start3A_294 : memref<64xi32, #tpu.memory_space<vmem>>) semaphore(%arg24 : memref<!tpu.dma_semaphore, #tpu.memory_space<semaphore_mem>>) {add = true}
      %lt3A_298 = arith.constant 40 : i32
      %lt3A_299 = arith.cmpi slt, %sub3A_264, %lt3A_298 : i32
      %convert_element_type3A_300 = arith.extui %lt3A_299 : i1 to i32
      %cond3A_301 = arith.constant 0 : i32
      %cond3A_302 = arith.cmpi ne, %convert_element_type3A_300, %cond3A_301 : i32
      scf.if %cond3A_302 {
        %dma_start3A_303 = arith.constant 0 : i32
        %dma_start3A_304 = arith.constant 0 : i32
        %dma_start3A_305 = tpu.memref_slice %arg10[%dma_start3A_303, %dma_start3A_304] : memref<64x128xf32, #tpu.memory_space<vmem>> -> memref<32x128xf32, #tpu.memory_space<vmem>>
        %dma_start3A_306 = arith.constant 0 : i32
        %dma_start3A_307 = tpu.memref_slice %arg6[%sub3A_264, %dma_start3A_306] : memref<40x64xi32, #tpu.memory_space<vmem>> -> memref<1x32xi32, #tpu.memory_space<vmem>>
        %dma_start3A_308 = tpu.memref_squeeze %dma_start3A_307 : memref<1x32xi32, #tpu.memory_space<vmem>> -> memref<32xi32, #tpu.memory_space<vmem>>
        %dma_start3A_309 = arith.constant 0 : i32
        %dma_start3A_310 = arith.constant 0 : i32
        %dma_start3A_311 = tpu.memref_slice %arg2[%dma_start3A_309, %dma_start3A_310] : memref<10000x128xf32, #tpu.memory_space<hbm>> -> memref<10000x128xf32, #tpu.memory_space<hbm>>
        tpu.enqueue_indirect_dma source(%dma_start3A_311 : memref<10000x128xf32, #tpu.memory_space<hbm>>) target(%dma_start3A_305 : memref<32x128xf32, #tpu.memory_space<vmem>>) offsets(%dma_start3A_308 : memref<32xi32, #tpu.memory_space<vmem>>) semaphore(%arg15 : memref<!tpu.dma_semaphore, #tpu.memory_space<semaphore_mem>>)
        %dma_start3A_312 = arith.constant 32 : i32
        %dma_start3A_313 = arith.constant 0 : i32
        %dma_start3A_314 = tpu.memref_slice %arg10[%dma_start3A_312, %dma_start3A_313] : memref<64x128xf32, #tpu.memory_space<vmem>> -> memref<32x128xf32, #tpu.memory_space<vmem>>
        %dma_start3A_315 = arith.constant 32 : i32
        %dma_start3A_316 = tpu.memref_slice %arg6[%sub3A_264, %dma_start3A_315] : memref<40x64xi32, #tpu.memory_space<vmem>> -> memref<1x32xi32, #tpu.memory_space<vmem>>
        %dma_start3A_317 = tpu.memref_squeeze %dma_start3A_316 : memref<1x32xi32, #tpu.memory_space<vmem>> -> memref<32xi32, #tpu.memory_space<vmem>>
        %dma_start3A_318 = arith.constant 0 : i32
        %dma_start3A_319 = arith.constant 0 : i32
        %dma_start3A_320 = tpu.memref_slice %arg2[%dma_start3A_318, %dma_start3A_319] : memref<10000x128xf32, #tpu.memory_space<hbm>> -> memref<10000x128xf32, #tpu.memory_space<hbm>>
        tpu.enqueue_indirect_dma source(%dma_start3A_320 : memref<10000x128xf32, #tpu.memory_space<hbm>>) target(%dma_start3A_314 : memref<32x128xf32, #tpu.memory_space<vmem>>) offsets(%dma_start3A_317 : memref<32xi32, #tpu.memory_space<vmem>>) semaphore(%arg19 : memref<!tpu.dma_semaphore, #tpu.memory_space<semaphore_mem>>)
      } else {
      }
    }
    %scan3A_91 = arith.constant 10 : i32
    %dma_wait3A = arith.constant 0 : i32
    %dma_wait3A_92 = arith.constant 0 : i32
    %dma_wait3A_93 = tpu.memref_slice %arg7[%dma_wait3A, %dma_wait3A_92] : memref<40x64xi32, #tpu.memory_space<vmem>> -> memref<1x64xi32, #tpu.memory_space<vmem>>
    %dma_wait3A_94 = tpu.memref_squeeze %dma_wait3A_93 : memref<1x64xi32, #tpu.memory_space<vmem>> -> memref<64xi32, #tpu.memory_space<vmem>>
    %dma_wait3A_95 = arith.constant 0 : i32
    %dma_wait3A_96 = arith.constant 0 : i32
    %dma_wait3A_97 = tpu.memref_slice %arg12[%dma_wait3A_95, %dma_wait3A_96] : memref<10000x128xf32, #tpu.memory_space<vmem_shared>> -> memref<10000x128xf32, #tpu.memory_space<vmem_shared>>
    tpu.wait_indirect_dma semaphore(%arg24 : memref<!tpu.dma_semaphore, #tpu.memory_space<semaphore_mem>>) src(%arg11 : memref<64x128xf32, #tpu.memory_space<vmem>>) dst(%dma_wait3A_97 : memref<10000x128xf32, #tpu.memory_space<vmem_shared>>)
    %gt3A = arith.constant 1 : i32
    %gt3A_98 = arith.cmpi sgt, %select_n3A, %gt3A : i32
    %convert_element_type3A_99 = arith.extui %gt3A_98 : i1 to i32
    %cond3A_100 = arith.constant 0 : i32
    %cond3A_101 = arith.cmpi ne, %convert_element_type3A_99, %cond3A_100 : i32
    scf.if %cond3A_101 {
      %add3A_122 = arith.constant 40 : i32
      %add3A_123 = arith.addi %mul3A_19, %add3A_122 : i32
      "tpu.region"() ({
        %run_scoped3A = tpu.sem_alloc : memref<!tpu.dma_semaphore, #tpu.memory_space<semaphore_mem>>
        %dma_start3A_199 = arith.constant 0 : i32
        %dma_start3A_200 = tpu.memref_slice %arg3[%add3A_123, %dma_start3A_199] : memref<5000x64xi32, #tpu.memory_space<hbm>> -> memref<40x64xi32, #tpu.memory_space<hbm>>
        %dma_start3A_201 = arith.constant 0 : i32
        %dma_start3A_202 = tpu.memref_slice %arg3[%add3A_123, %dma_start3A_201] : memref<5000x64xi32, #tpu.memory_space<hbm>> -> memref<40x64xi32, #tpu.memory_space<hbm>>
        tpu.enqueue_dma source(%dma_start3A_202 : memref<40x64xi32, #tpu.memory_space<hbm>>) target(%arg6 : memref<40x64xi32, #tpu.memory_space<vmem>>) target_semaphore(%run_scoped3A : memref<!tpu.dma_semaphore, #tpu.memory_space<semaphore_mem>>)
        %dma_wait3A_203 = arith.constant 0 : i32
        %dma_wait3A_204 = tpu.memref_slice %arg3[%add3A_123, %dma_wait3A_203] : memref<5000x64xi32, #tpu.memory_space<hbm>> -> memref<40x64xi32, #tpu.memory_space<hbm>>
        %dma_wait3A_205 = arith.constant 0 : i32
        %dma_wait3A_206 = tpu.memref_slice %arg3[%add3A_123, %dma_wait3A_205] : memref<5000x64xi32, #tpu.memory_space<hbm>> -> memref<40x64xi32, #tpu.memory_space<hbm>>
        tpu.wait_dma2 semaphore(%run_scoped3A : memref<!tpu.dma_semaphore, #tpu.memory_space<semaphore_mem>>) src(%dma_wait3A_206 : memref<40x64xi32, #tpu.memory_space<hbm>>) dst(%arg6 : memref<40x64xi32, #tpu.memory_space<vmem>>)
        tpu.yield
      }) : () -> ()
      %add3A_124 = arith.constant 40 : i32
      %add3A_125 = arith.addi %mul3A_19, %add3A_124 : i32
      "tpu.region"() ({
        %run_scoped3A = tpu.sem_alloc : memref<!tpu.dma_semaphore, #tpu.memory_space<semaphore_mem>>
        %dma_start3A_199 = arith.constant 0 : i32
        %dma_start3A_200 = tpu.memref_slice %arg4[%add3A_125, %dma_start3A_199] : memref<5000x64xi32, #tpu.memory_space<hbm>> -> memref<40x64xi32, #tpu.memory_space<hbm>>
        %dma_start3A_201 = arith.constant 0 : i32
        %dma_start3A_202 = tpu.memref_slice %arg4[%add3A_125, %dma_start3A_201] : memref<5000x64xi32, #tpu.memory_space<hbm>> -> memref<40x64xi32, #tpu.memory_space<hbm>>
        tpu.enqueue_dma source(%dma_start3A_202 : memref<40x64xi32, #tpu.memory_space<hbm>>) target(%arg7 : memref<40x64xi32, #tpu.memory_space<vmem>>) target_semaphore(%run_scoped3A : memref<!tpu.dma_semaphore, #tpu.memory_space<semaphore_mem>>)
        %dma_wait3A_203 = arith.constant 0 : i32
        %dma_wait3A_204 = tpu.memref_slice %arg4[%add3A_125, %dma_wait3A_203] : memref<5000x64xi32, #tpu.memory_space<hbm>> -> memref<40x64xi32, #tpu.memory_space<hbm>>
        %dma_wait3A_205 = arith.constant 0 : i32
        %dma_wait3A_206 = tpu.memref_slice %arg4[%add3A_125, %dma_wait3A_205] : memref<5000x64xi32, #tpu.memory_space<hbm>> -> memref<40x64xi32, #tpu.memory_space<hbm>>
        tpu.wait_dma2 semaphore(%run_scoped3A : memref<!tpu.dma_semaphore, #tpu.memory_space<semaphore_mem>>) src(%dma_wait3A_206 : memref<40x64xi32, #tpu.memory_space<hbm>>) dst(%arg7 : memref<40x64xi32, #tpu.memory_space<vmem>>)
        tpu.yield
      }) : () -> ()
      %dma_start3A_126 = arith.constant 0 : i32
      %dma_start3A_127 = arith.constant 0 : i32
      %dma_start3A_128 = arith.constant 0 : i32
      %dma_start3A_129 = tpu.memref_slice %arg8[%dma_start3A_127, %dma_start3A_128] : memref<64x128xf32, #tpu.memory_space<vmem>> -> memref<32x128xf32, #tpu.memory_space<vmem>>
      %dma_start3A_130 = arith.constant 0 : i32
      %dma_start3A_131 = tpu.memref_slice %arg6[%dma_start3A_126, %dma_start3A_130] : memref<40x64xi32, #tpu.memory_space<vmem>> -> memref<1x32xi32, #tpu.memory_space<vmem>>
      %dma_start3A_132 = tpu.memref_squeeze %dma_start3A_131 : memref<1x32xi32, #tpu.memory_space<vmem>> -> memref<32xi32, #tpu.memory_space<vmem>>
      %dma_start3A_133 = arith.constant 0 : i32
      %dma_start3A_134 = arith.constant 0 : i32
      %dma_start3A_135 = tpu.memref_slice %arg2[%dma_start3A_133, %dma_start3A_134] : memref<10000x128xf32, #tpu.memory_space<hbm>> -> memref<10000x128xf32, #tpu.memory_space<hbm>>
      tpu.enqueue_indirect_dma source(%dma_start3A_135 : memref<10000x128xf32, #tpu.memory_space<hbm>>) target(%dma_start3A_129 : memref<32x128xf32, #tpu.memory_space<vmem>>) offsets(%dma_start3A_132 : memref<32xi32, #tpu.memory_space<vmem>>) semaphore(%arg13 : memref<!tpu.dma_semaphore, #tpu.memory_space<semaphore_mem>>)
      %dma_start3A_136 = arith.constant 0 : i32
      %dma_start3A_137 = arith.constant 32 : i32
      %dma_start3A_138 = arith.constant 0 : i32
      %dma_start3A_139 = tpu.memref_slice %arg8[%dma_start3A_137, %dma_start3A_138] : memref<64x128xf32, #tpu.memory_space<vmem>> -> memref<32x128xf32, #tpu.memory_space<vmem>>
      %dma_start3A_140 = arith.constant 32 : i32
      %dma_start3A_141 = tpu.memref_slice %arg6[%dma_start3A_136, %dma_start3A_140] : memref<40x64xi32, #tpu.memory_space<vmem>> -> memref<1x32xi32, #tpu.memory_space<vmem>>
      %dma_start3A_142 = tpu.memref_squeeze %dma_start3A_141 : memref<1x32xi32, #tpu.memory_space<vmem>> -> memref<32xi32, #tpu.memory_space<vmem>>
      %dma_start3A_143 = arith.constant 0 : i32
      %dma_start3A_144 = arith.constant 0 : i32
      %dma_start3A_145 = tpu.memref_slice %arg2[%dma_start3A_143, %dma_start3A_144] : memref<10000x128xf32, #tpu.memory_space<hbm>> -> memref<10000x128xf32, #tpu.memory_space<hbm>>
      tpu.enqueue_indirect_dma source(%dma_start3A_145 : memref<10000x128xf32, #tpu.memory_space<hbm>>) target(%dma_start3A_139 : memref<32x128xf32, #tpu.memory_space<vmem>>) offsets(%dma_start3A_142 : memref<32xi32, #tpu.memory_space<vmem>>) semaphore(%arg17 : memref<!tpu.dma_semaphore, #tpu.memory_space<semaphore_mem>>)
      %dma_start3A_146 = arith.constant 1 : i32
      %dma_start3A_147 = arith.constant 0 : i32
      %dma_start3A_148 = arith.constant 0 : i32
      %dma_start3A_149 = tpu.memref_slice %arg9[%dma_start3A_147, %dma_start3A_148] : memref<64x128xf32, #tpu.memory_space<vmem>> -> memref<32x128xf32, #tpu.memory_space<vmem>>
      %dma_start3A_150 = arith.constant 0 : i32
      %dma_start3A_151 = tpu.memref_slice %arg6[%dma_start3A_146, %dma_start3A_150] : memref<40x64xi32, #tpu.memory_space<vmem>> -> memref<1x32xi32, #tpu.memory_space<vmem>>
      %dma_start3A_152 = tpu.memref_squeeze %dma_start3A_151 : memref<1x32xi32, #tpu.memory_space<vmem>> -> memref<32xi32, #tpu.memory_space<vmem>>
      %dma_start3A_153 = arith.constant 0 : i32
      %dma_start3A_154 = arith.constant 0 : i32
      %dma_start3A_155 = tpu.memref_slice %arg2[%dma_start3A_153, %dma_start3A_154] : memref<10000x128xf32, #tpu.memory_space<hbm>> -> memref<10000x128xf32, #tpu.memory_space<hbm>>
      tpu.enqueue_indirect_dma source(%dma_start3A_155 : memref<10000x128xf32, #tpu.memory_space<hbm>>) target(%dma_start3A_149 : memref<32x128xf32, #tpu.memory_space<vmem>>) offsets(%dma_start3A_152 : memref<32xi32, #tpu.memory_space<vmem>>) semaphore(%arg14 : memref<!tpu.dma_semaphore, #tpu.memory_space<semaphore_mem>>)
      %dma_start3A_156 = arith.constant 1 : i32
      %dma_start3A_157 = arith.constant 32 : i32
      %dma_start3A_158 = arith.constant 0 : i32
      %dma_start3A_159 = tpu.memref_slice %arg9[%dma_start3A_157, %dma_start3A_158] : memref<64x128xf32, #tpu.memory_space<vmem>> -> memref<32x128xf32, #tpu.memory_space<vmem>>
      %dma_start3A_160 = arith.constant 32 : i32
      %dma_start3A_161 = tpu.memref_slice %arg6[%dma_start3A_156, %dma_start3A_160] : memref<40x64xi32, #tpu.memory_space<vmem>> -> memref<1x32xi32, #tpu.memory_space<vmem>>
      %dma_start3A_162 = tpu.memref_squeeze %dma_start3A_161 : memref<1x32xi32, #tpu.memory_space<vmem>> -> memref<32xi32, #tpu.memory_space<vmem>>
      %dma_start3A_163 = arith.constant 0 : i32
      %dma_start3A_164 = arith.constant 0 : i32
      %dma_start3A_165 = tpu.memref_slice %arg2[%dma_start3A_163, %dma_start3A_164] : memref<10000x128xf32, #tpu.memory_space<hbm>> -> memref<10000x128xf32, #tpu.memory_space<hbm>>
      tpu.enqueue_indirect_dma source(%dma_start3A_165 : memref<10000x128xf32, #tpu.memory_space<hbm>>) target(%dma_start3A_159 : memref<32x128xf32, #tpu.memory_space<vmem>>) offsets(%dma_start3A_162 : memref<32xi32, #tpu.memory_space<vmem>>) semaphore(%arg18 : memref<!tpu.dma_semaphore, #tpu.memory_space<semaphore_mem>>)
      %dma_start3A_166 = arith.constant 2 : i32
      %dma_start3A_167 = arith.constant 0 : i32
      %dma_start3A_168 = arith.constant 0 : i32
      %dma_start3A_169 = tpu.memref_slice %arg10[%dma_start3A_167, %dma_start3A_168] : memref<64x128xf32, #tpu.memory_space<vmem>> -> memref<32x128xf32, #tpu.memory_space<vmem>>
      %dma_start3A_170 = arith.constant 0 : i32
      %dma_start3A_171 = tpu.memref_slice %arg6[%dma_start3A_166, %dma_start3A_170] : memref<40x64xi32, #tpu.memory_space<vmem>> -> memref<1x32xi32, #tpu.memory_space<vmem>>
      %dma_start3A_172 = tpu.memref_squeeze %dma_start3A_171 : memref<1x32xi32, #tpu.memory_space<vmem>> -> memref<32xi32, #tpu.memory_space<vmem>>
      %dma_start3A_173 = arith.constant 0 : i32
      %dma_start3A_174 = arith.constant 0 : i32
      %dma_start3A_175 = tpu.memref_slice %arg2[%dma_start3A_173, %dma_start3A_174] : memref<10000x128xf32, #tpu.memory_space<hbm>> -> memref<10000x128xf32, #tpu.memory_space<hbm>>
      tpu.enqueue_indirect_dma source(%dma_start3A_175 : memref<10000x128xf32, #tpu.memory_space<hbm>>) target(%dma_start3A_169 : memref<32x128xf32, #tpu.memory_space<vmem>>) offsets(%dma_start3A_172 : memref<32xi32, #tpu.memory_space<vmem>>) semaphore(%arg15 : memref<!tpu.dma_semaphore, #tpu.memory_space<semaphore_mem>>)
      %dma_start3A_176 = arith.constant 2 : i32
      %dma_start3A_177 = arith.constant 32 : i32
      %dma_start3A_178 = arith.constant 0 : i32
      %dma_start3A_179 = tpu.memref_slice %arg10[%dma_start3A_177, %dma_start3A_178] : memref<64x128xf32, #tpu.memory_space<vmem>> -> memref<32x128xf32, #tpu.memory_space<vmem>>
      %dma_start3A_180 = arith.constant 32 : i32
      %dma_start3A_181 = tpu.memref_slice %arg6[%dma_start3A_176, %dma_start3A_180] : memref<40x64xi32, #tpu.memory_space<vmem>> -> memref<1x32xi32, #tpu.memory_space<vmem>>
      %dma_start3A_182 = tpu.memref_squeeze %dma_start3A_181 : memref<1x32xi32, #tpu.memory_space<vmem>> -> memref<32xi32, #tpu.memory_space<vmem>>
      %dma_start3A_183 = arith.constant 0 : i32
      %dma_start3A_184 = arith.constant 0 : i32
      %dma_start3A_185 = tpu.memref_slice %arg2[%dma_start3A_183, %dma_start3A_184] : memref<10000x128xf32, #tpu.memory_space<hbm>> -> memref<10000x128xf32, #tpu.memory_space<hbm>>
      tpu.enqueue_indirect_dma source(%dma_start3A_185 : memref<10000x128xf32, #tpu.memory_space<hbm>>) target(%dma_start3A_179 : memref<32x128xf32, #tpu.memory_space<vmem>>) offsets(%dma_start3A_182 : memref<32xi32, #tpu.memory_space<vmem>>) semaphore(%arg19 : memref<!tpu.dma_semaphore, #tpu.memory_space<semaphore_mem>>)
      %scan3A_186 = arith.constant 0 : i32
      %scan3A_187 = arith.constant 0 : i32
      %scan3A_188 = arith.constant 10 : i32
      %scan3A_189 = arith.addi %scan3A_187, %scan3A_188 : i32
      %scan3A_190 = arith.constant 1 : i32
      scf.for %scan3A_199 = %scan3A_187 to %scan3A_189 step %scan3A_190  : i32 {
        %mul3A_200 = arith.constant 4 : i32
        %mul3A_201 = arith.muli %mul3A_200, %scan3A_199 : i32
        %add3A_202 = arith.constant 0 : i32
        %add3A_203 = arith.addi %mul3A_201, %add3A_202 : i32
        %add3A_204 = arith.constant 4 : i32
        %add3A_205 = arith.addi %add3A_203, %add3A_204 : i32
        %sub3A = arith.constant 1 : i32
        %sub3A_206 = arith.subi %add3A_205, %sub3A : i32
        %dma_wait3A_207 = arith.constant 0 : i32
        %dma_wait3A_208 = arith.constant 0 : i32
        %dma_wait3A_209 = arith.constant 0 : i32
        %dma_wait3A_210 = tpu.memref_slice %arg8[%dma_wait3A_208, %dma_wait3A_209] : memref<64x128xf32, #tpu.memory_space<vmem>> -> memref<32x128xf32, #tpu.memory_space<vmem>>
        %dma_wait3A_211 = arith.constant 0 : i32
        %dma_wait3A_212 = tpu.memref_slice %arg6[%dma_wait3A_207, %dma_wait3A_211] : memref<40x64xi32, #tpu.memory_space<vmem>> -> memref<1x32xi32, #tpu.memory_space<vmem>>
        %dma_wait3A_213 = tpu.memref_squeeze %dma_wait3A_212 : memref<1x32xi32, #tpu.memory_space<vmem>> -> memref<32xi32, #tpu.memory_space<vmem>>
        %dma_wait3A_214 = arith.constant 0 : i32
        %dma_wait3A_215 = arith.constant 0 : i32
        %dma_wait3A_216 = tpu.memref_slice %arg2[%dma_wait3A_214, %dma_wait3A_215] : memref<10000x128xf32, #tpu.memory_space<hbm>> -> memref<10000x128xf32, #tpu.memory_space<hbm>>
        tpu.wait_indirect_dma semaphore(%arg13 : memref<!tpu.dma_semaphore, #tpu.memory_space<semaphore_mem>>) src(%dma_wait3A_216 : memref<10000x128xf32, #tpu.memory_space<hbm>>) dst(%dma_wait3A_210 : memref<32x128xf32, #tpu.memory_space<vmem>>)
        %dma_wait3A_217 = arith.constant 0 : i32
        %dma_wait3A_218 = arith.constant 32 : i32
        %dma_wait3A_219 = arith.constant 0 : i32
        %dma_wait3A_220 = tpu.memref_slice %arg8[%dma_wait3A_218, %dma_wait3A_219] : memref<64x128xf32, #tpu.memory_space<vmem>> -> memref<32x128xf32, #tpu.memory_space<vmem>>
        %dma_wait3A_221 = arith.constant 0 : i32
        %dma_wait3A_222 = tpu.memref_slice %arg6[%dma_wait3A_217, %dma_wait3A_221] : memref<40x64xi32, #tpu.memory_space<vmem>> -> memref<1x32xi32, #tpu.memory_space<vmem>>
        %dma_wait3A_223 = tpu.memref_squeeze %dma_wait3A_222 : memref<1x32xi32, #tpu.memory_space<vmem>> -> memref<32xi32, #tpu.memory_space<vmem>>
        %dma_wait3A_224 = arith.constant 0 : i32
        %dma_wait3A_225 = arith.constant 0 : i32
        %dma_wait3A_226 = tpu.memref_slice %arg2[%dma_wait3A_224, %dma_wait3A_225] : memref<10000x128xf32, #tpu.memory_space<hbm>> -> memref<10000x128xf32, #tpu.memory_space<hbm>>
        tpu.wait_indirect_dma semaphore(%arg17 : memref<!tpu.dma_semaphore, #tpu.memory_space<semaphore_mem>>) src(%dma_wait3A_226 : memref<10000x128xf32, #tpu.memory_space<hbm>>) dst(%dma_wait3A_220 : memref<32x128xf32, #tpu.memory_space<vmem>>)
        %gt3A_227 = arith.constant 0 : i32
        %gt3A_228 = arith.cmpi sgt, %scan3A_199, %gt3A_227 : i32
        %convert_element_type3A_229 = arith.extui %gt3A_228 : i1 to i32
        %cond3A_230 = arith.constant 0 : i32
        %cond3A_231 = arith.cmpi ne, %convert_element_type3A_229, %cond3A_230 : i32
        scf.if %cond3A_231 {
          %dma_wait3A_380 = arith.constant 0 : i32
          %dma_wait3A_381 = arith.constant 0 : i32
          %dma_wait3A_382 = tpu.memref_slice %arg7[%dma_wait3A_380, %dma_wait3A_381] : memref<40x64xi32, #tpu.memory_space<vmem>> -> memref<1x64xi32, #tpu.memory_space<vmem>>
          %dma_wait3A_383 = tpu.memref_squeeze %dma_wait3A_382 : memref<1x64xi32, #tpu.memory_space<vmem>> -> memref<64xi32, #tpu.memory_space<vmem>>
          %dma_wait3A_384 = arith.constant 0 : i32
          %dma_wait3A_385 = arith.constant 0 : i32
          %dma_wait3A_386 = tpu.memref_slice %arg12[%dma_wait3A_384, %dma_wait3A_385] : memref<10000x128xf32, #tpu.memory_space<vmem_shared>> -> memref<10000x128xf32, #tpu.memory_space<vmem_shared>>
          tpu.wait_indirect_dma semaphore(%arg24 : memref<!tpu.dma_semaphore, #tpu.memory_space<semaphore_mem>>) src(%arg11 : memref<64x128xf32, #tpu.memory_space<vmem>>) dst(%dma_wait3A_386 : memref<10000x128xf32, #tpu.memory_space<vmem_shared>>)
        } else {
        }
        %dma_start3A_232 = arith.constant 0 : i32
        %dma_start3A_233 = tpu.memref_slice %arg7[%add3A_203, %dma_start3A_232] : memref<40x64xi32, #tpu.memory_space<vmem>> -> memref<1x64xi32, #tpu.memory_space<vmem>>
        %dma_start3A_234 = tpu.memref_squeeze %dma_start3A_233 : memref<1x64xi32, #tpu.memory_space<vmem>> -> memref<64xi32, #tpu.memory_space<vmem>>
        %dma_start3A_235 = arith.constant 0 : i32
        %dma_start3A_236 = arith.constant 0 : i32
        %dma_start3A_237 = tpu.memref_slice %arg12[%dma_start3A_235, %dma_start3A_236] : memref<10000x128xf32, #tpu.memory_space<vmem_shared>> -> memref<10000x128xf32, #tpu.memory_space<vmem_shared>>
        tpu.enqueue_indirect_dma source(%arg8 : memref<64x128xf32, #tpu.memory_space<vmem>>) target(%dma_start3A_237 : memref<10000x128xf32, #tpu.memory_space<vmem_shared>>) offsets(%dma_start3A_234 : memref<64xi32, #tpu.memory_space<vmem>>) semaphore(%arg21 : memref<!tpu.dma_semaphore, #tpu.memory_space<semaphore_mem>>) {add = true}
        %lt3A = arith.constant 40 : i32
        %lt3A_238 = arith.cmpi slt, %sub3A_206, %lt3A : i32
        %convert_element_type3A_239 = arith.extui %lt3A_238 : i1 to i32
        %cond3A_240 = arith.constant 0 : i32
        %cond3A_241 = arith.cmpi ne, %convert_element_type3A_239, %cond3A_240 : i32
        scf.if %cond3A_241 {
          %dma_start3A_380 = arith.constant 0 : i32
          %dma_start3A_381 = arith.constant 0 : i32
          %dma_start3A_382 = tpu.memref_slice %arg11[%dma_start3A_380, %dma_start3A_381] : memref<64x128xf32, #tpu.memory_space<vmem>> -> memref<32x128xf32, #tpu.memory_space<vmem>>
          %dma_start3A_383 = arith.constant 0 : i32
          %dma_start3A_384 = tpu.memref_slice %arg6[%sub3A_206, %dma_start3A_383] : memref<40x64xi32, #tpu.memory_space<vmem>> -> memref<1x32xi32, #tpu.memory_space<vmem>>
          %dma_start3A_385 = tpu.memref_squeeze %dma_start3A_384 : memref<1x32xi32, #tpu.memory_space<vmem>> -> memref<32xi32, #tpu.memory_space<vmem>>
          %dma_start3A_386 = arith.constant 0 : i32
          %dma_start3A_387 = arith.constant 0 : i32
          %dma_start3A_388 = tpu.memref_slice %arg2[%dma_start3A_386, %dma_start3A_387] : memref<10000x128xf32, #tpu.memory_space<hbm>> -> memref<10000x128xf32, #tpu.memory_space<hbm>>
          tpu.enqueue_indirect_dma source(%dma_start3A_388 : memref<10000x128xf32, #tpu.memory_space<hbm>>) target(%dma_start3A_382 : memref<32x128xf32, #tpu.memory_space<vmem>>) offsets(%dma_start3A_385 : memref<32xi32, #tpu.memory_space<vmem>>) semaphore(%arg16 : memref<!tpu.dma_semaphore, #tpu.memory_space<semaphore_mem>>)
          %dma_start3A_389 = arith.constant 32 : i32
          %dma_start3A_390 = arith.constant 0 : i32
          %dma_start3A_391 = tpu.memref_slice %arg11[%dma_start3A_389, %dma_start3A_390] : memref<64x128xf32, #tpu.memory_space<vmem>> -> memref<32x128xf32, #tpu.memory_space<vmem>>
          %dma_start3A_392 = arith.constant 32 : i32
          %dma_start3A_393 = tpu.memref_slice %arg6[%sub3A_206, %dma_start3A_392] : memref<40x64xi32, #tpu.memory_space<vmem>> -> memref<1x32xi32, #tpu.memory_space<vmem>>
          %dma_start3A_394 = tpu.memref_squeeze %dma_start3A_393 : memref<1x32xi32, #tpu.memory_space<vmem>> -> memref<32xi32, #tpu.memory_space<vmem>>
          %dma_start3A_395 = arith.constant 0 : i32
          %dma_start3A_396 = arith.constant 0 : i32
          %dma_start3A_397 = tpu.memref_slice %arg2[%dma_start3A_395, %dma_start3A_396] : memref<10000x128xf32, #tpu.memory_space<hbm>> -> memref<10000x128xf32, #tpu.memory_space<hbm>>
          tpu.enqueue_indirect_dma source(%dma_start3A_397 : memref<10000x128xf32, #tpu.memory_space<hbm>>) target(%dma_start3A_391 : memref<32x128xf32, #tpu.memory_space<vmem>>) offsets(%dma_start3A_394 : memref<32xi32, #tpu.memory_space<vmem>>) semaphore(%arg20 : memref<!tpu.dma_semaphore, #tpu.memory_space<semaphore_mem>>)
        } else {
        }
        %mul3A_242 = arith.constant 4 : i32
        %mul3A_243 = arith.muli %mul3A_242, %scan3A_199 : i32
        %add3A_244 = arith.constant 1 : i32
        %add3A_245 = arith.addi %mul3A_243, %add3A_244 : i32
        %add3A_246 = arith.constant 4 : i32
        %add3A_247 = arith.addi %add3A_245, %add3A_246 : i32
        %sub3A_248 = arith.constant 1 : i32
        %sub3A_249 = arith.subi %add3A_247, %sub3A_248 : i32
        %dma_wait3A_250 = arith.constant 0 : i32
        %dma_wait3A_251 = arith.constant 0 : i32
        %dma_wait3A_252 = arith.constant 0 : i32
        %dma_wait3A_253 = tpu.memref_slice %arg9[%dma_wait3A_251, %dma_wait3A_252] : memref<64x128xf32, #tpu.memory_space<vmem>> -> memref<32x128xf32, #tpu.memory_space<vmem>>
        %dma_wait3A_254 = arith.constant 0 : i32
        %dma_wait3A_255 = tpu.memref_slice %arg6[%dma_wait3A_250, %dma_wait3A_254] : memref<40x64xi32, #tpu.memory_space<vmem>> -> memref<1x32xi32, #tpu.memory_space<vmem>>
        %dma_wait3A_256 = tpu.memref_squeeze %dma_wait3A_255 : memref<1x32xi32, #tpu.memory_space<vmem>> -> memref<32xi32, #tpu.memory_space<vmem>>
        %dma_wait3A_257 = arith.constant 0 : i32
        %dma_wait3A_258 = arith.constant 0 : i32
        %dma_wait3A_259 = tpu.memref_slice %arg2[%dma_wait3A_257, %dma_wait3A_258] : memref<10000x128xf32, #tpu.memory_space<hbm>> -> memref<10000x128xf32, #tpu.memory_space<hbm>>
        tpu.wait_indirect_dma semaphore(%arg14 : memref<!tpu.dma_semaphore, #tpu.memory_space<semaphore_mem>>) src(%dma_wait3A_259 : memref<10000x128xf32, #tpu.memory_space<hbm>>) dst(%dma_wait3A_253 : memref<32x128xf32, #tpu.memory_space<vmem>>)
        %dma_wait3A_260 = arith.constant 0 : i32
        %dma_wait3A_261 = arith.constant 32 : i32
        %dma_wait3A_262 = arith.constant 0 : i32
        %dma_wait3A_263 = tpu.memref_slice %arg9[%dma_wait3A_261, %dma_wait3A_262] : memref<64x128xf32, #tpu.memory_space<vmem>> -> memref<32x128xf32, #tpu.memory_space<vmem>>
        %dma_wait3A_264 = arith.constant 0 : i32
        %dma_wait3A_265 = tpu.memref_slice %arg6[%dma_wait3A_260, %dma_wait3A_264] : memref<40x64xi32, #tpu.memory_space<vmem>> -> memref<1x32xi32, #tpu.memory_space<vmem>>
        %dma_wait3A_266 = tpu.memref_squeeze %dma_wait3A_265 : memref<1x32xi32, #tpu.memory_space<vmem>> -> memref<32xi32, #tpu.memory_space<vmem>>
        %dma_wait3A_267 = arith.constant 0 : i32
        %dma_wait3A_268 = arith.constant 0 : i32
        %dma_wait3A_269 = tpu.memref_slice %arg2[%dma_wait3A_267, %dma_wait3A_268] : memref<10000x128xf32, #tpu.memory_space<hbm>> -> memref<10000x128xf32, #tpu.memory_space<hbm>>
        tpu.wait_indirect_dma semaphore(%arg18 : memref<!tpu.dma_semaphore, #tpu.memory_space<semaphore_mem>>) src(%dma_wait3A_269 : memref<10000x128xf32, #tpu.memory_space<hbm>>) dst(%dma_wait3A_263 : memref<32x128xf32, #tpu.memory_space<vmem>>)
        %dma_wait3A_270 = arith.constant 0 : i32
        %dma_wait3A_271 = arith.constant 0 : i32
        %dma_wait3A_272 = tpu.memref_slice %arg7[%dma_wait3A_270, %dma_wait3A_271] : memref<40x64xi32, #tpu.memory_space<vmem>> -> memref<1x64xi32, #tpu.memory_space<vmem>>
        %dma_wait3A_273 = tpu.memref_squeeze %dma_wait3A_272 : memref<1x64xi32, #tpu.memory_space<vmem>> -> memref<64xi32, #tpu.memory_space<vmem>>
        %dma_wait3A_274 = arith.constant 0 : i32
        %dma_wait3A_275 = arith.constant 0 : i32
        %dma_wait3A_276 = tpu.memref_slice %arg12[%dma_wait3A_274, %dma_wait3A_275] : memref<10000x128xf32, #tpu.memory_space<vmem_shared>> -> memref<10000x128xf32, #tpu.memory_space<vmem_shared>>
        tpu.wait_indirect_dma semaphore(%arg21 : memref<!tpu.dma_semaphore, #tpu.memory_space<semaphore_mem>>) src(%arg8 : memref<64x128xf32, #tpu.memory_space<vmem>>) dst(%dma_wait3A_276 : memref<10000x128xf32, #tpu.memory_space<vmem_shared>>)
        %dma_start3A_277 = arith.constant 0 : i32
        %dma_start3A_278 = tpu.memref_slice %arg7[%add3A_245, %dma_start3A_277] : memref<40x64xi32, #tpu.memory_space<vmem>> -> memref<1x64xi32, #tpu.memory_space<vmem>>
        %dma_start3A_279 = tpu.memref_squeeze %dma_start3A_278 : memref<1x64xi32, #tpu.memory_space<vmem>> -> memref<64xi32, #tpu.memory_space<vmem>>
        %dma_start3A_280 = arith.constant 0 : i32
        %dma_start3A_281 = arith.constant 0 : i32
        %dma_start3A_282 = tpu.memref_slice %arg12[%dma_start3A_280, %dma_start3A_281] : memref<10000x128xf32, #tpu.memory_space<vmem_shared>> -> memref<10000x128xf32, #tpu.memory_space<vmem_shared>>
        tpu.enqueue_indirect_dma source(%arg9 : memref<64x128xf32, #tpu.memory_space<vmem>>) target(%dma_start3A_282 : memref<10000x128xf32, #tpu.memory_space<vmem_shared>>) offsets(%dma_start3A_279 : memref<64xi32, #tpu.memory_space<vmem>>) semaphore(%arg22 : memref<!tpu.dma_semaphore, #tpu.memory_space<semaphore_mem>>) {add = true}
        %lt3A_283 = arith.constant 40 : i32
        %lt3A_284 = arith.cmpi slt, %sub3A_249, %lt3A_283 : i32
        %convert_element_type3A_285 = arith.extui %lt3A_284 : i1 to i32
        %cond3A_286 = arith.constant 0 : i32
        %cond3A_287 = arith.cmpi ne, %convert_element_type3A_285, %cond3A_286 : i32
        scf.if %cond3A_287 {
          %dma_start3A_380 = arith.constant 0 : i32
          %dma_start3A_381 = arith.constant 0 : i32
          %dma_start3A_382 = tpu.memref_slice %arg8[%dma_start3A_380, %dma_start3A_381] : memref<64x128xf32, #tpu.memory_space<vmem>> -> memref<32x128xf32, #tpu.memory_space<vmem>>
          %dma_start3A_383 = arith.constant 0 : i32
          %dma_start3A_384 = tpu.memref_slice %arg6[%sub3A_249, %dma_start3A_383] : memref<40x64xi32, #tpu.memory_space<vmem>> -> memref<1x32xi32, #tpu.memory_space<vmem>>
          %dma_start3A_385 = tpu.memref_squeeze %dma_start3A_384 : memref<1x32xi32, #tpu.memory_space<vmem>> -> memref<32xi32, #tpu.memory_space<vmem>>
          %dma_start3A_386 = arith.constant 0 : i32
          %dma_start3A_387 = arith.constant 0 : i32
          %dma_start3A_388 = tpu.memref_slice %arg2[%dma_start3A_386, %dma_start3A_387] : memref<10000x128xf32, #tpu.memory_space<hbm>> -> memref<10000x128xf32, #tpu.memory_space<hbm>>
          tpu.enqueue_indirect_dma source(%dma_start3A_388 : memref<10000x128xf32, #tpu.memory_space<hbm>>) target(%dma_start3A_382 : memref<32x128xf32, #tpu.memory_space<vmem>>) offsets(%dma_start3A_385 : memref<32xi32, #tpu.memory_space<vmem>>) semaphore(%arg13 : memref<!tpu.dma_semaphore, #tpu.memory_space<semaphore_mem>>)
          %dma_start3A_389 = arith.constant 32 : i32
          %dma_start3A_390 = arith.constant 0 : i32
          %dma_start3A_391 = tpu.memref_slice %arg8[%dma_start3A_389, %dma_start3A_390] : memref<64x128xf32, #tpu.memory_space<vmem>> -> memref<32x128xf32, #tpu.memory_space<vmem>>
          %dma_start3A_392 = arith.constant 32 : i32
          %dma_start3A_393 = tpu.memref_slice %arg6[%sub3A_249, %dma_start3A_392] : memref<40x64xi32, #tpu.memory_space<vmem>> -> memref<1x32xi32, #tpu.memory_space<vmem>>
          %dma_start3A_394 = tpu.memref_squeeze %dma_start3A_393 : memref<1x32xi32, #tpu.memory_space<vmem>> -> memref<32xi32, #tpu.memory_space<vmem>>
          %dma_start3A_395 = arith.constant 0 : i32
          %dma_start3A_396 = arith.constant 0 : i32
          %dma_start3A_397 = tpu.memref_slice %arg2[%dma_start3A_395, %dma_start3A_396] : memref<10000x128xf32, #tpu.memory_space<hbm>> -> memref<10000x128xf32, #tpu.memory_space<hbm>>
          tpu.enqueue_indirect_dma source(%dma_start3A_397 : memref<10000x128xf32, #tpu.memory_space<hbm>>) target(%dma_start3A_391 : memref<32x128xf32, #tpu.memory_space<vmem>>) offsets(%dma_start3A_394 : memref<32xi32, #tpu.memory_space<vmem>>) semaphore(%arg17 : memref<!tpu.dma_semaphore, #tpu.memory_space<semaphore_mem>>)
        } else {
        }
        %mul3A_288 = arith.constant 4 : i32
        %mul3A_289 = arith.muli %mul3A_288, %scan3A_199 : i32
        %add3A_290 = arith.constant 2 : i32
        %add3A_291 = arith.addi %mul3A_289, %add3A_290 : i32
        %add3A_292 = arith.constant 4 : i32
        %add3A_293 = arith.addi %add3A_291, %add3A_292 : i32
        %sub3A_294 = arith.constant 1 : i32
        %sub3A_295 = arith.subi %add3A_293, %sub3A_294 : i32
        %dma_wait3A_296 = arith.constant 0 : i32
        %dma_wait3A_297 = arith.constant 0 : i32
        %dma_wait3A_298 = arith.constant 0 : i32
        %dma_wait3A_299 = tpu.memref_slice %arg10[%dma_wait3A_297, %dma_wait3A_298] : memref<64x128xf32, #tpu.memory_space<vmem>> -> memref<32x128xf32, #tpu.memory_space<vmem>>
        %dma_wait3A_300 = arith.constant 0 : i32
        %dma_wait3A_301 = tpu.memref_slice %arg6[%dma_wait3A_296, %dma_wait3A_300] : memref<40x64xi32, #tpu.memory_space<vmem>> -> memref<1x32xi32, #tpu.memory_space<vmem>>
        %dma_wait3A_302 = tpu.memref_squeeze %dma_wait3A_301 : memref<1x32xi32, #tpu.memory_space<vmem>> -> memref<32xi32, #tpu.memory_space<vmem>>
        %dma_wait3A_303 = arith.constant 0 : i32
        %dma_wait3A_304 = arith.constant 0 : i32
        %dma_wait3A_305 = tpu.memref_slice %arg2[%dma_wait3A_303, %dma_wait3A_304] : memref<10000x128xf32, #tpu.memory_space<hbm>> -> memref<10000x128xf32, #tpu.memory_space<hbm>>
        tpu.wait_indirect_dma semaphore(%arg15 : memref<!tpu.dma_semaphore, #tpu.memory_space<semaphore_mem>>) src(%dma_wait3A_305 : memref<10000x128xf32, #tpu.memory_space<hbm>>) dst(%dma_wait3A_299 : memref<32x128xf32, #tpu.memory_space<vmem>>)
        %dma_wait3A_306 = arith.constant 0 : i32
        %dma_wait3A_307 = arith.constant 32 : i32
        %dma_wait3A_308 = arith.constant 0 : i32
        %dma_wait3A_309 = tpu.memref_slice %arg10[%dma_wait3A_307, %dma_wait3A_308] : memref<64x128xf32, #tpu.memory_space<vmem>> -> memref<32x128xf32, #tpu.memory_space<vmem>>
        %dma_wait3A_310 = arith.constant 0 : i32
        %dma_wait3A_311 = tpu.memref_slice %arg6[%dma_wait3A_306, %dma_wait3A_310] : memref<40x64xi32, #tpu.memory_space<vmem>> -> memref<1x32xi32, #tpu.memory_space<vmem>>
        %dma_wait3A_312 = tpu.memref_squeeze %dma_wait3A_311 : memref<1x32xi32, #tpu.memory_space<vmem>> -> memref<32xi32, #tpu.memory_space<vmem>>
        %dma_wait3A_313 = arith.constant 0 : i32
        %dma_wait3A_314 = arith.constant 0 : i32
        %dma_wait3A_315 = tpu.memref_slice %arg2[%dma_wait3A_313, %dma_wait3A_314] : memref<10000x128xf32, #tpu.memory_space<hbm>> -> memref<10000x128xf32, #tpu.memory_space<hbm>>
        tpu.wait_indirect_dma semaphore(%arg19 : memref<!tpu.dma_semaphore, #tpu.memory_space<semaphore_mem>>) src(%dma_wait3A_315 : memref<10000x128xf32, #tpu.memory_space<hbm>>) dst(%dma_wait3A_309 : memref<32x128xf32, #tpu.memory_space<vmem>>)
        %dma_wait3A_316 = arith.constant 0 : i32
        %dma_wait3A_317 = arith.constant 0 : i32
        %dma_wait3A_318 = tpu.memref_slice %arg7[%dma_wait3A_316, %dma_wait3A_317] : memref<40x64xi32, #tpu.memory_space<vmem>> -> memref<1x64xi32, #tpu.memory_space<vmem>>
        %dma_wait3A_319 = tpu.memref_squeeze %dma_wait3A_318 : memref<1x64xi32, #tpu.memory_space<vmem>> -> memref<64xi32, #tpu.memory_space<vmem>>
        %dma_wait3A_320 = arith.constant 0 : i32
        %dma_wait3A_321 = arith.constant 0 : i32
        %dma_wait3A_322 = tpu.memref_slice %arg12[%dma_wait3A_320, %dma_wait3A_321] : memref<10000x128xf32, #tpu.memory_space<vmem_shared>> -> memref<10000x128xf32, #tpu.memory_space<vmem_shared>>
        tpu.wait_indirect_dma semaphore(%arg22 : memref<!tpu.dma_semaphore, #tpu.memory_space<semaphore_mem>>) src(%arg9 : memref<64x128xf32, #tpu.memory_space<vmem>>) dst(%dma_wait3A_322 : memref<10000x128xf32, #tpu.memory_space<vmem_shared>>)
        %dma_start3A_323 = arith.constant 0 : i32
        %dma_start3A_324 = tpu.memref_slice %arg7[%add3A_291, %dma_start3A_323] : memref<40x64xi32, #tpu.memory_space<vmem>> -> memref<1x64xi32, #tpu.memory_space<vmem>>
        %dma_start3A_325 = tpu.memref_squeeze %dma_start3A_324 : memref<1x64xi32, #tpu.memory_space<vmem>> -> memref<64xi32, #tpu.memory_space<vmem>>
        %dma_start3A_326 = arith.constant 0 : i32
        %dma_start3A_327 = arith.constant 0 : i32
        %dma_start3A_328 = tpu.memref_slice %arg12[%dma_start3A_326, %dma_start3A_327] : memref<10000x128xf32, #tpu.memory_space<vmem_shared>> -> memref<10000x128xf32, #tpu.memory_space<vmem_shared>>
        tpu.enqueue_indirect_dma source(%arg10 : memref<64x128xf32, #tpu.memory_space<vmem>>) target(%dma_start3A_328 : memref<10000x128xf32, #tpu.memory_space<vmem_shared>>) offsets(%dma_start3A_325 : memref<64xi32, #tpu.memory_space<vmem>>) semaphore(%arg23 : memref<!tpu.dma_semaphore, #tpu.memory_space<semaphore_mem>>) {add = true}
        %lt3A_329 = arith.constant 40 : i32
        %lt3A_330 = arith.cmpi slt, %sub3A_295, %lt3A_329 : i32
        %convert_element_type3A_331 = arith.extui %lt3A_330 : i1 to i32
        %cond3A_332 = arith.constant 0 : i32
        %cond3A_333 = arith.cmpi ne, %convert_element_type3A_331, %cond3A_332 : i32
        scf.if %cond3A_333 {
          %dma_start3A_380 = arith.constant 0 : i32
          %dma_start3A_381 = arith.constant 0 : i32
          %dma_start3A_382 = tpu.memref_slice %arg9[%dma_start3A_380, %dma_start3A_381] : memref<64x128xf32, #tpu.memory_space<vmem>> -> memref<32x128xf32, #tpu.memory_space<vmem>>
          %dma_start3A_383 = arith.constant 0 : i32
          %dma_start3A_384 = tpu.memref_slice %arg6[%sub3A_295, %dma_start3A_383] : memref<40x64xi32, #tpu.memory_space<vmem>> -> memref<1x32xi32, #tpu.memory_space<vmem>>
          %dma_start3A_385 = tpu.memref_squeeze %dma_start3A_384 : memref<1x32xi32, #tpu.memory_space<vmem>> -> memref<32xi32, #tpu.memory_space<vmem>>
          %dma_start3A_386 = arith.constant 0 : i32
          %dma_start3A_387 = arith.constant 0 : i32
          %dma_start3A_388 = tpu.memref_slice %arg2[%dma_start3A_386, %dma_start3A_387] : memref<10000x128xf32, #tpu.memory_space<hbm>> -> memref<10000x128xf32, #tpu.memory_space<hbm>>
          tpu.enqueue_indirect_dma source(%dma_start3A_388 : memref<10000x128xf32, #tpu.memory_space<hbm>>) target(%dma_start3A_382 : memref<32x128xf32, #tpu.memory_space<vmem>>) offsets(%dma_start3A_385 : memref<32xi32, #tpu.memory_space<vmem>>) semaphore(%arg14 : memref<!tpu.dma_semaphore, #tpu.memory_space<semaphore_mem>>)
          %dma_start3A_389 = arith.constant 32 : i32
          %dma_start3A_390 = arith.constant 0 : i32
          %dma_start3A_391 = tpu.memref_slice %arg9[%dma_start3A_389, %dma_start3A_390] : memref<64x128xf32, #tpu.memory_space<vmem>> -> memref<32x128xf32, #tpu.memory_space<vmem>>
          %dma_start3A_392 = arith.constant 32 : i32
          %dma_start3A_393 = tpu.memref_slice %arg6[%sub3A_295, %dma_start3A_392] : memref<40x64xi32, #tpu.memory_space<vmem>> -> memref<1x32xi32, #tpu.memory_space<vmem>>
          %dma_start3A_394 = tpu.memref_squeeze %dma_start3A_393 : memref<1x32xi32, #tpu.memory_space<vmem>> -> memref<32xi32, #tpu.memory_space<vmem>>
          %dma_start3A_395 = arith.constant 0 : i32
          %dma_start3A_396 = arith.constant 0 : i32
          %dma_start3A_397 = tpu.memref_slice %arg2[%dma_start3A_395, %dma_start3A_396] : memref<10000x128xf32, #tpu.memory_space<hbm>> -> memref<10000x128xf32, #tpu.memory_space<hbm>>
          tpu.enqueue_indirect_dma source(%dma_start3A_397 : memref<10000x128xf32, #tpu.memory_space<hbm>>) target(%dma_start3A_391 : memref<32x128xf32, #tpu.memory_space<vmem>>) offsets(%dma_start3A_394 : memref<32xi32, #tpu.memory_space<vmem>>) semaphore(%arg18 : memref<!tpu.dma_semaphore, #tpu.memory_space<semaphore_mem>>)
        } else {
        }
        %mul3A_334 = arith.constant 4 : i32
        %mul3A_335 = arith.muli %mul3A_334, %scan3A_199 : i32
        %add3A_336 = arith.constant 3 : i32
        %add3A_337 = arith.addi %mul3A_335, %add3A_336 : i32
        %add3A_338 = arith.constant 4 : i32
        %add3A_339 = arith.addi %add3A_337, %add3A_338 : i32
        %sub3A_340 = arith.constant 1 : i32
        %sub3A_341 = arith.subi %add3A_339, %sub3A_340 : i32
        %dma_wait3A_342 = arith.constant 0 : i32
        %dma_wait3A_343 = arith.constant 0 : i32
        %dma_wait3A_344 = arith.constant 0 : i32
        %dma_wait3A_345 = tpu.memref_slice %arg11[%dma_wait3A_343, %dma_wait3A_344] : memref<64x128xf32, #tpu.memory_space<vmem>> -> memref<32x128xf32, #tpu.memory_space<vmem>>
        %dma_wait3A_346 = arith.constant 0 : i32
        %dma_wait3A_347 = tpu.memref_slice %arg6[%dma_wait3A_342, %dma_wait3A_346] : memref<40x64xi32, #tpu.memory_space<vmem>> -> memref<1x32xi32, #tpu.memory_space<vmem>>
        %dma_wait3A_348 = tpu.memref_squeeze %dma_wait3A_347 : memref<1x32xi32, #tpu.memory_space<vmem>> -> memref<32xi32, #tpu.memory_space<vmem>>
        %dma_wait3A_349 = arith.constant 0 : i32
        %dma_wait3A_350 = arith.constant 0 : i32
        %dma_wait3A_351 = tpu.memref_slice %arg2[%dma_wait3A_349, %dma_wait3A_350] : memref<10000x128xf32, #tpu.memory_space<hbm>> -> memref<10000x128xf32, #tpu.memory_space<hbm>>
        tpu.wait_indirect_dma semaphore(%arg16 : memref<!tpu.dma_semaphore, #tpu.memory_space<semaphore_mem>>) src(%dma_wait3A_351 : memref<10000x128xf32, #tpu.memory_space<hbm>>) dst(%dma_wait3A_345 : memref<32x128xf32, #tpu.memory_space<vmem>>)
        %dma_wait3A_352 = arith.constant 0 : i32
        %dma_wait3A_353 = arith.constant 32 : i32
        %dma_wait3A_354 = arith.constant 0 : i32
        %dma_wait3A_355 = tpu.memref_slice %arg11[%dma_wait3A_353, %dma_wait3A_354] : memref<64x128xf32, #tpu.memory_space<vmem>> -> memref<32x128xf32, #tpu.memory_space<vmem>>
        %dma_wait3A_356 = arith.constant 0 : i32
        %dma_wait3A_357 = tpu.memref_slice %arg6[%dma_wait3A_352, %dma_wait3A_356] : memref<40x64xi32, #tpu.memory_space<vmem>> -> memref<1x32xi32, #tpu.memory_space<vmem>>
        %dma_wait3A_358 = tpu.memref_squeeze %dma_wait3A_357 : memref<1x32xi32, #tpu.memory_space<vmem>> -> memref<32xi32, #tpu.memory_space<vmem>>
        %dma_wait3A_359 = arith.constant 0 : i32
        %dma_wait3A_360 = arith.constant 0 : i32
        %dma_wait3A_361 = tpu.memref_slice %arg2[%dma_wait3A_359, %dma_wait3A_360] : memref<10000x128xf32, #tpu.memory_space<hbm>> -> memref<10000x128xf32, #tpu.memory_space<hbm>>
        tpu.wait_indirect_dma semaphore(%arg20 : memref<!tpu.dma_semaphore, #tpu.memory_space<semaphore_mem>>) src(%dma_wait3A_361 : memref<10000x128xf32, #tpu.memory_space<hbm>>) dst(%dma_wait3A_355 : memref<32x128xf32, #tpu.memory_space<vmem>>)
        %dma_wait3A_362 = arith.constant 0 : i32
        %dma_wait3A_363 = arith.constant 0 : i32
        %dma_wait3A_364 = tpu.memref_slice %arg7[%dma_wait3A_362, %dma_wait3A_363] : memref<40x64xi32, #tpu.memory_space<vmem>> -> memref<1x64xi32, #tpu.memory_space<vmem>>
        %dma_wait3A_365 = tpu.memref_squeeze %dma_wait3A_364 : memref<1x64xi32, #tpu.memory_space<vmem>> -> memref<64xi32, #tpu.memory_space<vmem>>
        %dma_wait3A_366 = arith.constant 0 : i32
        %dma_wait3A_367 = arith.constant 0 : i32
        %dma_wait3A_368 = tpu.memref_slice %arg12[%dma_wait3A_366, %dma_wait3A_367] : memref<10000x128xf32, #tpu.memory_space<vmem_shared>> -> memref<10000x128xf32, #tpu.memory_space<vmem_shared>>
        tpu.wait_indirect_dma semaphore(%arg23 : memref<!tpu.dma_semaphore, #tpu.memory_space<semaphore_mem>>) src(%arg10 : memref<64x128xf32, #tpu.memory_space<vmem>>) dst(%dma_wait3A_368 : memref<10000x128xf32, #tpu.memory_space<vmem_shared>>)
        %dma_start3A_369 = arith.constant 0 : i32
        %dma_start3A_370 = tpu.memref_slice %arg7[%add3A_337, %dma_start3A_369] : memref<40x64xi32, #tpu.memory_space<vmem>> -> memref<1x64xi32, #tpu.memory_space<vmem>>
        %dma_start3A_371 = tpu.memref_squeeze %dma_start3A_370 : memref<1x64xi32, #tpu.memory_space<vmem>> -> memref<64xi32, #tpu.memory_space<vmem>>
        %dma_start3A_372 = arith.constant 0 : i32
        %dma_start3A_373 = arith.constant 0 : i32
        %dma_start3A_374 = tpu.memref_slice %arg12[%dma_start3A_372, %dma_start3A_373] : memref<10000x128xf32, #tpu.memory_space<vmem_shared>> -> memref<10000x128xf32, #tpu.memory_space<vmem_shared>>
        tpu.enqueue_indirect_dma source(%arg11 : memref<64x128xf32, #tpu.memory_space<vmem>>) target(%dma_start3A_374 : memref<10000x128xf32, #tpu.memory_space<vmem_shared>>) offsets(%dma_start3A_371 : memref<64xi32, #tpu.memory_space<vmem>>) semaphore(%arg24 : memref<!tpu.dma_semaphore, #tpu.memory_space<semaphore_mem>>) {add = true}
        %lt3A_375 = arith.constant 40 : i32
        %lt3A_376 = arith.cmpi slt, %sub3A_341, %lt3A_375 : i32
        %convert_element_type3A_377 = arith.extui %lt3A_376 : i1 to i32
        %cond3A_378 = arith.constant 0 : i32
        %cond3A_379 = arith.cmpi ne, %convert_element_type3A_377, %cond3A_378 : i32
        scf.if %cond3A_379 {
          %dma_start3A_380 = arith.constant 0 : i32
          %dma_start3A_381 = arith.constant 0 : i32
          %dma_start3A_382 = tpu.memref_slice %arg10[%dma_start3A_380, %dma_start3A_381] : memref<64x128xf32, #tpu.memory_space<vmem>> -> memref<32x128xf32, #tpu.memory_space<vmem>>
          %dma_start3A_383 = arith.constant 0 : i32
          %dma_start3A_384 = tpu.memref_slice %arg6[%sub3A_341, %dma_start3A_383] : memref<40x64xi32, #tpu.memory_space<vmem>> -> memref<1x32xi32, #tpu.memory_space<vmem>>
          %dma_start3A_385 = tpu.memref_squeeze %dma_start3A_384 : memref<1x32xi32, #tpu.memory_space<vmem>> -> memref<32xi32, #tpu.memory_space<vmem>>
          %dma_start3A_386 = arith.constant 0 : i32
          %dma_start3A_387 = arith.constant 0 : i32
          %dma_start3A_388 = tpu.memref_slice %arg2[%dma_start3A_386, %dma_start3A_387] : memref<10000x128xf32, #tpu.memory_space<hbm>> -> memref<10000x128xf32, #tpu.memory_space<hbm>>
          tpu.enqueue_indirect_dma source(%dma_start3A_388 : memref<10000x128xf32, #tpu.memory_space<hbm>>) target(%dma_start3A_382 : memref<32x128xf32, #tpu.memory_space<vmem>>) offsets(%dma_start3A_385 : memref<32xi32, #tpu.memory_space<vmem>>) semaphore(%arg15 : memref<!tpu.dma_semaphore, #tpu.memory_space<semaphore_mem>>)
          %dma_start3A_389 = arith.constant 32 : i32
          %dma_start3A_390 = arith.constant 0 : i32
          %dma_start3A_391 = tpu.memref_slice %arg10[%dma_start3A_389, %dma_start3A_390] : memref<64x128xf32, #tpu.memory_space<vmem>> -> memref<32x128xf32, #tpu.memory_space<vmem>>
          %dma_start3A_392 = arith.constant 32 : i32
          %dma_start3A_393 = tpu.memref_slice %arg6[%sub3A_341, %dma_start3A_392] : memref<40x64xi32, #tpu.memory_space<vmem>> -> memref<1x32xi32, #tpu.memory_space<vmem>>
          %dma_start3A_394 = tpu.memref_squeeze %dma_start3A_393 : memref<1x32xi32, #tpu.memory_space<vmem>> -> memref<32xi32, #tpu.memory_space<vmem>>
          %dma_start3A_395 = arith.constant 0 : i32
          %dma_start3A_396 = arith.constant 0 : i32
          %dma_start3A_397 = tpu.memref_slice %arg2[%dma_start3A_395, %dma_start3A_396] : memref<10000x128xf32, #tpu.memory_space<hbm>> -> memref<10000x128xf32, #tpu.memory_space<hbm>>
          tpu.enqueue_indirect_dma source(%dma_start3A_397 : memref<10000x128xf32, #tpu.memory_space<hbm>>) target(%dma_start3A_391 : memref<32x128xf32, #tpu.memory_space<vmem>>) offsets(%dma_start3A_394 : memref<32xi32, #tpu.memory_space<vmem>>) semaphore(%arg19 : memref<!tpu.dma_semaphore, #tpu.memory_space<semaphore_mem>>)
        } else {
        }
      }
      %scan3A_191 = arith.constant 10 : i32
      %dma_wait3A_192 = arith.constant 0 : i32
      %dma_wait3A_193 = arith.constant 0 : i32
      %dma_wait3A_194 = tpu.memref_slice %arg7[%dma_wait3A_192, %dma_wait3A_193] : memref<40x64xi32, #tpu.memory_space<vmem>> -> memref<1x64xi32, #tpu.memory_space<vmem>>
      %dma_wait3A_195 = tpu.memref_squeeze %dma_wait3A_194 : memref<1x64xi32, #tpu.memory_space<vmem>> -> memref<64xi32, #tpu.memory_space<vmem>>
      %dma_wait3A_196 = arith.constant 0 : i32
      %dma_wait3A_197 = arith.constant 0 : i32
      %dma_wait3A_198 = tpu.memref_slice %arg12[%dma_wait3A_196, %dma_wait3A_197] : memref<10000x128xf32, #tpu.memory_space<vmem_shared>> -> memref<10000x128xf32, #tpu.memory_space<vmem_shared>>
      tpu.wait_indirect_dma semaphore(%arg24 : memref<!tpu.dma_semaphore, #tpu.memory_space<semaphore_mem>>) src(%arg11 : memref<64x128xf32, #tpu.memory_space<vmem>>) dst(%dma_wait3A_198 : memref<10000x128xf32, #tpu.memory_space<vmem_shared>>)
    } else {
    }
    %gt3A_102 = arith.constant 2 : i32
    %gt3A_103 = arith.cmpi sgt, %select_n3A, %gt3A_102 : i32
    %convert_element_type3A_104 = arith.extui %gt3A_103 : i1 to i32
    %cond3A_105 = arith.constant 0 : i32
    %cond3A_106 = arith.cmpi ne, %convert_element_type3A_104, %cond3A_105 : i32
    scf.if %cond3A_106 {
      %add3A_122 = arith.constant 80 : i32
      %add3A_123 = arith.addi %mul3A_19, %add3A_122 : i32
      "tpu.region"() ({
        %run_scoped3A = tpu.sem_alloc : memref<!tpu.dma_semaphore, #tpu.memory_space<semaphore_mem>>
        %dma_start3A_199 = arith.constant 0 : i32
        %dma_start3A_200 = tpu.memref_slice %arg3[%add3A_123, %dma_start3A_199] : memref<5000x64xi32, #tpu.memory_space<hbm>> -> memref<40x64xi32, #tpu.memory_space<hbm>>
        %dma_start3A_201 = arith.constant 0 : i32
        %dma_start3A_202 = tpu.memref_slice %arg3[%add3A_123, %dma_start3A_201] : memref<5000x64xi32, #tpu.memory_space<hbm>> -> memref<40x64xi32, #tpu.memory_space<hbm>>
        tpu.enqueue_dma source(%dma_start3A_202 : memref<40x64xi32, #tpu.memory_space<hbm>>) target(%arg6 : memref<40x64xi32, #tpu.memory_space<vmem>>) target_semaphore(%run_scoped3A : memref<!tpu.dma_semaphore, #tpu.memory_space<semaphore_mem>>)
        %dma_wait3A_203 = arith.constant 0 : i32
        %dma_wait3A_204 = tpu.memref_slice %arg3[%add3A_123, %dma_wait3A_203] : memref<5000x64xi32, #tpu.memory_space<hbm>> -> memref<40x64xi32, #tpu.memory_space<hbm>>
        %dma_wait3A_205 = arith.constant 0 : i32
        %dma_wait3A_206 = tpu.memref_slice %arg3[%add3A_123, %dma_wait3A_205] : memref<5000x64xi32, #tpu.memory_space<hbm>> -> memref<40x64xi32, #tpu.memory_space<hbm>>
        tpu.wait_dma2 semaphore(%run_scoped3A : memref<!tpu.dma_semaphore, #tpu.memory_space<semaphore_mem>>) src(%dma_wait3A_206 : memref<40x64xi32, #tpu.memory_space<hbm>>) dst(%arg6 : memref<40x64xi32, #tpu.memory_space<vmem>>)
        tpu.yield
      }) : () -> ()
      %add3A_124 = arith.constant 80 : i32
      %add3A_125 = arith.addi %mul3A_19, %add3A_124 : i32
      "tpu.region"() ({
        %run_scoped3A = tpu.sem_alloc : memref<!tpu.dma_semaphore, #tpu.memory_space<semaphore_mem>>
        %dma_start3A_199 = arith.constant 0 : i32
        %dma_start3A_200 = tpu.memref_slice %arg4[%add3A_125, %dma_start3A_199] : memref<5000x64xi32, #tpu.memory_space<hbm>> -> memref<40x64xi32, #tpu.memory_space<hbm>>
        %dma_start3A_201 = arith.constant 0 : i32
        %dma_start3A_202 = tpu.memref_slice %arg4[%add3A_125, %dma_start3A_201] : memref<5000x64xi32, #tpu.memory_space<hbm>> -> memref<40x64xi32, #tpu.memory_space<hbm>>
        tpu.enqueue_dma source(%dma_start3A_202 : memref<40x64xi32, #tpu.memory_space<hbm>>) target(%arg7 : memref<40x64xi32, #tpu.memory_space<vmem>>) target_semaphore(%run_scoped3A : memref<!tpu.dma_semaphore, #tpu.memory_space<semaphore_mem>>)
        %dma_wait3A_203 = arith.constant 0 : i32
        %dma_wait3A_204 = tpu.memref_slice %arg4[%add3A_125, %dma_wait3A_203] : memref<5000x64xi32, #tpu.memory_space<hbm>> -> memref<40x64xi32, #tpu.memory_space<hbm>>
        %dma_wait3A_205 = arith.constant 0 : i32
        %dma_wait3A_206 = tpu.memref_slice %arg4[%add3A_125, %dma_wait3A_205] : memref<5000x64xi32, #tpu.memory_space<hbm>> -> memref<40x64xi32, #tpu.memory_space<hbm>>
        tpu.wait_dma2 semaphore(%run_scoped3A : memref<!tpu.dma_semaphore, #tpu.memory_space<semaphore_mem>>) src(%dma_wait3A_206 : memref<40x64xi32, #tpu.memory_space<hbm>>) dst(%arg7 : memref<40x64xi32, #tpu.memory_space<vmem>>)
        tpu.yield
      }) : () -> ()
      %dma_start3A_126 = arith.constant 0 : i32
      %dma_start3A_127 = arith.constant 0 : i32
      %dma_start3A_128 = arith.constant 0 : i32
      %dma_start3A_129 = tpu.memref_slice %arg8[%dma_start3A_127, %dma_start3A_128] : memref<64x128xf32, #tpu.memory_space<vmem>> -> memref<32x128xf32, #tpu.memory_space<vmem>>
      %dma_start3A_130 = arith.constant 0 : i32
      %dma_start3A_131 = tpu.memref_slice %arg6[%dma_start3A_126, %dma_start3A_130] : memref<40x64xi32, #tpu.memory_space<vmem>> -> memref<1x32xi32, #tpu.memory_space<vmem>>
      %dma_start3A_132 = tpu.memref_squeeze %dma_start3A_131 : memref<1x32xi32, #tpu.memory_space<vmem>> -> memref<32xi32, #tpu.memory_space<vmem>>
      %dma_start3A_133 = arith.constant 0 : i32
      %dma_start3A_134 = arith.constant 0 : i32
      %dma_start3A_135 = tpu.memref_slice %arg2[%dma_start3A_133, %dma_start3A_134] : memref<10000x128xf32, #tpu.memory_space<hbm>> -> memref<10000x128xf32, #tpu.memory_space<hbm>>
      tpu.enqueue_indirect_dma source(%dma_start3A_135 : memref<10000x128xf32, #tpu.memory_space<hbm>>) target(%dma_start3A_129 : memref<32x128xf32, #tpu.memory_space<vmem>>) offsets(%dma_start3A_132 : memref<32xi32, #tpu.memory_space<vmem>>) semaphore(%arg13 : memref<!tpu.dma_semaphore, #tpu.memory_space<semaphore_mem>>)
      %dma_start3A_136 = arith.constant 0 : i32
      %dma_start3A_137 = arith.constant 32 : i32
      %dma_start3A_138 = arith.constant 0 : i32
      %dma_start3A_139 = tpu.memref_slice %arg8[%dma_start3A_137, %dma_start3A_138] : memref<64x128xf32, #tpu.memory_space<vmem>> -> memref<32x128xf32, #tpu.memory_space<vmem>>
      %dma_start3A_140 = arith.constant 32 : i32
      %dma_start3A_141 = tpu.memref_slice %arg6[%dma_start3A_136, %dma_start3A_140] : memref<40x64xi32, #tpu.memory_space<vmem>> -> memref<1x32xi32, #tpu.memory_space<vmem>>
      %dma_start3A_142 = tpu.memref_squeeze %dma_start3A_141 : memref<1x32xi32, #tpu.memory_space<vmem>> -> memref<32xi32, #tpu.memory_space<vmem>>
      %dma_start3A_143 = arith.constant 0 : i32
      %dma_start3A_144 = arith.constant 0 : i32
      %dma_start3A_145 = tpu.memref_slice %arg2[%dma_start3A_143, %dma_start3A_144] : memref<10000x128xf32, #tpu.memory_space<hbm>> -> memref<10000x128xf32, #tpu.memory_space<hbm>>
      tpu.enqueue_indirect_dma source(%dma_start3A_145 : memref<10000x128xf32, #tpu.memory_space<hbm>>) target(%dma_start3A_139 : memref<32x128xf32, #tpu.memory_space<vmem>>) offsets(%dma_start3A_142 : memref<32xi32, #tpu.memory_space<vmem>>) semaphore(%arg17 : memref<!tpu.dma_semaphore, #tpu.memory_space<semaphore_mem>>)
      %dma_start3A_146 = arith.constant 1 : i32
      %dma_start3A_147 = arith.constant 0 : i32
      %dma_start3A_148 = arith.constant 0 : i32
      %dma_start3A_149 = tpu.memref_slice %arg9[%dma_start3A_147, %dma_start3A_148] : memref<64x128xf32, #tpu.memory_space<vmem>> -> memref<32x128xf32, #tpu.memory_space<vmem>>
      %dma_start3A_150 = arith.constant 0 : i32
      %dma_start3A_151 = tpu.memref_slice %arg6[%dma_start3A_146, %dma_start3A_150] : memref<40x64xi32, #tpu.memory_space<vmem>> -> memref<1x32xi32, #tpu.memory_space<vmem>>
      %dma_start3A_152 = tpu.memref_squeeze %dma_start3A_151 : memref<1x32xi32, #tpu.memory_space<vmem>> -> memref<32xi32, #tpu.memory_space<vmem>>
      %dma_start3A_153 = arith.constant 0 : i32
      %dma_start3A_154 = arith.constant 0 : i32
      %dma_start3A_155 = tpu.memref_slice %arg2[%dma_start3A_153, %dma_start3A_154] : memref<10000x128xf32, #tpu.memory_space<hbm>> -> memref<10000x128xf32, #tpu.memory_space<hbm>>
      tpu.enqueue_indirect_dma source(%dma_start3A_155 : memref<10000x128xf32, #tpu.memory_space<hbm>>) target(%dma_start3A_149 : memref<32x128xf32, #tpu.memory_space<vmem>>) offsets(%dma_start3A_152 : memref<32xi32, #tpu.memory_space<vmem>>) semaphore(%arg14 : memref<!tpu.dma_semaphore, #tpu.memory_space<semaphore_mem>>)
      %dma_start3A_156 = arith.constant 1 : i32
      %dma_start3A_157 = arith.constant 32 : i32
      %dma_start3A_158 = arith.constant 0 : i32
      %dma_start3A_159 = tpu.memref_slice %arg9[%dma_start3A_157, %dma_start3A_158] : memref<64x128xf32, #tpu.memory_space<vmem>> -> memref<32x128xf32, #tpu.memory_space<vmem>>
      %dma_start3A_160 = arith.constant 32 : i32
      %dma_start3A_161 = tpu.memref_slice %arg6[%dma_start3A_156, %dma_start3A_160] : memref<40x64xi32, #tpu.memory_space<vmem>> -> memref<1x32xi32, #tpu.memory_space<vmem>>
      %dma_start3A_162 = tpu.memref_squeeze %dma_start3A_161 : memref<1x32xi32, #tpu.memory_space<vmem>> -> memref<32xi32, #tpu.memory_space<vmem>>
      %dma_start3A_163 = arith.constant 0 : i32
      %dma_start3A_164 = arith.constant 0 : i32
      %dma_start3A_165 = tpu.memref_slice %arg2[%dma_start3A_163, %dma_start3A_164] : memref<10000x128xf32, #tpu.memory_space<hbm>> -> memref<10000x128xf32, #tpu.memory_space<hbm>>
      tpu.enqueue_indirect_dma source(%dma_start3A_165 : memref<10000x128xf32, #tpu.memory_space<hbm>>) target(%dma_start3A_159 : memref<32x128xf32, #tpu.memory_space<vmem>>) offsets(%dma_start3A_162 : memref<32xi32, #tpu.memory_space<vmem>>) semaphore(%arg18 : memref<!tpu.dma_semaphore, #tpu.memory_space<semaphore_mem>>)
      %dma_start3A_166 = arith.constant 2 : i32
      %dma_start3A_167 = arith.constant 0 : i32
      %dma_start3A_168 = arith.constant 0 : i32
      %dma_start3A_169 = tpu.memref_slice %arg10[%dma_start3A_167, %dma_start3A_168] : memref<64x128xf32, #tpu.memory_space<vmem>> -> memref<32x128xf32, #tpu.memory_space<vmem>>
      %dma_start3A_170 = arith.constant 0 : i32
      %dma_start3A_171 = tpu.memref_slice %arg6[%dma_start3A_166, %dma_start3A_170] : memref<40x64xi32, #tpu.memory_space<vmem>> -> memref<1x32xi32, #tpu.memory_space<vmem>>
      %dma_start3A_172 = tpu.memref_squeeze %dma_start3A_171 : memref<1x32xi32, #tpu.memory_space<vmem>> -> memref<32xi32, #tpu.memory_space<vmem>>
      %dma_start3A_173 = arith.constant 0 : i32
      %dma_start3A_174 = arith.constant 0 : i32
      %dma_start3A_175 = tpu.memref_slice %arg2[%dma_start3A_173, %dma_start3A_174] : memref<10000x128xf32, #tpu.memory_space<hbm>> -> memref<10000x128xf32, #tpu.memory_space<hbm>>
      tpu.enqueue_indirect_dma source(%dma_start3A_175 : memref<10000x128xf32, #tpu.memory_space<hbm>>) target(%dma_start3A_169 : memref<32x128xf32, #tpu.memory_space<vmem>>) offsets(%dma_start3A_172 : memref<32xi32, #tpu.memory_space<vmem>>) semaphore(%arg15 : memref<!tpu.dma_semaphore, #tpu.memory_space<semaphore_mem>>)
      %dma_start3A_176 = arith.constant 2 : i32
      %dma_start3A_177 = arith.constant 32 : i32
      %dma_start3A_178 = arith.constant 0 : i32
      %dma_start3A_179 = tpu.memref_slice %arg10[%dma_start3A_177, %dma_start3A_178] : memref<64x128xf32, #tpu.memory_space<vmem>> -> memref<32x128xf32, #tpu.memory_space<vmem>>
      %dma_start3A_180 = arith.constant 32 : i32
      %dma_start3A_181 = tpu.memref_slice %arg6[%dma_start3A_176, %dma_start3A_180] : memref<40x64xi32, #tpu.memory_space<vmem>> -> memref<1x32xi32, #tpu.memory_space<vmem>>
      %dma_start3A_182 = tpu.memref_squeeze %dma_start3A_181 : memref<1x32xi32, #tpu.memory_space<vmem>> -> memref<32xi32, #tpu.memory_space<vmem>>
      %dma_start3A_183 = arith.constant 0 : i32
      %dma_start3A_184 = arith.constant 0 : i32
      %dma_start3A_185 = tpu.memref_slice %arg2[%dma_start3A_183, %dma_start3A_184] : memref<10000x128xf32, #tpu.memory_space<hbm>> -> memref<10000x128xf32, #tpu.memory_space<hbm>>
      tpu.enqueue_indirect_dma source(%dma_start3A_185 : memref<10000x128xf32, #tpu.memory_space<hbm>>) target(%dma_start3A_179 : memref<32x128xf32, #tpu.memory_space<vmem>>) offsets(%dma_start3A_182 : memref<32xi32, #tpu.memory_space<vmem>>) semaphore(%arg19 : memref<!tpu.dma_semaphore, #tpu.memory_space<semaphore_mem>>)
      %scan3A_186 = arith.constant 0 : i32
      %scan3A_187 = arith.constant 0 : i32
      %scan3A_188 = arith.constant 10 : i32
      %scan3A_189 = arith.addi %scan3A_187, %scan3A_188 : i32
      %scan3A_190 = arith.constant 1 : i32
      scf.for %scan3A_199 = %scan3A_187 to %scan3A_189 step %scan3A_190  : i32 {
        %mul3A_200 = arith.constant 4 : i32
        %mul3A_201 = arith.muli %mul3A_200, %scan3A_199 : i32
        %add3A_202 = arith.constant 0 : i32
        %add3A_203 = arith.addi %mul3A_201, %add3A_202 : i32
        %add3A_204 = arith.constant 4 : i32
        %add3A_205 = arith.addi %add3A_203, %add3A_204 : i32
        %sub3A = arith.constant 1 : i32
        %sub3A_206 = arith.subi %add3A_205, %sub3A : i32
        %dma_wait3A_207 = arith.constant 0 : i32
        %dma_wait3A_208 = arith.constant 0 : i32
        %dma_wait3A_209 = arith.constant 0 : i32
        %dma_wait3A_210 = tpu.memref_slice %arg8[%dma_wait3A_208, %dma_wait3A_209] : memref<64x128xf32, #tpu.memory_space<vmem>> -> memref<32x128xf32, #tpu.memory_space<vmem>>
        %dma_wait3A_211 = arith.constant 0 : i32
        %dma_wait3A_212 = tpu.memref_slice %arg6[%dma_wait3A_207, %dma_wait3A_211] : memref<40x64xi32, #tpu.memory_space<vmem>> -> memref<1x32xi32, #tpu.memory_space<vmem>>
        %dma_wait3A_213 = tpu.memref_squeeze %dma_wait3A_212 : memref<1x32xi32, #tpu.memory_space<vmem>> -> memref<32xi32, #tpu.memory_space<vmem>>
        %dma_wait3A_214 = arith.constant 0 : i32
        %dma_wait3A_215 = arith.constant 0 : i32
        %dma_wait3A_216 = tpu.memref_slice %arg2[%dma_wait3A_214, %dma_wait3A_215] : memref<10000x128xf32, #tpu.memory_space<hbm>> -> memref<10000x128xf32, #tpu.memory_space<hbm>>
        tpu.wait_indirect_dma semaphore(%arg13 : memref<!tpu.dma_semaphore, #tpu.memory_space<semaphore_mem>>) src(%dma_wait3A_216 : memref<10000x128xf32, #tpu.memory_space<hbm>>) dst(%dma_wait3A_210 : memref<32x128xf32, #tpu.memory_space<vmem>>)
        %dma_wait3A_217 = arith.constant 0 : i32
        %dma_wait3A_218 = arith.constant 32 : i32
        %dma_wait3A_219 = arith.constant 0 : i32
        %dma_wait3A_220 = tpu.memref_slice %arg8[%dma_wait3A_218, %dma_wait3A_219] : memref<64x128xf32, #tpu.memory_space<vmem>> -> memref<32x128xf32, #tpu.memory_space<vmem>>
        %dma_wait3A_221 = arith.constant 0 : i32
        %dma_wait3A_222 = tpu.memref_slice %arg6[%dma_wait3A_217, %dma_wait3A_221] : memref<40x64xi32, #tpu.memory_space<vmem>> -> memref<1x32xi32, #tpu.memory_space<vmem>>
        %dma_wait3A_223 = tpu.memref_squeeze %dma_wait3A_222 : memref<1x32xi32, #tpu.memory_space<vmem>> -> memref<32xi32, #tpu.memory_space<vmem>>
        %dma_wait3A_224 = arith.constant 0 : i32
        %dma_wait3A_225 = arith.constant 0 : i32
        %dma_wait3A_226 = tpu.memref_slice %arg2[%dma_wait3A_224, %dma_wait3A_225] : memref<10000x128xf32, #tpu.memory_space<hbm>> -> memref<10000x128xf32, #tpu.memory_space<hbm>>
        tpu.wait_indirect_dma semaphore(%arg17 : memref<!tpu.dma_semaphore, #tpu.memory_space<semaphore_mem>>) src(%dma_wait3A_226 : memref<10000x128xf32, #tpu.memory_space<hbm>>) dst(%dma_wait3A_220 : memref<32x128xf32, #tpu.memory_space<vmem>>)
        %gt3A_227 = arith.constant 0 : i32
        %gt3A_228 = arith.cmpi sgt, %scan3A_199, %gt3A_227 : i32
        %convert_element_type3A_229 = arith.extui %gt3A_228 : i1 to i32
        %cond3A_230 = arith.constant 0 : i32
        %cond3A_231 = arith.cmpi ne, %convert_element_type3A_229, %cond3A_230 : i32
        scf.if %cond3A_231 {
          %dma_wait3A_380 = arith.constant 0 : i32
          %dma_wait3A_381 = arith.constant 0 : i32
          %dma_wait3A_382 = tpu.memref_slice %arg7[%dma_wait3A_380, %dma_wait3A_381] : memref<40x64xi32, #tpu.memory_space<vmem>> -> memref<1x64xi32, #tpu.memory_space<vmem>>
          %dma_wait3A_383 = tpu.memref_squeeze %dma_wait3A_382 : memref<1x64xi32, #tpu.memory_space<vmem>> -> memref<64xi32, #tpu.memory_space<vmem>>
          %dma_wait3A_384 = arith.constant 0 : i32
          %dma_wait3A_385 = arith.constant 0 : i32
          %dma_wait3A_386 = tpu.memref_slice %arg12[%dma_wait3A_384, %dma_wait3A_385] : memref<10000x128xf32, #tpu.memory_space<vmem_shared>> -> memref<10000x128xf32, #tpu.memory_space<vmem_shared>>
          tpu.wait_indirect_dma semaphore(%arg24 : memref<!tpu.dma_semaphore, #tpu.memory_space<semaphore_mem>>) src(%arg11 : memref<64x128xf32, #tpu.memory_space<vmem>>) dst(%dma_wait3A_386 : memref<10000x128xf32, #tpu.memory_space<vmem_shared>>)
        } else {
        }
        %dma_start3A_232 = arith.constant 0 : i32
        %dma_start3A_233 = tpu.memref_slice %arg7[%add3A_203, %dma_start3A_232] : memref<40x64xi32, #tpu.memory_space<vmem>> -> memref<1x64xi32, #tpu.memory_space<vmem>>
        %dma_start3A_234 = tpu.memref_squeeze %dma_start3A_233 : memref<1x64xi32, #tpu.memory_space<vmem>> -> memref<64xi32, #tpu.memory_space<vmem>>
        %dma_start3A_235 = arith.constant 0 : i32
        %dma_start3A_236 = arith.constant 0 : i32
        %dma_start3A_237 = tpu.memref_slice %arg12[%dma_start3A_235, %dma_start3A_236] : memref<10000x128xf32, #tpu.memory_space<vmem_shared>> -> memref<10000x128xf32, #tpu.memory_space<vmem_shared>>
        tpu.enqueue_indirect_dma source(%arg8 : memref<64x128xf32, #tpu.memory_space<vmem>>) target(%dma_start3A_237 : memref<10000x128xf32, #tpu.memory_space<vmem_shared>>) offsets(%dma_start3A_234 : memref<64xi32, #tpu.memory_space<vmem>>) semaphore(%arg21 : memref<!tpu.dma_semaphore, #tpu.memory_space<semaphore_mem>>) {add = true}
        %lt3A = arith.constant 40 : i32
        %lt3A_238 = arith.cmpi slt, %sub3A_206, %lt3A : i32
        %convert_element_type3A_239 = arith.extui %lt3A_238 : i1 to i32
        %cond3A_240 = arith.constant 0 : i32
        %cond3A_241 = arith.cmpi ne, %convert_element_type3A_239, %cond3A_240 : i32
        scf.if %cond3A_241 {
          %dma_start3A_380 = arith.constant 0 : i32
          %dma_start3A_381 = arith.constant 0 : i32
          %dma_start3A_382 = tpu.memref_slice %arg11[%dma_start3A_380, %dma_start3A_381] : memref<64x128xf32, #tpu.memory_space<vmem>> -> memref<32x128xf32, #tpu.memory_space<vmem>>
          %dma_start3A_383 = arith.constant 0 : i32
          %dma_start3A_384 = tpu.memref_slice %arg6[%sub3A_206, %dma_start3A_383] : memref<40x64xi32, #tpu.memory_space<vmem>> -> memref<1x32xi32, #tpu.memory_space<vmem>>
          %dma_start3A_385 = tpu.memref_squeeze %dma_start3A_384 : memref<1x32xi32, #tpu.memory_space<vmem>> -> memref<32xi32, #tpu.memory_space<vmem>>
          %dma_start3A_386 = arith.constant 0 : i32
          %dma_start3A_387 = arith.constant 0 : i32
          %dma_start3A_388 = tpu.memref_slice %arg2[%dma_start3A_386, %dma_start3A_387] : memref<10000x128xf32, #tpu.memory_space<hbm>> -> memref<10000x128xf32, #tpu.memory_space<hbm>>
          tpu.enqueue_indirect_dma source(%dma_start3A_388 : memref<10000x128xf32, #tpu.memory_space<hbm>>) target(%dma_start3A_382 : memref<32x128xf32, #tpu.memory_space<vmem>>) offsets(%dma_start3A_385 : memref<32xi32, #tpu.memory_space<vmem>>) semaphore(%arg16 : memref<!tpu.dma_semaphore, #tpu.memory_space<semaphore_mem>>)
          %dma_start3A_389 = arith.constant 32 : i32
          %dma_start3A_390 = arith.constant 0 : i32
          %dma_start3A_391 = tpu.memref_slice %arg11[%dma_start3A_389, %dma_start3A_390] : memref<64x128xf32, #tpu.memory_space<vmem>> -> memref<32x128xf32, #tpu.memory_space<vmem>>
          %dma_start3A_392 = arith.constant 32 : i32
          %dma_start3A_393 = tpu.memref_slice %arg6[%sub3A_206, %dma_start3A_392] : memref<40x64xi32, #tpu.memory_space<vmem>> -> memref<1x32xi32, #tpu.memory_space<vmem>>
          %dma_start3A_394 = tpu.memref_squeeze %dma_start3A_393 : memref<1x32xi32, #tpu.memory_space<vmem>> -> memref<32xi32, #tpu.memory_space<vmem>>
          %dma_start3A_395 = arith.constant 0 : i32
          %dma_start3A_396 = arith.constant 0 : i32
          %dma_start3A_397 = tpu.memref_slice %arg2[%dma_start3A_395, %dma_start3A_396] : memref<10000x128xf32, #tpu.memory_space<hbm>> -> memref<10000x128xf32, #tpu.memory_space<hbm>>
          tpu.enqueue_indirect_dma source(%dma_start3A_397 : memref<10000x128xf32, #tpu.memory_space<hbm>>) target(%dma_start3A_391 : memref<32x128xf32, #tpu.memory_space<vmem>>) offsets(%dma_start3A_394 : memref<32xi32, #tpu.memory_space<vmem>>) semaphore(%arg20 : memref<!tpu.dma_semaphore, #tpu.memory_space<semaphore_mem>>)
        } else {
        }
        %mul3A_242 = arith.constant 4 : i32
        %mul3A_243 = arith.muli %mul3A_242, %scan3A_199 : i32
        %add3A_244 = arith.constant 1 : i32
        %add3A_245 = arith.addi %mul3A_243, %add3A_244 : i32
        %add3A_246 = arith.constant 4 : i32
        %add3A_247 = arith.addi %add3A_245, %add3A_246 : i32
        %sub3A_248 = arith.constant 1 : i32
        %sub3A_249 = arith.subi %add3A_247, %sub3A_248 : i32
        %dma_wait3A_250 = arith.constant 0 : i32
        %dma_wait3A_251 = arith.constant 0 : i32
        %dma_wait3A_252 = arith.constant 0 : i32
        %dma_wait3A_253 = tpu.memref_slice %arg9[%dma_wait3A_251, %dma_wait3A_252] : memref<64x128xf32, #tpu.memory_space<vmem>> -> memref<32x128xf32, #tpu.memory_space<vmem>>
        %dma_wait3A_254 = arith.constant 0 : i32
        %dma_wait3A_255 = tpu.memref_slice %arg6[%dma_wait3A_250, %dma_wait3A_254] : memref<40x64xi32, #tpu.memory_space<vmem>> -> memref<1x32xi32, #tpu.memory_space<vmem>>
        %dma_wait3A_256 = tpu.memref_squeeze %dma_wait3A_255 : memref<1x32xi32, #tpu.memory_space<vmem>> -> memref<32xi32, #tpu.memory_space<vmem>>
        %dma_wait3A_257 = arith.constant 0 : i32
        %dma_wait3A_258 = arith.constant 0 : i32
        %dma_wait3A_259 = tpu.memref_slice %arg2[%dma_wait3A_257, %dma_wait3A_258] : memref<10000x128xf32, #tpu.memory_space<hbm>> -> memref<10000x128xf32, #tpu.memory_space<hbm>>
        tpu.wait_indirect_dma semaphore(%arg14 : memref<!tpu.dma_semaphore, #tpu.memory_space<semaphore_mem>>) src(%dma_wait3A_259 : memref<10000x128xf32, #tpu.memory_space<hbm>>) dst(%dma_wait3A_253 : memref<32x128xf32, #tpu.memory_space<vmem>>)
        %dma_wait3A_260 = arith.constant 0 : i32
        %dma_wait3A_261 = arith.constant 32 : i32
        %dma_wait3A_262 = arith.constant 0 : i32
        %dma_wait3A_263 = tpu.memref_slice %arg9[%dma_wait3A_261, %dma_wait3A_262] : memref<64x128xf32, #tpu.memory_space<vmem>> -> memref<32x128xf32, #tpu.memory_space<vmem>>
        %dma_wait3A_264 = arith.constant 0 : i32
        %dma_wait3A_265 = tpu.memref_slice %arg6[%dma_wait3A_260, %dma_wait3A_264] : memref<40x64xi32, #tpu.memory_space<vmem>> -> memref<1x32xi32, #tpu.memory_space<vmem>>
        %dma_wait3A_266 = tpu.memref_squeeze %dma_wait3A_265 : memref<1x32xi32, #tpu.memory_space<vmem>> -> memref<32xi32, #tpu.memory_space<vmem>>
        %dma_wait3A_267 = arith.constant 0 : i32
        %dma_wait3A_268 = arith.constant 0 : i32
        %dma_wait3A_269 = tpu.memref_slice %arg2[%dma_wait3A_267, %dma_wait3A_268] : memref<10000x128xf32, #tpu.memory_space<hbm>> -> memref<10000x128xf32, #tpu.memory_space<hbm>>
        tpu.wait_indirect_dma semaphore(%arg18 : memref<!tpu.dma_semaphore, #tpu.memory_space<semaphore_mem>>) src(%dma_wait3A_269 : memref<10000x128xf32, #tpu.memory_space<hbm>>) dst(%dma_wait3A_263 : memref<32x128xf32, #tpu.memory_space<vmem>>)
        %dma_wait3A_270 = arith.constant 0 : i32
        %dma_wait3A_271 = arith.constant 0 : i32
        %dma_wait3A_272 = tpu.memref_slice %arg7[%dma_wait3A_270, %dma_wait3A_271] : memref<40x64xi32, #tpu.memory_space<vmem>> -> memref<1x64xi32, #tpu.memory_space<vmem>>
        %dma_wait3A_273 = tpu.memref_squeeze %dma_wait3A_272 : memref<1x64xi32, #tpu.memory_space<vmem>> -> memref<64xi32, #tpu.memory_space<vmem>>
        %dma_wait3A_274 = arith.constant 0 : i32
        %dma_wait3A_275 = arith.constant 0 : i32
        %dma_wait3A_276 = tpu.memref_slice %arg12[%dma_wait3A_274, %dma_wait3A_275] : memref<10000x128xf32, #tpu.memory_space<vmem_shared>> -> memref<10000x128xf32, #tpu.memory_space<vmem_shared>>
        tpu.wait_indirect_dma semaphore(%arg21 : memref<!tpu.dma_semaphore, #tpu.memory_space<semaphore_mem>>) src(%arg8 : memref<64x128xf32, #tpu.memory_space<vmem>>) dst(%dma_wait3A_276 : memref<10000x128xf32, #tpu.memory_space<vmem_shared>>)
        %dma_start3A_277 = arith.constant 0 : i32
        %dma_start3A_278 = tpu.memref_slice %arg7[%add3A_245, %dma_start3A_277] : memref<40x64xi32, #tpu.memory_space<vmem>> -> memref<1x64xi32, #tpu.memory_space<vmem>>
        %dma_start3A_279 = tpu.memref_squeeze %dma_start3A_278 : memref<1x64xi32, #tpu.memory_space<vmem>> -> memref<64xi32, #tpu.memory_space<vmem>>
        %dma_start3A_280 = arith.constant 0 : i32
        %dma_start3A_281 = arith.constant 0 : i32
        %dma_start3A_282 = tpu.memref_slice %arg12[%dma_start3A_280, %dma_start3A_281] : memref<10000x128xf32, #tpu.memory_space<vmem_shared>> -> memref<10000x128xf32, #tpu.memory_space<vmem_shared>>
        tpu.enqueue_indirect_dma source(%arg9 : memref<64x128xf32, #tpu.memory_space<vmem>>) target(%dma_start3A_282 : memref<10000x128xf32, #tpu.memory_space<vmem_shared>>) offsets(%dma_start3A_279 : memref<64xi32, #tpu.memory_space<vmem>>) semaphore(%arg22 : memref<!tpu.dma_semaphore, #tpu.memory_space<semaphore_mem>>) {add = true}
        %lt3A_283 = arith.constant 40 : i32
        %lt3A_284 = arith.cmpi slt, %sub3A_249, %lt3A_283 : i32
        %convert_element_type3A_285 = arith.extui %lt3A_284 : i1 to i32
        %cond3A_286 = arith.constant 0 : i32
        %cond3A_287 = arith.cmpi ne, %convert_element_type3A_285, %cond3A_286 : i32
        scf.if %cond3A_287 {
          %dma_start3A_380 = arith.constant 0 : i32
          %dma_start3A_381 = arith.constant 0 : i32
          %dma_start3A_382 = tpu.memref_slice %arg8[%dma_start3A_380, %dma_start3A_381] : memref<64x128xf32, #tpu.memory_space<vmem>> -> memref<32x128xf32, #tpu.memory_space<vmem>>
          %dma_start3A_383 = arith.constant 0 : i32
          %dma_start3A_384 = tpu.memref_slice %arg6[%sub3A_249, %dma_start3A_383] : memref<40x64xi32, #tpu.memory_space<vmem>> -> memref<1x32xi32, #tpu.memory_space<vmem>>
          %dma_start3A_385 = tpu.memref_squeeze %dma_start3A_384 : memref<1x32xi32, #tpu.memory_space<vmem>> -> memref<32xi32, #tpu.memory_space<vmem>>
          %dma_start3A_386 = arith.constant 0 : i32
          %dma_start3A_387 = arith.constant 0 : i32
          %dma_start3A_388 = tpu.memref_slice %arg2[%dma_start3A_386, %dma_start3A_387] : memref<10000x128xf32, #tpu.memory_space<hbm>> -> memref<10000x128xf32, #tpu.memory_space<hbm>>
          tpu.enqueue_indirect_dma source(%dma_start3A_388 : memref<10000x128xf32, #tpu.memory_space<hbm>>) target(%dma_start3A_382 : memref<32x128xf32, #tpu.memory_space<vmem>>) offsets(%dma_start3A_385 : memref<32xi32, #tpu.memory_space<vmem>>) semaphore(%arg13 : memref<!tpu.dma_semaphore, #tpu.memory_space<semaphore_mem>>)
          %dma_start3A_389 = arith.constant 32 : i32
          %dma_start3A_390 = arith.constant 0 : i32
          %dma_start3A_391 = tpu.memref_slice %arg8[%dma_start3A_389, %dma_start3A_390] : memref<64x128xf32, #tpu.memory_space<vmem>> -> memref<32x128xf32, #tpu.memory_space<vmem>>
          %dma_start3A_392 = arith.constant 32 : i32
          %dma_start3A_393 = tpu.memref_slice %arg6[%sub3A_249, %dma_start3A_392] : memref<40x64xi32, #tpu.memory_space<vmem>> -> memref<1x32xi32, #tpu.memory_space<vmem>>
          %dma_start3A_394 = tpu.memref_squeeze %dma_start3A_393 : memref<1x32xi32, #tpu.memory_space<vmem>> -> memref<32xi32, #tpu.memory_space<vmem>>
          %dma_start3A_395 = arith.constant 0 : i32
          %dma_start3A_396 = arith.constant 0 : i32
          %dma_start3A_397 = tpu.memref_slice %arg2[%dma_start3A_395, %dma_start3A_396] : memref<10000x128xf32, #tpu.memory_space<hbm>> -> memref<10000x128xf32, #tpu.memory_space<hbm>>
          tpu.enqueue_indirect_dma source(%dma_start3A_397 : memref<10000x128xf32, #tpu.memory_space<hbm>>) target(%dma_start3A_391 : memref<32x128xf32, #tpu.memory_space<vmem>>) offsets(%dma_start3A_394 : memref<32xi32, #tpu.memory_space<vmem>>) semaphore(%arg17 : memref<!tpu.dma_semaphore, #tpu.memory_space<semaphore_mem>>)
        } else {
        }
        %mul3A_288 = arith.constant 4 : i32
        %mul3A_289 = arith.muli %mul3A_288, %scan3A_199 : i32
        %add3A_290 = arith.constant 2 : i32
        %add3A_291 = arith.addi %mul3A_289, %add3A_290 : i32
        %add3A_292 = arith.constant 4 : i32
        %add3A_293 = arith.addi %add3A_291, %add3A_292 : i32
        %sub3A_294 = arith.constant 1 : i32
        %sub3A_295 = arith.subi %add3A_293, %sub3A_294 : i32
        %dma_wait3A_296 = arith.constant 0 : i32
        %dma_wait3A_297 = arith.constant 0 : i32
        %dma_wait3A_298 = arith.constant 0 : i32
        %dma_wait3A_299 = tpu.memref_slice %arg10[%dma_wait3A_297, %dma_wait3A_298] : memref<64x128xf32, #tpu.memory_space<vmem>> -> memref<32x128xf32, #tpu.memory_space<vmem>>
        %dma_wait3A_300 = arith.constant 0 : i32
        %dma_wait3A_301 = tpu.memref_slice %arg6[%dma_wait3A_296, %dma_wait3A_300] : memref<40x64xi32, #tpu.memory_space<vmem>> -> memref<1x32xi32, #tpu.memory_space<vmem>>
        %dma_wait3A_302 = tpu.memref_squeeze %dma_wait3A_301 : memref<1x32xi32, #tpu.memory_space<vmem>> -> memref<32xi32, #tpu.memory_space<vmem>>
        %dma_wait3A_303 = arith.constant 0 : i32
        %dma_wait3A_304 = arith.constant 0 : i32
        %dma_wait3A_305 = tpu.memref_slice %arg2[%dma_wait3A_303, %dma_wait3A_304] : memref<10000x128xf32, #tpu.memory_space<hbm>> -> memref<10000x128xf32, #tpu.memory_space<hbm>>
        tpu.wait_indirect_dma semaphore(%arg15 : memref<!tpu.dma_semaphore, #tpu.memory_space<semaphore_mem>>) src(%dma_wait3A_305 : memref<10000x128xf32, #tpu.memory_space<hbm>>) dst(%dma_wait3A_299 : memref<32x128xf32, #tpu.memory_space<vmem>>)
        %dma_wait3A_306 = arith.constant 0 : i32
        %dma_wait3A_307 = arith.constant 32 : i32
        %dma_wait3A_308 = arith.constant 0 : i32
        %dma_wait3A_309 = tpu.memref_slice %arg10[%dma_wait3A_307, %dma_wait3A_308] : memref<64x128xf32, #tpu.memory_space<vmem>> -> memref<32x128xf32, #tpu.memory_space<vmem>>
        %dma_wait3A_310 = arith.constant 0 : i32
        %dma_wait3A_311 = tpu.memref_slice %arg6[%dma_wait3A_306, %dma_wait3A_310] : memref<40x64xi32, #tpu.memory_space<vmem>> -> memref<1x32xi32, #tpu.memory_space<vmem>>
        %dma_wait3A_312 = tpu.memref_squeeze %dma_wait3A_311 : memref<1x32xi32, #tpu.memory_space<vmem>> -> memref<32xi32, #tpu.memory_space<vmem>>
        %dma_wait3A_313 = arith.constant 0 : i32
        %dma_wait3A_314 = arith.constant 0 : i32
        %dma_wait3A_315 = tpu.memref_slice %arg2[%dma_wait3A_313, %dma_wait3A_314] : memref<10000x128xf32, #tpu.memory_space<hbm>> -> memref<10000x128xf32, #tpu.memory_space<hbm>>
        tpu.wait_indirect_dma semaphore(%arg19 : memref<!tpu.dma_semaphore, #tpu.memory_space<semaphore_mem>>) src(%dma_wait3A_315 : memref<10000x128xf32, #tpu.memory_space<hbm>>) dst(%dma_wait3A_309 : memref<32x128xf32, #tpu.memory_space<vmem>>)
        %dma_wait3A_316 = arith.constant 0 : i32
        %dma_wait3A_317 = arith.constant 0 : i32
        %dma_wait3A_318 = tpu.memref_slice %arg7[%dma_wait3A_316, %dma_wait3A_317] : memref<40x64xi32, #tpu.memory_space<vmem>> -> memref<1x64xi32, #tpu.memory_space<vmem>>
        %dma_wait3A_319 = tpu.memref_squeeze %dma_wait3A_318 : memref<1x64xi32, #tpu.memory_space<vmem>> -> memref<64xi32, #tpu.memory_space<vmem>>
        %dma_wait3A_320 = arith.constant 0 : i32
        %dma_wait3A_321 = arith.constant 0 : i32
        %dma_wait3A_322 = tpu.memref_slice %arg12[%dma_wait3A_320, %dma_wait3A_321] : memref<10000x128xf32, #tpu.memory_space<vmem_shared>> -> memref<10000x128xf32, #tpu.memory_space<vmem_shared>>
        tpu.wait_indirect_dma semaphore(%arg22 : memref<!tpu.dma_semaphore, #tpu.memory_space<semaphore_mem>>) src(%arg9 : memref<64x128xf32, #tpu.memory_space<vmem>>) dst(%dma_wait3A_322 : memref<10000x128xf32, #tpu.memory_space<vmem_shared>>)
        %dma_start3A_323 = arith.constant 0 : i32
        %dma_start3A_324 = tpu.memref_slice %arg7[%add3A_291, %dma_start3A_323] : memref<40x64xi32, #tpu.memory_space<vmem>> -> memref<1x64xi32, #tpu.memory_space<vmem>>
        %dma_start3A_325 = tpu.memref_squeeze %dma_start3A_324 : memref<1x64xi32, #tpu.memory_space<vmem>> -> memref<64xi32, #tpu.memory_space<vmem>>
        %dma_start3A_326 = arith.constant 0 : i32
        %dma_start3A_327 = arith.constant 0 : i32
        %dma_start3A_328 = tpu.memref_slice %arg12[%dma_start3A_326, %dma_start3A_327] : memref<10000x128xf32, #tpu.memory_space<vmem_shared>> -> memref<10000x128xf32, #tpu.memory_space<vmem_shared>>
        tpu.enqueue_indirect_dma source(%arg10 : memref<64x128xf32, #tpu.memory_space<vmem>>) target(%dma_start3A_328 : memref<10000x128xf32, #tpu.memory_space<vmem_shared>>) offsets(%dma_start3A_325 : memref<64xi32, #tpu.memory_space<vmem>>) semaphore(%arg23 : memref<!tpu.dma_semaphore, #tpu.memory_space<semaphore_mem>>) {add = true}
        %lt3A_329 = arith.constant 40 : i32
        %lt3A_330 = arith.cmpi slt, %sub3A_295, %lt3A_329 : i32
        %convert_element_type3A_331 = arith.extui %lt3A_330 : i1 to i32
        %cond3A_332 = arith.constant 0 : i32
        %cond3A_333 = arith.cmpi ne, %convert_element_type3A_331, %cond3A_332 : i32
        scf.if %cond3A_333 {
          %dma_start3A_380 = arith.constant 0 : i32
          %dma_start3A_381 = arith.constant 0 : i32
          %dma_start3A_382 = tpu.memref_slice %arg9[%dma_start3A_380, %dma_start3A_381] : memref<64x128xf32, #tpu.memory_space<vmem>> -> memref<32x128xf32, #tpu.memory_space<vmem>>
          %dma_start3A_383 = arith.constant 0 : i32
          %dma_start3A_384 = tpu.memref_slice %arg6[%sub3A_295, %dma_start3A_383] : memref<40x64xi32, #tpu.memory_space<vmem>> -> memref<1x32xi32, #tpu.memory_space<vmem>>
          %dma_start3A_385 = tpu.memref_squeeze %dma_start3A_384 : memref<1x32xi32, #tpu.memory_space<vmem>> -> memref<32xi32, #tpu.memory_space<vmem>>
          %dma_start3A_386 = arith.constant 0 : i32
          %dma_start3A_387 = arith.constant 0 : i32
          %dma_start3A_388 = tpu.memref_slice %arg2[%dma_start3A_386, %dma_start3A_387] : memref<10000x128xf32, #tpu.memory_space<hbm>> -> memref<10000x128xf32, #tpu.memory_space<hbm>>
          tpu.enqueue_indirect_dma source(%dma_start3A_388 : memref<10000x128xf32, #tpu.memory_space<hbm>>) target(%dma_start3A_382 : memref<32x128xf32, #tpu.memory_space<vmem>>) offsets(%dma_start3A_385 : memref<32xi32, #tpu.memory_space<vmem>>) semaphore(%arg14 : memref<!tpu.dma_semaphore, #tpu.memory_space<semaphore_mem>>)
          %dma_start3A_389 = arith.constant 32 : i32
          %dma_start3A_390 = arith.constant 0 : i32
          %dma_start3A_391 = tpu.memref_slice %arg9[%dma_start3A_389, %dma_start3A_390] : memref<64x128xf32, #tpu.memory_space<vmem>> -> memref<32x128xf32, #tpu.memory_space<vmem>>
          %dma_start3A_392 = arith.constant 32 : i32
          %dma_start3A_393 = tpu.memref_slice %arg6[%sub3A_295, %dma_start3A_392] : memref<40x64xi32, #tpu.memory_space<vmem>> -> memref<1x32xi32, #tpu.memory_space<vmem>>
          %dma_start3A_394 = tpu.memref_squeeze %dma_start3A_393 : memref<1x32xi32, #tpu.memory_space<vmem>> -> memref<32xi32, #tpu.memory_space<vmem>>
          %dma_start3A_395 = arith.constant 0 : i32
          %dma_start3A_396 = arith.constant 0 : i32
          %dma_start3A_397 = tpu.memref_slice %arg2[%dma_start3A_395, %dma_start3A_396] : memref<10000x128xf32, #tpu.memory_space<hbm>> -> memref<10000x128xf32, #tpu.memory_space<hbm>>
          tpu.enqueue_indirect_dma source(%dma_start3A_397 : memref<10000x128xf32, #tpu.memory_space<hbm>>) target(%dma_start3A_391 : memref<32x128xf32, #tpu.memory_space<vmem>>) offsets(%dma_start3A_394 : memref<32xi32, #tpu.memory_space<vmem>>) semaphore(%arg18 : memref<!tpu.dma_semaphore, #tpu.memory_space<semaphore_mem>>)
        } else {
        }
        %mul3A_334 = arith.constant 4 : i32
        %mul3A_335 = arith.muli %mul3A_334, %scan3A_199 : i32
        %add3A_336 = arith.constant 3 : i32
        %add3A_337 = arith.addi %mul3A_335, %add3A_336 : i32
        %add3A_338 = arith.constant 4 : i32
        %add3A_339 = arith.addi %add3A_337, %add3A_338 : i32
        %sub3A_340 = arith.constant 1 : i32
        %sub3A_341 = arith.subi %add3A_339, %sub3A_340 : i32
        %dma_wait3A_342 = arith.constant 0 : i32
        %dma_wait3A_343 = arith.constant 0 : i32
        %dma_wait3A_344 = arith.constant 0 : i32
        %dma_wait3A_345 = tpu.memref_slice %arg11[%dma_wait3A_343, %dma_wait3A_344] : memref<64x128xf32, #tpu.memory_space<vmem>> -> memref<32x128xf32, #tpu.memory_space<vmem>>
        %dma_wait3A_346 = arith.constant 0 : i32
        %dma_wait3A_347 = tpu.memref_slice %arg6[%dma_wait3A_342, %dma_wait3A_346] : memref<40x64xi32, #tpu.memory_space<vmem>> -> memref<1x32xi32, #tpu.memory_space<vmem>>
        %dma_wait3A_348 = tpu.memref_squeeze %dma_wait3A_347 : memref<1x32xi32, #tpu.memory_space<vmem>> -> memref<32xi32, #tpu.memory_space<vmem>>
        %dma_wait3A_349 = arith.constant 0 : i32
        %dma_wait3A_350 = arith.constant 0 : i32
        %dma_wait3A_351 = tpu.memref_slice %arg2[%dma_wait3A_349, %dma_wait3A_350] : memref<10000x128xf32, #tpu.memory_space<hbm>> -> memref<10000x128xf32, #tpu.memory_space<hbm>>
        tpu.wait_indirect_dma semaphore(%arg16 : memref<!tpu.dma_semaphore, #tpu.memory_space<semaphore_mem>>) src(%dma_wait3A_351 : memref<10000x128xf32, #tpu.memory_space<hbm>>) dst(%dma_wait3A_345 : memref<32x128xf32, #tpu.memory_space<vmem>>)
        %dma_wait3A_352 = arith.constant 0 : i32
        %dma_wait3A_353 = arith.constant 32 : i32
        %dma_wait3A_354 = arith.constant 0 : i32
        %dma_wait3A_355 = tpu.memref_slice %arg11[%dma_wait3A_353, %dma_wait3A_354] : memref<64x128xf32, #tpu.memory_space<vmem>> -> memref<32x128xf32, #tpu.memory_space<vmem>>
        %dma_wait3A_356 = arith.constant 0 : i32
        %dma_wait3A_357 = tpu.memref_slice %arg6[%dma_wait3A_352, %dma_wait3A_356] : memref<40x64xi32, #tpu.memory_space<vmem>> -> memref<1x32xi32, #tpu.memory_space<vmem>>
        %dma_wait3A_358 = tpu.memref_squeeze %dma_wait3A_357 : memref<1x32xi32, #tpu.memory_space<vmem>> -> memref<32xi32, #tpu.memory_space<vmem>>
        %dma_wait3A_359 = arith.constant 0 : i32
        %dma_wait3A_360 = arith.constant 0 : i32
        %dma_wait3A_361 = tpu.memref_slice %arg2[%dma_wait3A_359, %dma_wait3A_360] : memref<10000x128xf32, #tpu.memory_space<hbm>> -> memref<10000x128xf32, #tpu.memory_space<hbm>>
        tpu.wait_indirect_dma semaphore(%arg20 : memref<!tpu.dma_semaphore, #tpu.memory_space<semaphore_mem>>) src(%dma_wait3A_361 : memref<10000x128xf32, #tpu.memory_space<hbm>>) dst(%dma_wait3A_355 : memref<32x128xf32, #tpu.memory_space<vmem>>)
        %dma_wait3A_362 = arith.constant 0 : i32
        %dma_wait3A_363 = arith.constant 0 : i32
        %dma_wait3A_364 = tpu.memref_slice %arg7[%dma_wait3A_362, %dma_wait3A_363] : memref<40x64xi32, #tpu.memory_space<vmem>> -> memref<1x64xi32, #tpu.memory_space<vmem>>
        %dma_wait3A_365 = tpu.memref_squeeze %dma_wait3A_364 : memref<1x64xi32, #tpu.memory_space<vmem>> -> memref<64xi32, #tpu.memory_space<vmem>>
        %dma_wait3A_366 = arith.constant 0 : i32
        %dma_wait3A_367 = arith.constant 0 : i32
        %dma_wait3A_368 = tpu.memref_slice %arg12[%dma_wait3A_366, %dma_wait3A_367] : memref<10000x128xf32, #tpu.memory_space<vmem_shared>> -> memref<10000x128xf32, #tpu.memory_space<vmem_shared>>
        tpu.wait_indirect_dma semaphore(%arg23 : memref<!tpu.dma_semaphore, #tpu.memory_space<semaphore_mem>>) src(%arg10 : memref<64x128xf32, #tpu.memory_space<vmem>>) dst(%dma_wait3A_368 : memref<10000x128xf32, #tpu.memory_space<vmem_shared>>)
        %dma_start3A_369 = arith.constant 0 : i32
        %dma_start3A_370 = tpu.memref_slice %arg7[%add3A_337, %dma_start3A_369] : memref<40x64xi32, #tpu.memory_space<vmem>> -> memref<1x64xi32, #tpu.memory_space<vmem>>
        %dma_start3A_371 = tpu.memref_squeeze %dma_start3A_370 : memref<1x64xi32, #tpu.memory_space<vmem>> -> memref<64xi32, #tpu.memory_space<vmem>>
        %dma_start3A_372 = arith.constant 0 : i32
        %dma_start3A_373 = arith.constant 0 : i32
        %dma_start3A_374 = tpu.memref_slice %arg12[%dma_start3A_372, %dma_start3A_373] : memref<10000x128xf32, #tpu.memory_space<vmem_shared>> -> memref<10000x128xf32, #tpu.memory_space<vmem_shared>>
        tpu.enqueue_indirect_dma source(%arg11 : memref<64x128xf32, #tpu.memory_space<vmem>>) target(%dma_start3A_374 : memref<10000x128xf32, #tpu.memory_space<vmem_shared>>) offsets(%dma_start3A_371 : memref<64xi32, #tpu.memory_space<vmem>>) semaphore(%arg24 : memref<!tpu.dma_semaphore, #tpu.memory_space<semaphore_mem>>) {add = true}
        %lt3A_375 = arith.constant 40 : i32
        %lt3A_376 = arith.cmpi slt, %sub3A_341, %lt3A_375 : i32
        %convert_element_type3A_377 = arith.extui %lt3A_376 : i1 to i32
        %cond3A_378 = arith.constant 0 : i32
        %cond3A_379 = arith.cmpi ne, %convert_element_type3A_377, %cond3A_378 : i32
        scf.if %cond3A_379 {
          %dma_start3A_380 = arith.constant 0 : i32
          %dma_start3A_381 = arith.constant 0 : i32
          %dma_start3A_382 = tpu.memref_slice %arg10[%dma_start3A_380, %dma_start3A_381] : memref<64x128xf32, #tpu.memory_space<vmem>> -> memref<32x128xf32, #tpu.memory_space<vmem>>
          %dma_start3A_383 = arith.constant 0 : i32
          %dma_start3A_384 = tpu.memref_slice %arg6[%sub3A_341, %dma_start3A_383] : memref<40x64xi32, #tpu.memory_space<vmem>> -> memref<1x32xi32, #tpu.memory_space<vmem>>
          %dma_start3A_385 = tpu.memref_squeeze %dma_start3A_384 : memref<1x32xi32, #tpu.memory_space<vmem>> -> memref<32xi32, #tpu.memory_space<vmem>>
          %dma_start3A_386 = arith.constant 0 : i32
          %dma_start3A_387 = arith.constant 0 : i32
          %dma_start3A_388 = tpu.memref_slice %arg2[%dma_start3A_386, %dma_start3A_387] : memref<10000x128xf32, #tpu.memory_space<hbm>> -> memref<10000x128xf32, #tpu.memory_space<hbm>>
          tpu.enqueue_indirect_dma source(%dma_start3A_388 : memref<10000x128xf32, #tpu.memory_space<hbm>>) target(%dma_start3A_382 : memref<32x128xf32, #tpu.memory_space<vmem>>) offsets(%dma_start3A_385 : memref<32xi32, #tpu.memory_space<vmem>>) semaphore(%arg15 : memref<!tpu.dma_semaphore, #tpu.memory_space<semaphore_mem>>)
          %dma_start3A_389 = arith.constant 32 : i32
          %dma_start3A_390 = arith.constant 0 : i32
          %dma_start3A_391 = tpu.memref_slice %arg10[%dma_start3A_389, %dma_start3A_390] : memref<64x128xf32, #tpu.memory_space<vmem>> -> memref<32x128xf32, #tpu.memory_space<vmem>>
          %dma_start3A_392 = arith.constant 32 : i32
          %dma_start3A_393 = tpu.memref_slice %arg6[%sub3A_341, %dma_start3A_392] : memref<40x64xi32, #tpu.memory_space<vmem>> -> memref<1x32xi32, #tpu.memory_space<vmem>>
          %dma_start3A_394 = tpu.memref_squeeze %dma_start3A_393 : memref<1x32xi32, #tpu.memory_space<vmem>> -> memref<32xi32, #tpu.memory_space<vmem>>
          %dma_start3A_395 = arith.constant 0 : i32
          %dma_start3A_396 = arith.constant 0 : i32
          %dma_start3A_397 = tpu.memref_slice %arg2[%dma_start3A_395, %dma_start3A_396] : memref<10000x128xf32, #tpu.memory_space<hbm>> -> memref<10000x128xf32, #tpu.memory_space<hbm>>
          tpu.enqueue_indirect_dma source(%dma_start3A_397 : memref<10000x128xf32, #tpu.memory_space<hbm>>) target(%dma_start3A_391 : memref<32x128xf32, #tpu.memory_space<vmem>>) offsets(%dma_start3A_394 : memref<32xi32, #tpu.memory_space<vmem>>) semaphore(%arg19 : memref<!tpu.dma_semaphore, #tpu.memory_space<semaphore_mem>>)
        } else {
        }
      }
      %scan3A_191 = arith.constant 10 : i32
      %dma_wait3A_192 = arith.constant 0 : i32
      %dma_wait3A_193 = arith.constant 0 : i32
      %dma_wait3A_194 = tpu.memref_slice %arg7[%dma_wait3A_192, %dma_wait3A_193] : memref<40x64xi32, #tpu.memory_space<vmem>> -> memref<1x64xi32, #tpu.memory_space<vmem>>
      %dma_wait3A_195 = tpu.memref_squeeze %dma_wait3A_194 : memref<1x64xi32, #tpu.memory_space<vmem>> -> memref<64xi32, #tpu.memory_space<vmem>>
      %dma_wait3A_196 = arith.constant 0 : i32
      %dma_wait3A_197 = arith.constant 0 : i32
      %dma_wait3A_198 = tpu.memref_slice %arg12[%dma_wait3A_196, %dma_wait3A_197] : memref<10000x128xf32, #tpu.memory_space<vmem_shared>> -> memref<10000x128xf32, #tpu.memory_space<vmem_shared>>
      tpu.wait_indirect_dma semaphore(%arg24 : memref<!tpu.dma_semaphore, #tpu.memory_space<semaphore_mem>>) src(%arg11 : memref<64x128xf32, #tpu.memory_space<vmem>>) dst(%dma_wait3A_198 : memref<10000x128xf32, #tpu.memory_space<vmem_shared>>)
    } else {
    }
    %gt3A_107 = arith.constant 3 : i32
    %gt3A_108 = arith.cmpi sgt, %select_n3A, %gt3A_107 : i32
    %convert_element_type3A_109 = arith.extui %gt3A_108 : i1 to i32
    %cond3A_110 = arith.constant 0 : i32
    %cond3A_111 = arith.cmpi ne, %convert_element_type3A_109, %cond3A_110 : i32
    scf.if %cond3A_111 {
      %add3A_122 = arith.constant 120 : i32
      %add3A_123 = arith.addi %mul3A_19, %add3A_122 : i32
      "tpu.region"() ({
        %run_scoped3A = tpu.sem_alloc : memref<!tpu.dma_semaphore, #tpu.memory_space<semaphore_mem>>
        %dma_start3A_199 = arith.constant 0 : i32
        %dma_start3A_200 = tpu.memref_slice %arg3[%add3A_123, %dma_start3A_199] : memref<5000x64xi32, #tpu.memory_space<hbm>> -> memref<40x64xi32, #tpu.memory_space<hbm>>
        %dma_start3A_201 = arith.constant 0 : i32
        %dma_start3A_202 = tpu.memref_slice %arg3[%add3A_123, %dma_start3A_201] : memref<5000x64xi32, #tpu.memory_space<hbm>> -> memref<40x64xi32, #tpu.memory_space<hbm>>
        tpu.enqueue_dma source(%dma_start3A_202 : memref<40x64xi32, #tpu.memory_space<hbm>>) target(%arg6 : memref<40x64xi32, #tpu.memory_space<vmem>>) target_semaphore(%run_scoped3A : memref<!tpu.dma_semaphore, #tpu.memory_space<semaphore_mem>>)
        %dma_wait3A_203 = arith.constant 0 : i32
        %dma_wait3A_204 = tpu.memref_slice %arg3[%add3A_123, %dma_wait3A_203] : memref<5000x64xi32, #tpu.memory_space<hbm>> -> memref<40x64xi32, #tpu.memory_space<hbm>>
        %dma_wait3A_205 = arith.constant 0 : i32
        %dma_wait3A_206 = tpu.memref_slice %arg3[%add3A_123, %dma_wait3A_205] : memref<5000x64xi32, #tpu.memory_space<hbm>> -> memref<40x64xi32, #tpu.memory_space<hbm>>
        tpu.wait_dma2 semaphore(%run_scoped3A : memref<!tpu.dma_semaphore, #tpu.memory_space<semaphore_mem>>) src(%dma_wait3A_206 : memref<40x64xi32, #tpu.memory_space<hbm>>) dst(%arg6 : memref<40x64xi32, #tpu.memory_space<vmem>>)
        tpu.yield
      }) : () -> ()
      %add3A_124 = arith.constant 120 : i32
      %add3A_125 = arith.addi %mul3A_19, %add3A_124 : i32
      "tpu.region"() ({
        %run_scoped3A = tpu.sem_alloc : memref<!tpu.dma_semaphore, #tpu.memory_space<semaphore_mem>>
        %dma_start3A_199 = arith.constant 0 : i32
        %dma_start3A_200 = tpu.memref_slice %arg4[%add3A_125, %dma_start3A_199] : memref<5000x64xi32, #tpu.memory_space<hbm>> -> memref<40x64xi32, #tpu.memory_space<hbm>>
        %dma_start3A_201 = arith.constant 0 : i32
        %dma_start3A_202 = tpu.memref_slice %arg4[%add3A_125, %dma_start3A_201] : memref<5000x64xi32, #tpu.memory_space<hbm>> -> memref<40x64xi32, #tpu.memory_space<hbm>>
        tpu.enqueue_dma source(%dma_start3A_202 : memref<40x64xi32, #tpu.memory_space<hbm>>) target(%arg7 : memref<40x64xi32, #tpu.memory_space<vmem>>) target_semaphore(%run_scoped3A : memref<!tpu.dma_semaphore, #tpu.memory_space<semaphore_mem>>)
        %dma_wait3A_203 = arith.constant 0 : i32
        %dma_wait3A_204 = tpu.memref_slice %arg4[%add3A_125, %dma_wait3A_203] : memref<5000x64xi32, #tpu.memory_space<hbm>> -> memref<40x64xi32, #tpu.memory_space<hbm>>
        %dma_wait3A_205 = arith.constant 0 : i32
        %dma_wait3A_206 = tpu.memref_slice %arg4[%add3A_125, %dma_wait3A_205] : memref<5000x64xi32, #tpu.memory_space<hbm>> -> memref<40x64xi32, #tpu.memory_space<hbm>>
        tpu.wait_dma2 semaphore(%run_scoped3A : memref<!tpu.dma_semaphore, #tpu.memory_space<semaphore_mem>>) src(%dma_wait3A_206 : memref<40x64xi32, #tpu.memory_space<hbm>>) dst(%arg7 : memref<40x64xi32, #tpu.memory_space<vmem>>)
        tpu.yield
      }) : () -> ()
      %dma_start3A_126 = arith.constant 0 : i32
      %dma_start3A_127 = arith.constant 0 : i32
      %dma_start3A_128 = arith.constant 0 : i32
      %dma_start3A_129 = tpu.memref_slice %arg8[%dma_start3A_127, %dma_start3A_128] : memref<64x128xf32, #tpu.memory_space<vmem>> -> memref<32x128xf32, #tpu.memory_space<vmem>>
      %dma_start3A_130 = arith.constant 0 : i32
      %dma_start3A_131 = tpu.memref_slice %arg6[%dma_start3A_126, %dma_start3A_130] : memref<40x64xi32, #tpu.memory_space<vmem>> -> memref<1x32xi32, #tpu.memory_space<vmem>>
      %dma_start3A_132 = tpu.memref_squeeze %dma_start3A_131 : memref<1x32xi32, #tpu.memory_space<vmem>> -> memref<32xi32, #tpu.memory_space<vmem>>
      %dma_start3A_133 = arith.constant 0 : i32
      %dma_start3A_134 = arith.constant 0 : i32
      %dma_start3A_135 = tpu.memref_slice %arg2[%dma_start3A_133, %dma_start3A_134] : memref<10000x128xf32, #tpu.memory_space<hbm>> -> memref<10000x128xf32, #tpu.memory_space<hbm>>
      tpu.enqueue_indirect_dma source(%dma_start3A_135 : memref<10000x128xf32, #tpu.memory_space<hbm>>) target(%dma_start3A_129 : memref<32x128xf32, #tpu.memory_space<vmem>>) offsets(%dma_start3A_132 : memref<32xi32, #tpu.memory_space<vmem>>) semaphore(%arg13 : memref<!tpu.dma_semaphore, #tpu.memory_space<semaphore_mem>>)
      %dma_start3A_136 = arith.constant 0 : i32
      %dma_start3A_137 = arith.constant 32 : i32
      %dma_start3A_138 = arith.constant 0 : i32
      %dma_start3A_139 = tpu.memref_slice %arg8[%dma_start3A_137, %dma_start3A_138] : memref<64x128xf32, #tpu.memory_space<vmem>> -> memref<32x128xf32, #tpu.memory_space<vmem>>
      %dma_start3A_140 = arith.constant 32 : i32
      %dma_start3A_141 = tpu.memref_slice %arg6[%dma_start3A_136, %dma_start3A_140] : memref<40x64xi32, #tpu.memory_space<vmem>> -> memref<1x32xi32, #tpu.memory_space<vmem>>
      %dma_start3A_142 = tpu.memref_squeeze %dma_start3A_141 : memref<1x32xi32, #tpu.memory_space<vmem>> -> memref<32xi32, #tpu.memory_space<vmem>>
      %dma_start3A_143 = arith.constant 0 : i32
      %dma_start3A_144 = arith.constant 0 : i32
      %dma_start3A_145 = tpu.memref_slice %arg2[%dma_start3A_143, %dma_start3A_144] : memref<10000x128xf32, #tpu.memory_space<hbm>> -> memref<10000x128xf32, #tpu.memory_space<hbm>>
      tpu.enqueue_indirect_dma source(%dma_start3A_145 : memref<10000x128xf32, #tpu.memory_space<hbm>>) target(%dma_start3A_139 : memref<32x128xf32, #tpu.memory_space<vmem>>) offsets(%dma_start3A_142 : memref<32xi32, #tpu.memory_space<vmem>>) semaphore(%arg17 : memref<!tpu.dma_semaphore, #tpu.memory_space<semaphore_mem>>)
      %dma_start3A_146 = arith.constant 1 : i32
      %dma_start3A_147 = arith.constant 0 : i32
      %dma_start3A_148 = arith.constant 0 : i32
      %dma_start3A_149 = tpu.memref_slice %arg9[%dma_start3A_147, %dma_start3A_148] : memref<64x128xf32, #tpu.memory_space<vmem>> -> memref<32x128xf32, #tpu.memory_space<vmem>>
      %dma_start3A_150 = arith.constant 0 : i32
      %dma_start3A_151 = tpu.memref_slice %arg6[%dma_start3A_146, %dma_start3A_150] : memref<40x64xi32, #tpu.memory_space<vmem>> -> memref<1x32xi32, #tpu.memory_space<vmem>>
      %dma_start3A_152 = tpu.memref_squeeze %dma_start3A_151 : memref<1x32xi32, #tpu.memory_space<vmem>> -> memref<32xi32, #tpu.memory_space<vmem>>
      %dma_start3A_153 = arith.constant 0 : i32
      %dma_start3A_154 = arith.constant 0 : i32
      %dma_start3A_155 = tpu.memref_slice %arg2[%dma_start3A_153, %dma_start3A_154] : memref<10000x128xf32, #tpu.memory_space<hbm>> -> memref<10000x128xf32, #tpu.memory_space<hbm>>
      tpu.enqueue_indirect_dma source(%dma_start3A_155 : memref<10000x128xf32, #tpu.memory_space<hbm>>) target(%dma_start3A_149 : memref<32x128xf32, #tpu.memory_space<vmem>>) offsets(%dma_start3A_152 : memref<32xi32, #tpu.memory_space<vmem>>) semaphore(%arg14 : memref<!tpu.dma_semaphore, #tpu.memory_space<semaphore_mem>>)
      %dma_start3A_156 = arith.constant 1 : i32
      %dma_start3A_157 = arith.constant 32 : i32
      %dma_start3A_158 = arith.constant 0 : i32
      %dma_start3A_159 = tpu.memref_slice %arg9[%dma_start3A_157, %dma_start3A_158] : memref<64x128xf32, #tpu.memory_space<vmem>> -> memref<32x128xf32, #tpu.memory_space<vmem>>
      %dma_start3A_160 = arith.constant 32 : i32
      %dma_start3A_161 = tpu.memref_slice %arg6[%dma_start3A_156, %dma_start3A_160] : memref<40x64xi32, #tpu.memory_space<vmem>> -> memref<1x32xi32, #tpu.memory_space<vmem>>
      %dma_start3A_162 = tpu.memref_squeeze %dma_start3A_161 : memref<1x32xi32, #tpu.memory_space<vmem>> -> memref<32xi32, #tpu.memory_space<vmem>>
      %dma_start3A_163 = arith.constant 0 : i32
      %dma_start3A_164 = arith.constant 0 : i32
      %dma_start3A_165 = tpu.memref_slice %arg2[%dma_start3A_163, %dma_start3A_164] : memref<10000x128xf32, #tpu.memory_space<hbm>> -> memref<10000x128xf32, #tpu.memory_space<hbm>>
      tpu.enqueue_indirect_dma source(%dma_start3A_165 : memref<10000x128xf32, #tpu.memory_space<hbm>>) target(%dma_start3A_159 : memref<32x128xf32, #tpu.memory_space<vmem>>) offsets(%dma_start3A_162 : memref<32xi32, #tpu.memory_space<vmem>>) semaphore(%arg18 : memref<!tpu.dma_semaphore, #tpu.memory_space<semaphore_mem>>)
      %dma_start3A_166 = arith.constant 2 : i32
      %dma_start3A_167 = arith.constant 0 : i32
      %dma_start3A_168 = arith.constant 0 : i32
      %dma_start3A_169 = tpu.memref_slice %arg10[%dma_start3A_167, %dma_start3A_168] : memref<64x128xf32, #tpu.memory_space<vmem>> -> memref<32x128xf32, #tpu.memory_space<vmem>>
      %dma_start3A_170 = arith.constant 0 : i32
      %dma_start3A_171 = tpu.memref_slice %arg6[%dma_start3A_166, %dma_start3A_170] : memref<40x64xi32, #tpu.memory_space<vmem>> -> memref<1x32xi32, #tpu.memory_space<vmem>>
      %dma_start3A_172 = tpu.memref_squeeze %dma_start3A_171 : memref<1x32xi32, #tpu.memory_space<vmem>> -> memref<32xi32, #tpu.memory_space<vmem>>
      %dma_start3A_173 = arith.constant 0 : i32
      %dma_start3A_174 = arith.constant 0 : i32
      %dma_start3A_175 = tpu.memref_slice %arg2[%dma_start3A_173, %dma_start3A_174] : memref<10000x128xf32, #tpu.memory_space<hbm>> -> memref<10000x128xf32, #tpu.memory_space<hbm>>
      tpu.enqueue_indirect_dma source(%dma_start3A_175 : memref<10000x128xf32, #tpu.memory_space<hbm>>) target(%dma_start3A_169 : memref<32x128xf32, #tpu.memory_space<vmem>>) offsets(%dma_start3A_172 : memref<32xi32, #tpu.memory_space<vmem>>) semaphore(%arg15 : memref<!tpu.dma_semaphore, #tpu.memory_space<semaphore_mem>>)
      %dma_start3A_176 = arith.constant 2 : i32
      %dma_start3A_177 = arith.constant 32 : i32
      %dma_start3A_178 = arith.constant 0 : i32
      %dma_start3A_179 = tpu.memref_slice %arg10[%dma_start3A_177, %dma_start3A_178] : memref<64x128xf32, #tpu.memory_space<vmem>> -> memref<32x128xf32, #tpu.memory_space<vmem>>
      %dma_start3A_180 = arith.constant 32 : i32
      %dma_start3A_181 = tpu.memref_slice %arg6[%dma_start3A_176, %dma_start3A_180] : memref<40x64xi32, #tpu.memory_space<vmem>> -> memref<1x32xi32, #tpu.memory_space<vmem>>
      %dma_start3A_182 = tpu.memref_squeeze %dma_start3A_181 : memref<1x32xi32, #tpu.memory_space<vmem>> -> memref<32xi32, #tpu.memory_space<vmem>>
      %dma_start3A_183 = arith.constant 0 : i32
      %dma_start3A_184 = arith.constant 0 : i32
      %dma_start3A_185 = tpu.memref_slice %arg2[%dma_start3A_183, %dma_start3A_184] : memref<10000x128xf32, #tpu.memory_space<hbm>> -> memref<10000x128xf32, #tpu.memory_space<hbm>>
      tpu.enqueue_indirect_dma source(%dma_start3A_185 : memref<10000x128xf32, #tpu.memory_space<hbm>>) target(%dma_start3A_179 : memref<32x128xf32, #tpu.memory_space<vmem>>) offsets(%dma_start3A_182 : memref<32xi32, #tpu.memory_space<vmem>>) semaphore(%arg19 : memref<!tpu.dma_semaphore, #tpu.memory_space<semaphore_mem>>)
      %scan3A_186 = arith.constant 0 : i32
      %scan3A_187 = arith.constant 0 : i32
      %scan3A_188 = arith.constant 10 : i32
      %scan3A_189 = arith.addi %scan3A_187, %scan3A_188 : i32
      %scan3A_190 = arith.constant 1 : i32
      scf.for %scan3A_199 = %scan3A_187 to %scan3A_189 step %scan3A_190  : i32 {
        %mul3A_200 = arith.constant 4 : i32
        %mul3A_201 = arith.muli %mul3A_200, %scan3A_199 : i32
        %add3A_202 = arith.constant 0 : i32
        %add3A_203 = arith.addi %mul3A_201, %add3A_202 : i32
        %add3A_204 = arith.constant 4 : i32
        %add3A_205 = arith.addi %add3A_203, %add3A_204 : i32
        %sub3A = arith.constant 1 : i32
        %sub3A_206 = arith.subi %add3A_205, %sub3A : i32
        %dma_wait3A_207 = arith.constant 0 : i32
        %dma_wait3A_208 = arith.constant 0 : i32
        %dma_wait3A_209 = arith.constant 0 : i32
        %dma_wait3A_210 = tpu.memref_slice %arg8[%dma_wait3A_208, %dma_wait3A_209] : memref<64x128xf32, #tpu.memory_space<vmem>> -> memref<32x128xf32, #tpu.memory_space<vmem>>
        %dma_wait3A_211 = arith.constant 0 : i32
        %dma_wait3A_212 = tpu.memref_slice %arg6[%dma_wait3A_207, %dma_wait3A_211] : memref<40x64xi32, #tpu.memory_space<vmem>> -> memref<1x32xi32, #tpu.memory_space<vmem>>
        %dma_wait3A_213 = tpu.memref_squeeze %dma_wait3A_212 : memref<1x32xi32, #tpu.memory_space<vmem>> -> memref<32xi32, #tpu.memory_space<vmem>>
        %dma_wait3A_214 = arith.constant 0 : i32
        %dma_wait3A_215 = arith.constant 0 : i32
        %dma_wait3A_216 = tpu.memref_slice %arg2[%dma_wait3A_214, %dma_wait3A_215] : memref<10000x128xf32, #tpu.memory_space<hbm>> -> memref<10000x128xf32, #tpu.memory_space<hbm>>
        tpu.wait_indirect_dma semaphore(%arg13 : memref<!tpu.dma_semaphore, #tpu.memory_space<semaphore_mem>>) src(%dma_wait3A_216 : memref<10000x128xf32, #tpu.memory_space<hbm>>) dst(%dma_wait3A_210 : memref<32x128xf32, #tpu.memory_space<vmem>>)
        %dma_wait3A_217 = arith.constant 0 : i32
        %dma_wait3A_218 = arith.constant 32 : i32
        %dma_wait3A_219 = arith.constant 0 : i32
        %dma_wait3A_220 = tpu.memref_slice %arg8[%dma_wait3A_218, %dma_wait3A_219] : memref<64x128xf32, #tpu.memory_space<vmem>> -> memref<32x128xf32, #tpu.memory_space<vmem>>
        %dma_wait3A_221 = arith.constant 0 : i32
        %dma_wait3A_222 = tpu.memref_slice %arg6[%dma_wait3A_217, %dma_wait3A_221] : memref<40x64xi32, #tpu.memory_space<vmem>> -> memref<1x32xi32, #tpu.memory_space<vmem>>
        %dma_wait3A_223 = tpu.memref_squeeze %dma_wait3A_222 : memref<1x32xi32, #tpu.memory_space<vmem>> -> memref<32xi32, #tpu.memory_space<vmem>>
        %dma_wait3A_224 = arith.constant 0 : i32
        %dma_wait3A_225 = arith.constant 0 : i32
        %dma_wait3A_226 = tpu.memref_slice %arg2[%dma_wait3A_224, %dma_wait3A_225] : memref<10000x128xf32, #tpu.memory_space<hbm>> -> memref<10000x128xf32, #tpu.memory_space<hbm>>
        tpu.wait_indirect_dma semaphore(%arg17 : memref<!tpu.dma_semaphore, #tpu.memory_space<semaphore_mem>>) src(%dma_wait3A_226 : memref<10000x128xf32, #tpu.memory_space<hbm>>) dst(%dma_wait3A_220 : memref<32x128xf32, #tpu.memory_space<vmem>>)
        %gt3A_227 = arith.constant 0 : i32
        %gt3A_228 = arith.cmpi sgt, %scan3A_199, %gt3A_227 : i32
        %convert_element_type3A_229 = arith.extui %gt3A_228 : i1 to i32
        %cond3A_230 = arith.constant 0 : i32
        %cond3A_231 = arith.cmpi ne, %convert_element_type3A_229, %cond3A_230 : i32
        scf.if %cond3A_231 {
          %dma_wait3A_380 = arith.constant 0 : i32
          %dma_wait3A_381 = arith.constant 0 : i32
          %dma_wait3A_382 = tpu.memref_slice %arg7[%dma_wait3A_380, %dma_wait3A_381] : memref<40x64xi32, #tpu.memory_space<vmem>> -> memref<1x64xi32, #tpu.memory_space<vmem>>
          %dma_wait3A_383 = tpu.memref_squeeze %dma_wait3A_382 : memref<1x64xi32, #tpu.memory_space<vmem>> -> memref<64xi32, #tpu.memory_space<vmem>>
          %dma_wait3A_384 = arith.constant 0 : i32
          %dma_wait3A_385 = arith.constant 0 : i32
          %dma_wait3A_386 = tpu.memref_slice %arg12[%dma_wait3A_384, %dma_wait3A_385] : memref<10000x128xf32, #tpu.memory_space<vmem_shared>> -> memref<10000x128xf32, #tpu.memory_space<vmem_shared>>
          tpu.wait_indirect_dma semaphore(%arg24 : memref<!tpu.dma_semaphore, #tpu.memory_space<semaphore_mem>>) src(%arg11 : memref<64x128xf32, #tpu.memory_space<vmem>>) dst(%dma_wait3A_386 : memref<10000x128xf32, #tpu.memory_space<vmem_shared>>)
        } else {
        }
        %dma_start3A_232 = arith.constant 0 : i32
        %dma_start3A_233 = tpu.memref_slice %arg7[%add3A_203, %dma_start3A_232] : memref<40x64xi32, #tpu.memory_space<vmem>> -> memref<1x64xi32, #tpu.memory_space<vmem>>
        %dma_start3A_234 = tpu.memref_squeeze %dma_start3A_233 : memref<1x64xi32, #tpu.memory_space<vmem>> -> memref<64xi32, #tpu.memory_space<vmem>>
        %dma_start3A_235 = arith.constant 0 : i32
        %dma_start3A_236 = arith.constant 0 : i32
        %dma_start3A_237 = tpu.memref_slice %arg12[%dma_start3A_235, %dma_start3A_236] : memref<10000x128xf32, #tpu.memory_space<vmem_shared>> -> memref<10000x128xf32, #tpu.memory_space<vmem_shared>>
        tpu.enqueue_indirect_dma source(%arg8 : memref<64x128xf32, #tpu.memory_space<vmem>>) target(%dma_start3A_237 : memref<10000x128xf32, #tpu.memory_space<vmem_shared>>) offsets(%dma_start3A_234 : memref<64xi32, #tpu.memory_space<vmem>>) semaphore(%arg21 : memref<!tpu.dma_semaphore, #tpu.memory_space<semaphore_mem>>) {add = true}
        %lt3A = arith.constant 40 : i32
        %lt3A_238 = arith.cmpi slt, %sub3A_206, %lt3A : i32
        %convert_element_type3A_239 = arith.extui %lt3A_238 : i1 to i32
        %cond3A_240 = arith.constant 0 : i32
        %cond3A_241 = arith.cmpi ne, %convert_element_type3A_239, %cond3A_240 : i32
        scf.if %cond3A_241 {
          %dma_start3A_380 = arith.constant 0 : i32
          %dma_start3A_381 = arith.constant 0 : i32
          %dma_start3A_382 = tpu.memref_slice %arg11[%dma_start3A_380, %dma_start3A_381] : memref<64x128xf32, #tpu.memory_space<vmem>> -> memref<32x128xf32, #tpu.memory_space<vmem>>
          %dma_start3A_383 = arith.constant 0 : i32
          %dma_start3A_384 = tpu.memref_slice %arg6[%sub3A_206, %dma_start3A_383] : memref<40x64xi32, #tpu.memory_space<vmem>> -> memref<1x32xi32, #tpu.memory_space<vmem>>
          %dma_start3A_385 = tpu.memref_squeeze %dma_start3A_384 : memref<1x32xi32, #tpu.memory_space<vmem>> -> memref<32xi32, #tpu.memory_space<vmem>>
          %dma_start3A_386 = arith.constant 0 : i32
          %dma_start3A_387 = arith.constant 0 : i32
          %dma_start3A_388 = tpu.memref_slice %arg2[%dma_start3A_386, %dma_start3A_387] : memref<10000x128xf32, #tpu.memory_space<hbm>> -> memref<10000x128xf32, #tpu.memory_space<hbm>>
          tpu.enqueue_indirect_dma source(%dma_start3A_388 : memref<10000x128xf32, #tpu.memory_space<hbm>>) target(%dma_start3A_382 : memref<32x128xf32, #tpu.memory_space<vmem>>) offsets(%dma_start3A_385 : memref<32xi32, #tpu.memory_space<vmem>>) semaphore(%arg16 : memref<!tpu.dma_semaphore, #tpu.memory_space<semaphore_mem>>)
          %dma_start3A_389 = arith.constant 32 : i32
          %dma_start3A_390 = arith.constant 0 : i32
          %dma_start3A_391 = tpu.memref_slice %arg11[%dma_start3A_389, %dma_start3A_390] : memref<64x128xf32, #tpu.memory_space<vmem>> -> memref<32x128xf32, #tpu.memory_space<vmem>>
          %dma_start3A_392 = arith.constant 32 : i32
          %dma_start3A_393 = tpu.memref_slice %arg6[%sub3A_206, %dma_start3A_392] : memref<40x64xi32, #tpu.memory_space<vmem>> -> memref<1x32xi32, #tpu.memory_space<vmem>>
          %dma_start3A_394 = tpu.memref_squeeze %dma_start3A_393 : memref<1x32xi32, #tpu.memory_space<vmem>> -> memref<32xi32, #tpu.memory_space<vmem>>
          %dma_start3A_395 = arith.constant 0 : i32
          %dma_start3A_396 = arith.constant 0 : i32
          %dma_start3A_397 = tpu.memref_slice %arg2[%dma_start3A_395, %dma_start3A_396] : memref<10000x128xf32, #tpu.memory_space<hbm>> -> memref<10000x128xf32, #tpu.memory_space<hbm>>
          tpu.enqueue_indirect_dma source(%dma_start3A_397 : memref<10000x128xf32, #tpu.memory_space<hbm>>) target(%dma_start3A_391 : memref<32x128xf32, #tpu.memory_space<vmem>>) offsets(%dma_start3A_394 : memref<32xi32, #tpu.memory_space<vmem>>) semaphore(%arg20 : memref<!tpu.dma_semaphore, #tpu.memory_space<semaphore_mem>>)
        } else {
        }
        %mul3A_242 = arith.constant 4 : i32
        %mul3A_243 = arith.muli %mul3A_242, %scan3A_199 : i32
        %add3A_244 = arith.constant 1 : i32
        %add3A_245 = arith.addi %mul3A_243, %add3A_244 : i32
        %add3A_246 = arith.constant 4 : i32
        %add3A_247 = arith.addi %add3A_245, %add3A_246 : i32
        %sub3A_248 = arith.constant 1 : i32
        %sub3A_249 = arith.subi %add3A_247, %sub3A_248 : i32
        %dma_wait3A_250 = arith.constant 0 : i32
        %dma_wait3A_251 = arith.constant 0 : i32
        %dma_wait3A_252 = arith.constant 0 : i32
        %dma_wait3A_253 = tpu.memref_slice %arg9[%dma_wait3A_251, %dma_wait3A_252] : memref<64x128xf32, #tpu.memory_space<vmem>> -> memref<32x128xf32, #tpu.memory_space<vmem>>
        %dma_wait3A_254 = arith.constant 0 : i32
        %dma_wait3A_255 = tpu.memref_slice %arg6[%dma_wait3A_250, %dma_wait3A_254] : memref<40x64xi32, #tpu.memory_space<vmem>> -> memref<1x32xi32, #tpu.memory_space<vmem>>
        %dma_wait3A_256 = tpu.memref_squeeze %dma_wait3A_255 : memref<1x32xi32, #tpu.memory_space<vmem>> -> memref<32xi32, #tpu.memory_space<vmem>>
        %dma_wait3A_257 = arith.constant 0 : i32
        %dma_wait3A_258 = arith.constant 0 : i32
        %dma_wait3A_259 = tpu.memref_slice %arg2[%dma_wait3A_257, %dma_wait3A_258] : memref<10000x128xf32, #tpu.memory_space<hbm>> -> memref<10000x128xf32, #tpu.memory_space<hbm>>
        tpu.wait_indirect_dma semaphore(%arg14 : memref<!tpu.dma_semaphore, #tpu.memory_space<semaphore_mem>>) src(%dma_wait3A_259 : memref<10000x128xf32, #tpu.memory_space<hbm>>) dst(%dma_wait3A_253 : memref<32x128xf32, #tpu.memory_space<vmem>>)
        %dma_wait3A_260 = arith.constant 0 : i32
        %dma_wait3A_261 = arith.constant 32 : i32
        %dma_wait3A_262 = arith.constant 0 : i32
        %dma_wait3A_263 = tpu.memref_slice %arg9[%dma_wait3A_261, %dma_wait3A_262] : memref<64x128xf32, #tpu.memory_space<vmem>> -> memref<32x128xf32, #tpu.memory_space<vmem>>
        %dma_wait3A_264 = arith.constant 0 : i32
        %dma_wait3A_265 = tpu.memref_slice %arg6[%dma_wait3A_260, %dma_wait3A_264] : memref<40x64xi32, #tpu.memory_space<vmem>> -> memref<1x32xi32, #tpu.memory_space<vmem>>
        %dma_wait3A_266 = tpu.memref_squeeze %dma_wait3A_265 : memref<1x32xi32, #tpu.memory_space<vmem>> -> memref<32xi32, #tpu.memory_space<vmem>>
        %dma_wait3A_267 = arith.constant 0 : i32
        %dma_wait3A_268 = arith.constant 0 : i32
        %dma_wait3A_269 = tpu.memref_slice %arg2[%dma_wait3A_267, %dma_wait3A_268] : memref<10000x128xf32, #tpu.memory_space<hbm>> -> memref<10000x128xf32, #tpu.memory_space<hbm>>
        tpu.wait_indirect_dma semaphore(%arg18 : memref<!tpu.dma_semaphore, #tpu.memory_space<semaphore_mem>>) src(%dma_wait3A_269 : memref<10000x128xf32, #tpu.memory_space<hbm>>) dst(%dma_wait3A_263 : memref<32x128xf32, #tpu.memory_space<vmem>>)
        %dma_wait3A_270 = arith.constant 0 : i32
        %dma_wait3A_271 = arith.constant 0 : i32
        %dma_wait3A_272 = tpu.memref_slice %arg7[%dma_wait3A_270, %dma_wait3A_271] : memref<40x64xi32, #tpu.memory_space<vmem>> -> memref<1x64xi32, #tpu.memory_space<vmem>>
        %dma_wait3A_273 = tpu.memref_squeeze %dma_wait3A_272 : memref<1x64xi32, #tpu.memory_space<vmem>> -> memref<64xi32, #tpu.memory_space<vmem>>
        %dma_wait3A_274 = arith.constant 0 : i32
        %dma_wait3A_275 = arith.constant 0 : i32
        %dma_wait3A_276 = tpu.memref_slice %arg12[%dma_wait3A_274, %dma_wait3A_275] : memref<10000x128xf32, #tpu.memory_space<vmem_shared>> -> memref<10000x128xf32, #tpu.memory_space<vmem_shared>>
        tpu.wait_indirect_dma semaphore(%arg21 : memref<!tpu.dma_semaphore, #tpu.memory_space<semaphore_mem>>) src(%arg8 : memref<64x128xf32, #tpu.memory_space<vmem>>) dst(%dma_wait3A_276 : memref<10000x128xf32, #tpu.memory_space<vmem_shared>>)
        %dma_start3A_277 = arith.constant 0 : i32
        %dma_start3A_278 = tpu.memref_slice %arg7[%add3A_245, %dma_start3A_277] : memref<40x64xi32, #tpu.memory_space<vmem>> -> memref<1x64xi32, #tpu.memory_space<vmem>>
        %dma_start3A_279 = tpu.memref_squeeze %dma_start3A_278 : memref<1x64xi32, #tpu.memory_space<vmem>> -> memref<64xi32, #tpu.memory_space<vmem>>
        %dma_start3A_280 = arith.constant 0 : i32
        %dma_start3A_281 = arith.constant 0 : i32
        %dma_start3A_282 = tpu.memref_slice %arg12[%dma_start3A_280, %dma_start3A_281] : memref<10000x128xf32, #tpu.memory_space<vmem_shared>> -> memref<10000x128xf32, #tpu.memory_space<vmem_shared>>
        tpu.enqueue_indirect_dma source(%arg9 : memref<64x128xf32, #tpu.memory_space<vmem>>) target(%dma_start3A_282 : memref<10000x128xf32, #tpu.memory_space<vmem_shared>>) offsets(%dma_start3A_279 : memref<64xi32, #tpu.memory_space<vmem>>) semaphore(%arg22 : memref<!tpu.dma_semaphore, #tpu.memory_space<semaphore_mem>>) {add = true}
        %lt3A_283 = arith.constant 40 : i32
        %lt3A_284 = arith.cmpi slt, %sub3A_249, %lt3A_283 : i32
        %convert_element_type3A_285 = arith.extui %lt3A_284 : i1 to i32
        %cond3A_286 = arith.constant 0 : i32
        %cond3A_287 = arith.cmpi ne, %convert_element_type3A_285, %cond3A_286 : i32
        scf.if %cond3A_287 {
          %dma_start3A_380 = arith.constant 0 : i32
          %dma_start3A_381 = arith.constant 0 : i32
          %dma_start3A_382 = tpu.memref_slice %arg8[%dma_start3A_380, %dma_start3A_381] : memref<64x128xf32, #tpu.memory_space<vmem>> -> memref<32x128xf32, #tpu.memory_space<vmem>>
          %dma_start3A_383 = arith.constant 0 : i32
          %dma_start3A_384 = tpu.memref_slice %arg6[%sub3A_249, %dma_start3A_383] : memref<40x64xi32, #tpu.memory_space<vmem>> -> memref<1x32xi32, #tpu.memory_space<vmem>>
          %dma_start3A_385 = tpu.memref_squeeze %dma_start3A_384 : memref<1x32xi32, #tpu.memory_space<vmem>> -> memref<32xi32, #tpu.memory_space<vmem>>
          %dma_start3A_386 = arith.constant 0 : i32
          %dma_start3A_387 = arith.constant 0 : i32
          %dma_start3A_388 = tpu.memref_slice %arg2[%dma_start3A_386, %dma_start3A_387] : memref<10000x128xf32, #tpu.memory_space<hbm>> -> memref<10000x128xf32, #tpu.memory_space<hbm>>
          tpu.enqueue_indirect_dma source(%dma_start3A_388 : memref<10000x128xf32, #tpu.memory_space<hbm>>) target(%dma_start3A_382 : memref<32x128xf32, #tpu.memory_space<vmem>>) offsets(%dma_start3A_385 : memref<32xi32, #tpu.memory_space<vmem>>) semaphore(%arg13 : memref<!tpu.dma_semaphore, #tpu.memory_space<semaphore_mem>>)
          %dma_start3A_389 = arith.constant 32 : i32
          %dma_start3A_390 = arith.constant 0 : i32
          %dma_start3A_391 = tpu.memref_slice %arg8[%dma_start3A_389, %dma_start3A_390] : memref<64x128xf32, #tpu.memory_space<vmem>> -> memref<32x128xf32, #tpu.memory_space<vmem>>
          %dma_start3A_392 = arith.constant 32 : i32
          %dma_start3A_393 = tpu.memref_slice %arg6[%sub3A_249, %dma_start3A_392] : memref<40x64xi32, #tpu.memory_space<vmem>> -> memref<1x32xi32, #tpu.memory_space<vmem>>
          %dma_start3A_394 = tpu.memref_squeeze %dma_start3A_393 : memref<1x32xi32, #tpu.memory_space<vmem>> -> memref<32xi32, #tpu.memory_space<vmem>>
          %dma_start3A_395 = arith.constant 0 : i32
          %dma_start3A_396 = arith.constant 0 : i32
          %dma_start3A_397 = tpu.memref_slice %arg2[%dma_start3A_395, %dma_start3A_396] : memref<10000x128xf32, #tpu.memory_space<hbm>> -> memref<10000x128xf32, #tpu.memory_space<hbm>>
          tpu.enqueue_indirect_dma source(%dma_start3A_397 : memref<10000x128xf32, #tpu.memory_space<hbm>>) target(%dma_start3A_391 : memref<32x128xf32, #tpu.memory_space<vmem>>) offsets(%dma_start3A_394 : memref<32xi32, #tpu.memory_space<vmem>>) semaphore(%arg17 : memref<!tpu.dma_semaphore, #tpu.memory_space<semaphore_mem>>)
        } else {
        }
        %mul3A_288 = arith.constant 4 : i32
        %mul3A_289 = arith.muli %mul3A_288, %scan3A_199 : i32
        %add3A_290 = arith.constant 2 : i32
        %add3A_291 = arith.addi %mul3A_289, %add3A_290 : i32
        %add3A_292 = arith.constant 4 : i32
        %add3A_293 = arith.addi %add3A_291, %add3A_292 : i32
        %sub3A_294 = arith.constant 1 : i32
        %sub3A_295 = arith.subi %add3A_293, %sub3A_294 : i32
        %dma_wait3A_296 = arith.constant 0 : i32
        %dma_wait3A_297 = arith.constant 0 : i32
        %dma_wait3A_298 = arith.constant 0 : i32
        %dma_wait3A_299 = tpu.memref_slice %arg10[%dma_wait3A_297, %dma_wait3A_298] : memref<64x128xf32, #tpu.memory_space<vmem>> -> memref<32x128xf32, #tpu.memory_space<vmem>>
        %dma_wait3A_300 = arith.constant 0 : i32
        %dma_wait3A_301 = tpu.memref_slice %arg6[%dma_wait3A_296, %dma_wait3A_300] : memref<40x64xi32, #tpu.memory_space<vmem>> -> memref<1x32xi32, #tpu.memory_space<vmem>>
        %dma_wait3A_302 = tpu.memref_squeeze %dma_wait3A_301 : memref<1x32xi32, #tpu.memory_space<vmem>> -> memref<32xi32, #tpu.memory_space<vmem>>
        %dma_wait3A_303 = arith.constant 0 : i32
        %dma_wait3A_304 = arith.constant 0 : i32
        %dma_wait3A_305 = tpu.memref_slice %arg2[%dma_wait3A_303, %dma_wait3A_304] : memref<10000x128xf32, #tpu.memory_space<hbm>> -> memref<10000x128xf32, #tpu.memory_space<hbm>>
        tpu.wait_indirect_dma semaphore(%arg15 : memref<!tpu.dma_semaphore, #tpu.memory_space<semaphore_mem>>) src(%dma_wait3A_305 : memref<10000x128xf32, #tpu.memory_space<hbm>>) dst(%dma_wait3A_299 : memref<32x128xf32, #tpu.memory_space<vmem>>)
        %dma_wait3A_306 = arith.constant 0 : i32
        %dma_wait3A_307 = arith.constant 32 : i32
        %dma_wait3A_308 = arith.constant 0 : i32
        %dma_wait3A_309 = tpu.memref_slice %arg10[%dma_wait3A_307, %dma_wait3A_308] : memref<64x128xf32, #tpu.memory_space<vmem>> -> memref<32x128xf32, #tpu.memory_space<vmem>>
        %dma_wait3A_310 = arith.constant 0 : i32
        %dma_wait3A_311 = tpu.memref_slice %arg6[%dma_wait3A_306, %dma_wait3A_310] : memref<40x64xi32, #tpu.memory_space<vmem>> -> memref<1x32xi32, #tpu.memory_space<vmem>>
        %dma_wait3A_312 = tpu.memref_squeeze %dma_wait3A_311 : memref<1x32xi32, #tpu.memory_space<vmem>> -> memref<32xi32, #tpu.memory_space<vmem>>
        %dma_wait3A_313 = arith.constant 0 : i32
        %dma_wait3A_314 = arith.constant 0 : i32
        %dma_wait3A_315 = tpu.memref_slice %arg2[%dma_wait3A_313, %dma_wait3A_314] : memref<10000x128xf32, #tpu.memory_space<hbm>> -> memref<10000x128xf32, #tpu.memory_space<hbm>>
        tpu.wait_indirect_dma semaphore(%arg19 : memref<!tpu.dma_semaphore, #tpu.memory_space<semaphore_mem>>) src(%dma_wait3A_315 : memref<10000x128xf32, #tpu.memory_space<hbm>>) dst(%dma_wait3A_309 : memref<32x128xf32, #tpu.memory_space<vmem>>)
        %dma_wait3A_316 = arith.constant 0 : i32
        %dma_wait3A_317 = arith.constant 0 : i32
        %dma_wait3A_318 = tpu.memref_slice %arg7[%dma_wait3A_316, %dma_wait3A_317] : memref<40x64xi32, #tpu.memory_space<vmem>> -> memref<1x64xi32, #tpu.memory_space<vmem>>
        %dma_wait3A_319 = tpu.memref_squeeze %dma_wait3A_318 : memref<1x64xi32, #tpu.memory_space<vmem>> -> memref<64xi32, #tpu.memory_space<vmem>>
        %dma_wait3A_320 = arith.constant 0 : i32
        %dma_wait3A_321 = arith.constant 0 : i32
        %dma_wait3A_322 = tpu.memref_slice %arg12[%dma_wait3A_320, %dma_wait3A_321] : memref<10000x128xf32, #tpu.memory_space<vmem_shared>> -> memref<10000x128xf32, #tpu.memory_space<vmem_shared>>
        tpu.wait_indirect_dma semaphore(%arg22 : memref<!tpu.dma_semaphore, #tpu.memory_space<semaphore_mem>>) src(%arg9 : memref<64x128xf32, #tpu.memory_space<vmem>>) dst(%dma_wait3A_322 : memref<10000x128xf32, #tpu.memory_space<vmem_shared>>)
        %dma_start3A_323 = arith.constant 0 : i32
        %dma_start3A_324 = tpu.memref_slice %arg7[%add3A_291, %dma_start3A_323] : memref<40x64xi32, #tpu.memory_space<vmem>> -> memref<1x64xi32, #tpu.memory_space<vmem>>
        %dma_start3A_325 = tpu.memref_squeeze %dma_start3A_324 : memref<1x64xi32, #tpu.memory_space<vmem>> -> memref<64xi32, #tpu.memory_space<vmem>>
        %dma_start3A_326 = arith.constant 0 : i32
        %dma_start3A_327 = arith.constant 0 : i32
        %dma_start3A_328 = tpu.memref_slice %arg12[%dma_start3A_326, %dma_start3A_327] : memref<10000x128xf32, #tpu.memory_space<vmem_shared>> -> memref<10000x128xf32, #tpu.memory_space<vmem_shared>>
        tpu.enqueue_indirect_dma source(%arg10 : memref<64x128xf32, #tpu.memory_space<vmem>>) target(%dma_start3A_328 : memref<10000x128xf32, #tpu.memory_space<vmem_shared>>) offsets(%dma_start3A_325 : memref<64xi32, #tpu.memory_space<vmem>>) semaphore(%arg23 : memref<!tpu.dma_semaphore, #tpu.memory_space<semaphore_mem>>) {add = true}
        %lt3A_329 = arith.constant 40 : i32
        %lt3A_330 = arith.cmpi slt, %sub3A_295, %lt3A_329 : i32
        %convert_element_type3A_331 = arith.extui %lt3A_330 : i1 to i32
        %cond3A_332 = arith.constant 0 : i32
        %cond3A_333 = arith.cmpi ne, %convert_element_type3A_331, %cond3A_332 : i32
        scf.if %cond3A_333 {
          %dma_start3A_380 = arith.constant 0 : i32
          %dma_start3A_381 = arith.constant 0 : i32
          %dma_start3A_382 = tpu.memref_slice %arg9[%dma_start3A_380, %dma_start3A_381] : memref<64x128xf32, #tpu.memory_space<vmem>> -> memref<32x128xf32, #tpu.memory_space<vmem>>
          %dma_start3A_383 = arith.constant 0 : i32
          %dma_start3A_384 = tpu.memref_slice %arg6[%sub3A_295, %dma_start3A_383] : memref<40x64xi32, #tpu.memory_space<vmem>> -> memref<1x32xi32, #tpu.memory_space<vmem>>
          %dma_start3A_385 = tpu.memref_squeeze %dma_start3A_384 : memref<1x32xi32, #tpu.memory_space<vmem>> -> memref<32xi32, #tpu.memory_space<vmem>>
          %dma_start3A_386 = arith.constant 0 : i32
          %dma_start3A_387 = arith.constant 0 : i32
          %dma_start3A_388 = tpu.memref_slice %arg2[%dma_start3A_386, %dma_start3A_387] : memref<10000x128xf32, #tpu.memory_space<hbm>> -> memref<10000x128xf32, #tpu.memory_space<hbm>>
          tpu.enqueue_indirect_dma source(%dma_start3A_388 : memref<10000x128xf32, #tpu.memory_space<hbm>>) target(%dma_start3A_382 : memref<32x128xf32, #tpu.memory_space<vmem>>) offsets(%dma_start3A_385 : memref<32xi32, #tpu.memory_space<vmem>>) semaphore(%arg14 : memref<!tpu.dma_semaphore, #tpu.memory_space<semaphore_mem>>)
          %dma_start3A_389 = arith.constant 32 : i32
          %dma_start3A_390 = arith.constant 0 : i32
          %dma_start3A_391 = tpu.memref_slice %arg9[%dma_start3A_389, %dma_start3A_390] : memref<64x128xf32, #tpu.memory_space<vmem>> -> memref<32x128xf32, #tpu.memory_space<vmem>>
          %dma_start3A_392 = arith.constant 32 : i32
          %dma_start3A_393 = tpu.memref_slice %arg6[%sub3A_295, %dma_start3A_392] : memref<40x64xi32, #tpu.memory_space<vmem>> -> memref<1x32xi32, #tpu.memory_space<vmem>>
          %dma_start3A_394 = tpu.memref_squeeze %dma_start3A_393 : memref<1x32xi32, #tpu.memory_space<vmem>> -> memref<32xi32, #tpu.memory_space<vmem>>
          %dma_start3A_395 = arith.constant 0 : i32
          %dma_start3A_396 = arith.constant 0 : i32
          %dma_start3A_397 = tpu.memref_slice %arg2[%dma_start3A_395, %dma_start3A_396] : memref<10000x128xf32, #tpu.memory_space<hbm>> -> memref<10000x128xf32, #tpu.memory_space<hbm>>
          tpu.enqueue_indirect_dma source(%dma_start3A_397 : memref<10000x128xf32, #tpu.memory_space<hbm>>) target(%dma_start3A_391 : memref<32x128xf32, #tpu.memory_space<vmem>>) offsets(%dma_start3A_394 : memref<32xi32, #tpu.memory_space<vmem>>) semaphore(%arg18 : memref<!tpu.dma_semaphore, #tpu.memory_space<semaphore_mem>>)
        } else {
        }
        %mul3A_334 = arith.constant 4 : i32
        %mul3A_335 = arith.muli %mul3A_334, %scan3A_199 : i32
        %add3A_336 = arith.constant 3 : i32
        %add3A_337 = arith.addi %mul3A_335, %add3A_336 : i32
        %add3A_338 = arith.constant 4 : i32
        %add3A_339 = arith.addi %add3A_337, %add3A_338 : i32
        %sub3A_340 = arith.constant 1 : i32
        %sub3A_341 = arith.subi %add3A_339, %sub3A_340 : i32
        %dma_wait3A_342 = arith.constant 0 : i32
        %dma_wait3A_343 = arith.constant 0 : i32
        %dma_wait3A_344 = arith.constant 0 : i32
        %dma_wait3A_345 = tpu.memref_slice %arg11[%dma_wait3A_343, %dma_wait3A_344] : memref<64x128xf32, #tpu.memory_space<vmem>> -> memref<32x128xf32, #tpu.memory_space<vmem>>
        %dma_wait3A_346 = arith.constant 0 : i32
        %dma_wait3A_347 = tpu.memref_slice %arg6[%dma_wait3A_342, %dma_wait3A_346] : memref<40x64xi32, #tpu.memory_space<vmem>> -> memref<1x32xi32, #tpu.memory_space<vmem>>
        %dma_wait3A_348 = tpu.memref_squeeze %dma_wait3A_347 : memref<1x32xi32, #tpu.memory_space<vmem>> -> memref<32xi32, #tpu.memory_space<vmem>>
        %dma_wait3A_349 = arith.constant 0 : i32
        %dma_wait3A_350 = arith.constant 0 : i32
        %dma_wait3A_351 = tpu.memref_slice %arg2[%dma_wait3A_349, %dma_wait3A_350] : memref<10000x128xf32, #tpu.memory_space<hbm>> -> memref<10000x128xf32, #tpu.memory_space<hbm>>
        tpu.wait_indirect_dma semaphore(%arg16 : memref<!tpu.dma_semaphore, #tpu.memory_space<semaphore_mem>>) src(%dma_wait3A_351 : memref<10000x128xf32, #tpu.memory_space<hbm>>) dst(%dma_wait3A_345 : memref<32x128xf32, #tpu.memory_space<vmem>>)
        %dma_wait3A_352 = arith.constant 0 : i32
        %dma_wait3A_353 = arith.constant 32 : i32
        %dma_wait3A_354 = arith.constant 0 : i32
        %dma_wait3A_355 = tpu.memref_slice %arg11[%dma_wait3A_353, %dma_wait3A_354] : memref<64x128xf32, #tpu.memory_space<vmem>> -> memref<32x128xf32, #tpu.memory_space<vmem>>
        %dma_wait3A_356 = arith.constant 0 : i32
        %dma_wait3A_357 = tpu.memref_slice %arg6[%dma_wait3A_352, %dma_wait3A_356] : memref<40x64xi32, #tpu.memory_space<vmem>> -> memref<1x32xi32, #tpu.memory_space<vmem>>
        %dma_wait3A_358 = tpu.memref_squeeze %dma_wait3A_357 : memref<1x32xi32, #tpu.memory_space<vmem>> -> memref<32xi32, #tpu.memory_space<vmem>>
        %dma_wait3A_359 = arith.constant 0 : i32
        %dma_wait3A_360 = arith.constant 0 : i32
        %dma_wait3A_361 = tpu.memref_slice %arg2[%dma_wait3A_359, %dma_wait3A_360] : memref<10000x128xf32, #tpu.memory_space<hbm>> -> memref<10000x128xf32, #tpu.memory_space<hbm>>
        tpu.wait_indirect_dma semaphore(%arg20 : memref<!tpu.dma_semaphore, #tpu.memory_space<semaphore_mem>>) src(%dma_wait3A_361 : memref<10000x128xf32, #tpu.memory_space<hbm>>) dst(%dma_wait3A_355 : memref<32x128xf32, #tpu.memory_space<vmem>>)
        %dma_wait3A_362 = arith.constant 0 : i32
        %dma_wait3A_363 = arith.constant 0 : i32
        %dma_wait3A_364 = tpu.memref_slice %arg7[%dma_wait3A_362, %dma_wait3A_363] : memref<40x64xi32, #tpu.memory_space<vmem>> -> memref<1x64xi32, #tpu.memory_space<vmem>>
        %dma_wait3A_365 = tpu.memref_squeeze %dma_wait3A_364 : memref<1x64xi32, #tpu.memory_space<vmem>> -> memref<64xi32, #tpu.memory_space<vmem>>
        %dma_wait3A_366 = arith.constant 0 : i32
        %dma_wait3A_367 = arith.constant 0 : i32
        %dma_wait3A_368 = tpu.memref_slice %arg12[%dma_wait3A_366, %dma_wait3A_367] : memref<10000x128xf32, #tpu.memory_space<vmem_shared>> -> memref<10000x128xf32, #tpu.memory_space<vmem_shared>>
        tpu.wait_indirect_dma semaphore(%arg23 : memref<!tpu.dma_semaphore, #tpu.memory_space<semaphore_mem>>) src(%arg10 : memref<64x128xf32, #tpu.memory_space<vmem>>) dst(%dma_wait3A_368 : memref<10000x128xf32, #tpu.memory_space<vmem_shared>>)
        %dma_start3A_369 = arith.constant 0 : i32
        %dma_start3A_370 = tpu.memref_slice %arg7[%add3A_337, %dma_start3A_369] : memref<40x64xi32, #tpu.memory_space<vmem>> -> memref<1x64xi32, #tpu.memory_space<vmem>>
        %dma_start3A_371 = tpu.memref_squeeze %dma_start3A_370 : memref<1x64xi32, #tpu.memory_space<vmem>> -> memref<64xi32, #tpu.memory_space<vmem>>
        %dma_start3A_372 = arith.constant 0 : i32
        %dma_start3A_373 = arith.constant 0 : i32
        %dma_start3A_374 = tpu.memref_slice %arg12[%dma_start3A_372, %dma_start3A_373] : memref<10000x128xf32, #tpu.memory_space<vmem_shared>> -> memref<10000x128xf32, #tpu.memory_space<vmem_shared>>
        tpu.enqueue_indirect_dma source(%arg11 : memref<64x128xf32, #tpu.memory_space<vmem>>) target(%dma_start3A_374 : memref<10000x128xf32, #tpu.memory_space<vmem_shared>>) offsets(%dma_start3A_371 : memref<64xi32, #tpu.memory_space<vmem>>) semaphore(%arg24 : memref<!tpu.dma_semaphore, #tpu.memory_space<semaphore_mem>>) {add = true}
        %lt3A_375 = arith.constant 40 : i32
        %lt3A_376 = arith.cmpi slt, %sub3A_341, %lt3A_375 : i32
        %convert_element_type3A_377 = arith.extui %lt3A_376 : i1 to i32
        %cond3A_378 = arith.constant 0 : i32
        %cond3A_379 = arith.cmpi ne, %convert_element_type3A_377, %cond3A_378 : i32
        scf.if %cond3A_379 {
          %dma_start3A_380 = arith.constant 0 : i32
          %dma_start3A_381 = arith.constant 0 : i32
          %dma_start3A_382 = tpu.memref_slice %arg10[%dma_start3A_380, %dma_start3A_381] : memref<64x128xf32, #tpu.memory_space<vmem>> -> memref<32x128xf32, #tpu.memory_space<vmem>>
          %dma_start3A_383 = arith.constant 0 : i32
          %dma_start3A_384 = tpu.memref_slice %arg6[%sub3A_341, %dma_start3A_383] : memref<40x64xi32, #tpu.memory_space<vmem>> -> memref<1x32xi32, #tpu.memory_space<vmem>>
          %dma_start3A_385 = tpu.memref_squeeze %dma_start3A_384 : memref<1x32xi32, #tpu.memory_space<vmem>> -> memref<32xi32, #tpu.memory_space<vmem>>
          %dma_start3A_386 = arith.constant 0 : i32
          %dma_start3A_387 = arith.constant 0 : i32
          %dma_start3A_388 = tpu.memref_slice %arg2[%dma_start3A_386, %dma_start3A_387] : memref<10000x128xf32, #tpu.memory_space<hbm>> -> memref<10000x128xf32, #tpu.memory_space<hbm>>
          tpu.enqueue_indirect_dma source(%dma_start3A_388 : memref<10000x128xf32, #tpu.memory_space<hbm>>) target(%dma_start3A_382 : memref<32x128xf32, #tpu.memory_space<vmem>>) offsets(%dma_start3A_385 : memref<32xi32, #tpu.memory_space<vmem>>) semaphore(%arg15 : memref<!tpu.dma_semaphore, #tpu.memory_space<semaphore_mem>>)
          %dma_start3A_389 = arith.constant 32 : i32
          %dma_start3A_390 = arith.constant 0 : i32
          %dma_start3A_391 = tpu.memref_slice %arg10[%dma_start3A_389, %dma_start3A_390] : memref<64x128xf32, #tpu.memory_space<vmem>> -> memref<32x128xf32, #tpu.memory_space<vmem>>
          %dma_start3A_392 = arith.constant 32 : i32
          %dma_start3A_393 = tpu.memref_slice %arg6[%sub3A_341, %dma_start3A_392] : memref<40x64xi32, #tpu.memory_space<vmem>> -> memref<1x32xi32, #tpu.memory_space<vmem>>
          %dma_start3A_394 = tpu.memref_squeeze %dma_start3A_393 : memref<1x32xi32, #tpu.memory_space<vmem>> -> memref<32xi32, #tpu.memory_space<vmem>>
          %dma_start3A_395 = arith.constant 0 : i32
          %dma_start3A_396 = arith.constant 0 : i32
          %dma_start3A_397 = tpu.memref_slice %arg2[%dma_start3A_395, %dma_start3A_396] : memref<10000x128xf32, #tpu.memory_space<hbm>> -> memref<10000x128xf32, #tpu.memory_space<hbm>>
          tpu.enqueue_indirect_dma source(%dma_start3A_397 : memref<10000x128xf32, #tpu.memory_space<hbm>>) target(%dma_start3A_391 : memref<32x128xf32, #tpu.memory_space<vmem>>) offsets(%dma_start3A_394 : memref<32xi32, #tpu.memory_space<vmem>>) semaphore(%arg19 : memref<!tpu.dma_semaphore, #tpu.memory_space<semaphore_mem>>)
        } else {
        }
      }
      %scan3A_191 = arith.constant 10 : i32
      %dma_wait3A_192 = arith.constant 0 : i32
      %dma_wait3A_193 = arith.constant 0 : i32
      %dma_wait3A_194 = tpu.memref_slice %arg7[%dma_wait3A_192, %dma_wait3A_193] : memref<40x64xi32, #tpu.memory_space<vmem>> -> memref<1x64xi32, #tpu.memory_space<vmem>>
      %dma_wait3A_195 = tpu.memref_squeeze %dma_wait3A_194 : memref<1x64xi32, #tpu.memory_space<vmem>> -> memref<64xi32, #tpu.memory_space<vmem>>
      %dma_wait3A_196 = arith.constant 0 : i32
      %dma_wait3A_197 = arith.constant 0 : i32
      %dma_wait3A_198 = tpu.memref_slice %arg12[%dma_wait3A_196, %dma_wait3A_197] : memref<10000x128xf32, #tpu.memory_space<vmem_shared>> -> memref<10000x128xf32, #tpu.memory_space<vmem_shared>>
      tpu.wait_indirect_dma semaphore(%arg24 : memref<!tpu.dma_semaphore, #tpu.memory_space<semaphore_mem>>) src(%arg11 : memref<64x128xf32, #tpu.memory_space<vmem>>) dst(%dma_wait3A_198 : memref<10000x128xf32, #tpu.memory_space<vmem_shared>>)
    } else {
    }
    %barrier3A_112 = arith.constant 0 : index
    tpu.barrier barrier_id(%barrier3A_112)
    %mul3A_113 = arith.constant 624 : i32
    %mul3A_114 = arith.muli %arg1, %mul3A_113 : i32
    %mul3A_115 = arith.constant 624 : i32
    %mul3A_116 = arith.muli %arg1, %mul3A_115 : i32
    "tpu.region"() ({
      %run_scoped3A = tpu.sem_alloc : memref<!tpu.dma_semaphore, #tpu.memory_space<semaphore_mem>>
      %dma_start3A_122 = arith.constant 0 : i32
      %dma_start3A_123 = tpu.memref_slice %arg5[%arg0, %mul3A_116, %dma_start3A_122] : memref<2x10000x128xf32, #tpu.memory_space<hbm>> -> memref<1x624x128xf32, #tpu.memory_space<hbm>>
      %dma_start3A_124 = tpu.memref_squeeze %dma_start3A_123 : memref<1x624x128xf32, #tpu.memory_space<hbm>> -> memref<624x128xf32, #tpu.memory_space<hbm>>
      %dma_start3A_125 = arith.constant 0 : i32
      %dma_start3A_126 = tpu.memref_slice %arg12[%mul3A_114, %dma_start3A_125] : memref<10000x128xf32, #tpu.memory_space<vmem_shared>> -> memref<624x128xf32, #tpu.memory_space<vmem_shared>>
      tpu.enqueue_dma source(%dma_start3A_126 : memref<624x128xf32, #tpu.memory_space<vmem_shared>>) target(%dma_start3A_124 : memref<624x128xf32, #tpu.memory_space<hbm>>) target_semaphore(%run_scoped3A : memref<!tpu.dma_semaphore, #tpu.memory_space<semaphore_mem>>)
      %dma_wait3A_127 = arith.constant 0 : i32
      %dma_wait3A_128 = tpu.memref_slice %arg5[%arg0, %mul3A_116, %dma_wait3A_127] : memref<2x10000x128xf32, #tpu.memory_space<hbm>> -> memref<1x624x128xf32, #tpu.memory_space<hbm>>
      %dma_wait3A_129 = tpu.memref_squeeze %dma_wait3A_128 : memref<1x624x128xf32, #tpu.memory_space<hbm>> -> memref<624x128xf32, #tpu.memory_space<hbm>>
      %dma_wait3A_130 = arith.constant 0 : i32
      %dma_wait3A_131 = tpu.memref_slice %arg12[%mul3A_114, %dma_wait3A_130] : memref<10000x128xf32, #tpu.memory_space<vmem_shared>> -> memref<624x128xf32, #tpu.memory_space<vmem_shared>>
      tpu.wait_dma2 semaphore(%run_scoped3A : memref<!tpu.dma_semaphore, #tpu.memory_space<semaphore_mem>>) src(%dma_wait3A_131 : memref<624x128xf32, #tpu.memory_space<vmem_shared>>) dst(%dma_wait3A_129 : memref<624x128xf32, #tpu.memory_space<hbm>>)
      tpu.yield
    }) : () -> ()
    %eq3A_117 = arith.constant 0 : i32
    %eq3A_118 = arith.cmpi eq, %arg1, %eq3A_117 : i32
    %convert_element_type3A_119 = arith.extui %eq3A_118 : i1 to i32
    %cond3A_120 = arith.constant 0 : i32
    %cond3A_121 = arith.cmpi ne, %convert_element_type3A_119, %cond3A_120 : i32
    scf.if %cond3A_121 {
      "tpu.region"() ({
        %run_scoped3A = tpu.sem_alloc : memref<!tpu.dma_semaphore, #tpu.memory_space<semaphore_mem>>
        %dma_start3A_122 = arith.constant 9984 : i32
        %dma_start3A_123 = arith.constant 0 : i32
        %dma_start3A_124 = tpu.memref_slice %arg5[%arg0, %dma_start3A_122, %dma_start3A_123] : memref<2x10000x128xf32, #tpu.memory_space<hbm>> -> memref<1x16x128xf32, #tpu.memory_space<hbm>>
        %dma_start3A_125 = tpu.memref_squeeze %dma_start3A_124 : memref<1x16x128xf32, #tpu.memory_space<hbm>> -> memref<16x128xf32, #tpu.memory_space<hbm>>
        %dma_start3A_126 = arith.constant 9984 : i32
        %dma_start3A_127 = arith.constant 0 : i32
        %dma_start3A_128 = tpu.memref_slice %arg12[%dma_start3A_126, %dma_start3A_127] : memref<10000x128xf32, #tpu.memory_space<vmem_shared>> -> memref<16x128xf32, #tpu.memory_space<vmem_shared>>
        tpu.enqueue_dma source(%dma_start3A_128 : memref<16x128xf32, #tpu.memory_space<vmem_shared>>) target(%dma_start3A_125 : memref<16x128xf32, #tpu.memory_space<hbm>>) target_semaphore(%run_scoped3A : memref<!tpu.dma_semaphore, #tpu.memory_space<semaphore_mem>>)
        %dma_wait3A_129 = arith.constant 9984 : i32
        %dma_wait3A_130 = arith.constant 0 : i32
        %dma_wait3A_131 = tpu.memref_slice %arg5[%arg0, %dma_wait3A_129, %dma_wait3A_130] : memref<2x10000x128xf32, #tpu.memory_space<hbm>> -> memref<1x16x128xf32, #tpu.memory_space<hbm>>
        %dma_wait3A_132 = tpu.memref_squeeze %dma_wait3A_131 : memref<1x16x128xf32, #tpu.memory_space<hbm>> -> memref<16x128xf32, #tpu.memory_space<hbm>>
        %dma_wait3A_133 = arith.constant 9984 : i32
        %dma_wait3A_134 = arith.constant 0 : i32
        %dma_wait3A_135 = tpu.memref_slice %arg12[%dma_wait3A_133, %dma_wait3A_134] : memref<10000x128xf32, #tpu.memory_space<vmem_shared>> -> memref<16x128xf32, #tpu.memory_space<vmem_shared>>
        tpu.wait_dma2 semaphore(%run_scoped3A : memref<!tpu.dma_semaphore, #tpu.memory_space<semaphore_mem>>) src(%dma_wait3A_135 : memref<16x128xf32, #tpu.memory_space<vmem_shared>>) dst(%dma_wait3A_132 : memref<16x128xf32, #tpu.memory_space<hbm>>)
        tpu.yield
      }) : () -> ()
    } else {
    }
    return
  }
}

#map = affine_map<(d0, d1) -> (0, 0)>
#map1 = affine_map<(d0, d1) -> (0, 0, 0)>
module attributes {stable_mosaic.version = 14 : i64} {
  func.func @_segsum_body(%arg0: i32, %arg1: i32, %arg2: memref<10000x128xf32, #tpu.memory_space<hbm>>, %arg3: memref<5000x64xi32, #tpu.memory_space<hbm>>, %arg4: memref<5000x64xi32, #tpu.memory_space<hbm>>, %arg5: memref<2x10000x128xf32, #tpu.memory_space<hbm>>, %arg6: memref<40x64xi32, #tpu.memory_space<vmem>>, %arg7: memref<40x64xi32, #tpu.memory_space<vmem>>, %arg8: memref<64x128xf32, #tpu.memory_space<vmem>>, %arg9: memref<64x128xf32, #tpu.memory_space<vmem>>, %arg10: memref<64x128xf32, #tpu.memory_space<vmem>>, %arg11: memref<64x128xf32, #tpu.memory_space<vmem>>, %arg12: memref<10000x128xf32, #tpu.memory_space<vmem_shared>>, %arg13: memref<!tpu.dma_semaphore, #tpu.memory_space<semaphore_mem>>, %arg14: memref<!tpu.dma_semaphore, #tpu.memory_space<semaphore_mem>>, %arg15: memref<!tpu.dma_semaphore, #tpu.memory_space<semaphore_mem>>, %arg16: memref<!tpu.dma_semaphore, #tpu.memory_space<semaphore_mem>>, %arg17: memref<!tpu.dma_semaphore, #tpu.memory_space<semaphore_mem>>, %arg18: memref<!tpu.dma_semaphore, #tpu.memory_space<semaphore_mem>>, %arg19: memref<!tpu.dma_semaphore, #tpu.memory_space<semaphore_mem>>, %arg20: memref<!tpu.dma_semaphore, #tpu.memory_space<semaphore_mem>>, %arg21: memref<!tpu.dma_semaphore, #tpu.memory_space<semaphore_mem>>, %arg22: memref<!tpu.dma_semaphore, #tpu.memory_space<semaphore_mem>>, %arg23: memref<!tpu.dma_semaphore, #tpu.memory_space<semaphore_mem>>, %arg24: memref<!tpu.dma_semaphore, #tpu.memory_space<semaphore_mem>>) attributes {dimension_semantics = [#tpu.dimension_semantics<core_parallel>, #tpu.dimension_semantics<subcore_parallel>], iteration_bounds = array<i64: 2, 16>, scalar_prefetch = 0 : i64, scratch_operands = 19 : i64, tpu.core_type = #tpu.core_type<sc_vector_subcore>, window_params = [{transform_indices = #map}, {transform_indices = #map}, {transform_indices = #map}, {transform_indices = #map1}]} {
    %mul3A = arith.constant 16 : i32
    %mul3A_0 = arith.muli %arg0, %mul3A : i32
    %add3A = arith.addi %mul3A_0, %arg1 : i32
    %scan3A = arith.constant 0 : i32
    %scan3A_1 = arith.constant 0 : i32
    %scan3A_2 = arith.constant 64 : i32
    %scan3A_3 = arith.addi %scan3A_1, %scan3A_2 : i32
    %scan3A_4 = arith.constant 1 : i32
    scf.for %scan3A_122 = %scan3A_1 to %scan3A_3 step %scan3A_4  : i32 {
      %broadcast_in_dim3A = arith.constant 0.000000e+00 : f32
      %broadcast_in_dim3A_123 = vector.broadcast %broadcast_in_dim3A : f32 to vector<16xf32>
      %swap3A = arith.index_cast %scan3A_122 : i32 to index
      %swap3A_124 = arith.constant 0 : index
      %swap3A_125 = tpu.vector_load %arg8[%swap3A, %swap3A_124] {strides = array<i32>} : memref<64x128xf32, #tpu.memory_space<vmem>>, vector<1x16xf32>,
      %swap3A_126 = vector.shape_cast %swap3A_125 : vector<1x16xf32> to vector<16xf32>
      %swap3A_127 = vector.shape_cast %broadcast_in_dim3A_123 : vector<16xf32> to vector<1x16xf32>
      tpu.vector_store %arg8[%swap3A, %swap3A_124], %swap3A_127 {strides = array<i32>} : memref<64x128xf32, #tpu.memory_space<vmem>>, vector<1x16xf32>,
      %broadcast_in_dim3A_128 = arith.constant 0.000000e+00 : f32
      %broadcast_in_dim3A_129 = vector.broadcast %broadcast_in_dim3A_128 : f32 to vector<16xf32>
      %swap3A_130 = arith.index_cast %scan3A_122 : i32 to index
      %swap3A_131 = arith.constant 16 : index
      %swap3A_132 = tpu.vector_load %arg8[%swap3A_130, %swap3A_131] {strides = array<i32>} : memref<64x128xf32, #tpu.memory_space<vmem>>, vector<1x16xf32>,
      %swap3A_133 = vector.shape_cast %swap3A_132 : vector<1x16xf32> to vector<16xf32>
      %swap3A_134 = vector.shape_cast %broadcast_in_dim3A_129 : vector<16xf32> to vector<1x16xf32>
      tpu.vector_store %arg8[%swap3A_130, %swap3A_131], %swap3A_134 {strides = array<i32>} : memref<64x128xf32, #tpu.memory_space<vmem>>, vector<1x16xf32>,
      %broadcast_in_dim3A_135 = arith.constant 0.000000e+00 : f32
      %broadcast_in_dim3A_136 = vector.broadcast %broadcast_in_dim3A_135 : f32 to vector<16xf32>
      %swap3A_137 = arith.index_cast %scan3A_122 : i32 to index
      %swap3A_138 = arith.constant 32 : index
      %swap3A_139 = tpu.vector_load %arg8[%swap3A_137, %swap3A_138] {strides = array<i32>} : memref<64x128xf32, #tpu.memory_space<vmem>>, vector<1x16xf32>,
      %swap3A_140 = vector.shape_cast %swap3A_139 : vector<1x16xf32> to vector<16xf32>
      %swap3A_141 = vector.shape_cast %broadcast_in_dim3A_136 : vector<16xf32> to vector<1x16xf32>
      tpu.vector_store %arg8[%swap3A_137, %swap3A_138], %swap3A_141 {strides = array<i32>} : memref<64x128xf32, #tpu.memory_space<vmem>>, vector<1x16xf32>,
      %broadcast_in_dim3A_142 = arith.constant 0.000000e+00 : f32
      %broadcast_in_dim3A_143 = vector.broadcast %broadcast_in_dim3A_142 : f32 to vector<16xf32>
      %swap3A_144 = arith.index_cast %scan3A_122 : i32 to index
      %swap3A_145 = arith.constant 48 : index
      %swap3A_146 = tpu.vector_load %arg8[%swap3A_144, %swap3A_145] {strides = array<i32>} : memref<64x128xf32, #tpu.memory_space<vmem>>, vector<1x16xf32>,
      %swap3A_147 = vector.shape_cast %swap3A_146 : vector<1x16xf32> to vector<16xf32>
      %swap3A_148 = vector.shape_cast %broadcast_in_dim3A_143 : vector<16xf32> to vector<1x16xf32>
      tpu.vector_store %arg8[%swap3A_144, %swap3A_145], %swap3A_148 {strides = array<i32>} : memref<64x128xf32, #tpu.memory_space<vmem>>, vector<1x16xf32>,
      %broadcast_in_dim3A_149 = arith.constant 0.000000e+00 : f32
      %broadcast_in_dim3A_150 = vector.broadcast %broadcast_in_dim3A_149 : f32 to vector<16xf32>
      %swap3A_151 = arith.index_cast %scan3A_122 : i32 to index
      %swap3A_152 = arith.constant 64 : index
      %swap3A_153 = tpu.vector_load %arg8[%swap3A_151, %swap3A_152] {strides = array<i32>} : memref<64x128xf32, #tpu.memory_space<vmem>>, vector<1x16xf32>,
      %swap3A_154 = vector.shape_cast %swap3A_153 : vector<1x16xf32> to vector<16xf32>
      %swap3A_155 = vector.shape_cast %broadcast_in_dim3A_150 : vector<16xf32> to vector<1x16xf32>
      tpu.vector_store %arg8[%swap3A_151, %swap3A_152], %swap3A_155 {strides = array<i32>} : memref<64x128xf32, #tpu.memory_space<vmem>>, vector<1x16xf32>,
      %broadcast_in_dim3A_156 = arith.constant 0.000000e+00 : f32
      %broadcast_in_dim3A_157 = vector.broadcast %broadcast_in_dim3A_156 : f32 to vector<16xf32>
      %swap3A_158 = arith.index_cast %scan3A_122 : i32 to index
      %swap3A_159 = arith.constant 80 : index
      %swap3A_160 = tpu.vector_load %arg8[%swap3A_158, %swap3A_159] {strides = array<i32>} : memref<64x128xf32, #tpu.memory_space<vmem>>, vector<1x16xf32>,
      %swap3A_161 = vector.shape_cast %swap3A_160 : vector<1x16xf32> to vector<16xf32>
      %swap3A_162 = vector.shape_cast %broadcast_in_dim3A_157 : vector<16xf32> to vector<1x16xf32>
      tpu.vector_store %arg8[%swap3A_158, %swap3A_159], %swap3A_162 {strides = array<i32>} : memref<64x128xf32, #tpu.memory_space<vmem>>, vector<1x16xf32>,
      %broadcast_in_dim3A_163 = arith.constant 0.000000e+00 : f32
      %broadcast_in_dim3A_164 = vector.broadcast %broadcast_in_dim3A_163 : f32 to vector<16xf32>
      %swap3A_165 = arith.index_cast %scan3A_122 : i32 to index
      %swap3A_166 = arith.constant 96 : index
      %swap3A_167 = tpu.vector_load %arg8[%swap3A_165, %swap3A_166] {strides = array<i32>} : memref<64x128xf32, #tpu.memory_space<vmem>>, vector<1x16xf32>,
      %swap3A_168 = vector.shape_cast %swap3A_167 : vector<1x16xf32> to vector<16xf32>
      %swap3A_169 = vector.shape_cast %broadcast_in_dim3A_164 : vector<16xf32> to vector<1x16xf32>
      tpu.vector_store %arg8[%swap3A_165, %swap3A_166], %swap3A_169 {strides = array<i32>} : memref<64x128xf32, #tpu.memory_space<vmem>>, vector<1x16xf32>,
      %broadcast_in_dim3A_170 = arith.constant 0.000000e+00 : f32
      %broadcast_in_dim3A_171 = vector.broadcast %broadcast_in_dim3A_170 : f32 to vector<16xf32>
      %swap3A_172 = arith.index_cast %scan3A_122 : i32 to index
      %swap3A_173 = arith.constant 112 : index
      %swap3A_174 = tpu.vector_load %arg8[%swap3A_172, %swap3A_173] {strides = array<i32>} : memref<64x128xf32, #tpu.memory_space<vmem>>, vector<1x16xf32>,
      %swap3A_175 = vector.shape_cast %swap3A_174 : vector<1x16xf32> to vector<16xf32>
      %swap3A_176 = vector.shape_cast %broadcast_in_dim3A_171 : vector<16xf32> to vector<1x16xf32>
      tpu.vector_store %arg8[%swap3A_172, %swap3A_173], %swap3A_176 {strides = array<i32>} : memref<64x128xf32, #tpu.memory_space<vmem>>, vector<1x16xf32>,
    }
    %scan3A_5 = arith.constant 64 : i32
    %mul3A_6 = arith.constant 624 : i32
    %mul3A_7 = arith.muli %arg1, %mul3A_6 : i32
    %scan3A_8 = arith.constant 0 : i32
    %scan3A_9 = arith.constant 0 : i32
    %scan3A_10 = arith.constant 9 : i32
    %scan3A_11 = arith.addi %scan3A_9, %scan3A_10 : i32
    %scan3A_12 = arith.constant 1 : i32
    scf.for %scan3A_122 = %scan3A_9 to %scan3A_11 step %scan3A_12  : i32 {
      %mul3A_123 = arith.constant 64 : i32
      %mul3A_124 = arith.muli %scan3A_122, %mul3A_123 : i32
      %add3A_125 = arith.addi %mul3A_7, %mul3A_124 : i32
      "tpu.region"() ({
        %run_scoped3A = tpu.sem_alloc : memref<!tpu.dma_semaphore, #tpu.memory_space<semaphore_mem>>
        %dma_start3A_126 = arith.constant 0 : i32
        %dma_start3A_127 = tpu.memref_slice %arg12[%add3A_125, %dma_start3A_126] : memref<10000x128xf32, #tpu.memory_space<vmem_shared>> -> memref<64x128xf32, #tpu.memory_space<vmem_shared>>
        %dma_start3A_128 = arith.constant 0 : i32
        %dma_start3A_129 = tpu.memref_slice %arg12[%add3A_125, %dma_start3A_128] : memref<10000x128xf32, #tpu.memory_space<vmem_shared>> -> memref<64x128xf32, #tpu.memory_space<vmem_shared>>
        tpu.enqueue_dma source(%arg8 : memref<64x128xf32, #tpu.memory_space<vmem>>) target(%dma_start3A_129 : memref<64x128xf32, #tpu.memory_space<vmem_shared>>) target_semaphore(%run_scoped3A : memref<!tpu.dma_semaphore, #tpu.memory_space<semaphore_mem>>)
        %dma_wait3A_130 = arith.constant 0 : i32
        %dma_wait3A_131 = tpu.memref_slice %arg12[%add3A_125, %dma_wait3A_130] : memref<10000x128xf32, #tpu.memory_space<vmem_shared>> -> memref<64x128xf32, #tpu.memory_space<vmem_shared>>
        %dma_wait3A_132 = arith.constant 0 : i32
        %dma_wait3A_133 = tpu.memref_slice %arg12[%add3A_125, %dma_wait3A_132] : memref<10000x128xf32, #tpu.memory_space<vmem_shared>> -> memref<64x128xf32, #tpu.memory_space<vmem_shared>>
        tpu.wait_dma2 semaphore(%run_scoped3A : memref<!tpu.dma_semaphore, #tpu.memory_space<semaphore_mem>>) src(%arg8 : memref<64x128xf32, #tpu.memory_space<vmem>>) dst(%dma_wait3A_133 : memref<64x128xf32, #tpu.memory_space<vmem_shared>>)
        tpu.yield
      }) : () -> ()
    }
    %scan3A_13 = arith.constant 9 : i32
    %add3A_14 = arith.constant 576 : i32
    %add3A_15 = arith.addi %mul3A_7, %add3A_14 : i32
    "tpu.region"() ({
      %run_scoped3A = tpu.sem_alloc : memref<!tpu.dma_semaphore, #tpu.memory_space<semaphore_mem>>
      %dma_start3A_122 = arith.constant 0 : i32
      %dma_start3A_123 = arith.constant 0 : i32
      %dma_start3A_124 = tpu.memref_slice %arg8[%dma_start3A_122, %dma_start3A_123] : memref<64x128xf32, #tpu.memory_space<vmem>> -> memref<48x128xf32, #tpu.memory_space<vmem>>
      %dma_start3A_125 = arith.constant 0 : i32
      %dma_start3A_126 = tpu.memref_slice %arg12[%add3A_15, %dma_start3A_125] : memref<10000x128xf32, #tpu.memory_space<vmem_shared>> -> memref<48x128xf32, #tpu.memory_space<vmem_shared>>
      %dma_start3A_127 = arith.constant 0 : i32
      %dma_start3A_128 = tpu.memref_slice %arg12[%add3A_15, %dma_start3A_127] : memref<10000x128xf32, #tpu.memory_space<vmem_shared>> -> memref<48x128xf32, #tpu.memory_space<vmem_shared>>
      %dma_start3A_129 = arith.constant 0 : i32
      %dma_start3A_130 = arith.constant 0 : i32
      %dma_start3A_131 = tpu.memref_slice %arg8[%dma_start3A_129, %dma_start3A_130] : memref<64x128xf32, #tpu.memory_space<vmem>> -> memref<48x128xf32, #tpu.memory_space<vmem>>
      tpu.enqueue_dma source(%dma_start3A_131 : memref<48x128xf32, #tpu.memory_space<vmem>>) target(%dma_start3A_128 : memref<48x128xf32, #tpu.memory_space<vmem_shared>>) target_semaphore(%run_scoped3A : memref<!tpu.dma_semaphore, #tpu.memory_space<semaphore_mem>>)
      %dma_wait3A_132 = arith.constant 0 : i32
      %dma_wait3A_133 = arith.constant 0 : i32
      %dma_wait3A_134 = tpu.memref_slice %arg8[%dma_wait3A_132, %dma_wait3A_133] : memref<64x128xf32, #tpu.memory_space<vmem>> -> memref<48x128xf32, #tpu.memory_space<vmem>>
      %dma_wait3A_135 = arith.constant 0 : i32
      %dma_wait3A_136 = tpu.memref_slice %arg12[%add3A_15, %dma_wait3A_135] : memref<10000x128xf32, #tpu.memory_space<vmem_shared>> -> memref<48x128xf32, #tpu.memory_space<vmem_shared>>
      %dma_wait3A_137 = arith.constant 0 : i32
      %dma_wait3A_138 = tpu.memref_slice %arg12[%add3A_15, %dma_wait3A_137] : memref<10000x128xf32, #tpu.memory_space<vmem_shared>> -> memref<48x128xf32, #tpu.memory_space<vmem_shared>>
      %dma_wait3A_139 = arith.constant 0 : i32
      %dma_wait3A_140 = arith.constant 0 : i32
      %dma_wait3A_141 = tpu.memref_slice %arg8[%dma_wait3A_139, %dma_wait3A_140] : memref<64x128xf32, #tpu.memory_space<vmem>> -> memref<48x128xf32, #tpu.memory_space<vmem>>
      tpu.wait_dma2 semaphore(%run_scoped3A : memref<!tpu.dma_semaphore, #tpu.memory_space<semaphore_mem>>) src(%dma_wait3A_141 : memref<48x128xf32, #tpu.memory_space<vmem>>) dst(%dma_wait3A_138 : memref<48x128xf32, #tpu.memory_space<vmem_shared>>)
      tpu.yield
    }) : () -> ()
    %eq3A = arith.constant 0 : i32
    %eq3A_16 = arith.cmpi eq, %arg1, %eq3A : i32
    %convert_element_type3A = arith.extui %eq3A_16 : i1 to i32
    %cond3A = arith.constant 0 : i32
    %cond3A_17 = arith.cmpi ne, %convert_element_type3A, %cond3A : i32
    scf.if %cond3A_17 {
      "tpu.region"() ({
        %run_scoped3A = tpu.sem_alloc : memref<!tpu.dma_semaphore, #tpu.memory_space<semaphore_mem>>
        %dma_start3A_122 = arith.constant 0 : i32
        %dma_start3A_123 = arith.constant 0 : i32
        %dma_start3A_124 = tpu.memref_slice %arg8[%dma_start3A_122, %dma_start3A_123] : memref<64x128xf32, #tpu.memory_space<vmem>> -> memref<16x128xf32, #tpu.memory_space<vmem>>
        %dma_start3A_125 = arith.constant 9984 : i32
        %dma_start3A_126 = arith.constant 0 : i32
        %dma_start3A_127 = tpu.memref_slice %arg12[%dma_start3A_125, %dma_start3A_126] : memref<10000x128xf32, #tpu.memory_space<vmem_shared>> -> memref<16x128xf32, #tpu.memory_space<vmem_shared>>
        %dma_start3A_128 = arith.constant 9984 : i32
        %dma_start3A_129 = arith.constant 0 : i32
        %dma_start3A_130 = tpu.memref_slice %arg12[%dma_start3A_128, %dma_start3A_129] : memref<10000x128xf32, #tpu.memory_space<vmem_shared>> -> memref<16x128xf32, #tpu.memory_space<vmem_shared>>
        %dma_start3A_131 = arith.constant 0 : i32
        %dma_start3A_132 = arith.constant 0 : i32
        %dma_start3A_133 = tpu.memref_slice %arg8[%dma_start3A_131, %dma_start3A_132] : memref<64x128xf32, #tpu.memory_space<vmem>> -> memref<16x128xf32, #tpu.memory_space<vmem>>
        tpu.enqueue_dma source(%dma_start3A_133 : memref<16x128xf32, #tpu.memory_space<vmem>>) target(%dma_start3A_130 : memref<16x128xf32, #tpu.memory_space<vmem_shared>>) target_semaphore(%run_scoped3A : memref<!tpu.dma_semaphore, #tpu.memory_space<semaphore_mem>>)
        %dma_wait3A_134 = arith.constant 0 : i32
        %dma_wait3A_135 = arith.constant 0 : i32
        %dma_wait3A_136 = tpu.memref_slice %arg8[%dma_wait3A_134, %dma_wait3A_135] : memref<64x128xf32, #tpu.memory_space<vmem>> -> memref<16x128xf32, #tpu.memory_space<vmem>>
        %dma_wait3A_137 = arith.constant 9984 : i32
        %dma_wait3A_138 = arith.constant 0 : i32
        %dma_wait3A_139 = tpu.memref_slice %arg12[%dma_wait3A_137, %dma_wait3A_138] : memref<10000x128xf32, #tpu.memory_space<vmem_shared>> -> memref<16x128xf32, #tpu.memory_space<vmem_shared>>
        %dma_wait3A_140 = arith.constant 9984 : i32
        %dma_wait3A_141 = arith.constant 0 : i32
        %dma_wait3A_142 = tpu.memref_slice %arg12[%dma_wait3A_140, %dma_wait3A_141] : memref<10000x128xf32, #tpu.memory_space<vmem_shared>> -> memref<16x128xf32, #tpu.memory_space<vmem_shared>>
        %dma_wait3A_143 = arith.constant 0 : i32
        %dma_wait3A_144 = arith.constant 0 : i32
        %dma_wait3A_145 = tpu.memref_slice %arg8[%dma_wait3A_143, %dma_wait3A_144] : memref<64x128xf32, #tpu.memory_space<vmem>> -> memref<16x128xf32, #tpu.memory_space<vmem>>
        tpu.wait_dma2 semaphore(%run_scoped3A : memref<!tpu.dma_semaphore, #tpu.memory_space<semaphore_mem>>) src(%dma_wait3A_145 : memref<16x128xf32, #tpu.memory_space<vmem>>) dst(%dma_wait3A_142 : memref<16x128xf32, #tpu.memory_space<vmem_shared>>)
        tpu.yield
      }) : () -> ()
    } else {
    }
    %barrier3A = arith.constant 0 : index
    tpu.barrier barrier_id(%barrier3A)
    %mul3A_18 = arith.constant 160 : i32
    %mul3A_19 = arith.muli %add3A, %mul3A_18 : i32
    %eq3A_20 = arith.constant 31 : i32
    %eq3A_21 = arith.cmpi eq, %add3A, %eq3A_20 : i32
    %jit3A = arith.constant 1 : i32
    %jit3A_22 = arith.constant 4 : i32
    %select_n3A = arith.select %eq3A_21, %jit3A, %jit3A_22 : i32
    %add3A_23 = arith.constant 0 : i32
    %add3A_24 = arith.addi %mul3A_19, %add3A_23 : i32
    "tpu.region"() ({
      %run_scoped3A = tpu.sem_alloc : memref<!tpu.dma_semaphore, #tpu.memory_space<semaphore_mem>>
      %dma_start3A_122 = arith.constant 0 : i32
      %dma_start3A_123 = tpu.memref_slice %arg3[%add3A_24, %dma_start3A_122] : memref<5000x64xi32, #tpu.memory_space<hbm>> -> memref<40x64xi32, #tpu.memory_space<hbm>>
      %dma_start3A_124 = arith.constant 0 : i32
      %dma_start3A_125 = tpu.memref_slice %arg3[%add3A_24, %dma_start3A_124] : memref<5000x64xi32, #tpu.memory_space<hbm>> -> memref<40x64xi32, #tpu.memory_space<hbm>>
      tpu.enqueue_dma source(%dma_start3A_125 : memref<40x64xi32, #tpu.memory_space<hbm>>) target(%arg6 : memref<40x64xi32, #tpu.memory_space<vmem>>) target_semaphore(%run_scoped3A : memref<!tpu.dma_semaphore, #tpu.memory_space<semaphore_mem>>)
      %dma_wait3A_126 = arith.constant 0 : i32
      %dma_wait3A_127 = tpu.memref_slice %arg3[%add3A_24, %dma_wait3A_126] : memref<5000x64xi32, #tpu.memory_space<hbm>> -> memref<40x64xi32, #tpu.memory_space<hbm>>
      %dma_wait3A_128 = arith.constant 0 : i32
      %dma_wait3A_129 = tpu.memref_slice %arg3[%add3A_24, %dma_wait3A_128] : memref<5000x64xi32, #tpu.memory_space<hbm>> -> memref<40x64xi32, #tpu.memory_space<hbm>>
      tpu.wait_dma2 semaphore(%run_scoped3A : memref<!tpu.dma_semaphore, #tpu.memory_space<semaphore_mem>>) src(%dma_wait3A_129 : memref<40x64xi32, #tpu.memory_space<hbm>>) dst(%arg6 : memref<40x64xi32, #tpu.memory_space<vmem>>)
      tpu.yield
    }) : () -> ()
    %add3A_25 = arith.constant 0 : i32
    %add3A_26 = arith.addi %mul3A_19, %add3A_25 : i32
    "tpu.region"() ({
      %run_scoped3A = tpu.sem_alloc : memref<!tpu.dma_semaphore, #tpu.memory_space<semaphore_mem>>
      %dma_start3A_122 = arith.constant 0 : i32
      %dma_start3A_123 = tpu.memref_slice %arg4[%add3A_26, %dma_start3A_122] : memref<5000x64xi32, #tpu.memory_space<hbm>> -> memref<40x64xi32, #tpu.memory_space<hbm>>
      %dma_start3A_124 = arith.constant 0 : i32
      %dma_start3A_125 = tpu.memref_slice %arg4[%add3A_26, %dma_start3A_124] : memref<5000x64xi32, #tpu.memory_space<hbm>> -> memref<40x64xi32, #tpu.memory_space<hbm>>
      tpu.enqueue_dma source(%dma_start3A_125 : memref<40x64xi32, #tpu.memory_space<hbm>>) target(%arg7 : memref<40x64xi32, #tpu.memory_space<vmem>>) target_semaphore(%run_scoped3A : memref<!tpu.dma_semaphore, #tpu.memory_space<semaphore_mem>>)
      %dma_wait3A_126 = arith.constant 0 : i32
      %dma_wait3A_127 = tpu.memref_slice %arg4[%add3A_26, %dma_wait3A_126] : memref<5000x64xi32, #tpu.memory_space<hbm>> -> memref<40x64xi32, #tpu.memory_space<hbm>>
      %dma_wait3A_128 = arith.constant 0 : i32
      %dma_wait3A_129 = tpu.memref_slice %arg4[%add3A_26, %dma_wait3A_128] : memref<5000x64xi32, #tpu.memory_space<hbm>> -> memref<40x64xi32, #tpu.memory_space<hbm>>
      tpu.wait_dma2 semaphore(%run_scoped3A : memref<!tpu.dma_semaphore, #tpu.memory_space<semaphore_mem>>) src(%dma_wait3A_129 : memref<40x64xi32, #tpu.memory_space<hbm>>) dst(%arg7 : memref<40x64xi32, #tpu.memory_space<vmem>>)
      tpu.yield
    }) : () -> ()
    %dma_start3A = arith.constant 0 : i32
    %dma_start3A_27 = arith.constant 0 : i32
    %dma_start3A_28 = arith.constant 0 : i32
    %dma_start3A_29 = tpu.memref_slice %arg8[%dma_start3A_27, %dma_start3A_28] : memref<64x128xf32, #tpu.memory_space<vmem>> -> memref<32x128xf32, #tpu.memory_space<vmem>>
    %dma_start3A_30 = arith.constant 0 : i32
    %dma_start3A_31 = tpu.memref_slice %arg6[%dma_start3A, %dma_start3A_30] : memref<40x64xi32, #tpu.memory_space<vmem>> -> memref<1x32xi32, #tpu.memory_space<vmem>>
    %dma_start3A_32 = tpu.memref_squeeze %dma_start3A_31 : memref<1x32xi32, #tpu.memory_space<vmem>> -> memref<32xi32, #tpu.memory_space<vmem>>
    %dma_start3A_33 = arith.constant 0 : i32
    %dma_start3A_34 = arith.constant 0 : i32
    %dma_start3A_35 = tpu.memref_slice %arg2[%dma_start3A_33, %dma_start3A_34] : memref<10000x128xf32, #tpu.memory_space<hbm>> -> memref<10000x128xf32, #tpu.memory_space<hbm>>
    tpu.enqueue_indirect_dma source(%dma_start3A_35 : memref<10000x128xf32, #tpu.memory_space<hbm>>) target(%dma_start3A_29 : memref<32x128xf32, #tpu.memory_space<vmem>>) offsets(%dma_start3A_32 : memref<32xi32, #tpu.memory_space<vmem>>) semaphore(%arg13 : memref<!tpu.dma_semaphore, #tpu.memory_space<semaphore_mem>>)
    %dma_start3A_36 = arith.constant 0 : i32
    %dma_start3A_37 = arith.constant 32 : i32
    %dma_start3A_38 = arith.constant 0 : i32
    %dma_start3A_39 = tpu.memref_slice %arg8[%dma_start3A_37, %dma_start3A_38] : memref<64x128xf32, #tpu.memory_space<vmem>> -> memref<32x128xf32, #tpu.memory_space<vmem>>
    %dma_start3A_40 = arith.constant 32 : i32
    %dma_start3A_41 = tpu.memref_slice %arg6[%dma_start3A_36, %dma_start3A_40] : memref<40x64xi32, #tpu.memory_space<vmem>> -> memref<1x32xi32, #tpu.memory_space<vmem>>
    %dma_start3A_42 = tpu.memref_squeeze %dma_start3A_41 : memref<1x32xi32, #tpu.memory_space<vmem>> -> memref<32xi32, #tpu.memory_space<vmem>>
    %dma_start3A_43 = arith.constant 0 : i32
    %dma_start3A_44 = arith.constant 0 : i32
    %dma_start3A_45 = tpu.memref_slice %arg2[%dma_start3A_43, %dma_start3A_44] : memref<10000x128xf32, #tpu.memory_space<hbm>> -> memref<10000x128xf32, #tpu.memory_space<hbm>>
    tpu.enqueue_indirect_dma source(%dma_start3A_45 : memref<10000x128xf32, #tpu.memory_space<hbm>>) target(%dma_start3A_39 : memref<32x128xf32, #tpu.memory_space<vmem>>) offsets(%dma_start3A_42 : memref<32xi32, #tpu.memory_space<vmem>>) semaphore(%arg17 : memref<!tpu.dma_semaphore, #tpu.memory_space<semaphore_mem>>)
    %dma_start3A_46 = arith.constant 1 : i32
    %dma_start3A_47 = arith.constant 0 : i32
    %dma_start3A_48 = arith.constant 0 : i32
    %dma_start3A_49 = tpu.memref_slice %arg9[%dma_start3A_47, %dma_start3A_48] : memref<64x128xf32, #tpu.memory_space<vmem>> -> memref<32x128xf32, #tpu.memory_space<vmem>>
    %dma_start3A_50 = arith.constant 0 : i32
    %dma_start3A_51 = tpu.memref_slice %arg6[%dma_start3A_46, %dma_start3A_50] : memref<40x64xi32, #tpu.memory_space<vmem>> -> memref<1x32xi32, #tpu.memory_space<vmem>>
    %dma_start3A_52 = tpu.memref_squeeze %dma_start3A_51 : memref<1x32xi32, #tpu.memory_space<vmem>> -> memref<32xi32, #tpu.memory_space<vmem>>
    %dma_start3A_53 = arith.constant 0 : i32
    %dma_start3A_54 = arith.constant 0 : i32
    %dma_start3A_55 = tpu.memref_slice %arg2[%dma_start3A_53, %dma_start3A_54] : memref<10000x128xf32, #tpu.memory_space<hbm>> -> memref<10000x128xf32, #tpu.memory_space<hbm>>
    tpu.enqueue_indirect_dma source(%dma_start3A_55 : memref<10000x128xf32, #tpu.memory_space<hbm>>) target(%dma_start3A_49 : memref<32x128xf32, #tpu.memory_space<vmem>>) offsets(%dma_start3A_52 : memref<32xi32, #tpu.memory_space<vmem>>) semaphore(%arg14 : memref<!tpu.dma_semaphore, #tpu.memory_space<semaphore_mem>>)
    %dma_start3A_56 = arith.constant 1 : i32
    %dma_start3A_57 = arith.constant 32 : i32
    %dma_start3A_58 = arith.constant 0 : i32
    %dma_start3A_59 = tpu.memref_slice %arg9[%dma_start3A_57, %dma_start3A_58] : memref<64x128xf32, #tpu.memory_space<vmem>> -> memref<32x128xf32, #tpu.memory_space<vmem>>
    %dma_start3A_60 = arith.constant 32 : i32
    %dma_start3A_61 = tpu.memref_slice %arg6[%dma_start3A_56, %dma_start3A_60] : memref<40x64xi32, #tpu.memory_space<vmem>> -> memref<1x32xi32, #tpu.memory_space<vmem>>
    %dma_start3A_62 = tpu.memref_squeeze %dma_start3A_61 : memref<1x32xi32, #tpu.memory_space<vmem>> -> memref<32xi32, #tpu.memory_space<vmem>>
    %dma_start3A_63 = arith.constant 0 : i32
    %dma_start3A_64 = arith.constant 0 : i32
    %dma_start3A_65 = tpu.memref_slice %arg2[%dma_start3A_63, %dma_start3A_64] : memref<10000x128xf32, #tpu.memory_space<hbm>> -> memref<10000x128xf32, #tpu.memory_space<hbm>>
    tpu.enqueue_indirect_dma source(%dma_start3A_65 : memref<10000x128xf32, #tpu.memory_space<hbm>>) target(%dma_start3A_59 : memref<32x128xf32, #tpu.memory_space<vmem>>) offsets(%dma_start3A_62 : memref<32xi32, #tpu.memory_space<vmem>>) semaphore(%arg18 : memref<!tpu.dma_semaphore, #tpu.memory_space<semaphore_mem>>)
    %dma_start3A_66 = arith.constant 2 : i32
    %dma_start3A_67 = arith.constant 0 : i32
    %dma_start3A_68 = arith.constant 0 : i32
    %dma_start3A_69 = tpu.memref_slice %arg10[%dma_start3A_67, %dma_start3A_68] : memref<64x128xf32, #tpu.memory_space<vmem>> -> memref<32x128xf32, #tpu.memory_space<vmem>>
    %dma_start3A_70 = arith.constant 0 : i32
    %dma_start3A_71 = tpu.memref_slice %arg6[%dma_start3A_66, %dma_start3A_70] : memref<40x64xi32, #tpu.memory_space<vmem>> -> memref<1x32xi32, #tpu.memory_space<vmem>>
    %dma_start3A_72 = tpu.memref_squeeze %dma_start3A_71 : memref<1x32xi32, #tpu.memory_space<vmem>> -> memref<32xi32, #tpu.memory_space<vmem>>
    %dma_start3A_73 = arith.constant 0 : i32
    %dma_start3A_74 = arith.constant 0 : i32
    %dma_start3A_75 = tpu.memref_slice %arg2[%dma_start3A_73, %dma_start3A_74] : memref<10000x128xf32, #tpu.memory_space<hbm>> -> memref<10000x128xf32, #tpu.memory_space<hbm>>
    tpu.enqueue_indirect_dma source(%dma_start3A_75 : memref<10000x128xf32, #tpu.memory_space<hbm>>) target(%dma_start3A_69 : memref<32x128xf32, #tpu.memory_space<vmem>>) offsets(%dma_start3A_72 : memref<32xi32, #tpu.memory_space<vmem>>) semaphore(%arg15 : memref<!tpu.dma_semaphore, #tpu.memory_space<semaphore_mem>>)
    %dma_start3A_76 = arith.constant 2 : i32
    %dma_start3A_77 = arith.constant 32 : i32
    %dma_start3A_78 = arith.constant 0 : i32
    %dma_start3A_79 = tpu.memref_slice %arg10[%dma_start3A_77, %dma_start3A_78] : memref<64x128xf32, #tpu.memory_space<vmem>> -> memref<32x128xf32, #tpu.memory_space<vmem>>
    %dma_start3A_80 = arith.constant 32 : i32
    %dma_start3A_81 = tpu.memref_slice %arg6[%dma_start3A_76, %dma_start3A_80] : memref<40x64xi32, #tpu.memory_space<vmem>> -> memref<1x32xi32, #tpu.memory_space<vmem>>
    %dma_start3A_82 = tpu.memref_squeeze %dma_start3A_81 : memref<1x32xi32, #tpu.memory_space<vmem>> -> memref<32xi32, #tpu.memory_space<vmem>>
    %dma_start3A_83 = arith.constant 0 : i32
    %dma_start3A_84 = arith.constant 0 : i32
    %dma_start3A_85 = tpu.memref_slice %arg2[%dma_start3A_83, %dma_start3A_84] : memref<10000x128xf32, #tpu.memory_space<hbm>> -> memref<10000x128xf32, #tpu.memory_space<hbm>>
    tpu.enqueue_indirect_dma source(%dma_start3A_85 : memref<10000x128xf32, #tpu.memory_space<hbm>>) target(%dma_start3A_79 : memref<32x128xf32, #tpu.memory_space<vmem>>) offsets(%dma_start3A_82 : memref<32xi32, #tpu.memory_space<vmem>>) semaphore(%arg19 : memref<!tpu.dma_semaphore, #tpu.memory_space<semaphore_mem>>)
    %scan3A_86 = arith.constant 0 : i32
    %scan3A_87 = arith.constant 0 : i32
    %scan3A_88 = arith.constant 10 : i32
    %scan3A_89 = arith.addi %scan3A_87, %scan3A_88 : i32
    %scan3A_90 = arith.constant 1 : i32
    scf.for %scan3A_122 = %scan3A_87 to %scan3A_89 step %scan3A_90  : i32 {
      %mul3A_123 = arith.constant 4 : i32
      %mul3A_124 = arith.muli %mul3A_123, %scan3A_122 : i32
      %add3A_125 = arith.constant 0 : i32
      %add3A_126 = arith.addi %mul3A_124, %add3A_125 : i32
      %add3A_127 = arith.constant 4 : i32
      %add3A_128 = arith.addi %add3A_126, %add3A_127 : i32
      %sub3A = arith.constant 1 : i32
      %sub3A_129 = arith.subi %add3A_128, %sub3A : i32
      %dma_wait3A_130 = arith.constant 0 : i32
      %dma_wait3A_131 = arith.constant 0 : i32
      %dma_wait3A_132 = arith.constant 0 : i32
      %dma_wait3A_133 = tpu.memref_slice %arg8[%dma_wait3A_131, %dma_wait3A_132] : memref<64x128xf32, #tpu.memory_space<vmem>> -> memref<32x128xf32, #tpu.memory_space<vmem>>
      %dma_wait3A_134 = arith.constant 0 : i32
      %dma_wait3A_135 = tpu.memref_slice %arg6[%dma_wait3A_130, %dma_wait3A_134] : memref<40x64xi32, #tpu.memory_space<vmem>> -> memref<1x32xi32, #tpu.memory_space<vmem>>
      %dma_wait3A_136 = tpu.memref_squeeze %dma_wait3A_135 : memref<1x32xi32, #tpu.memory_space<vmem>> -> memref<32xi32, #tpu.memory_space<vmem>>
      %dma_wait3A_137 = arith.constant 0 : i32
      %dma_wait3A_138 = arith.constant 0 : i32
      %dma_wait3A_139 = tpu.memref_slice %arg2[%dma_wait3A_137, %dma_wait3A_138] : memref<10000x128xf32, #tpu.memory_space<hbm>> -> memref<10000x128xf32, #tpu.memory_space<hbm>>
      tpu.wait_indirect_dma semaphore(%arg13 : memref<!tpu.dma_semaphore, #tpu.memory_space<semaphore_mem>>) src(%dma_wait3A_139 : memref<10000x128xf32, #tpu.memory_space<hbm>>) dst(%dma_wait3A_133 : memref<32x128xf32, #tpu.memory_space<vmem>>)
      %dma_wait3A_140 = arith.constant 0 : i32
      %dma_wait3A_141 = arith.constant 32 : i32
      %dma_wait3A_142 = arith.constant 0 : i32
      %dma_wait3A_143 = tpu.memref_slice %arg8[%dma_wait3A_141, %dma_wait3A_142] : memref<64x128xf32, #tpu.memory_space<vmem>> -> memref<32x128xf32, #tpu.memory_space<vmem>>
      %dma_wait3A_144 = arith.constant 0 : i32
      %dma_wait3A_145 = tpu.memref_slice %arg6[%dma_wait3A_140, %dma_wait3A_144] : memref<40x64xi32, #tpu.memory_space<vmem>> -> memref<1x32xi32, #tpu.memory_space<vmem>>
      %dma_wait3A_146 = tpu.memref_squeeze %dma_wait3A_145 : memref<1x32xi32, #tpu.memory_space<vmem>> -> memref<32xi32, #tpu.memory_space<vmem>>
      %dma_wait3A_147 = arith.constant 0 : i32
      %dma_wait3A_148 = arith.constant 0 : i32
      %dma_wait3A_149 = tpu.memref_slice %arg2[%dma_wait3A_147, %dma_wait3A_148] : memref<10000x128xf32, #tpu.memory_space<hbm>> -> memref<10000x128xf32, #tpu.memory_space<hbm>>
      tpu.wait_indirect_dma semaphore(%arg17 : memref<!tpu.dma_semaphore, #tpu.memory_space<semaphore_mem>>) src(%dma_wait3A_149 : memref<10000x128xf32, #tpu.memory_space<hbm>>) dst(%dma_wait3A_143 : memref<32x128xf32, #tpu.memory_space<vmem>>)
      %gt3A_150 = arith.constant 0 : i32
      %gt3A_151 = arith.cmpi sgt, %scan3A_122, %gt3A_150 : i32
      %convert_element_type3A_152 = arith.extui %gt3A_151 : i1 to i32
      %cond3A_153 = arith.constant 0 : i32
      %cond3A_154 = arith.cmpi ne, %convert_element_type3A_152, %cond3A_153 : i32
      scf.if %cond3A_154 {
        %dma_wait3A_303 = arith.constant 0 : i32
        %dma_wait3A_304 = arith.constant 0 : i32
        %dma_wait3A_305 = tpu.memref_slice %arg7[%dma_wait3A_303, %dma_wait3A_304] : memref<40x64xi32, #tpu.memory_space<vmem>> -> memref<1x64xi32, #tpu.memory_space<vmem>>
        %dma_wait3A_306 = tpu.memref_squeeze %dma_wait3A_305 : memref<1x64xi32, #tpu.memory_space<vmem>> -> memref<64xi32, #tpu.memory_space<vmem>>
        %dma_wait3A_307 = arith.constant 0 : i32
        %dma_wait3A_308 = arith.constant 0 : i32
        %dma_wait3A_309 = tpu.memref_slice %arg12[%dma_wait3A_307, %dma_wait3A_308] : memref<10000x128xf32, #tpu.memory_space<vmem_shared>> -> memref<10000x128xf32, #tpu.memory_space<vmem_shared>>
        tpu.wait_indirect_dma semaphore(%arg24 : memref<!tpu.dma_semaphore, #tpu.memory_space<semaphore_mem>>) src(%arg11 : memref<64x128xf32, #tpu.memory_space<vmem>>) dst(%dma_wait3A_309 : memref<10000x128xf32, #tpu.memory_space<vmem_shared>>)
      } else {
      }
      %dma_start3A_155 = arith.constant 0 : i32
      %dma_start3A_156 = tpu.memref_slice %arg7[%add3A_126, %dma_start3A_155] : memref<40x64xi32, #tpu.memory_space<vmem>> -> memref<1x64xi32, #tpu.memory_space<vmem>>
      %dma_start3A_157 = tpu.memref_squeeze %dma_start3A_156 : memref<1x64xi32, #tpu.memory_space<vmem>> -> memref<64xi32, #tpu.memory_space<vmem>>
      %dma_start3A_158 = arith.constant 0 : i32
      %dma_start3A_159 = arith.constant 0 : i32
      %dma_start3A_160 = tpu.memref_slice %arg12[%dma_start3A_158, %dma_start3A_159] : memref<10000x128xf32, #tpu.memory_space<vmem_shared>> -> memref<10000x128xf32, #tpu.memory_space<vmem_shared>>
      tpu.enqueue_indirect_dma source(%arg8 : memref<64x128xf32, #tpu.memory_space<vmem>>) target(%dma_start3A_160 : memref<10000x128xf32, #tpu.memory_space<vmem_shared>>) offsets(%dma_start3A_157 : memref<64xi32, #tpu.memory_space<vmem>>) semaphore(%arg21 : memref<!tpu.dma_semaphore, #tpu.memory_space<semaphore_mem>>) {add = true}
      %lt3A = arith.constant 40 : i32
      %lt3A_161 = arith.cmpi slt, %sub3A_129, %lt3A : i32
      %convert_element_type3A_162 = arith.extui %lt3A_161 : i1 to i32
      %cond3A_163 = arith.constant 0 : i32
      %cond3A_164 = arith.cmpi ne, %convert_element_type3A_162, %cond3A_163 : i32
      scf.if %cond3A_164 {
        %dma_start3A_303 = arith.constant 0 : i32
        %dma_start3A_304 = arith.constant 0 : i32
        %dma_start3A_305 = tpu.memref_slice %arg11[%dma_start3A_303, %dma_start3A_304] : memref<64x128xf32, #tpu.memory_space<vmem>> -> memref<32x128xf32, #tpu.memory_space<vmem>>
        %dma_start3A_306 = arith.constant 0 : i32
        %dma_start3A_307 = tpu.memref_slice %arg6[%sub3A_129, %dma_start3A_306] : memref<40x64xi32, #tpu.memory_space<vmem>> -> memref<1x32xi32, #tpu.memory_space<vmem>>
        %dma_start3A_308 = tpu.memref_squeeze %dma_start3A_307 : memref<1x32xi32, #tpu.memory_space<vmem>> -> memref<32xi32, #tpu.memory_space<vmem>>
        %dma_start3A_309 = arith.constant 0 : i32
        %dma_start3A_310 = arith.constant 0 : i32
        %dma_start3A_311 = tpu.memref_slice %arg2[%dma_start3A_309, %dma_start3A_310] : memref<10000x128xf32, #tpu.memory_space<hbm>> -> memref<10000x128xf32, #tpu.memory_space<hbm>>
        tpu.enqueue_indirect_dma source(%dma_start3A_311 : memref<10000x128xf32, #tpu.memory_space<hbm>>) target(%dma_start3A_305 : memref<32x128xf32, #tpu.memory_space<vmem>>) offsets(%dma_start3A_308 : memref<32xi32, #tpu.memory_space<vmem>>) semaphore(%arg16 : memref<!tpu.dma_semaphore, #tpu.memory_space<semaphore_mem>>)
        %dma_start3A_312 = arith.constant 32 : i32
        %dma_start3A_313 = arith.constant 0 : i32
        %dma_start3A_314 = tpu.memref_slice %arg11[%dma_start3A_312, %dma_start3A_313] : memref<64x128xf32, #tpu.memory_space<vmem>> -> memref<32x128xf32, #tpu.memory_space<vmem>>
        %dma_start3A_315 = arith.constant 32 : i32
        %dma_start3A_316 = tpu.memref_slice %arg6[%sub3A_129, %dma_start3A_315] : memref<40x64xi32, #tpu.memory_space<vmem>> -> memref<1x32xi32, #tpu.memory_space<vmem>>
        %dma_start3A_317 = tpu.memref_squeeze %dma_start3A_316 : memref<1x32xi32, #tpu.memory_space<vmem>> -> memref<32xi32, #tpu.memory_space<vmem>>
        %dma_start3A_318 = arith.constant 0 : i32
        %dma_start3A_319 = arith.constant 0 : i32
        %dma_start3A_320 = tpu.memref_slice %arg2[%dma_start3A_318, %dma_start3A_319] : memref<10000x128xf32, #tpu.memory_space<hbm>> -> memref<10000x128xf32, #tpu.memory_space<hbm>>
        tpu.enqueue_indirect_dma source(%dma_start3A_320 : memref<10000x128xf32, #tpu.memory_space<hbm>>) target(%dma_start3A_314 : memref<32x128xf32, #tpu.memory_space<vmem>>) offsets(%dma_start3A_317 : memref<32xi32, #tpu.memory_space<vmem>>) semaphore(%arg20 : memref<!tpu.dma_semaphore, #tpu.memory_space<semaphore_mem>>)
      } else {
      }
      %mul3A_165 = arith.constant 4 : i32
      %mul3A_166 = arith.muli %mul3A_165, %scan3A_122 : i32
      %add3A_167 = arith.constant 1 : i32
      %add3A_168 = arith.addi %mul3A_166, %add3A_167 : i32
      %add3A_169 = arith.constant 4 : i32
      %add3A_170 = arith.addi %add3A_168, %add3A_169 : i32
      %sub3A_171 = arith.constant 1 : i32
      %sub3A_172 = arith.subi %add3A_170, %sub3A_171 : i32
      %dma_wait3A_173 = arith.constant 0 : i32
      %dma_wait3A_174 = arith.constant 0 : i32
      %dma_wait3A_175 = arith.constant 0 : i32
      %dma_wait3A_176 = tpu.memref_slice %arg9[%dma_wait3A_174, %dma_wait3A_175] : memref<64x128xf32, #tpu.memory_space<vmem>> -> memref<32x128xf32, #tpu.memory_space<vmem>>
      %dma_wait3A_177 = arith.constant 0 : i32
      %dma_wait3A_178 = tpu.memref_slice %arg6[%dma_wait3A_173, %dma_wait3A_177] : memref<40x64xi32, #tpu.memory_space<vmem>> -> memref<1x32xi32, #tpu.memory_space<vmem>>
      %dma_wait3A_179 = tpu.memref_squeeze %dma_wait3A_178 : memref<1x32xi32, #tpu.memory_space<vmem>> -> memref<32xi32, #tpu.memory_space<vmem>>
      %dma_wait3A_180 = arith.constant 0 : i32
      %dma_wait3A_181 = arith.constant 0 : i32
      %dma_wait3A_182 = tpu.memref_slice %arg2[%dma_wait3A_180, %dma_wait3A_181] : memref<10000x128xf32, #tpu.memory_space<hbm>> -> memref<10000x128xf32, #tpu.memory_space<hbm>>
      tpu.wait_indirect_dma semaphore(%arg14 : memref<!tpu.dma_semaphore, #tpu.memory_space<semaphore_mem>>) src(%dma_wait3A_182 : memref<10000x128xf32, #tpu.memory_space<hbm>>) dst(%dma_wait3A_176 : memref<32x128xf32, #tpu.memory_space<vmem>>)
      %dma_wait3A_183 = arith.constant 0 : i32
      %dma_wait3A_184 = arith.constant 32 : i32
      %dma_wait3A_185 = arith.constant 0 : i32
      %dma_wait3A_186 = tpu.memref_slice %arg9[%dma_wait3A_184, %dma_wait3A_185] : memref<64x128xf32, #tpu.memory_space<vmem>> -> memref<32x128xf32, #tpu.memory_space<vmem>>
      %dma_wait3A_187 = arith.constant 0 : i32
      %dma_wait3A_188 = tpu.memref_slice %arg6[%dma_wait3A_183, %dma_wait3A_187] : memref<40x64xi32, #tpu.memory_space<vmem>> -> memref<1x32xi32, #tpu.memory_space<vmem>>
      %dma_wait3A_189 = tpu.memref_squeeze %dma_wait3A_188 : memref<1x32xi32, #tpu.memory_space<vmem>> -> memref<32xi32, #tpu.memory_space<vmem>>
      %dma_wait3A_190 = arith.constant 0 : i32
      %dma_wait3A_191 = arith.constant 0 : i32
      %dma_wait3A_192 = tpu.memref_slice %arg2[%dma_wait3A_190, %dma_wait3A_191] : memref<10000x128xf32, #tpu.memory_space<hbm>> -> memref<10000x128xf32, #tpu.memory_space<hbm>>
      tpu.wait_indirect_dma semaphore(%arg18 : memref<!tpu.dma_semaphore, #tpu.memory_space<semaphore_mem>>) src(%dma_wait3A_192 : memref<10000x128xf32, #tpu.memory_space<hbm>>) dst(%dma_wait3A_186 : memref<32x128xf32, #tpu.memory_space<vmem>>)
      %dma_wait3A_193 = arith.constant 0 : i32
      %dma_wait3A_194 = arith.constant 0 : i32
      %dma_wait3A_195 = tpu.memref_slice %arg7[%dma_wait3A_193, %dma_wait3A_194] : memref<40x64xi32, #tpu.memory_space<vmem>> -> memref<1x64xi32, #tpu.memory_space<vmem>>
      %dma_wait3A_196 = tpu.memref_squeeze %dma_wait3A_195 : memref<1x64xi32, #tpu.memory_space<vmem>> -> memref<64xi32, #tpu.memory_space<vmem>>
      %dma_wait3A_197 = arith.constant 0 : i32
      %dma_wait3A_198 = arith.constant 0 : i32
      %dma_wait3A_199 = tpu.memref_slice %arg12[%dma_wait3A_197, %dma_wait3A_198] : memref<10000x128xf32, #tpu.memory_space<vmem_shared>> -> memref<10000x128xf32, #tpu.memory_space<vmem_shared>>
      tpu.wait_indirect_dma semaphore(%arg21 : memref<!tpu.dma_semaphore, #tpu.memory_space<semaphore_mem>>) src(%arg8 : memref<64x128xf32, #tpu.memory_space<vmem>>) dst(%dma_wait3A_199 : memref<10000x128xf32, #tpu.memory_space<vmem_shared>>)
      %dma_start3A_200 = arith.constant 0 : i32
      %dma_start3A_201 = tpu.memref_slice %arg7[%add3A_168, %dma_start3A_200] : memref<40x64xi32, #tpu.memory_space<vmem>> -> memref<1x64xi32, #tpu.memory_space<vmem>>
      %dma_start3A_202 = tpu.memref_squeeze %dma_start3A_201 : memref<1x64xi32, #tpu.memory_space<vmem>> -> memref<64xi32, #tpu.memory_space<vmem>>
      %dma_start3A_203 = arith.constant 0 : i32
      %dma_start3A_204 = arith.constant 0 : i32
      %dma_start3A_205 = tpu.memref_slice %arg12[%dma_start3A_203, %dma_start3A_204] : memref<10000x128xf32, #tpu.memory_space<vmem_shared>> -> memref<10000x128xf32, #tpu.memory_space<vmem_shared>>
      tpu.enqueue_indirect_dma source(%arg9 : memref<64x128xf32, #tpu.memory_space<vmem>>) target(%dma_start3A_205 : memref<10000x128xf32, #tpu.memory_space<vmem_shared>>) offsets(%dma_start3A_202 : memref<64xi32, #tpu.memory_space<vmem>>) semaphore(%arg22 : memref<!tpu.dma_semaphore, #tpu.memory_space<semaphore_mem>>) {add = true}
      %lt3A_206 = arith.constant 40 : i32
      %lt3A_207 = arith.cmpi slt, %sub3A_172, %lt3A_206 : i32
      %convert_element_type3A_208 = arith.extui %lt3A_207 : i1 to i32
      %cond3A_209 = arith.constant 0 : i32
      %cond3A_210 = arith.cmpi ne, %convert_element_type3A_208, %cond3A_209 : i32
      scf.if %cond3A_210 {
        %dma_start3A_303 = arith.constant 0 : i32
        %dma_start3A_304 = arith.constant 0 : i32
        %dma_start3A_305 = tpu.memref_slice %arg8[%dma_start3A_303, %dma_start3A_304] : memref<64x128xf32, #tpu.memory_space<vmem>> -> memref<32x128xf32, #tpu.memory_space<vmem>>
        %dma_start3A_306 = arith.constant 0 : i32
        %dma_start3A_307 = tpu.memref_slice %arg6[%sub3A_172, %dma_start3A_306] : memref<40x64xi32, #tpu.memory_space<vmem>> -> memref<1x32xi32, #tpu.memory_space<vmem>>
        %dma_start3A_308 = tpu.memref_squeeze %dma_start3A_307 : memref<1x32xi32, #tpu.memory_space<vmem>> -> memref<32xi32, #tpu.memory_space<vmem>>
        %dma_start3A_309 = arith.constant 0 : i32
        %dma_start3A_310 = arith.constant 0 : i32
        %dma_start3A_311 = tpu.memref_slice %arg2[%dma_start3A_309, %dma_start3A_310] : memref<10000x128xf32, #tpu.memory_space<hbm>> -> memref<10000x128xf32, #tpu.memory_space<hbm>>
        tpu.enqueue_indirect_dma source(%dma_start3A_311 : memref<10000x128xf32, #tpu.memory_space<hbm>>) target(%dma_start3A_305 : memref<32x128xf32, #tpu.memory_space<vmem>>) offsets(%dma_start3A_308 : memref<32xi32, #tpu.memory_space<vmem>>) semaphore(%arg13 : memref<!tpu.dma_semaphore, #tpu.memory_space<semaphore_mem>>)
        %dma_start3A_312 = arith.constant 32 : i32
        %dma_start3A_313 = arith.constant 0 : i32
        %dma_start3A_314 = tpu.memref_slice %arg8[%dma_start3A_312, %dma_start3A_313] : memref<64x128xf32, #tpu.memory_space<vmem>> -> memref<32x128xf32, #tpu.memory_space<vmem>>
        %dma_start3A_315 = arith.constant 32 : i32
        %dma_start3A_316 = tpu.memref_slice %arg6[%sub3A_172, %dma_start3A_315] : memref<40x64xi32, #tpu.memory_space<vmem>> -> memref<1x32xi32, #tpu.memory_space<vmem>>
        %dma_start3A_317 = tpu.memref_squeeze %dma_start3A_316 : memref<1x32xi32, #tpu.memory_space<vmem>> -> memref<32xi32, #tpu.memory_space<vmem>>
        %dma_start3A_318 = arith.constant 0 : i32
        %dma_start3A_319 = arith.constant 0 : i32
        %dma_start3A_320 = tpu.memref_slice %arg2[%dma_start3A_318, %dma_start3A_319] : memref<10000x128xf32, #tpu.memory_space<hbm>> -> memref<10000x128xf32, #tpu.memory_space<hbm>>
        tpu.enqueue_indirect_dma source(%dma_start3A_320 : memref<10000x128xf32, #tpu.memory_space<hbm>>) target(%dma_start3A_314 : memref<32x128xf32, #tpu.memory_space<vmem>>) offsets(%dma_start3A_317 : memref<32xi32, #tpu.memory_space<vmem>>) semaphore(%arg17 : memref<!tpu.dma_semaphore, #tpu.memory_space<semaphore_mem>>)
      } else {
      }
      %mul3A_211 = arith.constant 4 : i32
      %mul3A_212 = arith.muli %mul3A_211, %scan3A_122 : i32
      %add3A_213 = arith.constant 2 : i32
      %add3A_214 = arith.addi %mul3A_212, %add3A_213 : i32
      %add3A_215 = arith.constant 4 : i32
      %add3A_216 = arith.addi %add3A_214, %add3A_215 : i32
      %sub3A_217 = arith.constant 1 : i32
      %sub3A_218 = arith.subi %add3A_216, %sub3A_217 : i32
      %dma_wait3A_219 = arith.constant 0 : i32
      %dma_wait3A_220 = arith.constant 0 : i32
      %dma_wait3A_221 = arith.constant 0 : i32
      %dma_wait3A_222 = tpu.memref_slice %arg10[%dma_wait3A_220, %dma_wait3A_221] : memref<64x128xf32, #tpu.memory_space<vmem>> -> memref<32x128xf32, #tpu.memory_space<vmem>>
      %dma_wait3A_223 = arith.constant 0 : i32
      %dma_wait3A_224 = tpu.memref_slice %arg6[%dma_wait3A_219, %dma_wait3A_223] : memref<40x64xi32, #tpu.memory_space<vmem>> -> memref<1x32xi32, #tpu.memory_space<vmem>>
      %dma_wait3A_225 = tpu.memref_squeeze %dma_wait3A_224 : memref<1x32xi32, #tpu.memory_space<vmem>> -> memref<32xi32, #tpu.memory_space<vmem>>
      %dma_wait3A_226 = arith.constant 0 : i32
      %dma_wait3A_227 = arith.constant 0 : i32
      %dma_wait3A_228 = tpu.memref_slice %arg2[%dma_wait3A_226, %dma_wait3A_227] : memref<10000x128xf32, #tpu.memory_space<hbm>> -> memref<10000x128xf32, #tpu.memory_space<hbm>>
      tpu.wait_indirect_dma semaphore(%arg15 : memref<!tpu.dma_semaphore, #tpu.memory_space<semaphore_mem>>) src(%dma_wait3A_228 : memref<10000x128xf32, #tpu.memory_space<hbm>>) dst(%dma_wait3A_222 : memref<32x128xf32, #tpu.memory_space<vmem>>)
      %dma_wait3A_229 = arith.constant 0 : i32
      %dma_wait3A_230 = arith.constant 32 : i32
      %dma_wait3A_231 = arith.constant 0 : i32
      %dma_wait3A_232 = tpu.memref_slice %arg10[%dma_wait3A_230, %dma_wait3A_231] : memref<64x128xf32, #tpu.memory_space<vmem>> -> memref<32x128xf32, #tpu.memory_space<vmem>>
      %dma_wait3A_233 = arith.constant 0 : i32
      %dma_wait3A_234 = tpu.memref_slice %arg6[%dma_wait3A_229, %dma_wait3A_233] : memref<40x64xi32, #tpu.memory_space<vmem>> -> memref<1x32xi32, #tpu.memory_space<vmem>>
      %dma_wait3A_235 = tpu.memref_squeeze %dma_wait3A_234 : memref<1x32xi32, #tpu.memory_space<vmem>> -> memref<32xi32, #tpu.memory_space<vmem>>
      %dma_wait3A_236 = arith.constant 0 : i32
      %dma_wait3A_237 = arith.constant 0 : i32
      %dma_wait3A_238 = tpu.memref_slice %arg2[%dma_wait3A_236, %dma_wait3A_237] : memref<10000x128xf32, #tpu.memory_space<hbm>> -> memref<10000x128xf32, #tpu.memory_space<hbm>>
      tpu.wait_indirect_dma semaphore(%arg19 : memref<!tpu.dma_semaphore, #tpu.memory_space<semaphore_mem>>) src(%dma_wait3A_238 : memref<10000x128xf32, #tpu.memory_space<hbm>>) dst(%dma_wait3A_232 : memref<32x128xf32, #tpu.memory_space<vmem>>)
      %dma_wait3A_239 = arith.constant 0 : i32
      %dma_wait3A_240 = arith.constant 0 : i32
      %dma_wait3A_241 = tpu.memref_slice %arg7[%dma_wait3A_239, %dma_wait3A_240] : memref<40x64xi32, #tpu.memory_space<vmem>> -> memref<1x64xi32, #tpu.memory_space<vmem>>
      %dma_wait3A_242 = tpu.memref_squeeze %dma_wait3A_241 : memref<1x64xi32, #tpu.memory_space<vmem>> -> memref<64xi32, #tpu.memory_space<vmem>>
      %dma_wait3A_243 = arith.constant 0 : i32
      %dma_wait3A_244 = arith.constant 0 : i32
      %dma_wait3A_245 = tpu.memref_slice %arg12[%dma_wait3A_243, %dma_wait3A_244] : memref<10000x128xf32, #tpu.memory_space<vmem_shared>> -> memref<10000x128xf32, #tpu.memory_space<vmem_shared>>
      tpu.wait_indirect_dma semaphore(%arg22 : memref<!tpu.dma_semaphore, #tpu.memory_space<semaphore_mem>>) src(%arg9 : memref<64x128xf32, #tpu.memory_space<vmem>>) dst(%dma_wait3A_245 : memref<10000x128xf32, #tpu.memory_space<vmem_shared>>)
      %dma_start3A_246 = arith.constant 0 : i32
      %dma_start3A_247 = tpu.memref_slice %arg7[%add3A_214, %dma_start3A_246] : memref<40x64xi32, #tpu.memory_space<vmem>> -> memref<1x64xi32, #tpu.memory_space<vmem>>
      %dma_start3A_248 = tpu.memref_squeeze %dma_start3A_247 : memref<1x64xi32, #tpu.memory_space<vmem>> -> memref<64xi32, #tpu.memory_space<vmem>>
      %dma_start3A_249 = arith.constant 0 : i32
      %dma_start3A_250 = arith.constant 0 : i32
      %dma_start3A_251 = tpu.memref_slice %arg12[%dma_start3A_249, %dma_start3A_250] : memref<10000x128xf32, #tpu.memory_space<vmem_shared>> -> memref<10000x128xf32, #tpu.memory_space<vmem_shared>>
      tpu.enqueue_indirect_dma source(%arg10 : memref<64x128xf32, #tpu.memory_space<vmem>>) target(%dma_start3A_251 : memref<10000x128xf32, #tpu.memory_space<vmem_shared>>) offsets(%dma_start3A_248 : memref<64xi32, #tpu.memory_space<vmem>>) semaphore(%arg23 : memref<!tpu.dma_semaphore, #tpu.memory_space<semaphore_mem>>) {add = true}
      %lt3A_252 = arith.constant 40 : i32
      %lt3A_253 = arith.cmpi slt, %sub3A_218, %lt3A_252 : i32
      %convert_element_type3A_254 = arith.extui %lt3A_253 : i1 to i32
      %cond3A_255 = arith.constant 0 : i32
      %cond3A_256 = arith.cmpi ne, %convert_element_type3A_254, %cond3A_255 : i32
      scf.if %cond3A_256 {
        %dma_start3A_303 = arith.constant 0 : i32
        %dma_start3A_304 = arith.constant 0 : i32
        %dma_start3A_305 = tpu.memref_slice %arg9[%dma_start3A_303, %dma_start3A_304] : memref<64x128xf32, #tpu.memory_space<vmem>> -> memref<32x128xf32, #tpu.memory_space<vmem>>
        %dma_start3A_306 = arith.constant 0 : i32
        %dma_start3A_307 = tpu.memref_slice %arg6[%sub3A_218, %dma_start3A_306] : memref<40x64xi32, #tpu.memory_space<vmem>> -> memref<1x32xi32, #tpu.memory_space<vmem>>
        %dma_start3A_308 = tpu.memref_squeeze %dma_start3A_307 : memref<1x32xi32, #tpu.memory_space<vmem>> -> memref<32xi32, #tpu.memory_space<vmem>>
        %dma_start3A_309 = arith.constant 0 : i32
        %dma_start3A_310 = arith.constant 0 : i32
        %dma_start3A_311 = tpu.memref_slice %arg2[%dma_start3A_309, %dma_start3A_310] : memref<10000x128xf32, #tpu.memory_space<hbm>> -> memref<10000x128xf32, #tpu.memory_space<hbm>>
        tpu.enqueue_indirect_dma source(%dma_start3A_311 : memref<10000x128xf32, #tpu.memory_space<hbm>>) target(%dma_start3A_305 : memref<32x128xf32, #tpu.memory_space<vmem>>) offsets(%dma_start3A_308 : memref<32xi32, #tpu.memory_space<vmem>>) semaphore(%arg14 : memref<!tpu.dma_semaphore, #tpu.memory_space<semaphore_mem>>)
        %dma_start3A_312 = arith.constant 32 : i32
        %dma_start3A_313 = arith.constant 0 : i32
        %dma_start3A_314 = tpu.memref_slice %arg9[%dma_start3A_312, %dma_start3A_313] : memref<64x128xf32, #tpu.memory_space<vmem>> -> memref<32x128xf32, #tpu.memory_space<vmem>>
        %dma_start3A_315 = arith.constant 32 : i32
        %dma_start3A_316 = tpu.memref_slice %arg6[%sub3A_218, %dma_start3A_315] : memref<40x64xi32, #tpu.memory_space<vmem>> -> memref<1x32xi32, #tpu.memory_space<vmem>>
        %dma_start3A_317 = tpu.memref_squeeze %dma_start3A_316 : memref<1x32xi32, #tpu.memory_space<vmem>> -> memref<32xi32, #tpu.memory_space<vmem>>
        %dma_start3A_318 = arith.constant 0 : i32
        %dma_start3A_319 = arith.constant 0 : i32
        %dma_start3A_320 = tpu.memref_slice %arg2[%dma_start3A_318, %dma_start3A_319] : memref<10000x128xf32, #tpu.memory_space<hbm>> -> memref<10000x128xf32, #tpu.memory_space<hbm>>
        tpu.enqueue_indirect_dma source(%dma_start3A_320 : memref<10000x128xf32, #tpu.memory_space<hbm>>) target(%dma_start3A_314 : memref<32x128xf32, #tpu.memory_space<vmem>>) offsets(%dma_start3A_317 : memref<32xi32, #tpu.memory_space<vmem>>) semaphore(%arg18 : memref<!tpu.dma_semaphore, #tpu.memory_space<semaphore_mem>>)
      } else {
      }
      %mul3A_257 = arith.constant 4 : i32
      %mul3A_258 = arith.muli %mul3A_257, %scan3A_122 : i32
      %add3A_259 = arith.constant 3 : i32
      %add3A_260 = arith.addi %mul3A_258, %add3A_259 : i32
      %add3A_261 = arith.constant 4 : i32
      %add3A_262 = arith.addi %add3A_260, %add3A_261 : i32
      %sub3A_263 = arith.constant 1 : i32
      %sub3A_264 = arith.subi %add3A_262, %sub3A_263 : i32
      %dma_wait3A_265 = arith.constant 0 : i32
      %dma_wait3A_266 = arith.constant 0 : i32
      %dma_wait3A_267 = arith.constant 0 : i32
      %dma_wait3A_268 = tpu.memref_slice %arg11[%dma_wait3A_266, %dma_wait3A_267] : memref<64x128xf32, #tpu.memory_space<vmem>> -> memref<32x128xf32, #tpu.memory_space<vmem>>
      %dma_wait3A_269 = arith.constant 0 : i32
      %dma_wait3A_270 = tpu.memref_slice %arg6[%dma_wait3A_265, %dma_wait3A_269] : memref<40x64xi32, #tpu.memory_space<vmem>> -> memref<1x32xi32, #tpu.memory_space<vmem>>
      %dma_wait3A_271 = tpu.memref_squeeze %dma_wait3A_270 : memref<1x32xi32, #tpu.memory_space<vmem>> -> memref<32xi32, #tpu.memory_space<vmem>>
      %dma_wait3A_272 = arith.constant 0 : i32
      %dma_wait3A_273 = arith.constant 0 : i32
      %dma_wait3A_274 = tpu.memref_slice %arg2[%dma_wait3A_272, %dma_wait3A_273] : memref<10000x128xf32, #tpu.memory_space<hbm>> -> memref<10000x128xf32, #tpu.memory_space<hbm>>
      tpu.wait_indirect_dma semaphore(%arg16 : memref<!tpu.dma_semaphore, #tpu.memory_space<semaphore_mem>>) src(%dma_wait3A_274 : memref<10000x128xf32, #tpu.memory_space<hbm>>) dst(%dma_wait3A_268 : memref<32x128xf32, #tpu.memory_space<vmem>>)
      %dma_wait3A_275 = arith.constant 0 : i32
      %dma_wait3A_276 = arith.constant 32 : i32
      %dma_wait3A_277 = arith.constant 0 : i32
      %dma_wait3A_278 = tpu.memref_slice %arg11[%dma_wait3A_276, %dma_wait3A_277] : memref<64x128xf32, #tpu.memory_space<vmem>> -> memref<32x128xf32, #tpu.memory_space<vmem>>
      %dma_wait3A_279 = arith.constant 0 : i32
      %dma_wait3A_280 = tpu.memref_slice %arg6[%dma_wait3A_275, %dma_wait3A_279] : memref<40x64xi32, #tpu.memory_space<vmem>> -> memref<1x32xi32, #tpu.memory_space<vmem>>
      %dma_wait3A_281 = tpu.memref_squeeze %dma_wait3A_280 : memref<1x32xi32, #tpu.memory_space<vmem>> -> memref<32xi32, #tpu.memory_space<vmem>>
      %dma_wait3A_282 = arith.constant 0 : i32
      %dma_wait3A_283 = arith.constant 0 : i32
      %dma_wait3A_284 = tpu.memref_slice %arg2[%dma_wait3A_282, %dma_wait3A_283] : memref<10000x128xf32, #tpu.memory_space<hbm>> -> memref<10000x128xf32, #tpu.memory_space<hbm>>
      tpu.wait_indirect_dma semaphore(%arg20 : memref<!tpu.dma_semaphore, #tpu.memory_space<semaphore_mem>>) src(%dma_wait3A_284 : memref<10000x128xf32, #tpu.memory_space<hbm>>) dst(%dma_wait3A_278 : memref<32x128xf32, #tpu.memory_space<vmem>>)
      %dma_wait3A_285 = arith.constant 0 : i32
      %dma_wait3A_286 = arith.constant 0 : i32
      %dma_wait3A_287 = tpu.memref_slice %arg7[%dma_wait3A_285, %dma_wait3A_286] : memref<40x64xi32, #tpu.memory_space<vmem>> -> memref<1x64xi32, #tpu.memory_space<vmem>>
      %dma_wait3A_288 = tpu.memref_squeeze %dma_wait3A_287 : memref<1x64xi32, #tpu.memory_space<vmem>> -> memref<64xi32, #tpu.memory_space<vmem>>
      %dma_wait3A_289 = arith.constant 0 : i32
      %dma_wait3A_290 = arith.constant 0 : i32
      %dma_wait3A_291 = tpu.memref_slice %arg12[%dma_wait3A_289, %dma_wait3A_290] : memref<10000x128xf32, #tpu.memory_space<vmem_shared>> -> memref<10000x128xf32, #tpu.memory_space<vmem_shared>>
      tpu.wait_indirect_dma semaphore(%arg23 : memref<!tpu.dma_semaphore, #tpu.memory_space<semaphore_mem>>) src(%arg10 : memref<64x128xf32, #tpu.memory_space<vmem>>) dst(%dma_wait3A_291 : memref<10000x128xf32, #tpu.memory_space<vmem_shared>>)
      %dma_start3A_292 = arith.constant 0 : i32
      %dma_start3A_293 = tpu.memref_slice %arg7[%add3A_260, %dma_start3A_292] : memref<40x64xi32, #tpu.memory_space<vmem>> -> memref<1x64xi32, #tpu.memory_space<vmem>>
      %dma_start3A_294 = tpu.memref_squeeze %dma_start3A_293 : memref<1x64xi32, #tpu.memory_space<vmem>> -> memref<64xi32, #tpu.memory_space<vmem>>
      %dma_start3A_295 = arith.constant 0 : i32
      %dma_start3A_296 = arith.constant 0 : i32
      %dma_start3A_297 = tpu.memref_slice %arg12[%dma_start3A_295, %dma_start3A_296] : memref<10000x128xf32, #tpu.memory_space<vmem_shared>> -> memref<10000x128xf32, #tpu.memory_space<vmem_shared>>
      tpu.enqueue_indirect_dma source(%arg11 : memref<64x128xf32, #tpu.memory_space<vmem>>) target(%dma_start3A_297 : memref<10000x128xf32, #tpu.memory_space<vmem_shared>>) offsets(%dma_start3A_294 : memref<64xi32, #tpu.memory_space<vmem>>) semaphore(%arg24 : memref<!tpu.dma_semaphore, #tpu.memory_space<semaphore_mem>>) {add = true}
      %lt3A_298 = arith.constant 40 : i32
      %lt3A_299 = arith.cmpi slt, %sub3A_264, %lt3A_298 : i32
      %convert_element_type3A_300 = arith.extui %lt3A_299 : i1 to i32
      %cond3A_301 = arith.constant 0 : i32
      %cond3A_302 = arith.cmpi ne, %convert_element_type3A_300, %cond3A_301 : i32
      scf.if %cond3A_302 {
        %dma_start3A_303 = arith.constant 0 : i32
        %dma_start3A_304 = arith.constant 0 : i32
        %dma_start3A_305 = tpu.memref_slice %arg10[%dma_start3A_303, %dma_start3A_304] : memref<64x128xf32, #tpu.memory_space<vmem>> -> memref<32x128xf32, #tpu.memory_space<vmem>>
        %dma_start3A_306 = arith.constant 0 : i32
        %dma_start3A_307 = tpu.memref_slice %arg6[%sub3A_264, %dma_start3A_306] : memref<40x64xi32, #tpu.memory_space<vmem>> -> memref<1x32xi32, #tpu.memory_space<vmem>>
        %dma_start3A_308 = tpu.memref_squeeze %dma_start3A_307 : memref<1x32xi32, #tpu.memory_space<vmem>> -> memref<32xi32, #tpu.memory_space<vmem>>
        %dma_start3A_309 = arith.constant 0 : i32
        %dma_start3A_310 = arith.constant 0 : i32
        %dma_start3A_311 = tpu.memref_slice %arg2[%dma_start3A_309, %dma_start3A_310] : memref<10000x128xf32, #tpu.memory_space<hbm>> -> memref<10000x128xf32, #tpu.memory_space<hbm>>
        tpu.enqueue_indirect_dma source(%dma_start3A_311 : memref<10000x128xf32, #tpu.memory_space<hbm>>) target(%dma_start3A_305 : memref<32x128xf32, #tpu.memory_space<vmem>>) offsets(%dma_start3A_308 : memref<32xi32, #tpu.memory_space<vmem>>) semaphore(%arg15 : memref<!tpu.dma_semaphore, #tpu.memory_space<semaphore_mem>>)
        %dma_start3A_312 = arith.constant 32 : i32
        %dma_start3A_313 = arith.constant 0 : i32
        %dma_start3A_314 = tpu.memref_slice %arg10[%dma_start3A_312, %dma_start3A_313] : memref<64x128xf32, #tpu.memory_space<vmem>> -> memref<32x128xf32, #tpu.memory_space<vmem>>
        %dma_start3A_315 = arith.constant 32 : i32
        %dma_start3A_316 = tpu.memref_slice %arg6[%sub3A_264, %dma_start3A_315] : memref<40x64xi32, #tpu.memory_space<vmem>> -> memref<1x32xi32, #tpu.memory_space<vmem>>
        %dma_start3A_317 = tpu.memref_squeeze %dma_start3A_316 : memref<1x32xi32, #tpu.memory_space<vmem>> -> memref<32xi32, #tpu.memory_space<vmem>>
        %dma_start3A_318 = arith.constant 0 : i32
        %dma_start3A_319 = arith.constant 0 : i32
        %dma_start3A_320 = tpu.memref_slice %arg2[%dma_start3A_318, %dma_start3A_319] : memref<10000x128xf32, #tpu.memory_space<hbm>> -> memref<10000x128xf32, #tpu.memory_space<hbm>>
        tpu.enqueue_indirect_dma source(%dma_start3A_320 : memref<10000x128xf32, #tpu.memory_space<hbm>>) target(%dma_start3A_314 : memref<32x128xf32, #tpu.memory_space<vmem>>) offsets(%dma_start3A_317 : memref<32xi32, #tpu.memory_space<vmem>>) semaphore(%arg19 : memref<!tpu.dma_semaphore, #tpu.memory_space<semaphore_mem>>)
      } else {
      }
    }
    %scan3A_91 = arith.constant 10 : i32
    %dma_wait3A = arith.constant 0 : i32
    %dma_wait3A_92 = arith.constant 0 : i32
    %dma_wait3A_93 = tpu.memref_slice %arg7[%dma_wait3A, %dma_wait3A_92] : memref<40x64xi32, #tpu.memory_space<vmem>> -> memref<1x64xi32, #tpu.memory_space<vmem>>
    %dma_wait3A_94 = tpu.memref_squeeze %dma_wait3A_93 : memref<1x64xi32, #tpu.memory_space<vmem>> -> memref<64xi32, #tpu.memory_space<vmem>>
    %dma_wait3A_95 = arith.constant 0 : i32
    %dma_wait3A_96 = arith.constant 0 : i32
    %dma_wait3A_97 = tpu.memref_slice %arg12[%dma_wait3A_95, %dma_wait3A_96] : memref<10000x128xf32, #tpu.memory_space<vmem_shared>> -> memref<10000x128xf32, #tpu.memory_space<vmem_shared>>
    tpu.wait_indirect_dma semaphore(%arg24 : memref<!tpu.dma_semaphore, #tpu.memory_space<semaphore_mem>>) src(%arg11 : memref<64x128xf32, #tpu.memory_space<vmem>>) dst(%dma_wait3A_97 : memref<10000x128xf32, #tpu.memory_space<vmem_shared>>)
    %gt3A = arith.constant 1 : i32
    %gt3A_98 = arith.cmpi sgt, %select_n3A, %gt3A : i32
    %convert_element_type3A_99 = arith.extui %gt3A_98 : i1 to i32
    %cond3A_100 = arith.constant 0 : i32
    %cond3A_101 = arith.cmpi ne, %convert_element_type3A_99, %cond3A_100 : i32
    scf.if %cond3A_101 {
      %add3A_122 = arith.constant 40 : i32
      %add3A_123 = arith.addi %mul3A_19, %add3A_122 : i32
      "tpu.region"() ({
        %run_scoped3A = tpu.sem_alloc : memref<!tpu.dma_semaphore, #tpu.memory_space<semaphore_mem>>
        %dma_start3A_199 = arith.constant 0 : i32
        %dma_start3A_200 = tpu.memref_slice %arg3[%add3A_123, %dma_start3A_199] : memref<5000x64xi32, #tpu.memory_space<hbm>> -> memref<40x64xi32, #tpu.memory_space<hbm>>
        %dma_start3A_201 = arith.constant 0 : i32
        %dma_start3A_202 = tpu.memref_slice %arg3[%add3A_123, %dma_start3A_201] : memref<5000x64xi32, #tpu.memory_space<hbm>> -> memref<40x64xi32, #tpu.memory_space<hbm>>
        tpu.enqueue_dma source(%dma_start3A_202 : memref<40x64xi32, #tpu.memory_space<hbm>>) target(%arg6 : memref<40x64xi32, #tpu.memory_space<vmem>>) target_semaphore(%run_scoped3A : memref<!tpu.dma_semaphore, #tpu.memory_space<semaphore_mem>>)
        %dma_wait3A_203 = arith.constant 0 : i32
        %dma_wait3A_204 = tpu.memref_slice %arg3[%add3A_123, %dma_wait3A_203] : memref<5000x64xi32, #tpu.memory_space<hbm>> -> memref<40x64xi32, #tpu.memory_space<hbm>>
        %dma_wait3A_205 = arith.constant 0 : i32
        %dma_wait3A_206 = tpu.memref_slice %arg3[%add3A_123, %dma_wait3A_205] : memref<5000x64xi32, #tpu.memory_space<hbm>> -> memref<40x64xi32, #tpu.memory_space<hbm>>
        tpu.wait_dma2 semaphore(%run_scoped3A : memref<!tpu.dma_semaphore, #tpu.memory_space<semaphore_mem>>) src(%dma_wait3A_206 : memref<40x64xi32, #tpu.memory_space<hbm>>) dst(%arg6 : memref<40x64xi32, #tpu.memory_space<vmem>>)
        tpu.yield
      }) : () -> ()
      %add3A_124 = arith.constant 40 : i32
      %add3A_125 = arith.addi %mul3A_19, %add3A_124 : i32
      "tpu.region"() ({
        %run_scoped3A = tpu.sem_alloc : memref<!tpu.dma_semaphore, #tpu.memory_space<semaphore_mem>>
        %dma_start3A_199 = arith.constant 0 : i32
        %dma_start3A_200 = tpu.memref_slice %arg4[%add3A_125, %dma_start3A_199] : memref<5000x64xi32, #tpu.memory_space<hbm>> -> memref<40x64xi32, #tpu.memory_space<hbm>>
        %dma_start3A_201 = arith.constant 0 : i32
        %dma_start3A_202 = tpu.memref_slice %arg4[%add3A_125, %dma_start3A_201] : memref<5000x64xi32, #tpu.memory_space<hbm>> -> memref<40x64xi32, #tpu.memory_space<hbm>>
        tpu.enqueue_dma source(%dma_start3A_202 : memref<40x64xi32, #tpu.memory_space<hbm>>) target(%arg7 : memref<40x64xi32, #tpu.memory_space<vmem>>) target_semaphore(%run_scoped3A : memref<!tpu.dma_semaphore, #tpu.memory_space<semaphore_mem>>)
        %dma_wait3A_203 = arith.constant 0 : i32
        %dma_wait3A_204 = tpu.memref_slice %arg4[%add3A_125, %dma_wait3A_203] : memref<5000x64xi32, #tpu.memory_space<hbm>> -> memref<40x64xi32, #tpu.memory_space<hbm>>
        %dma_wait3A_205 = arith.constant 0 : i32
        %dma_wait3A_206 = tpu.memref_slice %arg4[%add3A_125, %dma_wait3A_205] : memref<5000x64xi32, #tpu.memory_space<hbm>> -> memref<40x64xi32, #tpu.memory_space<hbm>>
        tpu.wait_dma2 semaphore(%run_scoped3A : memref<!tpu.dma_semaphore, #tpu.memory_space<semaphore_mem>>) src(%dma_wait3A_206 : memref<40x64xi32, #tpu.memory_space<hbm>>) dst(%arg7 : memref<40x64xi32, #tpu.memory_space<vmem>>)
        tpu.yield
      }) : () -> ()
      %dma_start3A_126 = arith.constant 0 : i32
      %dma_start3A_127 = arith.constant 0 : i32
      %dma_start3A_128 = arith.constant 0 : i32
      %dma_start3A_129 = tpu.memref_slice %arg8[%dma_start3A_127, %dma_start3A_128] : memref<64x128xf32, #tpu.memory_space<vmem>> -> memref<32x128xf32, #tpu.memory_space<vmem>>
      %dma_start3A_130 = arith.constant 0 : i32
      %dma_start3A_131 = tpu.memref_slice %arg6[%dma_start3A_126, %dma_start3A_130] : memref<40x64xi32, #tpu.memory_space<vmem>> -> memref<1x32xi32, #tpu.memory_space<vmem>>
      %dma_start3A_132 = tpu.memref_squeeze %dma_start3A_131 : memref<1x32xi32, #tpu.memory_space<vmem>> -> memref<32xi32, #tpu.memory_space<vmem>>
      %dma_start3A_133 = arith.constant 0 : i32
      %dma_start3A_134 = arith.constant 0 : i32
      %dma_start3A_135 = tpu.memref_slice %arg2[%dma_start3A_133, %dma_start3A_134] : memref<10000x128xf32, #tpu.memory_space<hbm>> -> memref<10000x128xf32, #tpu.memory_space<hbm>>
      tpu.enqueue_indirect_dma source(%dma_start3A_135 : memref<10000x128xf32, #tpu.memory_space<hbm>>) target(%dma_start3A_129 : memref<32x128xf32, #tpu.memory_space<vmem>>) offsets(%dma_start3A_132 : memref<32xi32, #tpu.memory_space<vmem>>) semaphore(%arg13 : memref<!tpu.dma_semaphore, #tpu.memory_space<semaphore_mem>>)
      %dma_start3A_136 = arith.constant 0 : i32
      %dma_start3A_137 = arith.constant 32 : i32
      %dma_start3A_138 = arith.constant 0 : i32
      %dma_start3A_139 = tpu.memref_slice %arg8[%dma_start3A_137, %dma_start3A_138] : memref<64x128xf32, #tpu.memory_space<vmem>> -> memref<32x128xf32, #tpu.memory_space<vmem>>
      %dma_start3A_140 = arith.constant 32 : i32
      %dma_start3A_141 = tpu.memref_slice %arg6[%dma_start3A_136, %dma_start3A_140] : memref<40x64xi32, #tpu.memory_space<vmem>> -> memref<1x32xi32, #tpu.memory_space<vmem>>
      %dma_start3A_142 = tpu.memref_squeeze %dma_start3A_141 : memref<1x32xi32, #tpu.memory_space<vmem>> -> memref<32xi32, #tpu.memory_space<vmem>>
      %dma_start3A_143 = arith.constant 0 : i32
      %dma_start3A_144 = arith.constant 0 : i32
      %dma_start3A_145 = tpu.memref_slice %arg2[%dma_start3A_143, %dma_start3A_144] : memref<10000x128xf32, #tpu.memory_space<hbm>> -> memref<10000x128xf32, #tpu.memory_space<hbm>>
      tpu.enqueue_indirect_dma source(%dma_start3A_145 : memref<10000x128xf32, #tpu.memory_space<hbm>>) target(%dma_start3A_139 : memref<32x128xf32, #tpu.memory_space<vmem>>) offsets(%dma_start3A_142 : memref<32xi32, #tpu.memory_space<vmem>>) semaphore(%arg17 : memref<!tpu.dma_semaphore, #tpu.memory_space<semaphore_mem>>)
      %dma_start3A_146 = arith.constant 1 : i32
      %dma_start3A_147 = arith.constant 0 : i32
      %dma_start3A_148 = arith.constant 0 : i32
      %dma_start3A_149 = tpu.memref_slice %arg9[%dma_start3A_147, %dma_start3A_148] : memref<64x128xf32, #tpu.memory_space<vmem>> -> memref<32x128xf32, #tpu.memory_space<vmem>>
      %dma_start3A_150 = arith.constant 0 : i32
      %dma_start3A_151 = tpu.memref_slice %arg6[%dma_start3A_146, %dma_start3A_150] : memref<40x64xi32, #tpu.memory_space<vmem>> -> memref<1x32xi32, #tpu.memory_space<vmem>>
      %dma_start3A_152 = tpu.memref_squeeze %dma_start3A_151 : memref<1x32xi32, #tpu.memory_space<vmem>> -> memref<32xi32, #tpu.memory_space<vmem>>
      %dma_start3A_153 = arith.constant 0 : i32
      %dma_start3A_154 = arith.constant 0 : i32
      %dma_start3A_155 = tpu.memref_slice %arg2[%dma_start3A_153, %dma_start3A_154] : memref<10000x128xf32, #tpu.memory_space<hbm>> -> memref<10000x128xf32, #tpu.memory_space<hbm>>
      tpu.enqueue_indirect_dma source(%dma_start3A_155 : memref<10000x128xf32, #tpu.memory_space<hbm>>) target(%dma_start3A_149 : memref<32x128xf32, #tpu.memory_space<vmem>>) offsets(%dma_start3A_152 : memref<32xi32, #tpu.memory_space<vmem>>) semaphore(%arg14 : memref<!tpu.dma_semaphore, #tpu.memory_space<semaphore_mem>>)
      %dma_start3A_156 = arith.constant 1 : i32
      %dma_start3A_157 = arith.constant 32 : i32
      %dma_start3A_158 = arith.constant 0 : i32
      %dma_start3A_159 = tpu.memref_slice %arg9[%dma_start3A_157, %dma_start3A_158] : memref<64x128xf32, #tpu.memory_space<vmem>> -> memref<32x128xf32, #tpu.memory_space<vmem>>
      %dma_start3A_160 = arith.constant 32 : i32
      %dma_start3A_161 = tpu.memref_slice %arg6[%dma_start3A_156, %dma_start3A_160] : memref<40x64xi32, #tpu.memory_space<vmem>> -> memref<1x32xi32, #tpu.memory_space<vmem>>
      %dma_start3A_162 = tpu.memref_squeeze %dma_start3A_161 : memref<1x32xi32, #tpu.memory_space<vmem>> -> memref<32xi32, #tpu.memory_space<vmem>>
      %dma_start3A_163 = arith.constant 0 : i32
      %dma_start3A_164 = arith.constant 0 : i32
      %dma_start3A_165 = tpu.memref_slice %arg2[%dma_start3A_163, %dma_start3A_164] : memref<10000x128xf32, #tpu.memory_space<hbm>> -> memref<10000x128xf32, #tpu.memory_space<hbm>>
      tpu.enqueue_indirect_dma source(%dma_start3A_165 : memref<10000x128xf32, #tpu.memory_space<hbm>>) target(%dma_start3A_159 : memref<32x128xf32, #tpu.memory_space<vmem>>) offsets(%dma_start3A_162 : memref<32xi32, #tpu.memory_space<vmem>>) semaphore(%arg18 : memref<!tpu.dma_semaphore, #tpu.memory_space<semaphore_mem>>)
      %dma_start3A_166 = arith.constant 2 : i32
      %dma_start3A_167 = arith.constant 0 : i32
      %dma_start3A_168 = arith.constant 0 : i32
      %dma_start3A_169 = tpu.memref_slice %arg10[%dma_start3A_167, %dma_start3A_168] : memref<64x128xf32, #tpu.memory_space<vmem>> -> memref<32x128xf32, #tpu.memory_space<vmem>>
      %dma_start3A_170 = arith.constant 0 : i32
      %dma_start3A_171 = tpu.memref_slice %arg6[%dma_start3A_166, %dma_start3A_170] : memref<40x64xi32, #tpu.memory_space<vmem>> -> memref<1x32xi32, #tpu.memory_space<vmem>>
      %dma_start3A_172 = tpu.memref_squeeze %dma_start3A_171 : memref<1x32xi32, #tpu.memory_space<vmem>> -> memref<32xi32, #tpu.memory_space<vmem>>
      %dma_start3A_173 = arith.constant 0 : i32
      %dma_start3A_174 = arith.constant 0 : i32
      %dma_start3A_175 = tpu.memref_slice %arg2[%dma_start3A_173, %dma_start3A_174] : memref<10000x128xf32, #tpu.memory_space<hbm>> -> memref<10000x128xf32, #tpu.memory_space<hbm>>
      tpu.enqueue_indirect_dma source(%dma_start3A_175 : memref<10000x128xf32, #tpu.memory_space<hbm>>) target(%dma_start3A_169 : memref<32x128xf32, #tpu.memory_space<vmem>>) offsets(%dma_start3A_172 : memref<32xi32, #tpu.memory_space<vmem>>) semaphore(%arg15 : memref<!tpu.dma_semaphore, #tpu.memory_space<semaphore_mem>>)
      %dma_start3A_176 = arith.constant 2 : i32
      %dma_start3A_177 = arith.constant 32 : i32
      %dma_start3A_178 = arith.constant 0 : i32
      %dma_start3A_179 = tpu.memref_slice %arg10[%dma_start3A_177, %dma_start3A_178] : memref<64x128xf32, #tpu.memory_space<vmem>> -> memref<32x128xf32, #tpu.memory_space<vmem>>
      %dma_start3A_180 = arith.constant 32 : i32
      %dma_start3A_181 = tpu.memref_slice %arg6[%dma_start3A_176, %dma_start3A_180] : memref<40x64xi32, #tpu.memory_space<vmem>> -> memref<1x32xi32, #tpu.memory_space<vmem>>
      %dma_start3A_182 = tpu.memref_squeeze %dma_start3A_181 : memref<1x32xi32, #tpu.memory_space<vmem>> -> memref<32xi32, #tpu.memory_space<vmem>>
      %dma_start3A_183 = arith.constant 0 : i32
      %dma_start3A_184 = arith.constant 0 : i32
      %dma_start3A_185 = tpu.memref_slice %arg2[%dma_start3A_183, %dma_start3A_184] : memref<10000x128xf32, #tpu.memory_space<hbm>> -> memref<10000x128xf32, #tpu.memory_space<hbm>>
      tpu.enqueue_indirect_dma source(%dma_start3A_185 : memref<10000x128xf32, #tpu.memory_space<hbm>>) target(%dma_start3A_179 : memref<32x128xf32, #tpu.memory_space<vmem>>) offsets(%dma_start3A_182 : memref<32xi32, #tpu.memory_space<vmem>>) semaphore(%arg19 : memref<!tpu.dma_semaphore, #tpu.memory_space<semaphore_mem>>)
      %scan3A_186 = arith.constant 0 : i32
      %scan3A_187 = arith.constant 0 : i32
      %scan3A_188 = arith.constant 10 : i32
      %scan3A_189 = arith.addi %scan3A_187, %scan3A_188 : i32
      %scan3A_190 = arith.constant 1 : i32
      scf.for %scan3A_199 = %scan3A_187 to %scan3A_189 step %scan3A_190  : i32 {
        %mul3A_200 = arith.constant 4 : i32
        %mul3A_201 = arith.muli %mul3A_200, %scan3A_199 : i32
        %add3A_202 = arith.constant 0 : i32
        %add3A_203 = arith.addi %mul3A_201, %add3A_202 : i32
        %add3A_204 = arith.constant 4 : i32
        %add3A_205 = arith.addi %add3A_203, %add3A_204 : i32
        %sub3A = arith.constant 1 : i32
        %sub3A_206 = arith.subi %add3A_205, %sub3A : i32
        %dma_wait3A_207 = arith.constant 0 : i32
        %dma_wait3A_208 = arith.constant 0 : i32
        %dma_wait3A_209 = arith.constant 0 : i32
        %dma_wait3A_210 = tpu.memref_slice %arg8[%dma_wait3A_208, %dma_wait3A_209] : memref<64x128xf32, #tpu.memory_space<vmem>> -> memref<32x128xf32, #tpu.memory_space<vmem>>
        %dma_wait3A_211 = arith.constant 0 : i32
        %dma_wait3A_212 = tpu.memref_slice %arg6[%dma_wait3A_207, %dma_wait3A_211] : memref<40x64xi32, #tpu.memory_space<vmem>> -> memref<1x32xi32, #tpu.memory_space<vmem>>
        %dma_wait3A_213 = tpu.memref_squeeze %dma_wait3A_212 : memref<1x32xi32, #tpu.memory_space<vmem>> -> memref<32xi32, #tpu.memory_space<vmem>>
        %dma_wait3A_214 = arith.constant 0 : i32
        %dma_wait3A_215 = arith.constant 0 : i32
        %dma_wait3A_216 = tpu.memref_slice %arg2[%dma_wait3A_214, %dma_wait3A_215] : memref<10000x128xf32, #tpu.memory_space<hbm>> -> memref<10000x128xf32, #tpu.memory_space<hbm>>
        tpu.wait_indirect_dma semaphore(%arg13 : memref<!tpu.dma_semaphore, #tpu.memory_space<semaphore_mem>>) src(%dma_wait3A_216 : memref<10000x128xf32, #tpu.memory_space<hbm>>) dst(%dma_wait3A_210 : memref<32x128xf32, #tpu.memory_space<vmem>>)
        %dma_wait3A_217 = arith.constant 0 : i32
        %dma_wait3A_218 = arith.constant 32 : i32
        %dma_wait3A_219 = arith.constant 0 : i32
        %dma_wait3A_220 = tpu.memref_slice %arg8[%dma_wait3A_218, %dma_wait3A_219] : memref<64x128xf32, #tpu.memory_space<vmem>> -> memref<32x128xf32, #tpu.memory_space<vmem>>
        %dma_wait3A_221 = arith.constant 0 : i32
        %dma_wait3A_222 = tpu.memref_slice %arg6[%dma_wait3A_217, %dma_wait3A_221] : memref<40x64xi32, #tpu.memory_space<vmem>> -> memref<1x32xi32, #tpu.memory_space<vmem>>
        %dma_wait3A_223 = tpu.memref_squeeze %dma_wait3A_222 : memref<1x32xi32, #tpu.memory_space<vmem>> -> memref<32xi32, #tpu.memory_space<vmem>>
        %dma_wait3A_224 = arith.constant 0 : i32
        %dma_wait3A_225 = arith.constant 0 : i32
        %dma_wait3A_226 = tpu.memref_slice %arg2[%dma_wait3A_224, %dma_wait3A_225] : memref<10000x128xf32, #tpu.memory_space<hbm>> -> memref<10000x128xf32, #tpu.memory_space<hbm>>
        tpu.wait_indirect_dma semaphore(%arg17 : memref<!tpu.dma_semaphore, #tpu.memory_space<semaphore_mem>>) src(%dma_wait3A_226 : memref<10000x128xf32, #tpu.memory_space<hbm>>) dst(%dma_wait3A_220 : memref<32x128xf32, #tpu.memory_space<vmem>>)
        %gt3A_227 = arith.constant 0 : i32
        %gt3A_228 = arith.cmpi sgt, %scan3A_199, %gt3A_227 : i32
        %convert_element_type3A_229 = arith.extui %gt3A_228 : i1 to i32
        %cond3A_230 = arith.constant 0 : i32
        %cond3A_231 = arith.cmpi ne, %convert_element_type3A_229, %cond3A_230 : i32
        scf.if %cond3A_231 {
          %dma_wait3A_380 = arith.constant 0 : i32
          %dma_wait3A_381 = arith.constant 0 : i32
          %dma_wait3A_382 = tpu.memref_slice %arg7[%dma_wait3A_380, %dma_wait3A_381] : memref<40x64xi32, #tpu.memory_space<vmem>> -> memref<1x64xi32, #tpu.memory_space<vmem>>
          %dma_wait3A_383 = tpu.memref_squeeze %dma_wait3A_382 : memref<1x64xi32, #tpu.memory_space<vmem>> -> memref<64xi32, #tpu.memory_space<vmem>>
          %dma_wait3A_384 = arith.constant 0 : i32
          %dma_wait3A_385 = arith.constant 0 : i32
          %dma_wait3A_386 = tpu.memref_slice %arg12[%dma_wait3A_384, %dma_wait3A_385] : memref<10000x128xf32, #tpu.memory_space<vmem_shared>> -> memref<10000x128xf32, #tpu.memory_space<vmem_shared>>
          tpu.wait_indirect_dma semaphore(%arg24 : memref<!tpu.dma_semaphore, #tpu.memory_space<semaphore_mem>>) src(%arg11 : memref<64x128xf32, #tpu.memory_space<vmem>>) dst(%dma_wait3A_386 : memref<10000x128xf32, #tpu.memory_space<vmem_shared>>)
        } else {
        }
        %dma_start3A_232 = arith.constant 0 : i32
        %dma_start3A_233 = tpu.memref_slice %arg7[%add3A_203, %dma_start3A_232] : memref<40x64xi32, #tpu.memory_space<vmem>> -> memref<1x64xi32, #tpu.memory_space<vmem>>
        %dma_start3A_234 = tpu.memref_squeeze %dma_start3A_233 : memref<1x64xi32, #tpu.memory_space<vmem>> -> memref<64xi32, #tpu.memory_space<vmem>>
        %dma_start3A_235 = arith.constant 0 : i32
        %dma_start3A_236 = arith.constant 0 : i32
        %dma_start3A_237 = tpu.memref_slice %arg12[%dma_start3A_235, %dma_start3A_236] : memref<10000x128xf32, #tpu.memory_space<vmem_shared>> -> memref<10000x128xf32, #tpu.memory_space<vmem_shared>>
        tpu.enqueue_indirect_dma source(%arg8 : memref<64x128xf32, #tpu.memory_space<vmem>>) target(%dma_start3A_237 : memref<10000x128xf32, #tpu.memory_space<vmem_shared>>) offsets(%dma_start3A_234 : memref<64xi32, #tpu.memory_space<vmem>>) semaphore(%arg21 : memref<!tpu.dma_semaphore, #tpu.memory_space<semaphore_mem>>) {add = true}
        %lt3A = arith.constant 40 : i32
        %lt3A_238 = arith.cmpi slt, %sub3A_206, %lt3A : i32
        %convert_element_type3A_239 = arith.extui %lt3A_238 : i1 to i32
        %cond3A_240 = arith.constant 0 : i32
        %cond3A_241 = arith.cmpi ne, %convert_element_type3A_239, %cond3A_240 : i32
        scf.if %cond3A_241 {
          %dma_start3A_380 = arith.constant 0 : i32
          %dma_start3A_381 = arith.constant 0 : i32
          %dma_start3A_382 = tpu.memref_slice %arg11[%dma_start3A_380, %dma_start3A_381] : memref<64x128xf32, #tpu.memory_space<vmem>> -> memref<32x128xf32, #tpu.memory_space<vmem>>
          %dma_start3A_383 = arith.constant 0 : i32
          %dma_start3A_384 = tpu.memref_slice %arg6[%sub3A_206, %dma_start3A_383] : memref<40x64xi32, #tpu.memory_space<vmem>> -> memref<1x32xi32, #tpu.memory_space<vmem>>
          %dma_start3A_385 = tpu.memref_squeeze %dma_start3A_384 : memref<1x32xi32, #tpu.memory_space<vmem>> -> memref<32xi32, #tpu.memory_space<vmem>>
          %dma_start3A_386 = arith.constant 0 : i32
          %dma_start3A_387 = arith.constant 0 : i32
          %dma_start3A_388 = tpu.memref_slice %arg2[%dma_start3A_386, %dma_start3A_387] : memref<10000x128xf32, #tpu.memory_space<hbm>> -> memref<10000x128xf32, #tpu.memory_space<hbm>>
          tpu.enqueue_indirect_dma source(%dma_start3A_388 : memref<10000x128xf32, #tpu.memory_space<hbm>>) target(%dma_start3A_382 : memref<32x128xf32, #tpu.memory_space<vmem>>) offsets(%dma_start3A_385 : memref<32xi32, #tpu.memory_space<vmem>>) semaphore(%arg16 : memref<!tpu.dma_semaphore, #tpu.memory_space<semaphore_mem>>)
          %dma_start3A_389 = arith.constant 32 : i32
          %dma_start3A_390 = arith.constant 0 : i32
          %dma_start3A_391 = tpu.memref_slice %arg11[%dma_start3A_389, %dma_start3A_390] : memref<64x128xf32, #tpu.memory_space<vmem>> -> memref<32x128xf32, #tpu.memory_space<vmem>>
          %dma_start3A_392 = arith.constant 32 : i32
          %dma_start3A_393 = tpu.memref_slice %arg6[%sub3A_206, %dma_start3A_392] : memref<40x64xi32, #tpu.memory_space<vmem>> -> memref<1x32xi32, #tpu.memory_space<vmem>>
          %dma_start3A_394 = tpu.memref_squeeze %dma_start3A_393 : memref<1x32xi32, #tpu.memory_space<vmem>> -> memref<32xi32, #tpu.memory_space<vmem>>
          %dma_start3A_395 = arith.constant 0 : i32
          %dma_start3A_396 = arith.constant 0 : i32
          %dma_start3A_397 = tpu.memref_slice %arg2[%dma_start3A_395, %dma_start3A_396] : memref<10000x128xf32, #tpu.memory_space<hbm>> -> memref<10000x128xf32, #tpu.memory_space<hbm>>
          tpu.enqueue_indirect_dma source(%dma_start3A_397 : memref<10000x128xf32, #tpu.memory_space<hbm>>) target(%dma_start3A_391 : memref<32x128xf32, #tpu.memory_space<vmem>>) offsets(%dma_start3A_394 : memref<32xi32, #tpu.memory_space<vmem>>) semaphore(%arg20 : memref<!tpu.dma_semaphore, #tpu.memory_space<semaphore_mem>>)
        } else {
        }
        %mul3A_242 = arith.constant 4 : i32
        %mul3A_243 = arith.muli %mul3A_242, %scan3A_199 : i32
        %add3A_244 = arith.constant 1 : i32
        %add3A_245 = arith.addi %mul3A_243, %add3A_244 : i32
        %add3A_246 = arith.constant 4 : i32
        %add3A_247 = arith.addi %add3A_245, %add3A_246 : i32
        %sub3A_248 = arith.constant 1 : i32
        %sub3A_249 = arith.subi %add3A_247, %sub3A_248 : i32
        %dma_wait3A_250 = arith.constant 0 : i32
        %dma_wait3A_251 = arith.constant 0 : i32
        %dma_wait3A_252 = arith.constant 0 : i32
        %dma_wait3A_253 = tpu.memref_slice %arg9[%dma_wait3A_251, %dma_wait3A_252] : memref<64x128xf32, #tpu.memory_space<vmem>> -> memref<32x128xf32, #tpu.memory_space<vmem>>
        %dma_wait3A_254 = arith.constant 0 : i32
        %dma_wait3A_255 = tpu.memref_slice %arg6[%dma_wait3A_250, %dma_wait3A_254] : memref<40x64xi32, #tpu.memory_space<vmem>> -> memref<1x32xi32, #tpu.memory_space<vmem>>
        %dma_wait3A_256 = tpu.memref_squeeze %dma_wait3A_255 : memref<1x32xi32, #tpu.memory_space<vmem>> -> memref<32xi32, #tpu.memory_space<vmem>>
        %dma_wait3A_257 = arith.constant 0 : i32
        %dma_wait3A_258 = arith.constant 0 : i32
        %dma_wait3A_259 = tpu.memref_slice %arg2[%dma_wait3A_257, %dma_wait3A_258] : memref<10000x128xf32, #tpu.memory_space<hbm>> -> memref<10000x128xf32, #tpu.memory_space<hbm>>
        tpu.wait_indirect_dma semaphore(%arg14 : memref<!tpu.dma_semaphore, #tpu.memory_space<semaphore_mem>>) src(%dma_wait3A_259 : memref<10000x128xf32, #tpu.memory_space<hbm>>) dst(%dma_wait3A_253 : memref<32x128xf32, #tpu.memory_space<vmem>>)
        %dma_wait3A_260 = arith.constant 0 : i32
        %dma_wait3A_261 = arith.constant 32 : i32
        %dma_wait3A_262 = arith.constant 0 : i32
        %dma_wait3A_263 = tpu.memref_slice %arg9[%dma_wait3A_261, %dma_wait3A_262] : memref<64x128xf32, #tpu.memory_space<vmem>> -> memref<32x128xf32, #tpu.memory_space<vmem>>
        %dma_wait3A_264 = arith.constant 0 : i32
        %dma_wait3A_265 = tpu.memref_slice %arg6[%dma_wait3A_260, %dma_wait3A_264] : memref<40x64xi32, #tpu.memory_space<vmem>> -> memref<1x32xi32, #tpu.memory_space<vmem>>
        %dma_wait3A_266 = tpu.memref_squeeze %dma_wait3A_265 : memref<1x32xi32, #tpu.memory_space<vmem>> -> memref<32xi32, #tpu.memory_space<vmem>>
        %dma_wait3A_267 = arith.constant 0 : i32
        %dma_wait3A_268 = arith.constant 0 : i32
        %dma_wait3A_269 = tpu.memref_slice %arg2[%dma_wait3A_267, %dma_wait3A_268] : memref<10000x128xf32, #tpu.memory_space<hbm>> -> memref<10000x128xf32, #tpu.memory_space<hbm>>
        tpu.wait_indirect_dma semaphore(%arg18 : memref<!tpu.dma_semaphore, #tpu.memory_space<semaphore_mem>>) src(%dma_wait3A_269 : memref<10000x128xf32, #tpu.memory_space<hbm>>) dst(%dma_wait3A_263 : memref<32x128xf32, #tpu.memory_space<vmem>>)
        %dma_wait3A_270 = arith.constant 0 : i32
        %dma_wait3A_271 = arith.constant 0 : i32
        %dma_wait3A_272 = tpu.memref_slice %arg7[%dma_wait3A_270, %dma_wait3A_271] : memref<40x64xi32, #tpu.memory_space<vmem>> -> memref<1x64xi32, #tpu.memory_space<vmem>>
        %dma_wait3A_273 = tpu.memref_squeeze %dma_wait3A_272 : memref<1x64xi32, #tpu.memory_space<vmem>> -> memref<64xi32, #tpu.memory_space<vmem>>
        %dma_wait3A_274 = arith.constant 0 : i32
        %dma_wait3A_275 = arith.constant 0 : i32
        %dma_wait3A_276 = tpu.memref_slice %arg12[%dma_wait3A_274, %dma_wait3A_275] : memref<10000x128xf32, #tpu.memory_space<vmem_shared>> -> memref<10000x128xf32, #tpu.memory_space<vmem_shared>>
        tpu.wait_indirect_dma semaphore(%arg21 : memref<!tpu.dma_semaphore, #tpu.memory_space<semaphore_mem>>) src(%arg8 : memref<64x128xf32, #tpu.memory_space<vmem>>) dst(%dma_wait3A_276 : memref<10000x128xf32, #tpu.memory_space<vmem_shared>>)
        %dma_start3A_277 = arith.constant 0 : i32
        %dma_start3A_278 = tpu.memref_slice %arg7[%add3A_245, %dma_start3A_277] : memref<40x64xi32, #tpu.memory_space<vmem>> -> memref<1x64xi32, #tpu.memory_space<vmem>>
        %dma_start3A_279 = tpu.memref_squeeze %dma_start3A_278 : memref<1x64xi32, #tpu.memory_space<vmem>> -> memref<64xi32, #tpu.memory_space<vmem>>
        %dma_start3A_280 = arith.constant 0 : i32
        %dma_start3A_281 = arith.constant 0 : i32
        %dma_start3A_282 = tpu.memref_slice %arg12[%dma_start3A_280, %dma_start3A_281] : memref<10000x128xf32, #tpu.memory_space<vmem_shared>> -> memref<10000x128xf32, #tpu.memory_space<vmem_shared>>
        tpu.enqueue_indirect_dma source(%arg9 : memref<64x128xf32, #tpu.memory_space<vmem>>) target(%dma_start3A_282 : memref<10000x128xf32, #tpu.memory_space<vmem_shared>>) offsets(%dma_start3A_279 : memref<64xi32, #tpu.memory_space<vmem>>) semaphore(%arg22 : memref<!tpu.dma_semaphore, #tpu.memory_space<semaphore_mem>>) {add = true}
        %lt3A_283 = arith.constant 40 : i32
        %lt3A_284 = arith.cmpi slt, %sub3A_249, %lt3A_283 : i32
        %convert_element_type3A_285 = arith.extui %lt3A_284 : i1 to i32
        %cond3A_286 = arith.constant 0 : i32
        %cond3A_287 = arith.cmpi ne, %convert_element_type3A_285, %cond3A_286 : i32
        scf.if %cond3A_287 {
          %dma_start3A_380 = arith.constant 0 : i32
          %dma_start3A_381 = arith.constant 0 : i32
          %dma_start3A_382 = tpu.memref_slice %arg8[%dma_start3A_380, %dma_start3A_381] : memref<64x128xf32, #tpu.memory_space<vmem>> -> memref<32x128xf32, #tpu.memory_space<vmem>>
          %dma_start3A_383 = arith.constant 0 : i32
          %dma_start3A_384 = tpu.memref_slice %arg6[%sub3A_249, %dma_start3A_383] : memref<40x64xi32, #tpu.memory_space<vmem>> -> memref<1x32xi32, #tpu.memory_space<vmem>>
          %dma_start3A_385 = tpu.memref_squeeze %dma_start3A_384 : memref<1x32xi32, #tpu.memory_space<vmem>> -> memref<32xi32, #tpu.memory_space<vmem>>
          %dma_start3A_386 = arith.constant 0 : i32
          %dma_start3A_387 = arith.constant 0 : i32
          %dma_start3A_388 = tpu.memref_slice %arg2[%dma_start3A_386, %dma_start3A_387] : memref<10000x128xf32, #tpu.memory_space<hbm>> -> memref<10000x128xf32, #tpu.memory_space<hbm>>
          tpu.enqueue_indirect_dma source(%dma_start3A_388 : memref<10000x128xf32, #tpu.memory_space<hbm>>) target(%dma_start3A_382 : memref<32x128xf32, #tpu.memory_space<vmem>>) offsets(%dma_start3A_385 : memref<32xi32, #tpu.memory_space<vmem>>) semaphore(%arg13 : memref<!tpu.dma_semaphore, #tpu.memory_space<semaphore_mem>>)
          %dma_start3A_389 = arith.constant 32 : i32
          %dma_start3A_390 = arith.constant 0 : i32
          %dma_start3A_391 = tpu.memref_slice %arg8[%dma_start3A_389, %dma_start3A_390] : memref<64x128xf32, #tpu.memory_space<vmem>> -> memref<32x128xf32, #tpu.memory_space<vmem>>
          %dma_start3A_392 = arith.constant 32 : i32
          %dma_start3A_393 = tpu.memref_slice %arg6[%sub3A_249, %dma_start3A_392] : memref<40x64xi32, #tpu.memory_space<vmem>> -> memref<1x32xi32, #tpu.memory_space<vmem>>
          %dma_start3A_394 = tpu.memref_squeeze %dma_start3A_393 : memref<1x32xi32, #tpu.memory_space<vmem>> -> memref<32xi32, #tpu.memory_space<vmem>>
          %dma_start3A_395 = arith.constant 0 : i32
          %dma_start3A_396 = arith.constant 0 : i32
          %dma_start3A_397 = tpu.memref_slice %arg2[%dma_start3A_395, %dma_start3A_396] : memref<10000x128xf32, #tpu.memory_space<hbm>> -> memref<10000x128xf32, #tpu.memory_space<hbm>>
          tpu.enqueue_indirect_dma source(%dma_start3A_397 : memref<10000x128xf32, #tpu.memory_space<hbm>>) target(%dma_start3A_391 : memref<32x128xf32, #tpu.memory_space<vmem>>) offsets(%dma_start3A_394 : memref<32xi32, #tpu.memory_space<vmem>>) semaphore(%arg17 : memref<!tpu.dma_semaphore, #tpu.memory_space<semaphore_mem>>)
        } else {
        }
        %mul3A_288 = arith.constant 4 : i32
        %mul3A_289 = arith.muli %mul3A_288, %scan3A_199 : i32
        %add3A_290 = arith.constant 2 : i32
        %add3A_291 = arith.addi %mul3A_289, %add3A_290 : i32
        %add3A_292 = arith.constant 4 : i32
        %add3A_293 = arith.addi %add3A_291, %add3A_292 : i32
        %sub3A_294 = arith.constant 1 : i32
        %sub3A_295 = arith.subi %add3A_293, %sub3A_294 : i32
        %dma_wait3A_296 = arith.constant 0 : i32
        %dma_wait3A_297 = arith.constant 0 : i32
        %dma_wait3A_298 = arith.constant 0 : i32
        %dma_wait3A_299 = tpu.memref_slice %arg10[%dma_wait3A_297, %dma_wait3A_298] : memref<64x128xf32, #tpu.memory_space<vmem>> -> memref<32x128xf32, #tpu.memory_space<vmem>>
        %dma_wait3A_300 = arith.constant 0 : i32
        %dma_wait3A_301 = tpu.memref_slice %arg6[%dma_wait3A_296, %dma_wait3A_300] : memref<40x64xi32, #tpu.memory_space<vmem>> -> memref<1x32xi32, #tpu.memory_space<vmem>>
        %dma_wait3A_302 = tpu.memref_squeeze %dma_wait3A_301 : memref<1x32xi32, #tpu.memory_space<vmem>> -> memref<32xi32, #tpu.memory_space<vmem>>
        %dma_wait3A_303 = arith.constant 0 : i32
        %dma_wait3A_304 = arith.constant 0 : i32
        %dma_wait3A_305 = tpu.memref_slice %arg2[%dma_wait3A_303, %dma_wait3A_304] : memref<10000x128xf32, #tpu.memory_space<hbm>> -> memref<10000x128xf32, #tpu.memory_space<hbm>>
        tpu.wait_indirect_dma semaphore(%arg15 : memref<!tpu.dma_semaphore, #tpu.memory_space<semaphore_mem>>) src(%dma_wait3A_305 : memref<10000x128xf32, #tpu.memory_space<hbm>>) dst(%dma_wait3A_299 : memref<32x128xf32, #tpu.memory_space<vmem>>)
        %dma_wait3A_306 = arith.constant 0 : i32
        %dma_wait3A_307 = arith.constant 32 : i32
        %dma_wait3A_308 = arith.constant 0 : i32
        %dma_wait3A_309 = tpu.memref_slice %arg10[%dma_wait3A_307, %dma_wait3A_308] : memref<64x128xf32, #tpu.memory_space<vmem>> -> memref<32x128xf32, #tpu.memory_space<vmem>>
        %dma_wait3A_310 = arith.constant 0 : i32
        %dma_wait3A_311 = tpu.memref_slice %arg6[%dma_wait3A_306, %dma_wait3A_310] : memref<40x64xi32, #tpu.memory_space<vmem>> -> memref<1x32xi32, #tpu.memory_space<vmem>>
        %dma_wait3A_312 = tpu.memref_squeeze %dma_wait3A_311 : memref<1x32xi32, #tpu.memory_space<vmem>> -> memref<32xi32, #tpu.memory_space<vmem>>
        %dma_wait3A_313 = arith.constant 0 : i32
        %dma_wait3A_314 = arith.constant 0 : i32
        %dma_wait3A_315 = tpu.memref_slice %arg2[%dma_wait3A_313, %dma_wait3A_314] : memref<10000x128xf32, #tpu.memory_space<hbm>> -> memref<10000x128xf32, #tpu.memory_space<hbm>>
        tpu.wait_indirect_dma semaphore(%arg19 : memref<!tpu.dma_semaphore, #tpu.memory_space<semaphore_mem>>) src(%dma_wait3A_315 : memref<10000x128xf32, #tpu.memory_space<hbm>>) dst(%dma_wait3A_309 : memref<32x128xf32, #tpu.memory_space<vmem>>)
        %dma_wait3A_316 = arith.constant 0 : i32
        %dma_wait3A_317 = arith.constant 0 : i32
        %dma_wait3A_318 = tpu.memref_slice %arg7[%dma_wait3A_316, %dma_wait3A_317] : memref<40x64xi32, #tpu.memory_space<vmem>> -> memref<1x64xi32, #tpu.memory_space<vmem>>
        %dma_wait3A_319 = tpu.memref_squeeze %dma_wait3A_318 : memref<1x64xi32, #tpu.memory_space<vmem>> -> memref<64xi32, #tpu.memory_space<vmem>>
        %dma_wait3A_320 = arith.constant 0 : i32
        %dma_wait3A_321 = arith.constant 0 : i32
        %dma_wait3A_322 = tpu.memref_slice %arg12[%dma_wait3A_320, %dma_wait3A_321] : memref<10000x128xf32, #tpu.memory_space<vmem_shared>> -> memref<10000x128xf32, #tpu.memory_space<vmem_shared>>
        tpu.wait_indirect_dma semaphore(%arg22 : memref<!tpu.dma_semaphore, #tpu.memory_space<semaphore_mem>>) src(%arg9 : memref<64x128xf32, #tpu.memory_space<vmem>>) dst(%dma_wait3A_322 : memref<10000x128xf32, #tpu.memory_space<vmem_shared>>)
        %dma_start3A_323 = arith.constant 0 : i32
        %dma_start3A_324 = tpu.memref_slice %arg7[%add3A_291, %dma_start3A_323] : memref<40x64xi32, #tpu.memory_space<vmem>> -> memref<1x64xi32, #tpu.memory_space<vmem>>
        %dma_start3A_325 = tpu.memref_squeeze %dma_start3A_324 : memref<1x64xi32, #tpu.memory_space<vmem>> -> memref<64xi32, #tpu.memory_space<vmem>>
        %dma_start3A_326 = arith.constant 0 : i32
        %dma_start3A_327 = arith.constant 0 : i32
        %dma_start3A_328 = tpu.memref_slice %arg12[%dma_start3A_326, %dma_start3A_327] : memref<10000x128xf32, #tpu.memory_space<vmem_shared>> -> memref<10000x128xf32, #tpu.memory_space<vmem_shared>>
        tpu.enqueue_indirect_dma source(%arg10 : memref<64x128xf32, #tpu.memory_space<vmem>>) target(%dma_start3A_328 : memref<10000x128xf32, #tpu.memory_space<vmem_shared>>) offsets(%dma_start3A_325 : memref<64xi32, #tpu.memory_space<vmem>>) semaphore(%arg23 : memref<!tpu.dma_semaphore, #tpu.memory_space<semaphore_mem>>) {add = true}
        %lt3A_329 = arith.constant 40 : i32
        %lt3A_330 = arith.cmpi slt, %sub3A_295, %lt3A_329 : i32
        %convert_element_type3A_331 = arith.extui %lt3A_330 : i1 to i32
        %cond3A_332 = arith.constant 0 : i32
        %cond3A_333 = arith.cmpi ne, %convert_element_type3A_331, %cond3A_332 : i32
        scf.if %cond3A_333 {
          %dma_start3A_380 = arith.constant 0 : i32
          %dma_start3A_381 = arith.constant 0 : i32
          %dma_start3A_382 = tpu.memref_slice %arg9[%dma_start3A_380, %dma_start3A_381] : memref<64x128xf32, #tpu.memory_space<vmem>> -> memref<32x128xf32, #tpu.memory_space<vmem>>
          %dma_start3A_383 = arith.constant 0 : i32
          %dma_start3A_384 = tpu.memref_slice %arg6[%sub3A_295, %dma_start3A_383] : memref<40x64xi32, #tpu.memory_space<vmem>> -> memref<1x32xi32, #tpu.memory_space<vmem>>
          %dma_start3A_385 = tpu.memref_squeeze %dma_start3A_384 : memref<1x32xi32, #tpu.memory_space<vmem>> -> memref<32xi32, #tpu.memory_space<vmem>>
          %dma_start3A_386 = arith.constant 0 : i32
          %dma_start3A_387 = arith.constant 0 : i32
          %dma_start3A_388 = tpu.memref_slice %arg2[%dma_start3A_386, %dma_start3A_387] : memref<10000x128xf32, #tpu.memory_space<hbm>> -> memref<10000x128xf32, #tpu.memory_space<hbm>>
          tpu.enqueue_indirect_dma source(%dma_start3A_388 : memref<10000x128xf32, #tpu.memory_space<hbm>>) target(%dma_start3A_382 : memref<32x128xf32, #tpu.memory_space<vmem>>) offsets(%dma_start3A_385 : memref<32xi32, #tpu.memory_space<vmem>>) semaphore(%arg14 : memref<!tpu.dma_semaphore, #tpu.memory_space<semaphore_mem>>)
          %dma_start3A_389 = arith.constant 32 : i32
          %dma_start3A_390 = arith.constant 0 : i32
          %dma_start3A_391 = tpu.memref_slice %arg9[%dma_start3A_389, %dma_start3A_390] : memref<64x128xf32, #tpu.memory_space<vmem>> -> memref<32x128xf32, #tpu.memory_space<vmem>>
          %dma_start3A_392 = arith.constant 32 : i32
          %dma_start3A_393 = tpu.memref_slice %arg6[%sub3A_295, %dma_start3A_392] : memref<40x64xi32, #tpu.memory_space<vmem>> -> memref<1x32xi32, #tpu.memory_space<vmem>>
          %dma_start3A_394 = tpu.memref_squeeze %dma_start3A_393 : memref<1x32xi32, #tpu.memory_space<vmem>> -> memref<32xi32, #tpu.memory_space<vmem>>
          %dma_start3A_395 = arith.constant 0 : i32
          %dma_start3A_396 = arith.constant 0 : i32
          %dma_start3A_397 = tpu.memref_slice %arg2[%dma_start3A_395, %dma_start3A_396] : memref<10000x128xf32, #tpu.memory_space<hbm>> -> memref<10000x128xf32, #tpu.memory_space<hbm>>
          tpu.enqueue_indirect_dma source(%dma_start3A_397 : memref<10000x128xf32, #tpu.memory_space<hbm>>) target(%dma_start3A_391 : memref<32x128xf32, #tpu.memory_space<vmem>>) offsets(%dma_start3A_394 : memref<32xi32, #tpu.memory_space<vmem>>) semaphore(%arg18 : memref<!tpu.dma_semaphore, #tpu.memory_space<semaphore_mem>>)
        } else {
        }
        %mul3A_334 = arith.constant 4 : i32
        %mul3A_335 = arith.muli %mul3A_334, %scan3A_199 : i32
        %add3A_336 = arith.constant 3 : i32
        %add3A_337 = arith.addi %mul3A_335, %add3A_336 : i32
        %add3A_338 = arith.constant 4 : i32
        %add3A_339 = arith.addi %add3A_337, %add3A_338 : i32
        %sub3A_340 = arith.constant 1 : i32
        %sub3A_341 = arith.subi %add3A_339, %sub3A_340 : i32
        %dma_wait3A_342 = arith.constant 0 : i32
        %dma_wait3A_343 = arith.constant 0 : i32
        %dma_wait3A_344 = arith.constant 0 : i32
        %dma_wait3A_345 = tpu.memref_slice %arg11[%dma_wait3A_343, %dma_wait3A_344] : memref<64x128xf32, #tpu.memory_space<vmem>> -> memref<32x128xf32, #tpu.memory_space<vmem>>
        %dma_wait3A_346 = arith.constant 0 : i32
        %dma_wait3A_347 = tpu.memref_slice %arg6[%dma_wait3A_342, %dma_wait3A_346] : memref<40x64xi32, #tpu.memory_space<vmem>> -> memref<1x32xi32, #tpu.memory_space<vmem>>
        %dma_wait3A_348 = tpu.memref_squeeze %dma_wait3A_347 : memref<1x32xi32, #tpu.memory_space<vmem>> -> memref<32xi32, #tpu.memory_space<vmem>>
        %dma_wait3A_349 = arith.constant 0 : i32
        %dma_wait3A_350 = arith.constant 0 : i32
        %dma_wait3A_351 = tpu.memref_slice %arg2[%dma_wait3A_349, %dma_wait3A_350] : memref<10000x128xf32, #tpu.memory_space<hbm>> -> memref<10000x128xf32, #tpu.memory_space<hbm>>
        tpu.wait_indirect_dma semaphore(%arg16 : memref<!tpu.dma_semaphore, #tpu.memory_space<semaphore_mem>>) src(%dma_wait3A_351 : memref<10000x128xf32, #tpu.memory_space<hbm>>) dst(%dma_wait3A_345 : memref<32x128xf32, #tpu.memory_space<vmem>>)
        %dma_wait3A_352 = arith.constant 0 : i32
        %dma_wait3A_353 = arith.constant 32 : i32
        %dma_wait3A_354 = arith.constant 0 : i32
        %dma_wait3A_355 = tpu.memref_slice %arg11[%dma_wait3A_353, %dma_wait3A_354] : memref<64x128xf32, #tpu.memory_space<vmem>> -> memref<32x128xf32, #tpu.memory_space<vmem>>
        %dma_wait3A_356 = arith.constant 0 : i32
        %dma_wait3A_357 = tpu.memref_slice %arg6[%dma_wait3A_352, %dma_wait3A_356] : memref<40x64xi32, #tpu.memory_space<vmem>> -> memref<1x32xi32, #tpu.memory_space<vmem>>
        %dma_wait3A_358 = tpu.memref_squeeze %dma_wait3A_357 : memref<1x32xi32, #tpu.memory_space<vmem>> -> memref<32xi32, #tpu.memory_space<vmem>>
        %dma_wait3A_359 = arith.constant 0 : i32
        %dma_wait3A_360 = arith.constant 0 : i32
        %dma_wait3A_361 = tpu.memref_slice %arg2[%dma_wait3A_359, %dma_wait3A_360] : memref<10000x128xf32, #tpu.memory_space<hbm>> -> memref<10000x128xf32, #tpu.memory_space<hbm>>
        tpu.wait_indirect_dma semaphore(%arg20 : memref<!tpu.dma_semaphore, #tpu.memory_space<semaphore_mem>>) src(%dma_wait3A_361 : memref<10000x128xf32, #tpu.memory_space<hbm>>) dst(%dma_wait3A_355 : memref<32x128xf32, #tpu.memory_space<vmem>>)
        %dma_wait3A_362 = arith.constant 0 : i32
        %dma_wait3A_363 = arith.constant 0 : i32
        %dma_wait3A_364 = tpu.memref_slice %arg7[%dma_wait3A_362, %dma_wait3A_363] : memref<40x64xi32, #tpu.memory_space<vmem>> -> memref<1x64xi32, #tpu.memory_space<vmem>>
        %dma_wait3A_365 = tpu.memref_squeeze %dma_wait3A_364 : memref<1x64xi32, #tpu.memory_space<vmem>> -> memref<64xi32, #tpu.memory_space<vmem>>
        %dma_wait3A_366 = arith.constant 0 : i32
        %dma_wait3A_367 = arith.constant 0 : i32
        %dma_wait3A_368 = tpu.memref_slice %arg12[%dma_wait3A_366, %dma_wait3A_367] : memref<10000x128xf32, #tpu.memory_space<vmem_shared>> -> memref<10000x128xf32, #tpu.memory_space<vmem_shared>>
        tpu.wait_indirect_dma semaphore(%arg23 : memref<!tpu.dma_semaphore, #tpu.memory_space<semaphore_mem>>) src(%arg10 : memref<64x128xf32, #tpu.memory_space<vmem>>) dst(%dma_wait3A_368 : memref<10000x128xf32, #tpu.memory_space<vmem_shared>>)
        %dma_start3A_369 = arith.constant 0 : i32
        %dma_start3A_370 = tpu.memref_slice %arg7[%add3A_337, %dma_start3A_369] : memref<40x64xi32, #tpu.memory_space<vmem>> -> memref<1x64xi32, #tpu.memory_space<vmem>>
        %dma_start3A_371 = tpu.memref_squeeze %dma_start3A_370 : memref<1x64xi32, #tpu.memory_space<vmem>> -> memref<64xi32, #tpu.memory_space<vmem>>
        %dma_start3A_372 = arith.constant 0 : i32
        %dma_start3A_373 = arith.constant 0 : i32
        %dma_start3A_374 = tpu.memref_slice %arg12[%dma_start3A_372, %dma_start3A_373] : memref<10000x128xf32, #tpu.memory_space<vmem_shared>> -> memref<10000x128xf32, #tpu.memory_space<vmem_shared>>
        tpu.enqueue_indirect_dma source(%arg11 : memref<64x128xf32, #tpu.memory_space<vmem>>) target(%dma_start3A_374 : memref<10000x128xf32, #tpu.memory_space<vmem_shared>>) offsets(%dma_start3A_371 : memref<64xi32, #tpu.memory_space<vmem>>) semaphore(%arg24 : memref<!tpu.dma_semaphore, #tpu.memory_space<semaphore_mem>>) {add = true}
        %lt3A_375 = arith.constant 40 : i32
        %lt3A_376 = arith.cmpi slt, %sub3A_341, %lt3A_375 : i32
        %convert_element_type3A_377 = arith.extui %lt3A_376 : i1 to i32
        %cond3A_378 = arith.constant 0 : i32
        %cond3A_379 = arith.cmpi ne, %convert_element_type3A_377, %cond3A_378 : i32
        scf.if %cond3A_379 {
          %dma_start3A_380 = arith.constant 0 : i32
          %dma_start3A_381 = arith.constant 0 : i32
          %dma_start3A_382 = tpu.memref_slice %arg10[%dma_start3A_380, %dma_start3A_381] : memref<64x128xf32, #tpu.memory_space<vmem>> -> memref<32x128xf32, #tpu.memory_space<vmem>>
          %dma_start3A_383 = arith.constant 0 : i32
          %dma_start3A_384 = tpu.memref_slice %arg6[%sub3A_341, %dma_start3A_383] : memref<40x64xi32, #tpu.memory_space<vmem>> -> memref<1x32xi32, #tpu.memory_space<vmem>>
          %dma_start3A_385 = tpu.memref_squeeze %dma_start3A_384 : memref<1x32xi32, #tpu.memory_space<vmem>> -> memref<32xi32, #tpu.memory_space<vmem>>
          %dma_start3A_386 = arith.constant 0 : i32
          %dma_start3A_387 = arith.constant 0 : i32
          %dma_start3A_388 = tpu.memref_slice %arg2[%dma_start3A_386, %dma_start3A_387] : memref<10000x128xf32, #tpu.memory_space<hbm>> -> memref<10000x128xf32, #tpu.memory_space<hbm>>
          tpu.enqueue_indirect_dma source(%dma_start3A_388 : memref<10000x128xf32, #tpu.memory_space<hbm>>) target(%dma_start3A_382 : memref<32x128xf32, #tpu.memory_space<vmem>>) offsets(%dma_start3A_385 : memref<32xi32, #tpu.memory_space<vmem>>) semaphore(%arg15 : memref<!tpu.dma_semaphore, #tpu.memory_space<semaphore_mem>>)
          %dma_start3A_389 = arith.constant 32 : i32
          %dma_start3A_390 = arith.constant 0 : i32
          %dma_start3A_391 = tpu.memref_slice %arg10[%dma_start3A_389, %dma_start3A_390] : memref<64x128xf32, #tpu.memory_space<vmem>> -> memref<32x128xf32, #tpu.memory_space<vmem>>
          %dma_start3A_392 = arith.constant 32 : i32
          %dma_start3A_393 = tpu.memref_slice %arg6[%sub3A_341, %dma_start3A_392] : memref<40x64xi32, #tpu.memory_space<vmem>> -> memref<1x32xi32, #tpu.memory_space<vmem>>
          %dma_start3A_394 = tpu.memref_squeeze %dma_start3A_393 : memref<1x32xi32, #tpu.memory_space<vmem>> -> memref<32xi32, #tpu.memory_space<vmem>>
          %dma_start3A_395 = arith.constant 0 : i32
          %dma_start3A_396 = arith.constant 0 : i32
          %dma_start3A_397 = tpu.memref_slice %arg2[%dma_start3A_395, %dma_start3A_396] : memref<10000x128xf32, #tpu.memory_space<hbm>> -> memref<10000x128xf32, #tpu.memory_space<hbm>>
          tpu.enqueue_indirect_dma source(%dma_start3A_397 : memref<10000x128xf32, #tpu.memory_space<hbm>>) target(%dma_start3A_391 : memref<32x128xf32, #tpu.memory_space<vmem>>) offsets(%dma_start3A_394 : memref<32xi32, #tpu.memory_space<vmem>>) semaphore(%arg19 : memref<!tpu.dma_semaphore, #tpu.memory_space<semaphore_mem>>)
        } else {
        }
      }
      %scan3A_191 = arith.constant 10 : i32
      %dma_wait3A_192 = arith.constant 0 : i32
      %dma_wait3A_193 = arith.constant 0 : i32
      %dma_wait3A_194 = tpu.memref_slice %arg7[%dma_wait3A_192, %dma_wait3A_193] : memref<40x64xi32, #tpu.memory_space<vmem>> -> memref<1x64xi32, #tpu.memory_space<vmem>>
      %dma_wait3A_195 = tpu.memref_squeeze %dma_wait3A_194 : memref<1x64xi32, #tpu.memory_space<vmem>> -> memref<64xi32, #tpu.memory_space<vmem>>
      %dma_wait3A_196 = arith.constant 0 : i32
      %dma_wait3A_197 = arith.constant 0 : i32
      %dma_wait3A_198 = tpu.memref_slice %arg12[%dma_wait3A_196, %dma_wait3A_197] : memref<10000x128xf32, #tpu.memory_space<vmem_shared>> -> memref<10000x128xf32, #tpu.memory_space<vmem_shared>>
      tpu.wait_indirect_dma semaphore(%arg24 : memref<!tpu.dma_semaphore, #tpu.memory_space<semaphore_mem>>) src(%arg11 : memref<64x128xf32, #tpu.memory_space<vmem>>) dst(%dma_wait3A_198 : memref<10000x128xf32, #tpu.memory_space<vmem_shared>>)
    } else {
    }
    %gt3A_102 = arith.constant 2 : i32
    %gt3A_103 = arith.cmpi sgt, %select_n3A, %gt3A_102 : i32
    %convert_element_type3A_104 = arith.extui %gt3A_103 : i1 to i32
    %cond3A_105 = arith.constant 0 : i32
    %cond3A_106 = arith.cmpi ne, %convert_element_type3A_104, %cond3A_105 : i32
    scf.if %cond3A_106 {
      %add3A_122 = arith.constant 80 : i32
      %add3A_123 = arith.addi %mul3A_19, %add3A_122 : i32
      "tpu.region"() ({
        %run_scoped3A = tpu.sem_alloc : memref<!tpu.dma_semaphore, #tpu.memory_space<semaphore_mem>>
        %dma_start3A_199 = arith.constant 0 : i32
        %dma_start3A_200 = tpu.memref_slice %arg3[%add3A_123, %dma_start3A_199] : memref<5000x64xi32, #tpu.memory_space<hbm>> -> memref<40x64xi32, #tpu.memory_space<hbm>>
        %dma_start3A_201 = arith.constant 0 : i32
        %dma_start3A_202 = tpu.memref_slice %arg3[%add3A_123, %dma_start3A_201] : memref<5000x64xi32, #tpu.memory_space<hbm>> -> memref<40x64xi32, #tpu.memory_space<hbm>>
        tpu.enqueue_dma source(%dma_start3A_202 : memref<40x64xi32, #tpu.memory_space<hbm>>) target(%arg6 : memref<40x64xi32, #tpu.memory_space<vmem>>) target_semaphore(%run_scoped3A : memref<!tpu.dma_semaphore, #tpu.memory_space<semaphore_mem>>)
        %dma_wait3A_203 = arith.constant 0 : i32
        %dma_wait3A_204 = tpu.memref_slice %arg3[%add3A_123, %dma_wait3A_203] : memref<5000x64xi32, #tpu.memory_space<hbm>> -> memref<40x64xi32, #tpu.memory_space<hbm>>
        %dma_wait3A_205 = arith.constant 0 : i32
        %dma_wait3A_206 = tpu.memref_slice %arg3[%add3A_123, %dma_wait3A_205] : memref<5000x64xi32, #tpu.memory_space<hbm>> -> memref<40x64xi32, #tpu.memory_space<hbm>>
        tpu.wait_dma2 semaphore(%run_scoped3A : memref<!tpu.dma_semaphore, #tpu.memory_space<semaphore_mem>>) src(%dma_wait3A_206 : memref<40x64xi32, #tpu.memory_space<hbm>>) dst(%arg6 : memref<40x64xi32, #tpu.memory_space<vmem>>)
        tpu.yield
      }) : () -> ()
      %add3A_124 = arith.constant 80 : i32
      %add3A_125 = arith.addi %mul3A_19, %add3A_124 : i32
      "tpu.region"() ({
        %run_scoped3A = tpu.sem_alloc : memref<!tpu.dma_semaphore, #tpu.memory_space<semaphore_mem>>
        %dma_start3A_199 = arith.constant 0 : i32
        %dma_start3A_200 = tpu.memref_slice %arg4[%add3A_125, %dma_start3A_199] : memref<5000x64xi32, #tpu.memory_space<hbm>> -> memref<40x64xi32, #tpu.memory_space<hbm>>
        %dma_start3A_201 = arith.constant 0 : i32
        %dma_start3A_202 = tpu.memref_slice %arg4[%add3A_125, %dma_start3A_201] : memref<5000x64xi32, #tpu.memory_space<hbm>> -> memref<40x64xi32, #tpu.memory_space<hbm>>
        tpu.enqueue_dma source(%dma_start3A_202 : memref<40x64xi32, #tpu.memory_space<hbm>>) target(%arg7 : memref<40x64xi32, #tpu.memory_space<vmem>>) target_semaphore(%run_scoped3A : memref<!tpu.dma_semaphore, #tpu.memory_space<semaphore_mem>>)
        %dma_wait3A_203 = arith.constant 0 : i32
        %dma_wait3A_204 = tpu.memref_slice %arg4[%add3A_125, %dma_wait3A_203] : memref<5000x64xi32, #tpu.memory_space<hbm>> -> memref<40x64xi32, #tpu.memory_space<hbm>>
        %dma_wait3A_205 = arith.constant 0 : i32
        %dma_wait3A_206 = tpu.memref_slice %arg4[%add3A_125, %dma_wait3A_205] : memref<5000x64xi32, #tpu.memory_space<hbm>> -> memref<40x64xi32, #tpu.memory_space<hbm>>
        tpu.wait_dma2 semaphore(%run_scoped3A : memref<!tpu.dma_semaphore, #tpu.memory_space<semaphore_mem>>) src(%dma_wait3A_206 : memref<40x64xi32, #tpu.memory_space<hbm>>) dst(%arg7 : memref<40x64xi32, #tpu.memory_space<vmem>>)
        tpu.yield
      }) : () -> ()
      %dma_start3A_126 = arith.constant 0 : i32
      %dma_start3A_127 = arith.constant 0 : i32
      %dma_start3A_128 = arith.constant 0 : i32
      %dma_start3A_129 = tpu.memref_slice %arg8[%dma_start3A_127, %dma_start3A_128] : memref<64x128xf32, #tpu.memory_space<vmem>> -> memref<32x128xf32, #tpu.memory_space<vmem>>
      %dma_start3A_130 = arith.constant 0 : i32
      %dma_start3A_131 = tpu.memref_slice %arg6[%dma_start3A_126, %dma_start3A_130] : memref<40x64xi32, #tpu.memory_space<vmem>> -> memref<1x32xi32, #tpu.memory_space<vmem>>
      %dma_start3A_132 = tpu.memref_squeeze %dma_start3A_131 : memref<1x32xi32, #tpu.memory_space<vmem>> -> memref<32xi32, #tpu.memory_space<vmem>>
      %dma_start3A_133 = arith.constant 0 : i32
      %dma_start3A_134 = arith.constant 0 : i32
      %dma_start3A_135 = tpu.memref_slice %arg2[%dma_start3A_133, %dma_start3A_134] : memref<10000x128xf32, #tpu.memory_space<hbm>> -> memref<10000x128xf32, #tpu.memory_space<hbm>>
      tpu.enqueue_indirect_dma source(%dma_start3A_135 : memref<10000x128xf32, #tpu.memory_space<hbm>>) target(%dma_start3A_129 : memref<32x128xf32, #tpu.memory_space<vmem>>) offsets(%dma_start3A_132 : memref<32xi32, #tpu.memory_space<vmem>>) semaphore(%arg13 : memref<!tpu.dma_semaphore, #tpu.memory_space<semaphore_mem>>)
      %dma_start3A_136 = arith.constant 0 : i32
      %dma_start3A_137 = arith.constant 32 : i32
      %dma_start3A_138 = arith.constant 0 : i32
      %dma_start3A_139 = tpu.memref_slice %arg8[%dma_start3A_137, %dma_start3A_138] : memref<64x128xf32, #tpu.memory_space<vmem>> -> memref<32x128xf32, #tpu.memory_space<vmem>>
      %dma_start3A_140 = arith.constant 32 : i32
      %dma_start3A_141 = tpu.memref_slice %arg6[%dma_start3A_136, %dma_start3A_140] : memref<40x64xi32, #tpu.memory_space<vmem>> -> memref<1x32xi32, #tpu.memory_space<vmem>>
      %dma_start3A_142 = tpu.memref_squeeze %dma_start3A_141 : memref<1x32xi32, #tpu.memory_space<vmem>> -> memref<32xi32, #tpu.memory_space<vmem>>
      %dma_start3A_143 = arith.constant 0 : i32
      %dma_start3A_144 = arith.constant 0 : i32
      %dma_start3A_145 = tpu.memref_slice %arg2[%dma_start3A_143, %dma_start3A_144] : memref<10000x128xf32, #tpu.memory_space<hbm>> -> memref<10000x128xf32, #tpu.memory_space<hbm>>
      tpu.enqueue_indirect_dma source(%dma_start3A_145 : memref<10000x128xf32, #tpu.memory_space<hbm>>) target(%dma_start3A_139 : memref<32x128xf32, #tpu.memory_space<vmem>>) offsets(%dma_start3A_142 : memref<32xi32, #tpu.memory_space<vmem>>) semaphore(%arg17 : memref<!tpu.dma_semaphore, #tpu.memory_space<semaphore_mem>>)
      %dma_start3A_146 = arith.constant 1 : i32
      %dma_start3A_147 = arith.constant 0 : i32
      %dma_start3A_148 = arith.constant 0 : i32
      %dma_start3A_149 = tpu.memref_slice %arg9[%dma_start3A_147, %dma_start3A_148] : memref<64x128xf32, #tpu.memory_space<vmem>> -> memref<32x128xf32, #tpu.memory_space<vmem>>
      %dma_start3A_150 = arith.constant 0 : i32
      %dma_start3A_151 = tpu.memref_slice %arg6[%dma_start3A_146, %dma_start3A_150] : memref<40x64xi32, #tpu.memory_space<vmem>> -> memref<1x32xi32, #tpu.memory_space<vmem>>
      %dma_start3A_152 = tpu.memref_squeeze %dma_start3A_151 : memref<1x32xi32, #tpu.memory_space<vmem>> -> memref<32xi32, #tpu.memory_space<vmem>>
      %dma_start3A_153 = arith.constant 0 : i32
      %dma_start3A_154 = arith.constant 0 : i32
      %dma_start3A_155 = tpu.memref_slice %arg2[%dma_start3A_153, %dma_start3A_154] : memref<10000x128xf32, #tpu.memory_space<hbm>> -> memref<10000x128xf32, #tpu.memory_space<hbm>>
      tpu.enqueue_indirect_dma source(%dma_start3A_155 : memref<10000x128xf32, #tpu.memory_space<hbm>>) target(%dma_start3A_149 : memref<32x128xf32, #tpu.memory_space<vmem>>) offsets(%dma_start3A_152 : memref<32xi32, #tpu.memory_space<vmem>>) semaphore(%arg14 : memref<!tpu.dma_semaphore, #tpu.memory_space<semaphore_mem>>)
      %dma_start3A_156 = arith.constant 1 : i32
      %dma_start3A_157 = arith.constant 32 : i32
      %dma_start3A_158 = arith.constant 0 : i32
      %dma_start3A_159 = tpu.memref_slice %arg9[%dma_start3A_157, %dma_start3A_158] : memref<64x128xf32, #tpu.memory_space<vmem>> -> memref<32x128xf32, #tpu.memory_space<vmem>>
      %dma_start3A_160 = arith.constant 32 : i32
      %dma_start3A_161 = tpu.memref_slice %arg6[%dma_start3A_156, %dma_start3A_160] : memref<40x64xi32, #tpu.memory_space<vmem>> -> memref<1x32xi32, #tpu.memory_space<vmem>>
      %dma_start3A_162 = tpu.memref_squeeze %dma_start3A_161 : memref<1x32xi32, #tpu.memory_space<vmem>> -> memref<32xi32, #tpu.memory_space<vmem>>
      %dma_start3A_163 = arith.constant 0 : i32
      %dma_start3A_164 = arith.constant 0 : i32
      %dma_start3A_165 = tpu.memref_slice %arg2[%dma_start3A_163, %dma_start3A_164] : memref<10000x128xf32, #tpu.memory_space<hbm>> -> memref<10000x128xf32, #tpu.memory_space<hbm>>
      tpu.enqueue_indirect_dma source(%dma_start3A_165 : memref<10000x128xf32, #tpu.memory_space<hbm>>) target(%dma_start3A_159 : memref<32x128xf32, #tpu.memory_space<vmem>>) offsets(%dma_start3A_162 : memref<32xi32, #tpu.memory_space<vmem>>) semaphore(%arg18 : memref<!tpu.dma_semaphore, #tpu.memory_space<semaphore_mem>>)
      %dma_start3A_166 = arith.constant 2 : i32
      %dma_start3A_167 = arith.constant 0 : i32
      %dma_start3A_168 = arith.constant 0 : i32
      %dma_start3A_169 = tpu.memref_slice %arg10[%dma_start3A_167, %dma_start3A_168] : memref<64x128xf32, #tpu.memory_space<vmem>> -> memref<32x128xf32, #tpu.memory_space<vmem>>
      %dma_start3A_170 = arith.constant 0 : i32
      %dma_start3A_171 = tpu.memref_slice %arg6[%dma_start3A_166, %dma_start3A_170] : memref<40x64xi32, #tpu.memory_space<vmem>> -> memref<1x32xi32, #tpu.memory_space<vmem>>
      %dma_start3A_172 = tpu.memref_squeeze %dma_start3A_171 : memref<1x32xi32, #tpu.memory_space<vmem>> -> memref<32xi32, #tpu.memory_space<vmem>>
      %dma_start3A_173 = arith.constant 0 : i32
      %dma_start3A_174 = arith.constant 0 : i32
      %dma_start3A_175 = tpu.memref_slice %arg2[%dma_start3A_173, %dma_start3A_174] : memref<10000x128xf32, #tpu.memory_space<hbm>> -> memref<10000x128xf32, #tpu.memory_space<hbm>>
      tpu.enqueue_indirect_dma source(%dma_start3A_175 : memref<10000x128xf32, #tpu.memory_space<hbm>>) target(%dma_start3A_169 : memref<32x128xf32, #tpu.memory_space<vmem>>) offsets(%dma_start3A_172 : memref<32xi32, #tpu.memory_space<vmem>>) semaphore(%arg15 : memref<!tpu.dma_semaphore, #tpu.memory_space<semaphore_mem>>)
      %dma_start3A_176 = arith.constant 2 : i32
      %dma_start3A_177 = arith.constant 32 : i32
      %dma_start3A_178 = arith.constant 0 : i32
      %dma_start3A_179 = tpu.memref_slice %arg10[%dma_start3A_177, %dma_start3A_178] : memref<64x128xf32, #tpu.memory_space<vmem>> -> memref<32x128xf32, #tpu.memory_space<vmem>>
      %dma_start3A_180 = arith.constant 32 : i32
      %dma_start3A_181 = tpu.memref_slice %arg6[%dma_start3A_176, %dma_start3A_180] : memref<40x64xi32, #tpu.memory_space<vmem>> -> memref<1x32xi32, #tpu.memory_space<vmem>>
      %dma_start3A_182 = tpu.memref_squeeze %dma_start3A_181 : memref<1x32xi32, #tpu.memory_space<vmem>> -> memref<32xi32, #tpu.memory_space<vmem>>
      %dma_start3A_183 = arith.constant 0 : i32
      %dma_start3A_184 = arith.constant 0 : i32
      %dma_start3A_185 = tpu.memref_slice %arg2[%dma_start3A_183, %dma_start3A_184] : memref<10000x128xf32, #tpu.memory_space<hbm>> -> memref<10000x128xf32, #tpu.memory_space<hbm>>
      tpu.enqueue_indirect_dma source(%dma_start3A_185 : memref<10000x128xf32, #tpu.memory_space<hbm>>) target(%dma_start3A_179 : memref<32x128xf32, #tpu.memory_space<vmem>>) offsets(%dma_start3A_182 : memref<32xi32, #tpu.memory_space<vmem>>) semaphore(%arg19 : memref<!tpu.dma_semaphore, #tpu.memory_space<semaphore_mem>>)
      %scan3A_186 = arith.constant 0 : i32
      %scan3A_187 = arith.constant 0 : i32
      %scan3A_188 = arith.constant 10 : i32
      %scan3A_189 = arith.addi %scan3A_187, %scan3A_188 : i32
      %scan3A_190 = arith.constant 1 : i32
      scf.for %scan3A_199 = %scan3A_187 to %scan3A_189 step %scan3A_190  : i32 {
        %mul3A_200 = arith.constant 4 : i32
        %mul3A_201 = arith.muli %mul3A_200, %scan3A_199 : i32
        %add3A_202 = arith.constant 0 : i32
        %add3A_203 = arith.addi %mul3A_201, %add3A_202 : i32
        %add3A_204 = arith.constant 4 : i32
        %add3A_205 = arith.addi %add3A_203, %add3A_204 : i32
        %sub3A = arith.constant 1 : i32
        %sub3A_206 = arith.subi %add3A_205, %sub3A : i32
        %dma_wait3A_207 = arith.constant 0 : i32
        %dma_wait3A_208 = arith.constant 0 : i32
        %dma_wait3A_209 = arith.constant 0 : i32
        %dma_wait3A_210 = tpu.memref_slice %arg8[%dma_wait3A_208, %dma_wait3A_209] : memref<64x128xf32, #tpu.memory_space<vmem>> -> memref<32x128xf32, #tpu.memory_space<vmem>>
        %dma_wait3A_211 = arith.constant 0 : i32
        %dma_wait3A_212 = tpu.memref_slice %arg6[%dma_wait3A_207, %dma_wait3A_211] : memref<40x64xi32, #tpu.memory_space<vmem>> -> memref<1x32xi32, #tpu.memory_space<vmem>>
        %dma_wait3A_213 = tpu.memref_squeeze %dma_wait3A_212 : memref<1x32xi32, #tpu.memory_space<vmem>> -> memref<32xi32, #tpu.memory_space<vmem>>
        %dma_wait3A_214 = arith.constant 0 : i32
        %dma_wait3A_215 = arith.constant 0 : i32
        %dma_wait3A_216 = tpu.memref_slice %arg2[%dma_wait3A_214, %dma_wait3A_215] : memref<10000x128xf32, #tpu.memory_space<hbm>> -> memref<10000x128xf32, #tpu.memory_space<hbm>>
        tpu.wait_indirect_dma semaphore(%arg13 : memref<!tpu.dma_semaphore, #tpu.memory_space<semaphore_mem>>) src(%dma_wait3A_216 : memref<10000x128xf32, #tpu.memory_space<hbm>>) dst(%dma_wait3A_210 : memref<32x128xf32, #tpu.memory_space<vmem>>)
        %dma_wait3A_217 = arith.constant 0 : i32
        %dma_wait3A_218 = arith.constant 32 : i32
        %dma_wait3A_219 = arith.constant 0 : i32
        %dma_wait3A_220 = tpu.memref_slice %arg8[%dma_wait3A_218, %dma_wait3A_219] : memref<64x128xf32, #tpu.memory_space<vmem>> -> memref<32x128xf32, #tpu.memory_space<vmem>>
        %dma_wait3A_221 = arith.constant 0 : i32
        %dma_wait3A_222 = tpu.memref_slice %arg6[%dma_wait3A_217, %dma_wait3A_221] : memref<40x64xi32, #tpu.memory_space<vmem>> -> memref<1x32xi32, #tpu.memory_space<vmem>>
        %dma_wait3A_223 = tpu.memref_squeeze %dma_wait3A_222 : memref<1x32xi32, #tpu.memory_space<vmem>> -> memref<32xi32, #tpu.memory_space<vmem>>
        %dma_wait3A_224 = arith.constant 0 : i32
        %dma_wait3A_225 = arith.constant 0 : i32
        %dma_wait3A_226 = tpu.memref_slice %arg2[%dma_wait3A_224, %dma_wait3A_225] : memref<10000x128xf32, #tpu.memory_space<hbm>> -> memref<10000x128xf32, #tpu.memory_space<hbm>>
        tpu.wait_indirect_dma semaphore(%arg17 : memref<!tpu.dma_semaphore, #tpu.memory_space<semaphore_mem>>) src(%dma_wait3A_226 : memref<10000x128xf32, #tpu.memory_space<hbm>>) dst(%dma_wait3A_220 : memref<32x128xf32, #tpu.memory_space<vmem>>)
        %gt3A_227 = arith.constant 0 : i32
        %gt3A_228 = arith.cmpi sgt, %scan3A_199, %gt3A_227 : i32
        %convert_element_type3A_229 = arith.extui %gt3A_228 : i1 to i32
        %cond3A_230 = arith.constant 0 : i32
        %cond3A_231 = arith.cmpi ne, %convert_element_type3A_229, %cond3A_230 : i32
        scf.if %cond3A_231 {
          %dma_wait3A_380 = arith.constant 0 : i32
          %dma_wait3A_381 = arith.constant 0 : i32
          %dma_wait3A_382 = tpu.memref_slice %arg7[%dma_wait3A_380, %dma_wait3A_381] : memref<40x64xi32, #tpu.memory_space<vmem>> -> memref<1x64xi32, #tpu.memory_space<vmem>>
          %dma_wait3A_383 = tpu.memref_squeeze %dma_wait3A_382 : memref<1x64xi32, #tpu.memory_space<vmem>> -> memref<64xi32, #tpu.memory_space<vmem>>
          %dma_wait3A_384 = arith.constant 0 : i32
          %dma_wait3A_385 = arith.constant 0 : i32
          %dma_wait3A_386 = tpu.memref_slice %arg12[%dma_wait3A_384, %dma_wait3A_385] : memref<10000x128xf32, #tpu.memory_space<vmem_shared>> -> memref<10000x128xf32, #tpu.memory_space<vmem_shared>>
          tpu.wait_indirect_dma semaphore(%arg24 : memref<!tpu.dma_semaphore, #tpu.memory_space<semaphore_mem>>) src(%arg11 : memref<64x128xf32, #tpu.memory_space<vmem>>) dst(%dma_wait3A_386 : memref<10000x128xf32, #tpu.memory_space<vmem_shared>>)
        } else {
        }
        %dma_start3A_232 = arith.constant 0 : i32
        %dma_start3A_233 = tpu.memref_slice %arg7[%add3A_203, %dma_start3A_232] : memref<40x64xi32, #tpu.memory_space<vmem>> -> memref<1x64xi32, #tpu.memory_space<vmem>>
        %dma_start3A_234 = tpu.memref_squeeze %dma_start3A_233 : memref<1x64xi32, #tpu.memory_space<vmem>> -> memref<64xi32, #tpu.memory_space<vmem>>
        %dma_start3A_235 = arith.constant 0 : i32
        %dma_start3A_236 = arith.constant 0 : i32
        %dma_start3A_237 = tpu.memref_slice %arg12[%dma_start3A_235, %dma_start3A_236] : memref<10000x128xf32, #tpu.memory_space<vmem_shared>> -> memref<10000x128xf32, #tpu.memory_space<vmem_shared>>
        tpu.enqueue_indirect_dma source(%arg8 : memref<64x128xf32, #tpu.memory_space<vmem>>) target(%dma_start3A_237 : memref<10000x128xf32, #tpu.memory_space<vmem_shared>>) offsets(%dma_start3A_234 : memref<64xi32, #tpu.memory_space<vmem>>) semaphore(%arg21 : memref<!tpu.dma_semaphore, #tpu.memory_space<semaphore_mem>>) {add = true}
        %lt3A = arith.constant 40 : i32
        %lt3A_238 = arith.cmpi slt, %sub3A_206, %lt3A : i32
        %convert_element_type3A_239 = arith.extui %lt3A_238 : i1 to i32
        %cond3A_240 = arith.constant 0 : i32
        %cond3A_241 = arith.cmpi ne, %convert_element_type3A_239, %cond3A_240 : i32
        scf.if %cond3A_241 {
          %dma_start3A_380 = arith.constant 0 : i32
          %dma_start3A_381 = arith.constant 0 : i32
          %dma_start3A_382 = tpu.memref_slice %arg11[%dma_start3A_380, %dma_start3A_381] : memref<64x128xf32, #tpu.memory_space<vmem>> -> memref<32x128xf32, #tpu.memory_space<vmem>>
          %dma_start3A_383 = arith.constant 0 : i32
          %dma_start3A_384 = tpu.memref_slice %arg6[%sub3A_206, %dma_start3A_383] : memref<40x64xi32, #tpu.memory_space<vmem>> -> memref<1x32xi32, #tpu.memory_space<vmem>>
          %dma_start3A_385 = tpu.memref_squeeze %dma_start3A_384 : memref<1x32xi32, #tpu.memory_space<vmem>> -> memref<32xi32, #tpu.memory_space<vmem>>
          %dma_start3A_386 = arith.constant 0 : i32
          %dma_start3A_387 = arith.constant 0 : i32
          %dma_start3A_388 = tpu.memref_slice %arg2[%dma_start3A_386, %dma_start3A_387] : memref<10000x128xf32, #tpu.memory_space<hbm>> -> memref<10000x128xf32, #tpu.memory_space<hbm>>
          tpu.enqueue_indirect_dma source(%dma_start3A_388 : memref<10000x128xf32, #tpu.memory_space<hbm>>) target(%dma_start3A_382 : memref<32x128xf32, #tpu.memory_space<vmem>>) offsets(%dma_start3A_385 : memref<32xi32, #tpu.memory_space<vmem>>) semaphore(%arg16 : memref<!tpu.dma_semaphore, #tpu.memory_space<semaphore_mem>>)
          %dma_start3A_389 = arith.constant 32 : i32
          %dma_start3A_390 = arith.constant 0 : i32
          %dma_start3A_391 = tpu.memref_slice %arg11[%dma_start3A_389, %dma_start3A_390] : memref<64x128xf32, #tpu.memory_space<vmem>> -> memref<32x128xf32, #tpu.memory_space<vmem>>
          %dma_start3A_392 = arith.constant 32 : i32
          %dma_start3A_393 = tpu.memref_slice %arg6[%sub3A_206, %dma_start3A_392] : memref<40x64xi32, #tpu.memory_space<vmem>> -> memref<1x32xi32, #tpu.memory_space<vmem>>
          %dma_start3A_394 = tpu.memref_squeeze %dma_start3A_393 : memref<1x32xi32, #tpu.memory_space<vmem>> -> memref<32xi32, #tpu.memory_space<vmem>>
          %dma_start3A_395 = arith.constant 0 : i32
          %dma_start3A_396 = arith.constant 0 : i32
          %dma_start3A_397 = tpu.memref_slice %arg2[%dma_start3A_395, %dma_start3A_396] : memref<10000x128xf32, #tpu.memory_space<hbm>> -> memref<10000x128xf32, #tpu.memory_space<hbm>>
          tpu.enqueue_indirect_dma source(%dma_start3A_397 : memref<10000x128xf32, #tpu.memory_space<hbm>>) target(%dma_start3A_391 : memref<32x128xf32, #tpu.memory_space<vmem>>) offsets(%dma_start3A_394 : memref<32xi32, #tpu.memory_space<vmem>>) semaphore(%arg20 : memref<!tpu.dma_semaphore, #tpu.memory_space<semaphore_mem>>)
        } else {
        }
        %mul3A_242 = arith.constant 4 : i32
        %mul3A_243 = arith.muli %mul3A_242, %scan3A_199 : i32
        %add3A_244 = arith.constant 1 : i32
        %add3A_245 = arith.addi %mul3A_243, %add3A_244 : i32
        %add3A_246 = arith.constant 4 : i32
        %add3A_247 = arith.addi %add3A_245, %add3A_246 : i32
        %sub3A_248 = arith.constant 1 : i32
        %sub3A_249 = arith.subi %add3A_247, %sub3A_248 : i32
        %dma_wait3A_250 = arith.constant 0 : i32
        %dma_wait3A_251 = arith.constant 0 : i32
        %dma_wait3A_252 = arith.constant 0 : i32
        %dma_wait3A_253 = tpu.memref_slice %arg9[%dma_wait3A_251, %dma_wait3A_252] : memref<64x128xf32, #tpu.memory_space<vmem>> -> memref<32x128xf32, #tpu.memory_space<vmem>>
        %dma_wait3A_254 = arith.constant 0 : i32
        %dma_wait3A_255 = tpu.memref_slice %arg6[%dma_wait3A_250, %dma_wait3A_254] : memref<40x64xi32, #tpu.memory_space<vmem>> -> memref<1x32xi32, #tpu.memory_space<vmem>>
        %dma_wait3A_256 = tpu.memref_squeeze %dma_wait3A_255 : memref<1x32xi32, #tpu.memory_space<vmem>> -> memref<32xi32, #tpu.memory_space<vmem>>
        %dma_wait3A_257 = arith.constant 0 : i32
        %dma_wait3A_258 = arith.constant 0 : i32
        %dma_wait3A_259 = tpu.memref_slice %arg2[%dma_wait3A_257, %dma_wait3A_258] : memref<10000x128xf32, #tpu.memory_space<hbm>> -> memref<10000x128xf32, #tpu.memory_space<hbm>>
        tpu.wait_indirect_dma semaphore(%arg14 : memref<!tpu.dma_semaphore, #tpu.memory_space<semaphore_mem>>) src(%dma_wait3A_259 : memref<10000x128xf32, #tpu.memory_space<hbm>>) dst(%dma_wait3A_253 : memref<32x128xf32, #tpu.memory_space<vmem>>)
        %dma_wait3A_260 = arith.constant 0 : i32
        %dma_wait3A_261 = arith.constant 32 : i32
        %dma_wait3A_262 = arith.constant 0 : i32
        %dma_wait3A_263 = tpu.memref_slice %arg9[%dma_wait3A_261, %dma_wait3A_262] : memref<64x128xf32, #tpu.memory_space<vmem>> -> memref<32x128xf32, #tpu.memory_space<vmem>>
        %dma_wait3A_264 = arith.constant 0 : i32
        %dma_wait3A_265 = tpu.memref_slice %arg6[%dma_wait3A_260, %dma_wait3A_264] : memref<40x64xi32, #tpu.memory_space<vmem>> -> memref<1x32xi32, #tpu.memory_space<vmem>>
        %dma_wait3A_266 = tpu.memref_squeeze %dma_wait3A_265 : memref<1x32xi32, #tpu.memory_space<vmem>> -> memref<32xi32, #tpu.memory_space<vmem>>
        %dma_wait3A_267 = arith.constant 0 : i32
        %dma_wait3A_268 = arith.constant 0 : i32
        %dma_wait3A_269 = tpu.memref_slice %arg2[%dma_wait3A_267, %dma_wait3A_268] : memref<10000x128xf32, #tpu.memory_space<hbm>> -> memref<10000x128xf32, #tpu.memory_space<hbm>>
        tpu.wait_indirect_dma semaphore(%arg18 : memref<!tpu.dma_semaphore, #tpu.memory_space<semaphore_mem>>) src(%dma_wait3A_269 : memref<10000x128xf32, #tpu.memory_space<hbm>>) dst(%dma_wait3A_263 : memref<32x128xf32, #tpu.memory_space<vmem>>)
        %dma_wait3A_270 = arith.constant 0 : i32
        %dma_wait3A_271 = arith.constant 0 : i32
        %dma_wait3A_272 = tpu.memref_slice %arg7[%dma_wait3A_270, %dma_wait3A_271] : memref<40x64xi32, #tpu.memory_space<vmem>> -> memref<1x64xi32, #tpu.memory_space<vmem>>
        %dma_wait3A_273 = tpu.memref_squeeze %dma_wait3A_272 : memref<1x64xi32, #tpu.memory_space<vmem>> -> memref<64xi32, #tpu.memory_space<vmem>>
        %dma_wait3A_274 = arith.constant 0 : i32
        %dma_wait3A_275 = arith.constant 0 : i32
        %dma_wait3A_276 = tpu.memref_slice %arg12[%dma_wait3A_274, %dma_wait3A_275] : memref<10000x128xf32, #tpu.memory_space<vmem_shared>> -> memref<10000x128xf32, #tpu.memory_space<vmem_shared>>
        tpu.wait_indirect_dma semaphore(%arg21 : memref<!tpu.dma_semaphore, #tpu.memory_space<semaphore_mem>>) src(%arg8 : memref<64x128xf32, #tpu.memory_space<vmem>>) dst(%dma_wait3A_276 : memref<10000x128xf32, #tpu.memory_space<vmem_shared>>)
        %dma_start3A_277 = arith.constant 0 : i32
        %dma_start3A_278 = tpu.memref_slice %arg7[%add3A_245, %dma_start3A_277] : memref<40x64xi32, #tpu.memory_space<vmem>> -> memref<1x64xi32, #tpu.memory_space<vmem>>
        %dma_start3A_279 = tpu.memref_squeeze %dma_start3A_278 : memref<1x64xi32, #tpu.memory_space<vmem>> -> memref<64xi32, #tpu.memory_space<vmem>>
        %dma_start3A_280 = arith.constant 0 : i32
        %dma_start3A_281 = arith.constant 0 : i32
        %dma_start3A_282 = tpu.memref_slice %arg12[%dma_start3A_280, %dma_start3A_281] : memref<10000x128xf32, #tpu.memory_space<vmem_shared>> -> memref<10000x128xf32, #tpu.memory_space<vmem_shared>>
        tpu.enqueue_indirect_dma source(%arg9 : memref<64x128xf32, #tpu.memory_space<vmem>>) target(%dma_start3A_282 : memref<10000x128xf32, #tpu.memory_space<vmem_shared>>) offsets(%dma_start3A_279 : memref<64xi32, #tpu.memory_space<vmem>>) semaphore(%arg22 : memref<!tpu.dma_semaphore, #tpu.memory_space<semaphore_mem>>) {add = true}
        %lt3A_283 = arith.constant 40 : i32
        %lt3A_284 = arith.cmpi slt, %sub3A_249, %lt3A_283 : i32
        %convert_element_type3A_285 = arith.extui %lt3A_284 : i1 to i32
        %cond3A_286 = arith.constant 0 : i32
        %cond3A_287 = arith.cmpi ne, %convert_element_type3A_285, %cond3A_286 : i32
        scf.if %cond3A_287 {
          %dma_start3A_380 = arith.constant 0 : i32
          %dma_start3A_381 = arith.constant 0 : i32
          %dma_start3A_382 = tpu.memref_slice %arg8[%dma_start3A_380, %dma_start3A_381] : memref<64x128xf32, #tpu.memory_space<vmem>> -> memref<32x128xf32, #tpu.memory_space<vmem>>
          %dma_start3A_383 = arith.constant 0 : i32
          %dma_start3A_384 = tpu.memref_slice %arg6[%sub3A_249, %dma_start3A_383] : memref<40x64xi32, #tpu.memory_space<vmem>> -> memref<1x32xi32, #tpu.memory_space<vmem>>
          %dma_start3A_385 = tpu.memref_squeeze %dma_start3A_384 : memref<1x32xi32, #tpu.memory_space<vmem>> -> memref<32xi32, #tpu.memory_space<vmem>>
          %dma_start3A_386 = arith.constant 0 : i32
          %dma_start3A_387 = arith.constant 0 : i32
          %dma_start3A_388 = tpu.memref_slice %arg2[%dma_start3A_386, %dma_start3A_387] : memref<10000x128xf32, #tpu.memory_space<hbm>> -> memref<10000x128xf32, #tpu.memory_space<hbm>>
          tpu.enqueue_indirect_dma source(%dma_start3A_388 : memref<10000x128xf32, #tpu.memory_space<hbm>>) target(%dma_start3A_382 : memref<32x128xf32, #tpu.memory_space<vmem>>) offsets(%dma_start3A_385 : memref<32xi32, #tpu.memory_space<vmem>>) semaphore(%arg13 : memref<!tpu.dma_semaphore, #tpu.memory_space<semaphore_mem>>)
          %dma_start3A_389 = arith.constant 32 : i32
          %dma_start3A_390 = arith.constant 0 : i32
          %dma_start3A_391 = tpu.memref_slice %arg8[%dma_start3A_389, %dma_start3A_390] : memref<64x128xf32, #tpu.memory_space<vmem>> -> memref<32x128xf32, #tpu.memory_space<vmem>>
          %dma_start3A_392 = arith.constant 32 : i32
          %dma_start3A_393 = tpu.memref_slice %arg6[%sub3A_249, %dma_start3A_392] : memref<40x64xi32, #tpu.memory_space<vmem>> -> memref<1x32xi32, #tpu.memory_space<vmem>>
          %dma_start3A_394 = tpu.memref_squeeze %dma_start3A_393 : memref<1x32xi32, #tpu.memory_space<vmem>> -> memref<32xi32, #tpu.memory_space<vmem>>
          %dma_start3A_395 = arith.constant 0 : i32
          %dma_start3A_396 = arith.constant 0 : i32
          %dma_start3A_397 = tpu.memref_slice %arg2[%dma_start3A_395, %dma_start3A_396] : memref<10000x128xf32, #tpu.memory_space<hbm>> -> memref<10000x128xf32, #tpu.memory_space<hbm>>
          tpu.enqueue_indirect_dma source(%dma_start3A_397 : memref<10000x128xf32, #tpu.memory_space<hbm>>) target(%dma_start3A_391 : memref<32x128xf32, #tpu.memory_space<vmem>>) offsets(%dma_start3A_394 : memref<32xi32, #tpu.memory_space<vmem>>) semaphore(%arg17 : memref<!tpu.dma_semaphore, #tpu.memory_space<semaphore_mem>>)
        } else {
        }
        %mul3A_288 = arith.constant 4 : i32
        %mul3A_289 = arith.muli %mul3A_288, %scan3A_199 : i32
        %add3A_290 = arith.constant 2 : i32
        %add3A_291 = arith.addi %mul3A_289, %add3A_290 : i32
        %add3A_292 = arith.constant 4 : i32
        %add3A_293 = arith.addi %add3A_291, %add3A_292 : i32
        %sub3A_294 = arith.constant 1 : i32
        %sub3A_295 = arith.subi %add3A_293, %sub3A_294 : i32
        %dma_wait3A_296 = arith.constant 0 : i32
        %dma_wait3A_297 = arith.constant 0 : i32
        %dma_wait3A_298 = arith.constant 0 : i32
        %dma_wait3A_299 = tpu.memref_slice %arg10[%dma_wait3A_297, %dma_wait3A_298] : memref<64x128xf32, #tpu.memory_space<vmem>> -> memref<32x128xf32, #tpu.memory_space<vmem>>
        %dma_wait3A_300 = arith.constant 0 : i32
        %dma_wait3A_301 = tpu.memref_slice %arg6[%dma_wait3A_296, %dma_wait3A_300] : memref<40x64xi32, #tpu.memory_space<vmem>> -> memref<1x32xi32, #tpu.memory_space<vmem>>
        %dma_wait3A_302 = tpu.memref_squeeze %dma_wait3A_301 : memref<1x32xi32, #tpu.memory_space<vmem>> -> memref<32xi32, #tpu.memory_space<vmem>>
        %dma_wait3A_303 = arith.constant 0 : i32
        %dma_wait3A_304 = arith.constant 0 : i32
        %dma_wait3A_305 = tpu.memref_slice %arg2[%dma_wait3A_303, %dma_wait3A_304] : memref<10000x128xf32, #tpu.memory_space<hbm>> -> memref<10000x128xf32, #tpu.memory_space<hbm>>
        tpu.wait_indirect_dma semaphore(%arg15 : memref<!tpu.dma_semaphore, #tpu.memory_space<semaphore_mem>>) src(%dma_wait3A_305 : memref<10000x128xf32, #tpu.memory_space<hbm>>) dst(%dma_wait3A_299 : memref<32x128xf32, #tpu.memory_space<vmem>>)
        %dma_wait3A_306 = arith.constant 0 : i32
        %dma_wait3A_307 = arith.constant 32 : i32
        %dma_wait3A_308 = arith.constant 0 : i32
        %dma_wait3A_309 = tpu.memref_slice %arg10[%dma_wait3A_307, %dma_wait3A_308] : memref<64x128xf32, #tpu.memory_space<vmem>> -> memref<32x128xf32, #tpu.memory_space<vmem>>
        %dma_wait3A_310 = arith.constant 0 : i32
        %dma_wait3A_311 = tpu.memref_slice %arg6[%dma_wait3A_306, %dma_wait3A_310] : memref<40x64xi32, #tpu.memory_space<vmem>> -> memref<1x32xi32, #tpu.memory_space<vmem>>
        %dma_wait3A_312 = tpu.memref_squeeze %dma_wait3A_311 : memref<1x32xi32, #tpu.memory_space<vmem>> -> memref<32xi32, #tpu.memory_space<vmem>>
        %dma_wait3A_313 = arith.constant 0 : i32
        %dma_wait3A_314 = arith.constant 0 : i32
        %dma_wait3A_315 = tpu.memref_slice %arg2[%dma_wait3A_313, %dma_wait3A_314] : memref<10000x128xf32, #tpu.memory_space<hbm>> -> memref<10000x128xf32, #tpu.memory_space<hbm>>
        tpu.wait_indirect_dma semaphore(%arg19 : memref<!tpu.dma_semaphore, #tpu.memory_space<semaphore_mem>>) src(%dma_wait3A_315 : memref<10000x128xf32, #tpu.memory_space<hbm>>) dst(%dma_wait3A_309 : memref<32x128xf32, #tpu.memory_space<vmem>>)
        %dma_wait3A_316 = arith.constant 0 : i32
        %dma_wait3A_317 = arith.constant 0 : i32
        %dma_wait3A_318 = tpu.memref_slice %arg7[%dma_wait3A_316, %dma_wait3A_317] : memref<40x64xi32, #tpu.memory_space<vmem>> -> memref<1x64xi32, #tpu.memory_space<vmem>>
        %dma_wait3A_319 = tpu.memref_squeeze %dma_wait3A_318 : memref<1x64xi32, #tpu.memory_space<vmem>> -> memref<64xi32, #tpu.memory_space<vmem>>
        %dma_wait3A_320 = arith.constant 0 : i32
        %dma_wait3A_321 = arith.constant 0 : i32
        %dma_wait3A_322 = tpu.memref_slice %arg12[%dma_wait3A_320, %dma_wait3A_321] : memref<10000x128xf32, #tpu.memory_space<vmem_shared>> -> memref<10000x128xf32, #tpu.memory_space<vmem_shared>>
        tpu.wait_indirect_dma semaphore(%arg22 : memref<!tpu.dma_semaphore, #tpu.memory_space<semaphore_mem>>) src(%arg9 : memref<64x128xf32, #tpu.memory_space<vmem>>) dst(%dma_wait3A_322 : memref<10000x128xf32, #tpu.memory_space<vmem_shared>>)
        %dma_start3A_323 = arith.constant 0 : i32
        %dma_start3A_324 = tpu.memref_slice %arg7[%add3A_291, %dma_start3A_323] : memref<40x64xi32, #tpu.memory_space<vmem>> -> memref<1x64xi32, #tpu.memory_space<vmem>>
        %dma_start3A_325 = tpu.memref_squeeze %dma_start3A_324 : memref<1x64xi32, #tpu.memory_space<vmem>> -> memref<64xi32, #tpu.memory_space<vmem>>
        %dma_start3A_326 = arith.constant 0 : i32
        %dma_start3A_327 = arith.constant 0 : i32
        %dma_start3A_328 = tpu.memref_slice %arg12[%dma_start3A_326, %dma_start3A_327] : memref<10000x128xf32, #tpu.memory_space<vmem_shared>> -> memref<10000x128xf32, #tpu.memory_space<vmem_shared>>
        tpu.enqueue_indirect_dma source(%arg10 : memref<64x128xf32, #tpu.memory_space<vmem>>) target(%dma_start3A_328 : memref<10000x128xf32, #tpu.memory_space<vmem_shared>>) offsets(%dma_start3A_325 : memref<64xi32, #tpu.memory_space<vmem>>) semaphore(%arg23 : memref<!tpu.dma_semaphore, #tpu.memory_space<semaphore_mem>>) {add = true}
        %lt3A_329 = arith.constant 40 : i32
        %lt3A_330 = arith.cmpi slt, %sub3A_295, %lt3A_329 : i32
        %convert_element_type3A_331 = arith.extui %lt3A_330 : i1 to i32
        %cond3A_332 = arith.constant 0 : i32
        %cond3A_333 = arith.cmpi ne, %convert_element_type3A_331, %cond3A_332 : i32
        scf.if %cond3A_333 {
          %dma_start3A_380 = arith.constant 0 : i32
          %dma_start3A_381 = arith.constant 0 : i32
          %dma_start3A_382 = tpu.memref_slice %arg9[%dma_start3A_380, %dma_start3A_381] : memref<64x128xf32, #tpu.memory_space<vmem>> -> memref<32x128xf32, #tpu.memory_space<vmem>>
          %dma_start3A_383 = arith.constant 0 : i32
          %dma_start3A_384 = tpu.memref_slice %arg6[%sub3A_295, %dma_start3A_383] : memref<40x64xi32, #tpu.memory_space<vmem>> -> memref<1x32xi32, #tpu.memory_space<vmem>>
          %dma_start3A_385 = tpu.memref_squeeze %dma_start3A_384 : memref<1x32xi32, #tpu.memory_space<vmem>> -> memref<32xi32, #tpu.memory_space<vmem>>
          %dma_start3A_386 = arith.constant 0 : i32
          %dma_start3A_387 = arith.constant 0 : i32
          %dma_start3A_388 = tpu.memref_slice %arg2[%dma_start3A_386, %dma_start3A_387] : memref<10000x128xf32, #tpu.memory_space<hbm>> -> memref<10000x128xf32, #tpu.memory_space<hbm>>
          tpu.enqueue_indirect_dma source(%dma_start3A_388 : memref<10000x128xf32, #tpu.memory_space<hbm>>) target(%dma_start3A_382 : memref<32x128xf32, #tpu.memory_space<vmem>>) offsets(%dma_start3A_385 : memref<32xi32, #tpu.memory_space<vmem>>) semaphore(%arg14 : memref<!tpu.dma_semaphore, #tpu.memory_space<semaphore_mem>>)
          %dma_start3A_389 = arith.constant 32 : i32
          %dma_start3A_390 = arith.constant 0 : i32
          %dma_start3A_391 = tpu.memref_slice %arg9[%dma_start3A_389, %dma_start3A_390] : memref<64x128xf32, #tpu.memory_space<vmem>> -> memref<32x128xf32, #tpu.memory_space<vmem>>
          %dma_start3A_392 = arith.constant 32 : i32
          %dma_start3A_393 = tpu.memref_slice %arg6[%sub3A_295, %dma_start3A_392] : memref<40x64xi32, #tpu.memory_space<vmem>> -> memref<1x32xi32, #tpu.memory_space<vmem>>
          %dma_start3A_394 = tpu.memref_squeeze %dma_start3A_393 : memref<1x32xi32, #tpu.memory_space<vmem>> -> memref<32xi32, #tpu.memory_space<vmem>>
          %dma_start3A_395 = arith.constant 0 : i32
          %dma_start3A_396 = arith.constant 0 : i32
          %dma_start3A_397 = tpu.memref_slice %arg2[%dma_start3A_395, %dma_start3A_396] : memref<10000x128xf32, #tpu.memory_space<hbm>> -> memref<10000x128xf32, #tpu.memory_space<hbm>>
          tpu.enqueue_indirect_dma source(%dma_start3A_397 : memref<10000x128xf32, #tpu.memory_space<hbm>>) target(%dma_start3A_391 : memref<32x128xf32, #tpu.memory_space<vmem>>) offsets(%dma_start3A_394 : memref<32xi32, #tpu.memory_space<vmem>>) semaphore(%arg18 : memref<!tpu.dma_semaphore, #tpu.memory_space<semaphore_mem>>)
        } else {
        }
        %mul3A_334 = arith.constant 4 : i32
        %mul3A_335 = arith.muli %mul3A_334, %scan3A_199 : i32
        %add3A_336 = arith.constant 3 : i32
        %add3A_337 = arith.addi %mul3A_335, %add3A_336 : i32
        %add3A_338 = arith.constant 4 : i32
        %add3A_339 = arith.addi %add3A_337, %add3A_338 : i32
        %sub3A_340 = arith.constant 1 : i32
        %sub3A_341 = arith.subi %add3A_339, %sub3A_340 : i32
        %dma_wait3A_342 = arith.constant 0 : i32
        %dma_wait3A_343 = arith.constant 0 : i32
        %dma_wait3A_344 = arith.constant 0 : i32
        %dma_wait3A_345 = tpu.memref_slice %arg11[%dma_wait3A_343, %dma_wait3A_344] : memref<64x128xf32, #tpu.memory_space<vmem>> -> memref<32x128xf32, #tpu.memory_space<vmem>>
        %dma_wait3A_346 = arith.constant 0 : i32
        %dma_wait3A_347 = tpu.memref_slice %arg6[%dma_wait3A_342, %dma_wait3A_346] : memref<40x64xi32, #tpu.memory_space<vmem>> -> memref<1x32xi32, #tpu.memory_space<vmem>>
        %dma_wait3A_348 = tpu.memref_squeeze %dma_wait3A_347 : memref<1x32xi32, #tpu.memory_space<vmem>> -> memref<32xi32, #tpu.memory_space<vmem>>
        %dma_wait3A_349 = arith.constant 0 : i32
        %dma_wait3A_350 = arith.constant 0 : i32
        %dma_wait3A_351 = tpu.memref_slice %arg2[%dma_wait3A_349, %dma_wait3A_350] : memref<10000x128xf32, #tpu.memory_space<hbm>> -> memref<10000x128xf32, #tpu.memory_space<hbm>>
        tpu.wait_indirect_dma semaphore(%arg16 : memref<!tpu.dma_semaphore, #tpu.memory_space<semaphore_mem>>) src(%dma_wait3A_351 : memref<10000x128xf32, #tpu.memory_space<hbm>>) dst(%dma_wait3A_345 : memref<32x128xf32, #tpu.memory_space<vmem>>)
        %dma_wait3A_352 = arith.constant 0 : i32
        %dma_wait3A_353 = arith.constant 32 : i32
        %dma_wait3A_354 = arith.constant 0 : i32
        %dma_wait3A_355 = tpu.memref_slice %arg11[%dma_wait3A_353, %dma_wait3A_354] : memref<64x128xf32, #tpu.memory_space<vmem>> -> memref<32x128xf32, #tpu.memory_space<vmem>>
        %dma_wait3A_356 = arith.constant 0 : i32
        %dma_wait3A_357 = tpu.memref_slice %arg6[%dma_wait3A_352, %dma_wait3A_356] : memref<40x64xi32, #tpu.memory_space<vmem>> -> memref<1x32xi32, #tpu.memory_space<vmem>>
        %dma_wait3A_358 = tpu.memref_squeeze %dma_wait3A_357 : memref<1x32xi32, #tpu.memory_space<vmem>> -> memref<32xi32, #tpu.memory_space<vmem>>
        %dma_wait3A_359 = arith.constant 0 : i32
        %dma_wait3A_360 = arith.constant 0 : i32
        %dma_wait3A_361 = tpu.memref_slice %arg2[%dma_wait3A_359, %dma_wait3A_360] : memref<10000x128xf32, #tpu.memory_space<hbm>> -> memref<10000x128xf32, #tpu.memory_space<hbm>>
        tpu.wait_indirect_dma semaphore(%arg20 : memref<!tpu.dma_semaphore, #tpu.memory_space<semaphore_mem>>) src(%dma_wait3A_361 : memref<10000x128xf32, #tpu.memory_space<hbm>>) dst(%dma_wait3A_355 : memref<32x128xf32, #tpu.memory_space<vmem>>)
        %dma_wait3A_362 = arith.constant 0 : i32
        %dma_wait3A_363 = arith.constant 0 : i32
        %dma_wait3A_364 = tpu.memref_slice %arg7[%dma_wait3A_362, %dma_wait3A_363] : memref<40x64xi32, #tpu.memory_space<vmem>> -> memref<1x64xi32, #tpu.memory_space<vmem>>
        %dma_wait3A_365 = tpu.memref_squeeze %dma_wait3A_364 : memref<1x64xi32, #tpu.memory_space<vmem>> -> memref<64xi32, #tpu.memory_space<vmem>>
        %dma_wait3A_366 = arith.constant 0 : i32
        %dma_wait3A_367 = arith.constant 0 : i32
        %dma_wait3A_368 = tpu.memref_slice %arg12[%dma_wait3A_366, %dma_wait3A_367] : memref<10000x128xf32, #tpu.memory_space<vmem_shared>> -> memref<10000x128xf32, #tpu.memory_space<vmem_shared>>
        tpu.wait_indirect_dma semaphore(%arg23 : memref<!tpu.dma_semaphore, #tpu.memory_space<semaphore_mem>>) src(%arg10 : memref<64x128xf32, #tpu.memory_space<vmem>>) dst(%dma_wait3A_368 : memref<10000x128xf32, #tpu.memory_space<vmem_shared>>)
        %dma_start3A_369 = arith.constant 0 : i32
        %dma_start3A_370 = tpu.memref_slice %arg7[%add3A_337, %dma_start3A_369] : memref<40x64xi32, #tpu.memory_space<vmem>> -> memref<1x64xi32, #tpu.memory_space<vmem>>
        %dma_start3A_371 = tpu.memref_squeeze %dma_start3A_370 : memref<1x64xi32, #tpu.memory_space<vmem>> -> memref<64xi32, #tpu.memory_space<vmem>>
        %dma_start3A_372 = arith.constant 0 : i32
        %dma_start3A_373 = arith.constant 0 : i32
        %dma_start3A_374 = tpu.memref_slice %arg12[%dma_start3A_372, %dma_start3A_373] : memref<10000x128xf32, #tpu.memory_space<vmem_shared>> -> memref<10000x128xf32, #tpu.memory_space<vmem_shared>>
        tpu.enqueue_indirect_dma source(%arg11 : memref<64x128xf32, #tpu.memory_space<vmem>>) target(%dma_start3A_374 : memref<10000x128xf32, #tpu.memory_space<vmem_shared>>) offsets(%dma_start3A_371 : memref<64xi32, #tpu.memory_space<vmem>>) semaphore(%arg24 : memref<!tpu.dma_semaphore, #tpu.memory_space<semaphore_mem>>) {add = true}
        %lt3A_375 = arith.constant 40 : i32
        %lt3A_376 = arith.cmpi slt, %sub3A_341, %lt3A_375 : i32
        %convert_element_type3A_377 = arith.extui %lt3A_376 : i1 to i32
        %cond3A_378 = arith.constant 0 : i32
        %cond3A_379 = arith.cmpi ne, %convert_element_type3A_377, %cond3A_378 : i32
        scf.if %cond3A_379 {
          %dma_start3A_380 = arith.constant 0 : i32
          %dma_start3A_381 = arith.constant 0 : i32
          %dma_start3A_382 = tpu.memref_slice %arg10[%dma_start3A_380, %dma_start3A_381] : memref<64x128xf32, #tpu.memory_space<vmem>> -> memref<32x128xf32, #tpu.memory_space<vmem>>
          %dma_start3A_383 = arith.constant 0 : i32
          %dma_start3A_384 = tpu.memref_slice %arg6[%sub3A_341, %dma_start3A_383] : memref<40x64xi32, #tpu.memory_space<vmem>> -> memref<1x32xi32, #tpu.memory_space<vmem>>
          %dma_start3A_385 = tpu.memref_squeeze %dma_start3A_384 : memref<1x32xi32, #tpu.memory_space<vmem>> -> memref<32xi32, #tpu.memory_space<vmem>>
          %dma_start3A_386 = arith.constant 0 : i32
          %dma_start3A_387 = arith.constant 0 : i32
          %dma_start3A_388 = tpu.memref_slice %arg2[%dma_start3A_386, %dma_start3A_387] : memref<10000x128xf32, #tpu.memory_space<hbm>> -> memref<10000x128xf32, #tpu.memory_space<hbm>>
          tpu.enqueue_indirect_dma source(%dma_start3A_388 : memref<10000x128xf32, #tpu.memory_space<hbm>>) target(%dma_start3A_382 : memref<32x128xf32, #tpu.memory_space<vmem>>) offsets(%dma_start3A_385 : memref<32xi32, #tpu.memory_space<vmem>>) semaphore(%arg15 : memref<!tpu.dma_semaphore, #tpu.memory_space<semaphore_mem>>)
          %dma_start3A_389 = arith.constant 32 : i32
          %dma_start3A_390 = arith.constant 0 : i32
          %dma_start3A_391 = tpu.memref_slice %arg10[%dma_start3A_389, %dma_start3A_390] : memref<64x128xf32, #tpu.memory_space<vmem>> -> memref<32x128xf32, #tpu.memory_space<vmem>>
          %dma_start3A_392 = arith.constant 32 : i32
          %dma_start3A_393 = tpu.memref_slice %arg6[%sub3A_341, %dma_start3A_392] : memref<40x64xi32, #tpu.memory_space<vmem>> -> memref<1x32xi32, #tpu.memory_space<vmem>>
          %dma_start3A_394 = tpu.memref_squeeze %dma_start3A_393 : memref<1x32xi32, #tpu.memory_space<vmem>> -> memref<32xi32, #tpu.memory_space<vmem>>
          %dma_start3A_395 = arith.constant 0 : i32
          %dma_start3A_396 = arith.constant 0 : i32
          %dma_start3A_397 = tpu.memref_slice %arg2[%dma_start3A_395, %dma_start3A_396] : memref<10000x128xf32, #tpu.memory_space<hbm>> -> memref<10000x128xf32, #tpu.memory_space<hbm>>
          tpu.enqueue_indirect_dma source(%dma_start3A_397 : memref<10000x128xf32, #tpu.memory_space<hbm>>) target(%dma_start3A_391 : memref<32x128xf32, #tpu.memory_space<vmem>>) offsets(%dma_start3A_394 : memref<32xi32, #tpu.memory_space<vmem>>) semaphore(%arg19 : memref<!tpu.dma_semaphore, #tpu.memory_space<semaphore_mem>>)
        } else {
        }
      }
      %scan3A_191 = arith.constant 10 : i32
      %dma_wait3A_192 = arith.constant 0 : i32
      %dma_wait3A_193 = arith.constant 0 : i32
      %dma_wait3A_194 = tpu.memref_slice %arg7[%dma_wait3A_192, %dma_wait3A_193] : memref<40x64xi32, #tpu.memory_space<vmem>> -> memref<1x64xi32, #tpu.memory_space<vmem>>
      %dma_wait3A_195 = tpu.memref_squeeze %dma_wait3A_194 : memref<1x64xi32, #tpu.memory_space<vmem>> -> memref<64xi32, #tpu.memory_space<vmem>>
      %dma_wait3A_196 = arith.constant 0 : i32
      %dma_wait3A_197 = arith.constant 0 : i32
      %dma_wait3A_198 = tpu.memref_slice %arg12[%dma_wait3A_196, %dma_wait3A_197] : memref<10000x128xf32, #tpu.memory_space<vmem_shared>> -> memref<10000x128xf32, #tpu.memory_space<vmem_shared>>
      tpu.wait_indirect_dma semaphore(%arg24 : memref<!tpu.dma_semaphore, #tpu.memory_space<semaphore_mem>>) src(%arg11 : memref<64x128xf32, #tpu.memory_space<vmem>>) dst(%dma_wait3A_198 : memref<10000x128xf32, #tpu.memory_space<vmem_shared>>)
    } else {
    }
    %gt3A_107 = arith.constant 3 : i32
    %gt3A_108 = arith.cmpi sgt, %select_n3A, %gt3A_107 : i32
    %convert_element_type3A_109 = arith.extui %gt3A_108 : i1 to i32
    %cond3A_110 = arith.constant 0 : i32
    %cond3A_111 = arith.cmpi ne, %convert_element_type3A_109, %cond3A_110 : i32
    scf.if %cond3A_111 {
      %add3A_122 = arith.constant 120 : i32
      %add3A_123 = arith.addi %mul3A_19, %add3A_122 : i32
      "tpu.region"() ({
        %run_scoped3A = tpu.sem_alloc : memref<!tpu.dma_semaphore, #tpu.memory_space<semaphore_mem>>
        %dma_start3A_199 = arith.constant 0 : i32
        %dma_start3A_200 = tpu.memref_slice %arg3[%add3A_123, %dma_start3A_199] : memref<5000x64xi32, #tpu.memory_space<hbm>> -> memref<40x64xi32, #tpu.memory_space<hbm>>
        %dma_start3A_201 = arith.constant 0 : i32
        %dma_start3A_202 = tpu.memref_slice %arg3[%add3A_123, %dma_start3A_201] : memref<5000x64xi32, #tpu.memory_space<hbm>> -> memref<40x64xi32, #tpu.memory_space<hbm>>
        tpu.enqueue_dma source(%dma_start3A_202 : memref<40x64xi32, #tpu.memory_space<hbm>>) target(%arg6 : memref<40x64xi32, #tpu.memory_space<vmem>>) target_semaphore(%run_scoped3A : memref<!tpu.dma_semaphore, #tpu.memory_space<semaphore_mem>>)
        %dma_wait3A_203 = arith.constant 0 : i32
        %dma_wait3A_204 = tpu.memref_slice %arg3[%add3A_123, %dma_wait3A_203] : memref<5000x64xi32, #tpu.memory_space<hbm>> -> memref<40x64xi32, #tpu.memory_space<hbm>>
        %dma_wait3A_205 = arith.constant 0 : i32
        %dma_wait3A_206 = tpu.memref_slice %arg3[%add3A_123, %dma_wait3A_205] : memref<5000x64xi32, #tpu.memory_space<hbm>> -> memref<40x64xi32, #tpu.memory_space<hbm>>
        tpu.wait_dma2 semaphore(%run_scoped3A : memref<!tpu.dma_semaphore, #tpu.memory_space<semaphore_mem>>) src(%dma_wait3A_206 : memref<40x64xi32, #tpu.memory_space<hbm>>) dst(%arg6 : memref<40x64xi32, #tpu.memory_space<vmem>>)
        tpu.yield
      }) : () -> ()
      %add3A_124 = arith.constant 120 : i32
      %add3A_125 = arith.addi %mul3A_19, %add3A_124 : i32
      "tpu.region"() ({
        %run_scoped3A = tpu.sem_alloc : memref<!tpu.dma_semaphore, #tpu.memory_space<semaphore_mem>>
        %dma_start3A_199 = arith.constant 0 : i32
        %dma_start3A_200 = tpu.memref_slice %arg4[%add3A_125, %dma_start3A_199] : memref<5000x64xi32, #tpu.memory_space<hbm>> -> memref<40x64xi32, #tpu.memory_space<hbm>>
        %dma_start3A_201 = arith.constant 0 : i32
        %dma_start3A_202 = tpu.memref_slice %arg4[%add3A_125, %dma_start3A_201] : memref<5000x64xi32, #tpu.memory_space<hbm>> -> memref<40x64xi32, #tpu.memory_space<hbm>>
        tpu.enqueue_dma source(%dma_start3A_202 : memref<40x64xi32, #tpu.memory_space<hbm>>) target(%arg7 : memref<40x64xi32, #tpu.memory_space<vmem>>) target_semaphore(%run_scoped3A : memref<!tpu.dma_semaphore, #tpu.memory_space<semaphore_mem>>)
        %dma_wait3A_203 = arith.constant 0 : i32
        %dma_wait3A_204 = tpu.memref_slice %arg4[%add3A_125, %dma_wait3A_203] : memref<5000x64xi32, #tpu.memory_space<hbm>> -> memref<40x64xi32, #tpu.memory_space<hbm>>
        %dma_wait3A_205 = arith.constant 0 : i32
        %dma_wait3A_206 = tpu.memref_slice %arg4[%add3A_125, %dma_wait3A_205] : memref<5000x64xi32, #tpu.memory_space<hbm>> -> memref<40x64xi32, #tpu.memory_space<hbm>>
        tpu.wait_dma2 semaphore(%run_scoped3A : memref<!tpu.dma_semaphore, #tpu.memory_space<semaphore_mem>>) src(%dma_wait3A_206 : memref<40x64xi32, #tpu.memory_space<hbm>>) dst(%arg7 : memref<40x64xi32, #tpu.memory_space<vmem>>)
        tpu.yield
      }) : () -> ()
      %dma_start3A_126 = arith.constant 0 : i32
      %dma_start3A_127 = arith.constant 0 : i32
      %dma_start3A_128 = arith.constant 0 : i32
      %dma_start3A_129 = tpu.memref_slice %arg8[%dma_start3A_127, %dma_start3A_128] : memref<64x128xf32, #tpu.memory_space<vmem>> -> memref<32x128xf32, #tpu.memory_space<vmem>>
      %dma_start3A_130 = arith.constant 0 : i32
      %dma_start3A_131 = tpu.memref_slice %arg6[%dma_start3A_126, %dma_start3A_130] : memref<40x64xi32, #tpu.memory_space<vmem>> -> memref<1x32xi32, #tpu.memory_space<vmem>>
      %dma_start3A_132 = tpu.memref_squeeze %dma_start3A_131 : memref<1x32xi32, #tpu.memory_space<vmem>> -> memref<32xi32, #tpu.memory_space<vmem>>
      %dma_start3A_133 = arith.constant 0 : i32
      %dma_start3A_134 = arith.constant 0 : i32
      %dma_start3A_135 = tpu.memref_slice %arg2[%dma_start3A_133, %dma_start3A_134] : memref<10000x128xf32, #tpu.memory_space<hbm>> -> memref<10000x128xf32, #tpu.memory_space<hbm>>
      tpu.enqueue_indirect_dma source(%dma_start3A_135 : memref<10000x128xf32, #tpu.memory_space<hbm>>) target(%dma_start3A_129 : memref<32x128xf32, #tpu.memory_space<vmem>>) offsets(%dma_start3A_132 : memref<32xi32, #tpu.memory_space<vmem>>) semaphore(%arg13 : memref<!tpu.dma_semaphore, #tpu.memory_space<semaphore_mem>>)
      %dma_start3A_136 = arith.constant 0 : i32
      %dma_start3A_137 = arith.constant 32 : i32
      %dma_start3A_138 = arith.constant 0 : i32
      %dma_start3A_139 = tpu.memref_slice %arg8[%dma_start3A_137, %dma_start3A_138] : memref<64x128xf32, #tpu.memory_space<vmem>> -> memref<32x128xf32, #tpu.memory_space<vmem>>
      %dma_start3A_140 = arith.constant 32 : i32
      %dma_start3A_141 = tpu.memref_slice %arg6[%dma_start3A_136, %dma_start3A_140] : memref<40x64xi32, #tpu.memory_space<vmem>> -> memref<1x32xi32, #tpu.memory_space<vmem>>
      %dma_start3A_142 = tpu.memref_squeeze %dma_start3A_141 : memref<1x32xi32, #tpu.memory_space<vmem>> -> memref<32xi32, #tpu.memory_space<vmem>>
      %dma_start3A_143 = arith.constant 0 : i32
      %dma_start3A_144 = arith.constant 0 : i32
      %dma_start3A_145 = tpu.memref_slice %arg2[%dma_start3A_143, %dma_start3A_144] : memref<10000x128xf32, #tpu.memory_space<hbm>> -> memref<10000x128xf32, #tpu.memory_space<hbm>>
      tpu.enqueue_indirect_dma source(%dma_start3A_145 : memref<10000x128xf32, #tpu.memory_space<hbm>>) target(%dma_start3A_139 : memref<32x128xf32, #tpu.memory_space<vmem>>) offsets(%dma_start3A_142 : memref<32xi32, #tpu.memory_space<vmem>>) semaphore(%arg17 : memref<!tpu.dma_semaphore, #tpu.memory_space<semaphore_mem>>)
      %dma_start3A_146 = arith.constant 1 : i32
      %dma_start3A_147 = arith.constant 0 : i32
      %dma_start3A_148 = arith.constant 0 : i32
      %dma_start3A_149 = tpu.memref_slice %arg9[%dma_start3A_147, %dma_start3A_148] : memref<64x128xf32, #tpu.memory_space<vmem>> -> memref<32x128xf32, #tpu.memory_space<vmem>>
      %dma_start3A_150 = arith.constant 0 : i32
      %dma_start3A_151 = tpu.memref_slice %arg6[%dma_start3A_146, %dma_start3A_150] : memref<40x64xi32, #tpu.memory_space<vmem>> -> memref<1x32xi32, #tpu.memory_space<vmem>>
      %dma_start3A_152 = tpu.memref_squeeze %dma_start3A_151 : memref<1x32xi32, #tpu.memory_space<vmem>> -> memref<32xi32, #tpu.memory_space<vmem>>
      %dma_start3A_153 = arith.constant 0 : i32
      %dma_start3A_154 = arith.constant 0 : i32
      %dma_start3A_155 = tpu.memref_slice %arg2[%dma_start3A_153, %dma_start3A_154] : memref<10000x128xf32, #tpu.memory_space<hbm>> -> memref<10000x128xf32, #tpu.memory_space<hbm>>
      tpu.enqueue_indirect_dma source(%dma_start3A_155 : memref<10000x128xf32, #tpu.memory_space<hbm>>) target(%dma_start3A_149 : memref<32x128xf32, #tpu.memory_space<vmem>>) offsets(%dma_start3A_152 : memref<32xi32, #tpu.memory_space<vmem>>) semaphore(%arg14 : memref<!tpu.dma_semaphore, #tpu.memory_space<semaphore_mem>>)
      %dma_start3A_156 = arith.constant 1 : i32
      %dma_start3A_157 = arith.constant 32 : i32
      %dma_start3A_158 = arith.constant 0 : i32
      %dma_start3A_159 = tpu.memref_slice %arg9[%dma_start3A_157, %dma_start3A_158] : memref<64x128xf32, #tpu.memory_space<vmem>> -> memref<32x128xf32, #tpu.memory_space<vmem>>
      %dma_start3A_160 = arith.constant 32 : i32
      %dma_start3A_161 = tpu.memref_slice %arg6[%dma_start3A_156, %dma_start3A_160] : memref<40x64xi32, #tpu.memory_space<vmem>> -> memref<1x32xi32, #tpu.memory_space<vmem>>
      %dma_start3A_162 = tpu.memref_squeeze %dma_start3A_161 : memref<1x32xi32, #tpu.memory_space<vmem>> -> memref<32xi32, #tpu.memory_space<vmem>>
      %dma_start3A_163 = arith.constant 0 : i32
      %dma_start3A_164 = arith.constant 0 : i32
      %dma_start3A_165 = tpu.memref_slice %arg2[%dma_start3A_163, %dma_start3A_164] : memref<10000x128xf32, #tpu.memory_space<hbm>> -> memref<10000x128xf32, #tpu.memory_space<hbm>>
      tpu.enqueue_indirect_dma source(%dma_start3A_165 : memref<10000x128xf32, #tpu.memory_space<hbm>>) target(%dma_start3A_159 : memref<32x128xf32, #tpu.memory_space<vmem>>) offsets(%dma_start3A_162 : memref<32xi32, #tpu.memory_space<vmem>>) semaphore(%arg18 : memref<!tpu.dma_semaphore, #tpu.memory_space<semaphore_mem>>)
      %dma_start3A_166 = arith.constant 2 : i32
      %dma_start3A_167 = arith.constant 0 : i32
      %dma_start3A_168 = arith.constant 0 : i32
      %dma_start3A_169 = tpu.memref_slice %arg10[%dma_start3A_167, %dma_start3A_168] : memref<64x128xf32, #tpu.memory_space<vmem>> -> memref<32x128xf32, #tpu.memory_space<vmem>>
      %dma_start3A_170 = arith.constant 0 : i32
      %dma_start3A_171 = tpu.memref_slice %arg6[%dma_start3A_166, %dma_start3A_170] : memref<40x64xi32, #tpu.memory_space<vmem>> -> memref<1x32xi32, #tpu.memory_space<vmem>>
      %dma_start3A_172 = tpu.memref_squeeze %dma_start3A_171 : memref<1x32xi32, #tpu.memory_space<vmem>> -> memref<32xi32, #tpu.memory_space<vmem>>
      %dma_start3A_173 = arith.constant 0 : i32
      %dma_start3A_174 = arith.constant 0 : i32
      %dma_start3A_175 = tpu.memref_slice %arg2[%dma_start3A_173, %dma_start3A_174] : memref<10000x128xf32, #tpu.memory_space<hbm>> -> memref<10000x128xf32, #tpu.memory_space<hbm>>
      tpu.enqueue_indirect_dma source(%dma_start3A_175 : memref<10000x128xf32, #tpu.memory_space<hbm>>) target(%dma_start3A_169 : memref<32x128xf32, #tpu.memory_space<vmem>>) offsets(%dma_start3A_172 : memref<32xi32, #tpu.memory_space<vmem>>) semaphore(%arg15 : memref<!tpu.dma_semaphore, #tpu.memory_space<semaphore_mem>>)
      %dma_start3A_176 = arith.constant 2 : i32
      %dma_start3A_177 = arith.constant 32 : i32
      %dma_start3A_178 = arith.constant 0 : i32
      %dma_start3A_179 = tpu.memref_slice %arg10[%dma_start3A_177, %dma_start3A_178] : memref<64x128xf32, #tpu.memory_space<vmem>> -> memref<32x128xf32, #tpu.memory_space<vmem>>
      %dma_start3A_180 = arith.constant 32 : i32
      %dma_start3A_181 = tpu.memref_slice %arg6[%dma_start3A_176, %dma_start3A_180] : memref<40x64xi32, #tpu.memory_space<vmem>> -> memref<1x32xi32, #tpu.memory_space<vmem>>
      %dma_start3A_182 = tpu.memref_squeeze %dma_start3A_181 : memref<1x32xi32, #tpu.memory_space<vmem>> -> memref<32xi32, #tpu.memory_space<vmem>>
      %dma_start3A_183 = arith.constant 0 : i32
      %dma_start3A_184 = arith.constant 0 : i32
      %dma_start3A_185 = tpu.memref_slice %arg2[%dma_start3A_183, %dma_start3A_184] : memref<10000x128xf32, #tpu.memory_space<hbm>> -> memref<10000x128xf32, #tpu.memory_space<hbm>>
      tpu.enqueue_indirect_dma source(%dma_start3A_185 : memref<10000x128xf32, #tpu.memory_space<hbm>>) target(%dma_start3A_179 : memref<32x128xf32, #tpu.memory_space<vmem>>) offsets(%dma_start3A_182 : memref<32xi32, #tpu.memory_space<vmem>>) semaphore(%arg19 : memref<!tpu.dma_semaphore, #tpu.memory_space<semaphore_mem>>)
      %scan3A_186 = arith.constant 0 : i32
      %scan3A_187 = arith.constant 0 : i32
      %scan3A_188 = arith.constant 10 : i32
      %scan3A_189 = arith.addi %scan3A_187, %scan3A_188 : i32
      %scan3A_190 = arith.constant 1 : i32
      scf.for %scan3A_199 = %scan3A_187 to %scan3A_189 step %scan3A_190  : i32 {
        %mul3A_200 = arith.constant 4 : i32
        %mul3A_201 = arith.muli %mul3A_200, %scan3A_199 : i32
        %add3A_202 = arith.constant 0 : i32
        %add3A_203 = arith.addi %mul3A_201, %add3A_202 : i32
        %add3A_204 = arith.constant 4 : i32
        %add3A_205 = arith.addi %add3A_203, %add3A_204 : i32
        %sub3A = arith.constant 1 : i32
        %sub3A_206 = arith.subi %add3A_205, %sub3A : i32
        %dma_wait3A_207 = arith.constant 0 : i32
        %dma_wait3A_208 = arith.constant 0 : i32
        %dma_wait3A_209 = arith.constant 0 : i32
        %dma_wait3A_210 = tpu.memref_slice %arg8[%dma_wait3A_208, %dma_wait3A_209] : memref<64x128xf32, #tpu.memory_space<vmem>> -> memref<32x128xf32, #tpu.memory_space<vmem>>
        %dma_wait3A_211 = arith.constant 0 : i32
        %dma_wait3A_212 = tpu.memref_slice %arg6[%dma_wait3A_207, %dma_wait3A_211] : memref<40x64xi32, #tpu.memory_space<vmem>> -> memref<1x32xi32, #tpu.memory_space<vmem>>
        %dma_wait3A_213 = tpu.memref_squeeze %dma_wait3A_212 : memref<1x32xi32, #tpu.memory_space<vmem>> -> memref<32xi32, #tpu.memory_space<vmem>>
        %dma_wait3A_214 = arith.constant 0 : i32
        %dma_wait3A_215 = arith.constant 0 : i32
        %dma_wait3A_216 = tpu.memref_slice %arg2[%dma_wait3A_214, %dma_wait3A_215] : memref<10000x128xf32, #tpu.memory_space<hbm>> -> memref<10000x128xf32, #tpu.memory_space<hbm>>
        tpu.wait_indirect_dma semaphore(%arg13 : memref<!tpu.dma_semaphore, #tpu.memory_space<semaphore_mem>>) src(%dma_wait3A_216 : memref<10000x128xf32, #tpu.memory_space<hbm>>) dst(%dma_wait3A_210 : memref<32x128xf32, #tpu.memory_space<vmem>>)
        %dma_wait3A_217 = arith.constant 0 : i32
        %dma_wait3A_218 = arith.constant 32 : i32
        %dma_wait3A_219 = arith.constant 0 : i32
        %dma_wait3A_220 = tpu.memref_slice %arg8[%dma_wait3A_218, %dma_wait3A_219] : memref<64x128xf32, #tpu.memory_space<vmem>> -> memref<32x128xf32, #tpu.memory_space<vmem>>
        %dma_wait3A_221 = arith.constant 0 : i32
        %dma_wait3A_222 = tpu.memref_slice %arg6[%dma_wait3A_217, %dma_wait3A_221] : memref<40x64xi32, #tpu.memory_space<vmem>> -> memref<1x32xi32, #tpu.memory_space<vmem>>
        %dma_wait3A_223 = tpu.memref_squeeze %dma_wait3A_222 : memref<1x32xi32, #tpu.memory_space<vmem>> -> memref<32xi32, #tpu.memory_space<vmem>>
        %dma_wait3A_224 = arith.constant 0 : i32
        %dma_wait3A_225 = arith.constant 0 : i32
        %dma_wait3A_226 = tpu.memref_slice %arg2[%dma_wait3A_224, %dma_wait3A_225] : memref<10000x128xf32, #tpu.memory_space<hbm>> -> memref<10000x128xf32, #tpu.memory_space<hbm>>
        tpu.wait_indirect_dma semaphore(%arg17 : memref<!tpu.dma_semaphore, #tpu.memory_space<semaphore_mem>>) src(%dma_wait3A_226 : memref<10000x128xf32, #tpu.memory_space<hbm>>) dst(%dma_wait3A_220 : memref<32x128xf32, #tpu.memory_space<vmem>>)
        %gt3A_227 = arith.constant 0 : i32
        %gt3A_228 = arith.cmpi sgt, %scan3A_199, %gt3A_227 : i32
        %convert_element_type3A_229 = arith.extui %gt3A_228 : i1 to i32
        %cond3A_230 = arith.constant 0 : i32
        %cond3A_231 = arith.cmpi ne, %convert_element_type3A_229, %cond3A_230 : i32
        scf.if %cond3A_231 {
          %dma_wait3A_380 = arith.constant 0 : i32
          %dma_wait3A_381 = arith.constant 0 : i32
          %dma_wait3A_382 = tpu.memref_slice %arg7[%dma_wait3A_380, %dma_wait3A_381] : memref<40x64xi32, #tpu.memory_space<vmem>> -> memref<1x64xi32, #tpu.memory_space<vmem>>
          %dma_wait3A_383 = tpu.memref_squeeze %dma_wait3A_382 : memref<1x64xi32, #tpu.memory_space<vmem>> -> memref<64xi32, #tpu.memory_space<vmem>>
          %dma_wait3A_384 = arith.constant 0 : i32
          %dma_wait3A_385 = arith.constant 0 : i32
          %dma_wait3A_386 = tpu.memref_slice %arg12[%dma_wait3A_384, %dma_wait3A_385] : memref<10000x128xf32, #tpu.memory_space<vmem_shared>> -> memref<10000x128xf32, #tpu.memory_space<vmem_shared>>
          tpu.wait_indirect_dma semaphore(%arg24 : memref<!tpu.dma_semaphore, #tpu.memory_space<semaphore_mem>>) src(%arg11 : memref<64x128xf32, #tpu.memory_space<vmem>>) dst(%dma_wait3A_386 : memref<10000x128xf32, #tpu.memory_space<vmem_shared>>)
        } else {
        }
        %dma_start3A_232 = arith.constant 0 : i32
        %dma_start3A_233 = tpu.memref_slice %arg7[%add3A_203, %dma_start3A_232] : memref<40x64xi32, #tpu.memory_space<vmem>> -> memref<1x64xi32, #tpu.memory_space<vmem>>
        %dma_start3A_234 = tpu.memref_squeeze %dma_start3A_233 : memref<1x64xi32, #tpu.memory_space<vmem>> -> memref<64xi32, #tpu.memory_space<vmem>>
        %dma_start3A_235 = arith.constant 0 : i32
        %dma_start3A_236 = arith.constant 0 : i32
        %dma_start3A_237 = tpu.memref_slice %arg12[%dma_start3A_235, %dma_start3A_236] : memref<10000x128xf32, #tpu.memory_space<vmem_shared>> -> memref<10000x128xf32, #tpu.memory_space<vmem_shared>>
        tpu.enqueue_indirect_dma source(%arg8 : memref<64x128xf32, #tpu.memory_space<vmem>>) target(%dma_start3A_237 : memref<10000x128xf32, #tpu.memory_space<vmem_shared>>) offsets(%dma_start3A_234 : memref<64xi32, #tpu.memory_space<vmem>>) semaphore(%arg21 : memref<!tpu.dma_semaphore, #tpu.memory_space<semaphore_mem>>) {add = true}
        %lt3A = arith.constant 40 : i32
        %lt3A_238 = arith.cmpi slt, %sub3A_206, %lt3A : i32
        %convert_element_type3A_239 = arith.extui %lt3A_238 : i1 to i32
        %cond3A_240 = arith.constant 0 : i32
        %cond3A_241 = arith.cmpi ne, %convert_element_type3A_239, %cond3A_240 : i32
        scf.if %cond3A_241 {
          %dma_start3A_380 = arith.constant 0 : i32
          %dma_start3A_381 = arith.constant 0 : i32
          %dma_start3A_382 = tpu.memref_slice %arg11[%dma_start3A_380, %dma_start3A_381] : memref<64x128xf32, #tpu.memory_space<vmem>> -> memref<32x128xf32, #tpu.memory_space<vmem>>
          %dma_start3A_383 = arith.constant 0 : i32
          %dma_start3A_384 = tpu.memref_slice %arg6[%sub3A_206, %dma_start3A_383] : memref<40x64xi32, #tpu.memory_space<vmem>> -> memref<1x32xi32, #tpu.memory_space<vmem>>
          %dma_start3A_385 = tpu.memref_squeeze %dma_start3A_384 : memref<1x32xi32, #tpu.memory_space<vmem>> -> memref<32xi32, #tpu.memory_space<vmem>>
          %dma_start3A_386 = arith.constant 0 : i32
          %dma_start3A_387 = arith.constant 0 : i32
          %dma_start3A_388 = tpu.memref_slice %arg2[%dma_start3A_386, %dma_start3A_387] : memref<10000x128xf32, #tpu.memory_space<hbm>> -> memref<10000x128xf32, #tpu.memory_space<hbm>>
          tpu.enqueue_indirect_dma source(%dma_start3A_388 : memref<10000x128xf32, #tpu.memory_space<hbm>>) target(%dma_start3A_382 : memref<32x128xf32, #tpu.memory_space<vmem>>) offsets(%dma_start3A_385 : memref<32xi32, #tpu.memory_space<vmem>>) semaphore(%arg16 : memref<!tpu.dma_semaphore, #tpu.memory_space<semaphore_mem>>)
          %dma_start3A_389 = arith.constant 32 : i32
          %dma_start3A_390 = arith.constant 0 : i32
          %dma_start3A_391 = tpu.memref_slice %arg11[%dma_start3A_389, %dma_start3A_390] : memref<64x128xf32, #tpu.memory_space<vmem>> -> memref<32x128xf32, #tpu.memory_space<vmem>>
          %dma_start3A_392 = arith.constant 32 : i32
          %dma_start3A_393 = tpu.memref_slice %arg6[%sub3A_206, %dma_start3A_392] : memref<40x64xi32, #tpu.memory_space<vmem>> -> memref<1x32xi32, #tpu.memory_space<vmem>>
          %dma_start3A_394 = tpu.memref_squeeze %dma_start3A_393 : memref<1x32xi32, #tpu.memory_space<vmem>> -> memref<32xi32, #tpu.memory_space<vmem>>
          %dma_start3A_395 = arith.constant 0 : i32
          %dma_start3A_396 = arith.constant 0 : i32
          %dma_start3A_397 = tpu.memref_slice %arg2[%dma_start3A_395, %dma_start3A_396] : memref<10000x128xf32, #tpu.memory_space<hbm>> -> memref<10000x128xf32, #tpu.memory_space<hbm>>
          tpu.enqueue_indirect_dma source(%dma_start3A_397 : memref<10000x128xf32, #tpu.memory_space<hbm>>) target(%dma_start3A_391 : memref<32x128xf32, #tpu.memory_space<vmem>>) offsets(%dma_start3A_394 : memref<32xi32, #tpu.memory_space<vmem>>) semaphore(%arg20 : memref<!tpu.dma_semaphore, #tpu.memory_space<semaphore_mem>>)
        } else {
        }
        %mul3A_242 = arith.constant 4 : i32
        %mul3A_243 = arith.muli %mul3A_242, %scan3A_199 : i32
        %add3A_244 = arith.constant 1 : i32
        %add3A_245 = arith.addi %mul3A_243, %add3A_244 : i32
        %add3A_246 = arith.constant 4 : i32
        %add3A_247 = arith.addi %add3A_245, %add3A_246 : i32
        %sub3A_248 = arith.constant 1 : i32
        %sub3A_249 = arith.subi %add3A_247, %sub3A_248 : i32
        %dma_wait3A_250 = arith.constant 0 : i32
        %dma_wait3A_251 = arith.constant 0 : i32
        %dma_wait3A_252 = arith.constant 0 : i32
        %dma_wait3A_253 = tpu.memref_slice %arg9[%dma_wait3A_251, %dma_wait3A_252] : memref<64x128xf32, #tpu.memory_space<vmem>> -> memref<32x128xf32, #tpu.memory_space<vmem>>
        %dma_wait3A_254 = arith.constant 0 : i32
        %dma_wait3A_255 = tpu.memref_slice %arg6[%dma_wait3A_250, %dma_wait3A_254] : memref<40x64xi32, #tpu.memory_space<vmem>> -> memref<1x32xi32, #tpu.memory_space<vmem>>
        %dma_wait3A_256 = tpu.memref_squeeze %dma_wait3A_255 : memref<1x32xi32, #tpu.memory_space<vmem>> -> memref<32xi32, #tpu.memory_space<vmem>>
        %dma_wait3A_257 = arith.constant 0 : i32
        %dma_wait3A_258 = arith.constant 0 : i32
        %dma_wait3A_259 = tpu.memref_slice %arg2[%dma_wait3A_257, %dma_wait3A_258] : memref<10000x128xf32, #tpu.memory_space<hbm>> -> memref<10000x128xf32, #tpu.memory_space<hbm>>
        tpu.wait_indirect_dma semaphore(%arg14 : memref<!tpu.dma_semaphore, #tpu.memory_space<semaphore_mem>>) src(%dma_wait3A_259 : memref<10000x128xf32, #tpu.memory_space<hbm>>) dst(%dma_wait3A_253 : memref<32x128xf32, #tpu.memory_space<vmem>>)
        %dma_wait3A_260 = arith.constant 0 : i32
        %dma_wait3A_261 = arith.constant 32 : i32
        %dma_wait3A_262 = arith.constant 0 : i32
        %dma_wait3A_263 = tpu.memref_slice %arg9[%dma_wait3A_261, %dma_wait3A_262] : memref<64x128xf32, #tpu.memory_space<vmem>> -> memref<32x128xf32, #tpu.memory_space<vmem>>
        %dma_wait3A_264 = arith.constant 0 : i32
        %dma_wait3A_265 = tpu.memref_slice %arg6[%dma_wait3A_260, %dma_wait3A_264] : memref<40x64xi32, #tpu.memory_space<vmem>> -> memref<1x32xi32, #tpu.memory_space<vmem>>
        %dma_wait3A_266 = tpu.memref_squeeze %dma_wait3A_265 : memref<1x32xi32, #tpu.memory_space<vmem>> -> memref<32xi32, #tpu.memory_space<vmem>>
        %dma_wait3A_267 = arith.constant 0 : i32
        %dma_wait3A_268 = arith.constant 0 : i32
        %dma_wait3A_269 = tpu.memref_slice %arg2[%dma_wait3A_267, %dma_wait3A_268] : memref<10000x128xf32, #tpu.memory_space<hbm>> -> memref<10000x128xf32, #tpu.memory_space<hbm>>
        tpu.wait_indirect_dma semaphore(%arg18 : memref<!tpu.dma_semaphore, #tpu.memory_space<semaphore_mem>>) src(%dma_wait3A_269 : memref<10000x128xf32, #tpu.memory_space<hbm>>) dst(%dma_wait3A_263 : memref<32x128xf32, #tpu.memory_space<vmem>>)
        %dma_wait3A_270 = arith.constant 0 : i32
        %dma_wait3A_271 = arith.constant 0 : i32
        %dma_wait3A_272 = tpu.memref_slice %arg7[%dma_wait3A_270, %dma_wait3A_271] : memref<40x64xi32, #tpu.memory_space<vmem>> -> memref<1x64xi32, #tpu.memory_space<vmem>>
        %dma_wait3A_273 = tpu.memref_squeeze %dma_wait3A_272 : memref<1x64xi32, #tpu.memory_space<vmem>> -> memref<64xi32, #tpu.memory_space<vmem>>
        %dma_wait3A_274 = arith.constant 0 : i32
        %dma_wait3A_275 = arith.constant 0 : i32
        %dma_wait3A_276 = tpu.memref_slice %arg12[%dma_wait3A_274, %dma_wait3A_275] : memref<10000x128xf32, #tpu.memory_space<vmem_shared>> -> memref<10000x128xf32, #tpu.memory_space<vmem_shared>>
        tpu.wait_indirect_dma semaphore(%arg21 : memref<!tpu.dma_semaphore, #tpu.memory_space<semaphore_mem>>) src(%arg8 : memref<64x128xf32, #tpu.memory_space<vmem>>) dst(%dma_wait3A_276 : memref<10000x128xf32, #tpu.memory_space<vmem_shared>>)
        %dma_start3A_277 = arith.constant 0 : i32
        %dma_start3A_278 = tpu.memref_slice %arg7[%add3A_245, %dma_start3A_277] : memref<40x64xi32, #tpu.memory_space<vmem>> -> memref<1x64xi32, #tpu.memory_space<vmem>>
        %dma_start3A_279 = tpu.memref_squeeze %dma_start3A_278 : memref<1x64xi32, #tpu.memory_space<vmem>> -> memref<64xi32, #tpu.memory_space<vmem>>
        %dma_start3A_280 = arith.constant 0 : i32
        %dma_start3A_281 = arith.constant 0 : i32
        %dma_start3A_282 = tpu.memref_slice %arg12[%dma_start3A_280, %dma_start3A_281] : memref<10000x128xf32, #tpu.memory_space<vmem_shared>> -> memref<10000x128xf32, #tpu.memory_space<vmem_shared>>
        tpu.enqueue_indirect_dma source(%arg9 : memref<64x128xf32, #tpu.memory_space<vmem>>) target(%dma_start3A_282 : memref<10000x128xf32, #tpu.memory_space<vmem_shared>>) offsets(%dma_start3A_279 : memref<64xi32, #tpu.memory_space<vmem>>) semaphore(%arg22 : memref<!tpu.dma_semaphore, #tpu.memory_space<semaphore_mem>>) {add = true}
        %lt3A_283 = arith.constant 40 : i32
        %lt3A_284 = arith.cmpi slt, %sub3A_249, %lt3A_283 : i32
        %convert_element_type3A_285 = arith.extui %lt3A_284 : i1 to i32
        %cond3A_286 = arith.constant 0 : i32
        %cond3A_287 = arith.cmpi ne, %convert_element_type3A_285, %cond3A_286 : i32
        scf.if %cond3A_287 {
          %dma_start3A_380 = arith.constant 0 : i32
          %dma_start3A_381 = arith.constant 0 : i32
          %dma_start3A_382 = tpu.memref_slice %arg8[%dma_start3A_380, %dma_start3A_381] : memref<64x128xf32, #tpu.memory_space<vmem>> -> memref<32x128xf32, #tpu.memory_space<vmem>>
          %dma_start3A_383 = arith.constant 0 : i32
          %dma_start3A_384 = tpu.memref_slice %arg6[%sub3A_249, %dma_start3A_383] : memref<40x64xi32, #tpu.memory_space<vmem>> -> memref<1x32xi32, #tpu.memory_space<vmem>>
          %dma_start3A_385 = tpu.memref_squeeze %dma_start3A_384 : memref<1x32xi32, #tpu.memory_space<vmem>> -> memref<32xi32, #tpu.memory_space<vmem>>
          %dma_start3A_386 = arith.constant 0 : i32
          %dma_start3A_387 = arith.constant 0 : i32
          %dma_start3A_388 = tpu.memref_slice %arg2[%dma_start3A_386, %dma_start3A_387] : memref<10000x128xf32, #tpu.memory_space<hbm>> -> memref<10000x128xf32, #tpu.memory_space<hbm>>
          tpu.enqueue_indirect_dma source(%dma_start3A_388 : memref<10000x128xf32, #tpu.memory_space<hbm>>) target(%dma_start3A_382 : memref<32x128xf32, #tpu.memory_space<vmem>>) offsets(%dma_start3A_385 : memref<32xi32, #tpu.memory_space<vmem>>) semaphore(%arg13 : memref<!tpu.dma_semaphore, #tpu.memory_space<semaphore_mem>>)
          %dma_start3A_389 = arith.constant 32 : i32
          %dma_start3A_390 = arith.constant 0 : i32
          %dma_start3A_391 = tpu.memref_slice %arg8[%dma_start3A_389, %dma_start3A_390] : memref<64x128xf32, #tpu.memory_space<vmem>> -> memref<32x128xf32, #tpu.memory_space<vmem>>
          %dma_start3A_392 = arith.constant 32 : i32
          %dma_start3A_393 = tpu.memref_slice %arg6[%sub3A_249, %dma_start3A_392] : memref<40x64xi32, #tpu.memory_space<vmem>> -> memref<1x32xi32, #tpu.memory_space<vmem>>
          %dma_start3A_394 = tpu.memref_squeeze %dma_start3A_393 : memref<1x32xi32, #tpu.memory_space<vmem>> -> memref<32xi32, #tpu.memory_space<vmem>>
          %dma_start3A_395 = arith.constant 0 : i32
          %dma_start3A_396 = arith.constant 0 : i32
          %dma_start3A_397 = tpu.memref_slice %arg2[%dma_start3A_395, %dma_start3A_396] : memref<10000x128xf32, #tpu.memory_space<hbm>> -> memref<10000x128xf32, #tpu.memory_space<hbm>>
          tpu.enqueue_indirect_dma source(%dma_start3A_397 : memref<10000x128xf32, #tpu.memory_space<hbm>>) target(%dma_start3A_391 : memref<32x128xf32, #tpu.memory_space<vmem>>) offsets(%dma_start3A_394 : memref<32xi32, #tpu.memory_space<vmem>>) semaphore(%arg17 : memref<!tpu.dma_semaphore, #tpu.memory_space<semaphore_mem>>)
        } else {
        }
        %mul3A_288 = arith.constant 4 : i32
        %mul3A_289 = arith.muli %mul3A_288, %scan3A_199 : i32
        %add3A_290 = arith.constant 2 : i32
        %add3A_291 = arith.addi %mul3A_289, %add3A_290 : i32
        %add3A_292 = arith.constant 4 : i32
        %add3A_293 = arith.addi %add3A_291, %add3A_292 : i32
        %sub3A_294 = arith.constant 1 : i32
        %sub3A_295 = arith.subi %add3A_293, %sub3A_294 : i32
        %dma_wait3A_296 = arith.constant 0 : i32
        %dma_wait3A_297 = arith.constant 0 : i32
        %dma_wait3A_298 = arith.constant 0 : i32
        %dma_wait3A_299 = tpu.memref_slice %arg10[%dma_wait3A_297, %dma_wait3A_298] : memref<64x128xf32, #tpu.memory_space<vmem>> -> memref<32x128xf32, #tpu.memory_space<vmem>>
        %dma_wait3A_300 = arith.constant 0 : i32
        %dma_wait3A_301 = tpu.memref_slice %arg6[%dma_wait3A_296, %dma_wait3A_300] : memref<40x64xi32, #tpu.memory_space<vmem>> -> memref<1x32xi32, #tpu.memory_space<vmem>>
        %dma_wait3A_302 = tpu.memref_squeeze %dma_wait3A_301 : memref<1x32xi32, #tpu.memory_space<vmem>> -> memref<32xi32, #tpu.memory_space<vmem>>
        %dma_wait3A_303 = arith.constant 0 : i32
        %dma_wait3A_304 = arith.constant 0 : i32
        %dma_wait3A_305 = tpu.memref_slice %arg2[%dma_wait3A_303, %dma_wait3A_304] : memref<10000x128xf32, #tpu.memory_space<hbm>> -> memref<10000x128xf32, #tpu.memory_space<hbm>>
        tpu.wait_indirect_dma semaphore(%arg15 : memref<!tpu.dma_semaphore, #tpu.memory_space<semaphore_mem>>) src(%dma_wait3A_305 : memref<10000x128xf32, #tpu.memory_space<hbm>>) dst(%dma_wait3A_299 : memref<32x128xf32, #tpu.memory_space<vmem>>)
        %dma_wait3A_306 = arith.constant 0 : i32
        %dma_wait3A_307 = arith.constant 32 : i32
        %dma_wait3A_308 = arith.constant 0 : i32
        %dma_wait3A_309 = tpu.memref_slice %arg10[%dma_wait3A_307, %dma_wait3A_308] : memref<64x128xf32, #tpu.memory_space<vmem>> -> memref<32x128xf32, #tpu.memory_space<vmem>>
        %dma_wait3A_310 = arith.constant 0 : i32
        %dma_wait3A_311 = tpu.memref_slice %arg6[%dma_wait3A_306, %dma_wait3A_310] : memref<40x64xi32, #tpu.memory_space<vmem>> -> memref<1x32xi32, #tpu.memory_space<vmem>>
        %dma_wait3A_312 = tpu.memref_squeeze %dma_wait3A_311 : memref<1x32xi32, #tpu.memory_space<vmem>> -> memref<32xi32, #tpu.memory_space<vmem>>
        %dma_wait3A_313 = arith.constant 0 : i32
        %dma_wait3A_314 = arith.constant 0 : i32
        %dma_wait3A_315 = tpu.memref_slice %arg2[%dma_wait3A_313, %dma_wait3A_314] : memref<10000x128xf32, #tpu.memory_space<hbm>> -> memref<10000x128xf32, #tpu.memory_space<hbm>>
        tpu.wait_indirect_dma semaphore(%arg19 : memref<!tpu.dma_semaphore, #tpu.memory_space<semaphore_mem>>) src(%dma_wait3A_315 : memref<10000x128xf32, #tpu.memory_space<hbm>>) dst(%dma_wait3A_309 : memref<32x128xf32, #tpu.memory_space<vmem>>)
        %dma_wait3A_316 = arith.constant 0 : i32
        %dma_wait3A_317 = arith.constant 0 : i32
        %dma_wait3A_318 = tpu.memref_slice %arg7[%dma_wait3A_316, %dma_wait3A_317] : memref<40x64xi32, #tpu.memory_space<vmem>> -> memref<1x64xi32, #tpu.memory_space<vmem>>
        %dma_wait3A_319 = tpu.memref_squeeze %dma_wait3A_318 : memref<1x64xi32, #tpu.memory_space<vmem>> -> memref<64xi32, #tpu.memory_space<vmem>>
        %dma_wait3A_320 = arith.constant 0 : i32
        %dma_wait3A_321 = arith.constant 0 : i32
        %dma_wait3A_322 = tpu.memref_slice %arg12[%dma_wait3A_320, %dma_wait3A_321] : memref<10000x128xf32, #tpu.memory_space<vmem_shared>> -> memref<10000x128xf32, #tpu.memory_space<vmem_shared>>
        tpu.wait_indirect_dma semaphore(%arg22 : memref<!tpu.dma_semaphore, #tpu.memory_space<semaphore_mem>>) src(%arg9 : memref<64x128xf32, #tpu.memory_space<vmem>>) dst(%dma_wait3A_322 : memref<10000x128xf32, #tpu.memory_space<vmem_shared>>)
        %dma_start3A_323 = arith.constant 0 : i32
        %dma_start3A_324 = tpu.memref_slice %arg7[%add3A_291, %dma_start3A_323] : memref<40x64xi32, #tpu.memory_space<vmem>> -> memref<1x64xi32, #tpu.memory_space<vmem>>
        %dma_start3A_325 = tpu.memref_squeeze %dma_start3A_324 : memref<1x64xi32, #tpu.memory_space<vmem>> -> memref<64xi32, #tpu.memory_space<vmem>>
        %dma_start3A_326 = arith.constant 0 : i32
        %dma_start3A_327 = arith.constant 0 : i32
        %dma_start3A_328 = tpu.memref_slice %arg12[%dma_start3A_326, %dma_start3A_327] : memref<10000x128xf32, #tpu.memory_space<vmem_shared>> -> memref<10000x128xf32, #tpu.memory_space<vmem_shared>>
        tpu.enqueue_indirect_dma source(%arg10 : memref<64x128xf32, #tpu.memory_space<vmem>>) target(%dma_start3A_328 : memref<10000x128xf32, #tpu.memory_space<vmem_shared>>) offsets(%dma_start3A_325 : memref<64xi32, #tpu.memory_space<vmem>>) semaphore(%arg23 : memref<!tpu.dma_semaphore, #tpu.memory_space<semaphore_mem>>) {add = true}
        %lt3A_329 = arith.constant 40 : i32
        %lt3A_330 = arith.cmpi slt, %sub3A_295, %lt3A_329 : i32
        %convert_element_type3A_331 = arith.extui %lt3A_330 : i1 to i32
        %cond3A_332 = arith.constant 0 : i32
        %cond3A_333 = arith.cmpi ne, %convert_element_type3A_331, %cond3A_332 : i32
        scf.if %cond3A_333 {
          %dma_start3A_380 = arith.constant 0 : i32
          %dma_start3A_381 = arith.constant 0 : i32
          %dma_start3A_382 = tpu.memref_slice %arg9[%dma_start3A_380, %dma_start3A_381] : memref<64x128xf32, #tpu.memory_space<vmem>> -> memref<32x128xf32, #tpu.memory_space<vmem>>
          %dma_start3A_383 = arith.constant 0 : i32
          %dma_start3A_384 = tpu.memref_slice %arg6[%sub3A_295, %dma_start3A_383] : memref<40x64xi32, #tpu.memory_space<vmem>> -> memref<1x32xi32, #tpu.memory_space<vmem>>
          %dma_start3A_385 = tpu.memref_squeeze %dma_start3A_384 : memref<1x32xi32, #tpu.memory_space<vmem>> -> memref<32xi32, #tpu.memory_space<vmem>>
          %dma_start3A_386 = arith.constant 0 : i32
          %dma_start3A_387 = arith.constant 0 : i32
          %dma_start3A_388 = tpu.memref_slice %arg2[%dma_start3A_386, %dma_start3A_387] : memref<10000x128xf32, #tpu.memory_space<hbm>> -> memref<10000x128xf32, #tpu.memory_space<hbm>>
          tpu.enqueue_indirect_dma source(%dma_start3A_388 : memref<10000x128xf32, #tpu.memory_space<hbm>>) target(%dma_start3A_382 : memref<32x128xf32, #tpu.memory_space<vmem>>) offsets(%dma_start3A_385 : memref<32xi32, #tpu.memory_space<vmem>>) semaphore(%arg14 : memref<!tpu.dma_semaphore, #tpu.memory_space<semaphore_mem>>)
          %dma_start3A_389 = arith.constant 32 : i32
          %dma_start3A_390 = arith.constant 0 : i32
          %dma_start3A_391 = tpu.memref_slice %arg9[%dma_start3A_389, %dma_start3A_390] : memref<64x128xf32, #tpu.memory_space<vmem>> -> memref<32x128xf32, #tpu.memory_space<vmem>>
          %dma_start3A_392 = arith.constant 32 : i32
          %dma_start3A_393 = tpu.memref_slice %arg6[%sub3A_295, %dma_start3A_392] : memref<40x64xi32, #tpu.memory_space<vmem>> -> memref<1x32xi32, #tpu.memory_space<vmem>>
          %dma_start3A_394 = tpu.memref_squeeze %dma_start3A_393 : memref<1x32xi32, #tpu.memory_space<vmem>> -> memref<32xi32, #tpu.memory_space<vmem>>
          %dma_start3A_395 = arith.constant 0 : i32
          %dma_start3A_396 = arith.constant 0 : i32
          %dma_start3A_397 = tpu.memref_slice %arg2[%dma_start3A_395, %dma_start3A_396] : memref<10000x128xf32, #tpu.memory_space<hbm>> -> memref<10000x128xf32, #tpu.memory_space<hbm>>
          tpu.enqueue_indirect_dma source(%dma_start3A_397 : memref<10000x128xf32, #tpu.memory_space<hbm>>) target(%dma_start3A_391 : memref<32x128xf32, #tpu.memory_space<vmem>>) offsets(%dma_start3A_394 : memref<32xi32, #tpu.memory_space<vmem>>) semaphore(%arg18 : memref<!tpu.dma_semaphore, #tpu.memory_space<semaphore_mem>>)
        } else {
        }
        %mul3A_334 = arith.constant 4 : i32
        %mul3A_335 = arith.muli %mul3A_334, %scan3A_199 : i32
        %add3A_336 = arith.constant 3 : i32
        %add3A_337 = arith.addi %mul3A_335, %add3A_336 : i32
        %add3A_338 = arith.constant 4 : i32
        %add3A_339 = arith.addi %add3A_337, %add3A_338 : i32
        %sub3A_340 = arith.constant 1 : i32
        %sub3A_341 = arith.subi %add3A_339, %sub3A_340 : i32
        %dma_wait3A_342 = arith.constant 0 : i32
        %dma_wait3A_343 = arith.constant 0 : i32
        %dma_wait3A_344 = arith.constant 0 : i32
        %dma_wait3A_345 = tpu.memref_slice %arg11[%dma_wait3A_343, %dma_wait3A_344] : memref<64x128xf32, #tpu.memory_space<vmem>> -> memref<32x128xf32, #tpu.memory_space<vmem>>
        %dma_wait3A_346 = arith.constant 0 : i32
        %dma_wait3A_347 = tpu.memref_slice %arg6[%dma_wait3A_342, %dma_wait3A_346] : memref<40x64xi32, #tpu.memory_space<vmem>> -> memref<1x32xi32, #tpu.memory_space<vmem>>
        %dma_wait3A_348 = tpu.memref_squeeze %dma_wait3A_347 : memref<1x32xi32, #tpu.memory_space<vmem>> -> memref<32xi32, #tpu.memory_space<vmem>>
        %dma_wait3A_349 = arith.constant 0 : i32
        %dma_wait3A_350 = arith.constant 0 : i32
        %dma_wait3A_351 = tpu.memref_slice %arg2[%dma_wait3A_349, %dma_wait3A_350] : memref<10000x128xf32, #tpu.memory_space<hbm>> -> memref<10000x128xf32, #tpu.memory_space<hbm>>
        tpu.wait_indirect_dma semaphore(%arg16 : memref<!tpu.dma_semaphore, #tpu.memory_space<semaphore_mem>>) src(%dma_wait3A_351 : memref<10000x128xf32, #tpu.memory_space<hbm>>) dst(%dma_wait3A_345 : memref<32x128xf32, #tpu.memory_space<vmem>>)
        %dma_wait3A_352 = arith.constant 0 : i32
        %dma_wait3A_353 = arith.constant 32 : i32
        %dma_wait3A_354 = arith.constant 0 : i32
        %dma_wait3A_355 = tpu.memref_slice %arg11[%dma_wait3A_353, %dma_wait3A_354] : memref<64x128xf32, #tpu.memory_space<vmem>> -> memref<32x128xf32, #tpu.memory_space<vmem>>
        %dma_wait3A_356 = arith.constant 0 : i32
        %dma_wait3A_357 = tpu.memref_slice %arg6[%dma_wait3A_352, %dma_wait3A_356] : memref<40x64xi32, #tpu.memory_space<vmem>> -> memref<1x32xi32, #tpu.memory_space<vmem>>
        %dma_wait3A_358 = tpu.memref_squeeze %dma_wait3A_357 : memref<1x32xi32, #tpu.memory_space<vmem>> -> memref<32xi32, #tpu.memory_space<vmem>>
        %dma_wait3A_359 = arith.constant 0 : i32
        %dma_wait3A_360 = arith.constant 0 : i32
        %dma_wait3A_361 = tpu.memref_slice %arg2[%dma_wait3A_359, %dma_wait3A_360] : memref<10000x128xf32, #tpu.memory_space<hbm>> -> memref<10000x128xf32, #tpu.memory_space<hbm>>
        tpu.wait_indirect_dma semaphore(%arg20 : memref<!tpu.dma_semaphore, #tpu.memory_space<semaphore_mem>>) src(%dma_wait3A_361 : memref<10000x128xf32, #tpu.memory_space<hbm>>) dst(%dma_wait3A_355 : memref<32x128xf32, #tpu.memory_space<vmem>>)
        %dma_wait3A_362 = arith.constant 0 : i32
        %dma_wait3A_363 = arith.constant 0 : i32
        %dma_wait3A_364 = tpu.memref_slice %arg7[%dma_wait3A_362, %dma_wait3A_363] : memref<40x64xi32, #tpu.memory_space<vmem>> -> memref<1x64xi32, #tpu.memory_space<vmem>>
        %dma_wait3A_365 = tpu.memref_squeeze %dma_wait3A_364 : memref<1x64xi32, #tpu.memory_space<vmem>> -> memref<64xi32, #tpu.memory_space<vmem>>
        %dma_wait3A_366 = arith.constant 0 : i32
        %dma_wait3A_367 = arith.constant 0 : i32
        %dma_wait3A_368 = tpu.memref_slice %arg12[%dma_wait3A_366, %dma_wait3A_367] : memref<10000x128xf32, #tpu.memory_space<vmem_shared>> -> memref<10000x128xf32, #tpu.memory_space<vmem_shared>>
        tpu.wait_indirect_dma semaphore(%arg23 : memref<!tpu.dma_semaphore, #tpu.memory_space<semaphore_mem>>) src(%arg10 : memref<64x128xf32, #tpu.memory_space<vmem>>) dst(%dma_wait3A_368 : memref<10000x128xf32, #tpu.memory_space<vmem_shared>>)
        %dma_start3A_369 = arith.constant 0 : i32
        %dma_start3A_370 = tpu.memref_slice %arg7[%add3A_337, %dma_start3A_369] : memref<40x64xi32, #tpu.memory_space<vmem>> -> memref<1x64xi32, #tpu.memory_space<vmem>>
        %dma_start3A_371 = tpu.memref_squeeze %dma_start3A_370 : memref<1x64xi32, #tpu.memory_space<vmem>> -> memref<64xi32, #tpu.memory_space<vmem>>
        %dma_start3A_372 = arith.constant 0 : i32
        %dma_start3A_373 = arith.constant 0 : i32
        %dma_start3A_374 = tpu.memref_slice %arg12[%dma_start3A_372, %dma_start3A_373] : memref<10000x128xf32, #tpu.memory_space<vmem_shared>> -> memref<10000x128xf32, #tpu.memory_space<vmem_shared>>
        tpu.enqueue_indirect_dma source(%arg11 : memref<64x128xf32, #tpu.memory_space<vmem>>) target(%dma_start3A_374 : memref<10000x128xf32, #tpu.memory_space<vmem_shared>>) offsets(%dma_start3A_371 : memref<64xi32, #tpu.memory_space<vmem>>) semaphore(%arg24 : memref<!tpu.dma_semaphore, #tpu.memory_space<semaphore_mem>>) {add = true}
        %lt3A_375 = arith.constant 40 : i32
        %lt3A_376 = arith.cmpi slt, %sub3A_341, %lt3A_375 : i32
        %convert_element_type3A_377 = arith.extui %lt3A_376 : i1 to i32
        %cond3A_378 = arith.constant 0 : i32
        %cond3A_379 = arith.cmpi ne, %convert_element_type3A_377, %cond3A_378 : i32
        scf.if %cond3A_379 {
          %dma_start3A_380 = arith.constant 0 : i32
          %dma_start3A_381 = arith.constant 0 : i32
          %dma_start3A_382 = tpu.memref_slice %arg10[%dma_start3A_380, %dma_start3A_381] : memref<64x128xf32, #tpu.memory_space<vmem>> -> memref<32x128xf32, #tpu.memory_space<vmem>>
          %dma_start3A_383 = arith.constant 0 : i32
          %dma_start3A_384 = tpu.memref_slice %arg6[%sub3A_341, %dma_start3A_383] : memref<40x64xi32, #tpu.memory_space<vmem>> -> memref<1x32xi32, #tpu.memory_space<vmem>>
          %dma_start3A_385 = tpu.memref_squeeze %dma_start3A_384 : memref<1x32xi32, #tpu.memory_space<vmem>> -> memref<32xi32, #tpu.memory_space<vmem>>
          %dma_start3A_386 = arith.constant 0 : i32
          %dma_start3A_387 = arith.constant 0 : i32
          %dma_start3A_388 = tpu.memref_slice %arg2[%dma_start3A_386, %dma_start3A_387] : memref<10000x128xf32, #tpu.memory_space<hbm>> -> memref<10000x128xf32, #tpu.memory_space<hbm>>
          tpu.enqueue_indirect_dma source(%dma_start3A_388 : memref<10000x128xf32, #tpu.memory_space<hbm>>) target(%dma_start3A_382 : memref<32x128xf32, #tpu.memory_space<vmem>>) offsets(%dma_start3A_385 : memref<32xi32, #tpu.memory_space<vmem>>) semaphore(%arg15 : memref<!tpu.dma_semaphore, #tpu.memory_space<semaphore_mem>>)
          %dma_start3A_389 = arith.constant 32 : i32
          %dma_start3A_390 = arith.constant 0 : i32
          %dma_start3A_391 = tpu.memref_slice %arg10[%dma_start3A_389, %dma_start3A_390] : memref<64x128xf32, #tpu.memory_space<vmem>> -> memref<32x128xf32, #tpu.memory_space<vmem>>
          %dma_start3A_392 = arith.constant 32 : i32
          %dma_start3A_393 = tpu.memref_slice %arg6[%sub3A_341, %dma_start3A_392] : memref<40x64xi32, #tpu.memory_space<vmem>> -> memref<1x32xi32, #tpu.memory_space<vmem>>
          %dma_start3A_394 = tpu.memref_squeeze %dma_start3A_393 : memref<1x32xi32, #tpu.memory_space<vmem>> -> memref<32xi32, #tpu.memory_space<vmem>>
          %dma_start3A_395 = arith.constant 0 : i32
          %dma_start3A_396 = arith.constant 0 : i32
          %dma_start3A_397 = tpu.memref_slice %arg2[%dma_start3A_395, %dma_start3A_396] : memref<10000x128xf32, #tpu.memory_space<hbm>> -> memref<10000x128xf32, #tpu.memory_space<hbm>>
          tpu.enqueue_indirect_dma source(%dma_start3A_397 : memref<10000x128xf32, #tpu.memory_space<hbm>>) target(%dma_start3A_391 : memref<32x128xf32, #tpu.memory_space<vmem>>) offsets(%dma_start3A_394 : memref<32xi32, #tpu.memory_space<vmem>>) semaphore(%arg19 : memref<!tpu.dma_semaphore, #tpu.memory_space<semaphore_mem>>)
        } else {
        }
      }
      %scan3A_191 = arith.constant 10 : i32
      %dma_wait3A_192 = arith.constant 0 : i32
      %dma_wait3A_193 = arith.constant 0 : i32
      %dma_wait3A_194 = tpu.memref_slice %arg7[%dma_wait3A_192, %dma_wait3A_193] : memref<40x64xi32, #tpu.memory_space<vmem>> -> memref<1x64xi32, #tpu.memory_space<vmem>>
      %dma_wait3A_195 = tpu.memref_squeeze %dma_wait3A_194 : memref<1x64xi32, #tpu.memory_space<vmem>> -> memref<64xi32, #tpu.memory_space<vmem>>
      %dma_wait3A_196 = arith.constant 0 : i32
      %dma_wait3A_197 = arith.constant 0 : i32
      %dma_wait3A_198 = tpu.memref_slice %arg12[%dma_wait3A_196, %dma_wait3A_197] : memref<10000x128xf32, #tpu.memory_space<vmem_shared>> -> memref<10000x128xf32, #tpu.memory_space<vmem_shared>>
      tpu.wait_indirect_dma semaphore(%arg24 : memref<!tpu.dma_semaphore, #tpu.memory_space<semaphore_mem>>) src(%arg11 : memref<64x128xf32, #tpu.memory_space<vmem>>) dst(%dma_wait3A_198 : memref<10000x128xf32, #tpu.memory_space<vmem_shared>>)
    } else {
    }
    %barrier3A_112 = arith.constant 0 : index
    tpu.barrier barrier_id(%barrier3A_112)
    %mul3A_113 = arith.constant 624 : i32
    %mul3A_114 = arith.muli %arg1, %mul3A_113 : i32
    %mul3A_115 = arith.constant 624 : i32
    %mul3A_116 = arith.muli %arg1, %mul3A_115 : i32
    "tpu.region"() ({
      %run_scoped3A = tpu.sem_alloc : memref<!tpu.dma_semaphore, #tpu.memory_space<semaphore_mem>>
      %dma_start3A_122 = arith.constant 0 : i32
      %dma_start3A_123 = tpu.memref_slice %arg5[%arg0, %mul3A_116, %dma_start3A_122] : memref<2x10000x128xf32, #tpu.memory_space<hbm>> -> memref<1x624x128xf32, #tpu.memory_space<hbm>>
      %dma_start3A_124 = tpu.memref_squeeze %dma_start3A_123 : memref<1x624x128xf32, #tpu.memory_space<hbm>> -> memref<624x128xf32, #tpu.memory_space<hbm>>
      %dma_start3A_125 = arith.constant 0 : i32
      %dma_start3A_126 = tpu.memref_slice %arg12[%mul3A_114, %dma_start3A_125] : memref<10000x128xf32, #tpu.memory_space<vmem_shared>> -> memref<624x128xf32, #tpu.memory_space<vmem_shared>>
      tpu.enqueue_dma source(%dma_start3A_126 : memref<624x128xf32, #tpu.memory_space<vmem_shared>>) target(%dma_start3A_124 : memref<624x128xf32, #tpu.memory_space<hbm>>) target_semaphore(%run_scoped3A : memref<!tpu.dma_semaphore, #tpu.memory_space<semaphore_mem>>)
      %dma_wait3A_127 = arith.constant 0 : i32
      %dma_wait3A_128 = tpu.memref_slice %arg5[%arg0, %mul3A_116, %dma_wait3A_127] : memref<2x10000x128xf32, #tpu.memory_space<hbm>> -> memref<1x624x128xf32, #tpu.memory_space<hbm>>
      %dma_wait3A_129 = tpu.memref_squeeze %dma_wait3A_128 : memref<1x624x128xf32, #tpu.memory_space<hbm>> -> memref<624x128xf32, #tpu.memory_space<hbm>>
      %dma_wait3A_130 = arith.constant 0 : i32
      %dma_wait3A_131 = tpu.memref_slice %arg12[%mul3A_114, %dma_wait3A_130] : memref<10000x128xf32, #tpu.memory_space<vmem_shared>> -> memref<624x128xf32, #tpu.memory_space<vmem_shared>>
      tpu.wait_dma2 semaphore(%run_scoped3A : memref<!tpu.dma_semaphore, #tpu.memory_space<semaphore_mem>>) src(%dma_wait3A_131 : memref<624x128xf32, #tpu.memory_space<vmem_shared>>) dst(%dma_wait3A_129 : memref<624x128xf32, #tpu.memory_space<hbm>>)
      tpu.yield
    }) : () -> ()
    %eq3A_117 = arith.constant 0 : i32
    %eq3A_118 = arith.cmpi eq, %arg1, %eq3A_117 : i32
    %convert_element_type3A_119 = arith.extui %eq3A_118 : i1 to i32
    %cond3A_120 = arith.constant 0 : i32
    %cond3A_121 = arith.cmpi ne, %convert_element_type3A_119, %cond3A_120 : i32
    scf.if %cond3A_121 {
      "tpu.region"() ({
        %run_scoped3A = tpu.sem_alloc : memref<!tpu.dma_semaphore, #tpu.memory_space<semaphore_mem>>
        %dma_start3A_122 = arith.constant 9984 : i32
        %dma_start3A_123 = arith.constant 0 : i32
        %dma_start3A_124 = tpu.memref_slice %arg5[%arg0, %dma_start3A_122, %dma_start3A_123] : memref<2x10000x128xf32, #tpu.memory_space<hbm>> -> memref<1x16x128xf32, #tpu.memory_space<hbm>>
        %dma_start3A_125 = tpu.memref_squeeze %dma_start3A_124 : memref<1x16x128xf32, #tpu.memory_space<hbm>> -> memref<16x128xf32, #tpu.memory_space<hbm>>
        %dma_start3A_126 = arith.constant 9984 : i32
        %dma_start3A_127 = arith.constant 0 : i32
        %dma_start3A_128 = tpu.memref_slice %arg12[%dma_start3A_126, %dma_start3A_127] : memref<10000x128xf32, #tpu.memory_space<vmem_shared>> -> memref<16x128xf32, #tpu.memory_space<vmem_shared>>
        tpu.enqueue_dma source(%dma_start3A_128 : memref<16x128xf32, #tpu.memory_space<vmem_shared>>) target(%dma_start3A_125 : memref<16x128xf32, #tpu.memory_space<hbm>>) target_semaphore(%run_scoped3A : memref<!tpu.dma_semaphore, #tpu.memory_space<semaphore_mem>>)
        %dma_wait3A_129 = arith.constant 9984 : i32
        %dma_wait3A_130 = arith.constant 0 : i32
        %dma_wait3A_131 = tpu.memref_slice %arg5[%arg0, %dma_wait3A_129, %dma_wait3A_130] : memref<2x10000x128xf32, #tpu.memory_space<hbm>> -> memref<1x16x128xf32, #tpu.memory_space<hbm>>
        %dma_wait3A_132 = tpu.memref_squeeze %dma_wait3A_131 : memref<1x16x128xf32, #tpu.memory_space<hbm>> -> memref<16x128xf32, #tpu.memory_space<hbm>>
        %dma_wait3A_133 = arith.constant 9984 : i32
        %dma_wait3A_134 = arith.constant 0 : i32
        %dma_wait3A_135 = tpu.memref_slice %arg12[%dma_wait3A_133, %dma_wait3A_134] : memref<10000x128xf32, #tpu.memory_space<vmem_shared>> -> memref<16x128xf32, #tpu.memory_space<vmem_shared>>
        tpu.wait_dma2 semaphore(%run_scoped3A : memref<!tpu.dma_semaphore, #tpu.memory_space<semaphore_mem>>) src(%dma_wait3A_135 : memref<16x128xf32, #tpu.memory_space<vmem_shared>>) dst(%dma_wait3A_132 : memref<16x128xf32, #tpu.memory_space<hbm>>)
        tpu.yield
      }) : () -> ()
    } else {
    }
    return
  }
}

module attributes {stable_mosaic.version = 14 : i64} {
  func.func @_mlp1_body(%arg0: i32, %arg1: memref<1x2000x128xf32, #tpu.memory_space<vmem>>, %arg2: memref<1x2000x128xf32, #tpu.memory_space<vmem>>, %arg3: memref<2000x128xf32, #tpu.memory_space<vmem>>, %arg4: memref<128x128xf32, #tpu.memory_space<vmem>>, %arg5: memref<1x128xf32, #tpu.memory_space<vmem>>, %arg6: memref<128x128xf32, #tpu.memory_space<vmem>>, %arg7: memref<1x128xf32, #tpu.memory_space<vmem>>, %arg8: memref<2000x128xf32, #tpu.memory_space<vmem>>) attributes {dimension_semantics = [#tpu.dimension_semantics<arbitrary>], iteration_bounds = array<i64: 5>, scalar_prefetch = 0 : i64, scratch_operands = 0 : i64, tpu.core_type = #tpu.core_type<tc>, window_params = [{transform_indices = @transform_0, window_bounds = array<i64: 1, 2000, 128>}, {transform_indices = @transform_1, window_bounds = array<i64: 1, 2000, 128>}, {transform_indices = @transform_2, window_bounds = array<i64: 2000, 128>}, {pipeline_mode = #tpu.pipeline_mode<synchronous>, transform_indices = @transform_3, window_bounds = array<i64: 128, 128>}, {pipeline_mode = #tpu.pipeline_mode<synchronous>, transform_indices = @transform_4, window_bounds = array<i64: 1, 128>}, {pipeline_mode = #tpu.pipeline_mode<synchronous>, transform_indices = @transform_5, window_bounds = array<i64: 128, 128>}, {pipeline_mode = #tpu.pipeline_mode<synchronous>, transform_indices = @transform_6, window_bounds = array<i64: 1, 128>}, {transform_indices = @transform_7, window_bounds = array<i64: 2000, 128>}]} {
    %get3A = arith.constant 0 : index
    %get3A_0 = arith.constant 0 : index
    %get3A_1 = arith.constant 0 : index
    %get3A_2 = vector.load %arg1[%get3A, %get3A_0, %get3A_1] : memref<1x2000x128xf32, #tpu.memory_space<vmem>>, vector<1x2000x128xf32>
    %get3A_3 = vector.shape_cast %get3A_2 : vector<1x2000x128xf32> to vector<2000x128xf32>
    %get3A_4 = arith.constant 0 : index
    %get3A_5 = arith.constant 0 : index
    %get3A_6 = arith.constant 0 : index
    %get3A_7 = vector.load %arg2[%get3A_4, %get3A_5, %get3A_6] : memref<1x2000x128xf32, #tpu.memory_space<vmem>>, vector<1x2000x128xf32>
    %get3A_8 = vector.shape_cast %get3A_7 : vector<1x2000x128xf32> to vector<2000x128xf32>
    %add3A = arith.addf %get3A_3, %get3A_8 : vector<2000x128xf32>
    %get3A_9 = arith.constant 0 : index
    %get3A_10 = arith.constant 0 : index
    %get3A_11 = vector.load %arg3[%get3A_9, %get3A_10] : memref<2000x128xf32, #tpu.memory_space<vmem>>, vector<2000x128xf32>
    %add3A_12 = arith.addf %add3A, %get3A_11 : vector<2000x128xf32>
    %get3A_13 = arith.constant 0 : index
    %get3A_14 = arith.constant 0 : index
    %get3A_15 = vector.load %arg4[%get3A_13, %get3A_14] : memref<128x128xf32, #tpu.memory_space<vmem>>, vector<128x128xf32>
    %dot_general3A = arith.constant dense<0.000000e+00> : vector<2000x128xf32>
    %dot_general3A_16 = tpu.matmul %add3A_12, %get3A_15, %dot_general3A {dimension_numbers = #tpu.dot_dimension_numbers<[1], [0], [0], [1], [0, 0, 1, 1], [], []>, transpose_lhs_hint = false} : vector<2000x128xf32>, vector<128x128xf32>, vector<2000x128xf32> -> vector<2000x128xf32>
    %get3A_17 = arith.constant 0 : index
    %get3A_18 = arith.constant 0 : index
    %get3A_19 = vector.load %arg5[%get3A_17, %get3A_18] : memref<1x128xf32, #tpu.memory_space<vmem>>, vector<1x128xf32>
    %add3A_20 = vector.broadcast %get3A_19 : vector<1x128xf32> to vector<2000x128xf32>
    %add3A_21 = arith.addf %dot_general3A_16, %add3A_20 : vector<2000x128xf32>
    %max3A = arith.constant 0.000000e+00 : f32
    %max3A_22 = vector.broadcast %max3A : f32 to vector<2000x128xf32>
    %max3A_23 = arith.maximumf %add3A_21, %max3A_22 : vector<2000x128xf32>
    %get3A_24 = arith.constant 0 : index
    %get3A_25 = arith.constant 0 : index
    %get3A_26 = vector.load %arg6[%get3A_24, %get3A_25] : memref<128x128xf32, #tpu.memory_space<vmem>>, vector<128x128xf32>
    %dot_general3A_27 = arith.constant dense<0.000000e+00> : vector<2000x128xf32>
    %dot_general3A_28 = tpu.matmul %max3A_23, %get3A_26, %dot_general3A_27 {dimension_numbers = #tpu.dot_dimension_numbers<[1], [0], [0], [1], [0, 0, 1, 1], [], []>, transpose_lhs_hint = false} : vector<2000x128xf32>, vector<128x128xf32>, vector<2000x128xf32> -> vector<2000x128xf32>
    %get3A_29 = arith.constant 0 : index
    %get3A_30 = arith.constant 0 : index
    %get3A_31 = vector.load %arg7[%get3A_29, %get3A_30] : memref<1x128xf32, #tpu.memory_space<vmem>>, vector<1x128xf32>
    %add3A_32 = vector.broadcast %get3A_31 : vector<1x128xf32> to vector<2000x128xf32>
    %add3A_33 = arith.addf %dot_general3A_28, %add3A_32 : vector<2000x128xf32>
    %max3A_34 = arith.constant 0.000000e+00 : f32
    %max3A_35 = vector.broadcast %max3A_34 : f32 to vector<2000x128xf32>
    %max3A_36 = arith.maximumf %add3A_33, %max3A_35 : vector<2000x128xf32>
    %swap3A = arith.constant 0 : index
    %swap3A_37 = arith.constant 0 : index
    %swap3A_38 = vector.load %arg8[%swap3A, %swap3A_37] : memref<2000x128xf32, #tpu.memory_space<vmem>>, vector<2000x128xf32>
    tpu.vector_store %arg8[%swap3A, %swap3A_37], %max3A_36 {strides = array<i32>} : memref<2000x128xf32, #tpu.memory_space<vmem>>, vector<2000x128xf32>,
    return
  }
  func.func @transform_0(%arg0: i32) -> (i32, i32, i32) {
    %c0_i32 = arith.constant 0 : i32
    %c0_i32_0 = arith.constant 0 : i32
    %c0_i32_1 = arith.constant 0 : i32
    return %c0_i32, %arg0, %c0_i32_0 : i32, i32, i32
  }
  func.func @transform_1(%arg0: i32) -> (i32, i32, i32) {
    %c1_i32 = arith.constant 1 : i32
    %c0_i32 = arith.constant 0 : i32
    %c0_i32_0 = arith.constant 0 : i32
    return %c1_i32, %arg0, %c0_i32 : i32, i32, i32
  }
  func.func @transform_2(%arg0: i32) -> (i32, i32) {
    %c0_i32 = arith.constant 0 : i32
    %c0_i32_0 = arith.constant 0 : i32
    return %arg0, %c0_i32 : i32, i32
  }
  func.func @transform_3(%arg0: i32) -> (i32, i32) {
    %c0_i32 = arith.constant 0 : i32
    %c0_i32_0 = arith.constant 0 : i32
    %c0_i32_1 = arith.constant 0 : i32
    return %c0_i32, %c0_i32_0 : i32, i32
  }
  func.func @transform_4(%arg0: i32) -> (i32, i32) {
    %c0_i32 = arith.constant 0 : i32
    %c0_i32_0 = arith.constant 0 : i32
    %c0_i32_1 = arith.constant 0 : i32
    return %c0_i32, %c0_i32_0 : i32, i32
  }
  func.func @transform_5(%arg0: i32) -> (i32, i32) {
    %c0_i32 = arith.constant 0 : i32
    %c0_i32_0 = arith.constant 0 : i32
    %c0_i32_1 = arith.constant 0 : i32
    return %c0_i32, %c0_i32_0 : i32, i32
  }
  func.func @transform_6(%arg0: i32) -> (i32, i32) {
    %c0_i32 = arith.constant 0 : i32
    %c0_i32_0 = arith.constant 0 : i32
    %c0_i32_1 = arith.constant 0 : i32
    return %c0_i32, %c0_i32_0 : i32, i32
  }
  func.func @transform_7(%arg0: i32) -> (i32, i32) {
    %c0_i32 = arith.constant 0 : i32
    %c0_i32_0 = arith.constant 0 : i32
    return %arg0, %c0_i32 : i32, i32
  }
}

module attributes {stable_mosaic.version = 14 : i64} {
  func.func @_mlp2_body(%arg0: i32, %arg1: memref<1x2000x128xf32, #tpu.memory_space<vmem>>, %arg2: memref<1x2000x128xf32, #tpu.memory_space<vmem>>, %arg3: memref<2000x128xf32, #tpu.memory_space<vmem>>, %arg4: memref<128x128xf32, #tpu.memory_space<vmem>>, %arg5: memref<1x128xf32, #tpu.memory_space<vmem>>, %arg6: memref<128x128xf32, #tpu.memory_space<vmem>>, %arg7: memref<1x128xf32, #tpu.memory_space<vmem>>, %arg8: memref<128x2xf32, #tpu.memory_space<vmem>>, %arg9: memref<1x2xf32, #tpu.memory_space<vmem>>, %arg10: memref<2000x2xf32, #tpu.memory_space<vmem>>) attributes {dimension_semantics = [#tpu.dimension_semantics<arbitrary>], iteration_bounds = array<i64: 5>, scalar_prefetch = 0 : i64, scratch_operands = 0 : i64, tpu.core_type = #tpu.core_type<tc>, window_params = [{transform_indices = @transform_0, window_bounds = array<i64: 1, 2000, 128>}, {transform_indices = @transform_1, window_bounds = array<i64: 1, 2000, 128>}, {transform_indices = @transform_2, window_bounds = array<i64: 2000, 128>}, {pipeline_mode = #tpu.pipeline_mode<synchronous>, transform_indices = @transform_3, window_bounds = array<i64: 128, 128>}, {pipeline_mode = #tpu.pipeline_mode<synchronous>, transform_indices = @transform_4, window_bounds = array<i64: 1, 128>}, {pipeline_mode = #tpu.pipeline_mode<synchronous>, transform_indices = @transform_5, window_bounds = array<i64: 128, 128>}, {pipeline_mode = #tpu.pipeline_mode<synchronous>, transform_indices = @transform_6, window_bounds = array<i64: 1, 128>}, {pipeline_mode = #tpu.pipeline_mode<synchronous>, transform_indices = @transform_7, window_bounds = array<i64: 128, 2>}, {pipeline_mode = #tpu.pipeline_mode<synchronous>, transform_indices = @transform_8, window_bounds = array<i64: 1, 2>}, {transform_indices = @transform_9, window_bounds = array<i64: 2000, 2>}]} {
    %get3A = arith.constant 0 : index
    %get3A_0 = arith.constant 0 : index
    %get3A_1 = arith.constant 0 : index
    %get3A_2 = vector.load %arg1[%get3A, %get3A_0, %get3A_1] : memref<1x2000x128xf32, #tpu.memory_space<vmem>>, vector<1x2000x128xf32>
    %get3A_3 = vector.shape_cast %get3A_2 : vector<1x2000x128xf32> to vector<2000x128xf32>
    %get3A_4 = arith.constant 0 : index
    %get3A_5 = arith.constant 0 : index
    %get3A_6 = arith.constant 0 : index
    %get3A_7 = vector.load %arg2[%get3A_4, %get3A_5, %get3A_6] : memref<1x2000x128xf32, #tpu.memory_space<vmem>>, vector<1x2000x128xf32>
    %get3A_8 = vector.shape_cast %get3A_7 : vector<1x2000x128xf32> to vector<2000x128xf32>
    %add3A = arith.addf %get3A_3, %get3A_8 : vector<2000x128xf32>
    %get3A_9 = arith.constant 0 : index
    %get3A_10 = arith.constant 0 : index
    %get3A_11 = vector.load %arg3[%get3A_9, %get3A_10] : memref<2000x128xf32, #tpu.memory_space<vmem>>, vector<2000x128xf32>
    %add3A_12 = arith.addf %add3A, %get3A_11 : vector<2000x128xf32>
    %get3A_13 = arith.constant 0 : index
    %get3A_14 = arith.constant 0 : index
    %get3A_15 = vector.load %arg4[%get3A_13, %get3A_14] : memref<128x128xf32, #tpu.memory_space<vmem>>, vector<128x128xf32>
    %dot_general3A = arith.constant dense<0.000000e+00> : vector<2000x128xf32>
    %dot_general3A_16 = tpu.matmul %add3A_12, %get3A_15, %dot_general3A {dimension_numbers = #tpu.dot_dimension_numbers<[1], [0], [0], [1], [0, 0, 1, 1], [], []>, transpose_lhs_hint = false} : vector<2000x128xf32>, vector<128x128xf32>, vector<2000x128xf32> -> vector<2000x128xf32>
    %get3A_17 = arith.constant 0 : index
    %get3A_18 = arith.constant 0 : index
    %get3A_19 = vector.load %arg5[%get3A_17, %get3A_18] : memref<1x128xf32, #tpu.memory_space<vmem>>, vector<1x128xf32>
    %add3A_20 = vector.broadcast %get3A_19 : vector<1x128xf32> to vector<2000x128xf32>
    %add3A_21 = arith.addf %dot_general3A_16, %add3A_20 : vector<2000x128xf32>
    %max3A = arith.constant 0.000000e+00 : f32
    %max3A_22 = vector.broadcast %max3A : f32 to vector<2000x128xf32>
    %max3A_23 = arith.maximumf %add3A_21, %max3A_22 : vector<2000x128xf32>
    %get3A_24 = arith.constant 0 : index
    %get3A_25 = arith.constant 0 : index
    %get3A_26 = vector.load %arg6[%get3A_24, %get3A_25] : memref<128x128xf32, #tpu.memory_space<vmem>>, vector<128x128xf32>
    %dot_general3A_27 = arith.constant dense<0.000000e+00> : vector<2000x128xf32>
    %dot_general3A_28 = tpu.matmul %max3A_23, %get3A_26, %dot_general3A_27 {dimension_numbers = #tpu.dot_dimension_numbers<[1], [0], [0], [1], [0, 0, 1, 1], [], []>, transpose_lhs_hint = false} : vector<2000x128xf32>, vector<128x128xf32>, vector<2000x128xf32> -> vector<2000x128xf32>
    %get3A_29 = arith.constant 0 : index
    %get3A_30 = arith.constant 0 : index
    %get3A_31 = vector.load %arg7[%get3A_29, %get3A_30] : memref<1x128xf32, #tpu.memory_space<vmem>>, vector<1x128xf32>
    %add3A_32 = vector.broadcast %get3A_31 : vector<1x128xf32> to vector<2000x128xf32>
    %add3A_33 = arith.addf %dot_general3A_28, %add3A_32 : vector<2000x128xf32>
    %get3A_34 = arith.constant 0 : index
    %get3A_35 = arith.constant 0 : index
    %get3A_36 = vector.load %arg8[%get3A_34, %get3A_35] : memref<128x2xf32, #tpu.memory_space<vmem>>, vector<128x2xf32>
    %dot_general3A_37 = arith.constant dense<0.000000e+00> : vector<2000x2xf32>
    %dot_general3A_38 = tpu.matmul %add3A_33, %get3A_36, %dot_general3A_37 {dimension_numbers = #tpu.dot_dimension_numbers<[1], [0], [0], [1], [0, 0, 1, 1], [], []>, transpose_lhs_hint = false} : vector<2000x128xf32>, vector<128x2xf32>, vector<2000x2xf32> -> vector<2000x2xf32>
    %get3A_39 = arith.constant 0 : index
    %get3A_40 = arith.constant 0 : index
    %get3A_41 = vector.load %arg9[%get3A_39, %get3A_40] : memref<1x2xf32, #tpu.memory_space<vmem>>, vector<1x2xf32>
    %add3A_42 = vector.broadcast %get3A_41 : vector<1x2xf32> to vector<2000x2xf32>
    %add3A_43 = arith.addf %dot_general3A_38, %add3A_42 : vector<2000x2xf32>
    %swap3A = arith.constant 0 : index
    %swap3A_44 = arith.constant 0 : index
    %swap3A_45 = vector.load %arg10[%swap3A, %swap3A_44] : memref<2000x2xf32, #tpu.memory_space<vmem>>, vector<2000x2xf32>
    tpu.vector_store %arg10[%swap3A, %swap3A_44], %add3A_43 {strides = array<i32>} : memref<2000x2xf32, #tpu.memory_space<vmem>>, vector<2000x2xf32>,
    return
  }
  func.func @transform_0(%arg0: i32) -> (i32, i32, i32) {
    %c0_i32 = arith.constant 0 : i32
    %c0_i32_0 = arith.constant 0 : i32
    %c0_i32_1 = arith.constant 0 : i32
    return %c0_i32, %arg0, %c0_i32_0 : i32, i32, i32
  }
  func.func @transform_1(%arg0: i32) -> (i32, i32, i32) {
    %c1_i32 = arith.constant 1 : i32
    %c0_i32 = arith.constant 0 : i32
    %c0_i32_0 = arith.constant 0 : i32
    return %c1_i32, %arg0, %c0_i32 : i32, i32, i32
  }
  func.func @transform_2(%arg0: i32) -> (i32, i32) {
    %c0_i32 = arith.constant 0 : i32
    %c0_i32_0 = arith.constant 0 : i32
    return %arg0, %c0_i32 : i32, i32
  }
  func.func @transform_3(%arg0: i32) -> (i32, i32) {
    %c0_i32 = arith.constant 0 : i32
    %c0_i32_0 = arith.constant 0 : i32
    %c0_i32_1 = arith.constant 0 : i32
    return %c0_i32, %c0_i32_0 : i32, i32
  }
  func.func @transform_4(%arg0: i32) -> (i32, i32) {
    %c0_i32 = arith.constant 0 : i32
    %c0_i32_0 = arith.constant 0 : i32
    %c0_i32_1 = arith.constant 0 : i32
    return %c0_i32, %c0_i32_0 : i32, i32
  }
  func.func @transform_5(%arg0: i32) -> (i32, i32) {
    %c0_i32 = arith.constant 0 : i32
    %c0_i32_0 = arith.constant 0 : i32
    %c0_i32_1 = arith.constant 0 : i32
    return %c0_i32, %c0_i32_0 : i32, i32
  }
  func.func @transform_6(%arg0: i32) -> (i32, i32) {
    %c0_i32 = arith.constant 0 : i32
    %c0_i32_0 = arith.constant 0 : i32
    %c0_i32_1 = arith.constant 0 : i32
    return %c0_i32, %c0_i32_0 : i32, i32
  }
  func.func @transform_7(%arg0: i32) -> (i32, i32) {
    %c0_i32 = arith.constant 0 : i32
    %c0_i32_0 = arith.constant 0 : i32
    %c0_i32_1 = arith.constant 0 : i32
    return %c0_i32, %c0_i32_0 : i32, i32
  }
  func.func @transform_8(%arg0: i32) -> (i32, i32) {
    %c0_i32 = arith.constant 0 : i32
    %c0_i32_0 = arith.constant 0 : i32
    %c0_i32_1 = arith.constant 0 : i32
    return %c0_i32, %c0_i32_0 : i32, i32
  }
  func.func @transform_9(%arg0: i32) -> (i32, i32) {
    %c0_i32 = arith.constant 0 : i32
    %c0_i32_0 = arith.constant 0 : i32
    return %arg0, %c0_i32 : i32, i32
  }
}

</mosaic_0001>

<sc_bundles>
// kernel: kernel.6.cloned.1.call-start
scs
__scs_entry_jumppad:
0x0: {  	(pc) =	sbr.rel $0x88, $3  }
0x1: {  	(tag) =	ssettag $0x0;
	lr =	simm.s32 $0x1  }
0x2: {  	[smem:$0x3F95] =	sst lr;
	_ =	strace $0xD0000000  }
0x3: {  	_ = 	snop  }
0x4: {  	_ = 	snop  }
0x5: {  	_ = 	snop  }
0x6: {  	_ = 	snop  }
0x7: {  	_ = 	snop  }
__scs_overlays_trampoline_lowered:
0x8: {  	[smem:$0x3FA4] =	sst s0  }
0x9: {  	[smem:$0x3FA5] =	sst s1  }
0xa: {  	[smem:$0x3FA6] =	sst s2  }
0xb: {  	[smem:$0x3FA7] =	sst s3  }
0xc: {  	[smem:$0x3FA8] =	sst s4  }
0xd: {  	[smem:$0x3FA9] =	sst s5  }
0xe: {  	[smem:$0x3FAA] =	sst s6  }
0xf: {  	[smem:$0x3FAB] =	sst s7  }
0x10: {  	[smem:$0x3FAC] =	sst s8  }
0x11: {  	[smem:$0x3FAD] =	sst s9;
	s0 =	simm.s32 @!p0 $0x0  }
0x12: {  	s1 =	sld [smem:$0x3F93];
	s0 =	simm.s32 @p0 $0x1  }
0x13: {  	[smem:$0x3FAE] =	sst s0;
	s0 =	simm.s32 @!p1 $0x0  }
0x14: {  	s2 =	sld [smem:$0x3F92];
	s0 =	simm.s32 @p1 $0x1  }
0x15: {  	[smem:$0x3FAF] =	sst s0;
	s0 =	simm.s32 @!p2 $0x0  }
0x16: {  	s3 =	sld [smem:$0x3FDB];
	s0 =	simm.s32 @p2 $0x1  }
0x17: {  	s4 =	simm.s32 $0x1BF5;
	[smem:$0x3FB1] =	sst s0  }
0x18: {  	s0 =	sld [smem:$0x3F94];
	_ =	swait.ge [sflag:s4], $0x0  }
0x19: {  	s7 =	sld [smem:$0x3F95]  }
0x1a: {  	s8 =	sadd.s32 $0xFFFFE003, lr  }
0x1b: {  	s9 =	sadd.s32 $0xFFFFFEF7, lr;
	s5 =	simm.s32 $0xFFFFFFFF;
	p2 =	slt.u32 s8, $0xFFFFF086  }
0x1c: {  	p1 =	slt.u32 s9, $0xF7A;
	s5 =	simm.s32 @!p2 $0x0  }
0x1d: {  	s5 =	simm.s32 @p1 $0x1;
	p0 =	seq.s32 s7, s2  }
0x1e: {  	s7 =	smul.u32 @!p0 $0xF7A, s2;
	p2 =	seq.s32 @!p0 s5, $0x0  }
0x1f: {  	s9 =	smul.u32 $0xF7A, s1;
	s8 =	simm.s32 @!p0 $0x1BF5;
	p2 =	por !p2, p0  }
0x20: {  	[sflag:s8] =	ssyncset.s32 @!p0 $0xFFFFF086;
	s6 =	sadd.s32 @!p0 s3, s7;
	s7 =	simm.s32 @!p0 $0x108  }
0x21: {  	s3 =	sadd.s32 s3, s9;
	s6 =	sadd.s32 @!p0 $0x88, s6;
	s7 =	simm.s32 @p2 $0x1082  }
0x22: {  	[simem:s7], [sflag:s8] =	dma.local @!p0 [hbm:s6], $0xF7A  }
0x23: {  	s9 =	sor.u32 $0xD0000000, s2;
	s6 =	simm.s32 $0x108;
	_ =	swait.ge @!p0 [sflag:s8], $0x0  }
0x24: {  	s3 =	sadd.s32 $0x88, s3;
	s6 =	simm.s32 @!p1 $0x1082;
	[sflag:s4] =	ssyncset.s32 $0xFFFFF086  }
0x25: {  	[simem:s6], [sflag:s4] =	dma.local [hbm:s3], $0xF7A  }
0x26: {  	[smem:$0x3F95] =	sst s1;
	(tag) =	ssettag s2;
	_ =	strace s9  }
0x27: {  	s1 =	sld [smem:$0x3FA5]  }
0x28: {  	s2 =	sld [smem:$0x3FA6]  }
0x29: {  	s4 =	sld [smem:$0x3FA8]  }
0x2a: {  	p0 =	seq.s32 s5, $0x0;
	s5 =	sld [smem:$0x3FA9]  }
0x2b: {  	s6 =	sld [smem:$0x3FAA]  }
0x2c: {  	s7 =	sld [smem:$0x3FAB]  }
0x2d: {  	s3 =	simm.s32 $0x108;
	s8 =	sld [smem:$0x3FAC]  }
0x2e: {  	s3 =	simm.s32 @!p0 $0x1082;
	s9 =	sld [smem:$0x3FAD]  }
0x2f: {  	lr =	sadd.s32 s0, s3;
	s0 =	sld [smem:$0x3FA4]  }
0x30: {  	s3 =	sld [smem:$0x3FA7]  }
0x31: {  	[smem:$0x3FB0] =	sst s10  }
0x32: {  	s10 =	sld [smem:$0x3FAE];
	_ =	sdelay $0x3  }
0x33: {  	p0 =	seq.s32 s10, $0x1;
	s10 =	sld [smem:$0x3FB0];
	_ =	sdelay $0x3  }
0x34: {  	[smem:$0x3FB0] =	sst s10  }
0x35: {  	s10 =	sld [smem:$0x3FAF];
	_ =	sdelay $0x3  }
0x36: {  	p1 =	seq.s32 s10, $0x1;
	s10 =	sld [smem:$0x3FB0];
	_ =	sdelay $0x3  }
0x37: {  	[smem:$0x3FB0] =	sst s10  }
0x38: {  	s10 =	sld [smem:$0x3FB1]  }
0x39: {  	_ = 	snop;
	(pc) =	sbr.ind lr, $3  }
0x3a: {  	_ = 	snop  }
0x3b: {  	_ = 	snop  }
0x3c: {  	p2 =	seq.s32 s10, $0x1;
	s10 =	sld [smem:$0x3FB0]  }
0x3d: {  	_ =	shalt  }
0x3e: {  	_ =	shalt  }
0x3f: {  	_ =	shalt  }
0x40: {  	_ =	shalt  }
0x41: {  	_ =	shalt  }
0x42: {  	_ =	shalt  }
0x43: {  	_ =	shalt  }
0x44: {  	_ =	shalt  }
0x45: {  	_ =	shalt  }
0x46: {  	_ =	shalt  }
0x47: {  	_ =	shalt  }
0x48: {  	_ =	shalt  }
0x49: {  	_ =	shalt  }
0x4a: {  	_ =	shalt  }
0x4b: {  	_ =	shalt  }
0x4c: {  	_ =	shalt  }
0x4d: {  	_ =	shalt  }
0x4e: {  	_ =	shalt  }
0x4f: {  	_ =	shalt  }
0x50: {  	_ =	shalt  }
0x51: {  	_ =	shalt  }
0x52: {  	_ =	shalt  }
0x53: {  	_ =	shalt  }
0x54: {  	_ =	shalt  }
0x55: {  	_ =	shalt  }
0x56: {  	_ =	shalt  }
0x57: {  	_ =	shalt  }
0x58: {  	_ =	shalt  }
0x59: {  	_ =	shalt  }
0x5a: {  	_ =	shalt  }
0x5b: {  	_ =	shalt  }
0x5c: {  	_ =	shalt  }
0x5d: {  	_ =	shalt  }
0x5e: {  	_ =	shalt  }
0x5f: {  	_ =	shalt  }
0x60: {  	_ =	shalt  }
0x61: {  	_ =	shalt  }
0x62: {  	_ =	shalt  }
0x63: {  	_ =	shalt  }
0x64: {  	_ =	shalt  }
0x65: {  	_ =	shalt  }
0x66: {  	_ =	shalt  }
0x67: {  	_ =	shalt  }
0x68: {  	_ =	shalt  }
0x69: {  	_ =	shalt  }
0x6a: {  	_ =	shalt  }
0x6b: {  	_ =	shalt  }
0x6c: {  	_ =	shalt  }
0x6d: {  	_ =	shalt  }
0x6e: {  	_ =	shalt  }
0x6f: {  	_ =	shalt  }
0x70: {  	_ =	shalt  }
0x71: {  	_ =	shalt  }
0x72: {  	_ =	shalt  }
0x73: {  	_ =	shalt  }
0x74: {  	_ =	shalt  }
0x75: {  	_ =	shalt  }
0x76: {  	_ =	shalt  }
0x77: {  	_ =	shalt  }
0x78: {  	_ =	shalt  }
0x79: {  	_ =	shalt  }
0x7a: {  	_ =	shalt  }
0x7b: {  	_ =	shalt  }
0x7c: {  	_ =	shalt  }
0x7d: {  	_ =	shalt  }
0x7e: {  	_ =	shalt  }
0x7f: {  	_ =	shalt  }
0x80: {  	_ =	shalt  }
0x81: {  	_ =	shalt  }
0x82: {  	_ =	shalt  }
0x83: {  	_ =	shalt  }
0x84: {  	_ =	shalt  }
0x85: {  	_ =	shalt  }
0x86: {  	_ =	shalt  }
0x87: {  	_ =	shalt  }
.Lfunc_end0:
.L_simem_size_0:
called_computation_lowered:
.L_overlay_start_0:
0x88: {  	s2 =	sld [smem:$0x3FD9]  }
0x89: {  	s3 =	sld [smem:$0x3FFE];
	_ =	sdelay $0x1  }
0x8a: {  	s1 =	srdreg.scid  }
0x8b: {  	s0 =	sand.u32 $0x1, s1  }
0x8c: {  	s17 =	sshll.u32 s0, $0xA;
	s2 =	sadd.s32 s3, s2  }
0x8d: {  	s2 =	sadd.s32 s2, s17  }
0x8e: {  	[smem:$0x3FBC] =	sst s2  }
0x8f: {  	_ = 	snop  }
0x90: {  	s2 =	sld [smem:$0x3FC9];
	(tm) =	ssettm $0x1  }
0x91: {  	s18 =	sld [smem:$0x3FFB];
	_ =	sdelay $0x3  }
0x92: {  	_ =	strace s18  }
0x93: {  	s3 =	sld [smem:$0x3FFC];
	_ =	sdelay $0x3  }
0x94: {  	_ =	strace s3  }
0x95: {  	s3 =	sld [smem:$0x3FFD];
	_ =	sdelay $0x3  }
0x96: {  	_ =	strace s3  }
0x97: {  	_ =	strace $0x8FFFFFFF  }
0x98: {  	s19 =	sld [smem:$0x3FDB];
	_ =	sdelay $0x1  }
0x99: {  	s4 =	simm.s32 $_scs_section_size  }
0x9a: {  	s5 =	simm.s32 $_size__tile_overlayer_lowered;
	s6 =	simm.s32 $_tile_overlayer_lowered  }
0x9b: {  	s22 =	simm.s32 $0x1BFF;
	s21 =	sshll.u32 s6, $0x1;
	s3 =	sadd.s32 s4, s19  }
0x9c: {  	s7 =	simm.s32 $0x0;
	s20 =	sshll.u32 s5, $0x1;
	s5 =	sadd.s32 s21, s3  }
0x9d: {  	[timem:s7], [sflag:s22] =	dma.local [hbm:s5], s20  }
0x9e: {  	_ =	swait.ge [sflag:s22], s20  }
0x9f: {  	s4 =	ssub.s32 $0x0, s20;
	[sflag:s22] =	ssyncset.done $0x0  }
0xa0: {  	[sflag:s22] =	ssyncadd.s32 s4;
	_ =	sdelay $0x1  }
0xa1: {  	s23 =	simm.s32 $0x1B8B  }
0xa2: {  	_ =	swait.ge [sflag:s23], $0x1  }
0xa3: {  	[sflag:s23] =	ssyncset.done $0x0  }
0xa4: {  	s25 =	simm.s32 $0x1B8E;
	s24 =	sld [smem:$0x3FFE];
	[sflag:s23] =	ssyncadd.s32 $0xFFFFFFFF  }
0xa5: {  	s26 =	simm.s32 $execute0_lowered;
	[smem:$0x3FD2] =	sst s25  }
0xa6: {  	s5 =	sshll.u32 s26, $0x1;
	_ =	strace $0x80000046;
	[dreg:$0x1] =	wrdreg $0xFFFFFFFF  }
0xa7: {  	s28 =	simm.s32 $_size_execute0_lowered;
	s3 =	sadd.s32 s3, s5;
	[dreg:$0x0] =	wrdreg $0x0  }
0xa8: {  	s5 =	sshll.u32 s28, $0x1;
	[dreg:$0x2] =	wrdreg s3  }
0xa9: {  	[dreg:$0x3] =	wrdreg s5  }
0xaa: {  	[dreg:$0x4] =	wrdreg $0xC0  }
0xab: {  	_ =	task [dreg:s7], $0x5FFFF  }
0xac: {  	[dreg:$0x1] =	wrdreg $0xFFFFFFFF  }
0xad: {  	[dreg:$0x0] =	wrdreg $0x60  }
0xae: {  	[dreg:$0x2] =	wrdreg s2  }
0xaf: {  	[dreg:$0x3] =	wrdreg s24  }
0xb0: {  	[dreg:$0x4] =	wrdreg $0xA8000  }
0xb1: {  	[dreg:$0x5] =	wrdreg $0x9  }
0xb2: {  	_ =	task.clear_ibuf [dreg:s7], $0x6FFFF;
	_ =	strace $0x90000046  }
0xb3: {  	s29 =	simm.s32 $0x9;
	_ =	strace $0x80000048  }
0xb4: {  	_ =	swait.ge [sflag:s29], $0x1  }
0xb5: {  	[sflag:s29] =	ssyncadd.s32 $0xFFFFFFFF  }
0xb6: {  	_ =	strace $0x90000048  }
0xb7: {  	_ =	sfence  }
0xb8: {  	s30 =	sld [smem:$0x0];
	_ =	sdelay $0x2  }
0xb9: {  	s31 =	sshll.u32 s1, $0xD;
	s1 =	sshrl.u32 s1, $0x2  }
0xba: {  	s3 =	sand.u32 $0x4000, s31;
	s1 =	sadd.s32 s1, s30  }
0xbb: {  	s0 =	sor.u32 s3, s0;
	s1 =	sshll.u32 s1, $0x11  }
0xbc: {  	s0 =	sor.u32 s1, s0  }
0xbd: {  	s0 =	sadd.s32 $0x8F2B, s0  }
0xbe: {  	[sflag:s0] =	ssyncadd.remote.s32 $0x1  }
0xbf: {  	_ =	sfence.sel $0xFFFF  }
0xc0: {  	[dreg:$0x0] =	wrdreg $0xFFFFFFFF;
	(pc) =	sbr.abs _section_cstart, $3  }
0xc1: {  	[dreg:$0x1] =	wrdreg $0xFFFFFFFF  }
0xc2: {  	_ =	task.clear_ibuf [dreg:s7], $0x2FFFF;
	_ =	strace $0x9FFFFFFF  }
0xc3: {  	(tm) =	ssettm $0x7FFFFFFF  }
tec
execute0_lowered:
.L_overlay_start_1:
0x0: {  	(tag) =	ssettag $0x1  }
0x1: {  	s1 =	rddreg [dreg:$0x0]  }
0x2: {  	s0 =	rddreg [dreg:$0x1]  }
0x3: {  	s2 =	rddreg [dreg:$0x2];
	s3 =	simm.s32 $0x0  }
0x4: {  	s4 =	srdreg.scid;
	s15 =	stileid.u32;
	s28 =	simm.s32 $0x2800  }
0x5: {  	s29 =	simm.s32 $0xD;
	s31 =	simm.s32 $0x20;
	[smem:$0x7FF] =	sst s3  }
0x6: {  	s6 =	sadd.s32 $0x2400, s0;
	s4 =	sand.u32 $0x1, s4;
	s8 =	sadd.s32 $0x15E00, s0  }
0x7: {  	s7 =	smul.u32 $0x4E000, s15;
	s0 =	sadd.s32 $0x29800, s0;
	s30 =	sadd.s32 $0x138000, s2  }
0x8: {  	s14 =	smul.u32 $0x13800, s15;
	p0 =	sne.s32 s15, $0x0;
	_ =	strace $0x80000047  }
0x9: {  	s5 =	sshll.u32 s4, $0x4;
	s9 =	ssub.s32 $0x2, s4;
	s4 =	smul.u32 $0x138800, s4  }
0xa: {  	[dreg:$0x6] =	wrdreg s30;
	s10 =	sor.u32 s15, s5;
	s17 =	sshrl.u32 s9, $0x1  }
0xb: {  	s7 =	sshrl.u32 s7, $0x2;
	s15 =	simm.s32 $0x6800;
	s11 =	smul.u32 $0xA00, s10  }
0xc: {  	s9 =	ssub.s32 s9, s17;
	s7 =	sadd.s32 s7, s2;
	s12 =	smul.u32 $0x5000, s10  }
0xd: {  	s26 =	sadd.s32 s14, s4;
	s4 =	sshrl.u32 s4, $0x3;
	p1 =	seq.s32 s10, $0x1F  }
0xe: {  	s10 =	simm.s32 $0x3;
	s18 =	sadd.s32 $0x12000, s7;
	[dreg:$0x4] =	wrdreg s7  }
0xf: {  	s14 =	sshrl.u32 s26, $0x3;
	s26 =	sadd.s32 $0x10000, s7;
	[dreg:$0x5] =	wrdreg s18  }
0x10: {  	s19 =	sadd.s32 s6, s11;
	s20 =	sadd.s32 s8, s11;
	[dreg:$0x19] =	wrdreg s26  }
0x11: {  	s21 =	sshrl.u32 s12, $0x3;
	s17 =	sadd.s32 s0, s14;
	[dreg:$0x7] =	wrdreg s19  }
0x12: {  	s0 =	sadd.s32 s0, s4;
	s18 =	smax.u32 s9, $0x1;
	[dreg:$0x8] =	wrdreg s20  }
0x13: {  	s9 =	simm.s32 $0x5;
	s14 =	simm.s32 $0xA;
	[dreg:$0xf] =	wrdreg s17  }
0x14: {  	s26 =	simm.s32 $0xB;
	s0 =	sadd.s32 $0x27000, s0;
	[dreg:$0x11] =	wrdreg s18  }
0x15: {  	s12 =	sadd.s32 $0x280, s21;
	s19 =	sadd.s32 $0x2000, s7;
	[dreg:$0x10] =	wrdreg s0  }
0x16: {  	s13 =	sadd.s32 $0x500, s21;
	s20 =	sadd.s32 $0x4000, s7;
	[dreg:$0x12] =	wrdreg s19  }
0x17: {  	s11 =	sadd.s32 $0x780, s21;
	s21 =	sadd.s32 $0x6000, s7;
	[dreg:$0x13] =	wrdreg s20  }
0x18: {  	s4 =	simm.s32 $0xC;
	s22 =	sadd.s32 s6, s12;
	[dreg:$0x14] =	wrdreg s21  }
0x19: {  	s18 =	simm.s32 $0x8800;
	s23 =	sadd.s32 s8, s12;
	[dreg:$0x9] =	wrdreg s22  }
0x1a: {  	s24 =	sadd.s32 s6, s13;
	s25 =	sadd.s32 s8, s13;
	[dreg:$0xa] =	wrdreg s23  }
0x1b: {  	s13 =	sadd.s32 s6, s11;
	s16 =	sadd.s32 s8, s11;
	[dreg:$0xb] =	wrdreg s24  }
0x1c: {  	s11 =	simm.s32 $0x4800;
	s6 =	simm.s32 $0x7800;
	[dreg:$0xc] =	wrdreg s25  }
0x1d: {  	s8 =	simm.s32 $0x1;
	s20 =	simm.s32 $0x9800;
	[dreg:$0xd] =	wrdreg s13  }
0x1e: {  	s21 =	simm.s32 $0x2;
	[dreg:$0xe] =	wrdreg s16;
	s22 =	sadd.s32 $0x8000, s7  }
.Ltmp0:
0x1f: {  	s23 =	sadd.s32 $0xA000, s7;
	[dreg:$0x15] =	wrdreg s22;
	(pc) =	sbr.rel .LBB2_1-.Ltmp0, $4  }
0x20: {  	s12 =	simm.s32 $0x7;
	s24 =	sadd.s32 $0xC000, s7;
	[dreg:$0x16] =	wrdreg s23  }
0x21: {  	s25 =	sadd.s32 $0xE000, s7;
	s13 =	simm.s32 $0x5800;
	[dreg:$0x17] =	wrdreg s24  }
0x22: {  	s16 =	simm.s32 $0x40;
	[dreg:$0x18] =	wrdreg s25;
	s22 =	simm.s32 $0x6  }
0x23: {  	v0 =	vimm.f32 $0.0e+00;
	s23 =	simm.s32 $0x9;
	s24 =	simm.s32 $0x4;
	s25 =	simm.s32 $0x8  }
.LBB2_16:
0x24: {  	_ =	swait.ge [sflag:s4], $0x2000  }
0x25: {  	[sflag:s4] =	ssyncset.done $0x0  }
0x26: {  	[sflag:s4] =	ssyncadd.s32 $0xFFFFE000  }
.LBB2_17:
0x27: {  	s0 =	stileid.u32;
	[bflag:$0x0] =	sbarrier.arrive $0xFFFF  }
0x28: {  	s0 =	sshll.u32 s0, $0x6;
	s7 =	rddreg [dreg:$0x4]  }
0x29: {  	s17 =	rddreg [dreg:$0xf];
	s0 =	sor.u32 $0x1C0D, s0;
	s5 =	sshrl.u32 s7, $0x3  }
0x2a: {  	[hbm:s17], [sflag:s0] =	dma.local [spmem:s5], $0x2700  }
0x2b: {  	_ =	swait.ge [sflag:s29], $0x2700  }
0x2c: {  	[sflag:s29] =	ssyncset.done $0x0;
	s30 =	rddreg [dreg:$0x6]  }
0x2d: {  	s17 =	rddreg [dreg:$0x10];
	[sflag:s29] =	ssyncadd.s32 $0xFFFFD900;
	s5 =	sshrl.u32 @!p0 s30, $0x3  }
0x2e: {  	[hbm:s17], [sflag:s0] =	dma.local @!p0 [spmem:s5], $0x100  }
0x2f: {  	s0 =	simm.s32 @!p0 $0xD  }
0x30: {  	_ =	swait.ge @!p0 [sflag:s0], $0x100  }
0x31: {  	s3 =	sadd.s32 $0x1, s3;
	s19 =	rddreg [dreg:$0x11]  }
0x32: {  	p2 =	sne.s32 s3, s19  }
.Ltmp1:
0x33: {  	_ = 	snop;
	(pc) =	sbr.rel @!p2 .LBB2_18-.Ltmp1, $3  }
0x34: {  	_ =	sdelay $0x1  }
0x35: {  	[sflag:s0] =	ssyncset.done @!p0 $0x0  }
0x36: {  	[sflag:s0] =	ssyncadd.s32 @!p0 $0xFFFFFF00  }
.LBB2_1:
0x37: {  	s17 =	simm.s32 $0x0;
	s19 =	simm.s32 $0x200  }
.LBB2_2:
0x38: {  	p2 =	sne.s32 s19, $0x7E00;
	[tilespmem:s17+$0x2870] =	vst v0  }
0x39: {  	[tilespmem:s17+$0x2800] =	vst v0  }
0x3a: {  	[tilespmem:s17+$0x2810] =	vst v0  }
.Ltmp2:
0x3b: {  	[tilespmem:s17+$0x2820] =	vst v0;
	(pc) =	sbr.rel @p2 .LBB2_2-.Ltmp2, $4  }
0x3c: {  	[tilespmem:s17+$0x2830] =	vst v0  }
0x3d: {  	[tilespmem:s17+$0x2840] =	vst v0  }
0x3e: {  	[tilespmem:s17+$0x2850] =	vst v0  }
0x3f: {  	[tilespmem:s17+$0x2860] =	vst v0;
	s17 =	sshra.s32 s19, $0x2;
	s19 =	sadd.s32 $0x200, s19  }
0x40: {  	[tilespmem:s17+$0x2870] =	vst v0  }
0x41: {  	[tilespmem:s17+$0x2800] =	vst v0  }
0x42: {  	[tilespmem:s17+$0x2810] =	vst v0  }
0x43: {  	[tilespmem:s17+$0x2820] =	vst v0  }
0x44: {  	[tilespmem:s17+$0x2830] =	vst v0  }
0x45: {  	[tilespmem:s17+$0x2840] =	vst v0  }
0x46: {  	[tilespmem:s17+$0x2850] =	vst v0  }
0x47: {  	[tilespmem:s17+$0x2860] =	vst v0  }
0x48: {  	[spmem:s7] =	stream.linear.scatter [tilespmem:s28], [sflag:$0xD], $0x2000, $0x38;
	[tilespmem:$0x1E080] =	vst v63  }
0x49: {  	_ =	swait.ge [sflag:s29], $0x2000  }
0x4a: {  	[sflag:s29] =	ssyncset.done $0x0  }
0x4b: {  	s0 =	rddreg [dreg:$0x12];
	[sflag:s29] =	ssyncadd.s32 $0xFFFFE000  }
0x4c: {  	[spmem:s0] =	stream.linear.scatter [tilespmem:s28], [sflag:$0xD], $0x2000, $0x38;
	[tilespmem:$0x1E080] =	vst v63  }
0x4d: {  	_ =	swait.ge [sflag:s29], $0x2000  }
0x4e: {  	[sflag:s29] =	ssyncset.done $0x0  }
0x4f: {  	s7 =	rddreg [dreg:$0x13];
	[sflag:s29] =	ssyncadd.s32 $0xFFFFE000  }
0x50: {  	[spmem:s7] =	stream.linear.scatter [tilespmem:s28], [sflag:$0xD], $0x2000, $0x38;
	[tilespmem:$0x1E080] =	vst v63  }
0x51: {  	_ =	swait.ge [sflag:s29], $0x2000  }
0x52: {  	[sflag:s29] =	ssyncset.done $0x0  }
0x53: {  	s17 =	rddreg [dreg:$0x14];
	[sflag:s29] =	ssyncadd.s32 $0xFFFFE000  }
0x54: {  	[spmem:s17] =	stream.linear.scatter [tilespmem:s28], [sflag:$0xD], $0x2000, $0x38;
	[tilespmem:$0x1E080] =	vst v63  }
0x55: {  	_ =	swait.ge [sflag:s29], $0x2000  }
0x56: {  	[sflag:s29] =	ssyncset.done $0x0  }
0x57: {  	s19 =	rddreg [dreg:$0x15];
	[sflag:s29] =	ssyncadd.s32 $0xFFFFE000  }
0x58: {  	[spmem:s19] =	stream.linear.scatter [tilespmem:s28], [sflag:$0xD], $0x2000, $0x38;
	[tilespmem:$0x1E080] =	vst v63  }
0x59: {  	_ =	swait.ge [sflag:s29], $0x2000  }
0x5a: {  	[sflag:s29] =	ssyncset.done $0x0  }
0x5b: {  	s5 =	rddreg [dreg:$0x16];
	[sflag:s29] =	ssyncadd.s32 $0xFFFFE000  }
0x5c: {  	[spmem:s5] =	stream.linear.scatter [tilespmem:s28], [sflag:$0xD], $0x2000, $0x38;
	[tilespmem:$0x1E080] =	vst v63  }
0x5d: {  	_ =	swait.ge [sflag:s29], $0x2000  }
0x5e: {  	[sflag:s29] =	ssyncset.done $0x0  }
0x5f: {  	s7 =	rddreg [dreg:$0x17];
	[sflag:s29] =	ssyncadd.s32 $0xFFFFE000  }
0x60: {  	[spmem:s7] =	stream.linear.scatter [tilespmem:s28], [sflag:$0xD], $0x2000, $0x38;
	[tilespmem:$0x1E080] =	vst v63  }
0x61: {  	_ =	swait.ge [sflag:s29], $0x2000  }
0x62: {  	[sflag:s29] =	ssyncset.done $0x0  }
0x63: {  	s17 =	rddreg [dreg:$0x18];
	[sflag:s29] =	ssyncadd.s32 $0xFFFFE000  }
0x64: {  	[spmem:s17] =	stream.linear.scatter [tilespmem:s28], [sflag:$0xD], $0x2000, $0x38;
	[tilespmem:$0x1E080] =	vst v63  }
0x65: {  	_ =	swait.ge [sflag:s29], $0x2000  }
0x66: {  	[sflag:s29] =	ssyncset.done $0x0  }
0x67: {  	s19 =	rddreg [dreg:$0x19];
	[sflag:s29] =	ssyncadd.s32 $0xFFFFE000  }
0x68: {  	[spmem:s19] =	stream.linear.scatter [tilespmem:s28], [sflag:$0xD], $0x2000, $0x38;
	[tilespmem:$0x1E080] =	vst v63  }
0x69: {  	_ =	swait.ge [sflag:s29], $0x2000  }
0x6a: {  	[sflag:s29] =	ssyncset.done $0x0  }
0x6b: {  	s5 =	rddreg [dreg:$0x5];
	[sflag:s29] =	ssyncadd.s32 $0xFFFFE000  }
0x6c: {  	[spmem:s5] =	stream.linear.scatter [tilespmem:s28], [sflag:$0xD], $0x1800, $0x38;
	[tilespmem:$0x1E080] =	vst v63  }
0x6d: {  	_ =	swait.ge [sflag:s29], $0x1800  }
0x6e: {  	[sflag:s29] =	ssyncset.done $0x0  }
0x6f: {  	s17 =	simm.s32 @!p0 $0x2800;
	[sflag:s29] =	ssyncadd.s32 $0xFFFFE800  }
0x70: {  	[spmem:s30] =	stream.linear.scatter @!p0 [tilespmem:s17], [sflag:$0xD], $0x800, $0x38;
	[tilespmem:$0x1E080] =	vst v63  }
0x71: {  	s17 =	simm.s32 @!p0 $0xD  }
0x72: {  	_ =	swait.ge @!p0 [sflag:s17], $0x800  }
0x73: {  	[sflag:s17] =	ssyncset.done @!p0 $0x0  }
0x74: {  	[sflag:s17] =	ssyncadd.s32 @!p0 $0xFFFFF800  }
0x75: {  	[bflag:$0x0] =	sbarrier.arrive $0xFFFF  }
0x76: {  	s17 =	simm.s32 $0x0;
	s7 =	rddreg [dreg:$0x7]  }
0x77: {  	[tilespmem:s17], [sflag:$0xD] =	stream.linear.gather [hbm4b:s7+s17], $0x1400, $0x38;
	[tilespmem:$0x1E080] =	vst v63  }
0x78: {  	_ =	swait.ge [sflag:s29], $0x1400  }
0x79: {  	[sflag:s29] =	ssyncset.done $0x0  }
0x7a: {  	s5 =	simm.s32 $0x1400;
	s19 =	rddreg [dreg:$0x8];
	[sflag:s29] =	ssyncadd.s32 $0xFFFFEC00  }
0x7b: {  	[tilespmem:s5], [sflag:$0xD] =	stream.linear.gather [hbm4b:s19+s17], $0x1400, $0x38;
	[tilespmem:$0x1E080] =	vst v63  }
0x7c: {  	_ =	swait.ge [sflag:s29], $0x1400  }
0x7d: {  	[sflag:s29] =	ssyncset.done $0x0  }
0x7e: {  	[sflag:s29] =	ssyncadd.s32 $0xFFFFEC00  }
0x7f: {  	[tilespmem:s28], [sflag:$0x1] =	stream.indirect.gather [hbm4b:s1+s31], $0x80, s17, s31, $0xb8;
	[tilespmem:$0x1E080] =	vst v63  }
0x80: {  	s0 =	simm.s32 $0x3800  }
0x81: {  	[tilespmem:s0], [sflag:$0x5] =	stream.indirect.gather [hbm4b:s1+s31], $0x80, s31, s31, $0xb8;
	[tilespmem:$0x1E080] =	vst v63  }
0x82: {  	s30 =	simm.s32 $0x80  }
0x83: {  	[tilespmem:s11], [sflag:$0x2] =	stream.indirect.gather [hbm4b:s1+s31], $0x80, s30, s31, $0xb8;
	[tilespmem:$0x1E080] =	vst v63  }
0x84: {  	s19 =	simm.s32 $0xA0  }
0x85: {  	[tilespmem:s13], [sflag:$0x6] =	stream.indirect.gather [hbm4b:s1+s31], $0x80, s19, s31, $0xb8;
	[tilespmem:$0x1E080] =	vst v63  }
0x86: {  	s30 =	simm.s32 $0x100  }
0x87: {  	[tilespmem:s15], [sflag:$0x3] =	stream.indirect.gather [hbm4b:s1+s31], $0x80, s30, s31, $0xb8;
	[tilespmem:$0x1E080] =	vst v63  }
0x88: {  	s19 =	simm.s32 $0x120  }
0x89: {  	[tilespmem:s6], [sflag:$0x7] =	stream.indirect.gather [hbm4b:s1+s31], $0x80, s19, s31, $0xb8;
	[tilespmem:$0x1E080] =	vst v63  }
0x8a: {  	_ =	swait.ge [sflag:s8], $0x1000  }
0x8b: {  	[sflag:s8] =	ssyncset.done $0x0  }
0x8c: {  	[sflag:s8] =	ssyncadd.s32 $0xFFFFF000  }
0x8d: {  	_ =	swait.ge [sflag:s9], $0x1000  }
0x8e: {  	[sflag:s9] =	ssyncset.done $0x0  }
0x8f: {  	[sflag:s9] =	ssyncadd.s32 $0xFFFFF000  }
0x90: {  	[spmem:s2] =	stream.indirect.scatter.add.f32 [tilespmem:s28], [sflag:$0x9], $0x80, s5, s16, $0xb8;
	[tilespmem:$0x1E080] =	vst v63  }
0x91: {  	s30 =	simm.s32 $0x180  }
0x92: {  	[tilespmem:s18], [sflag:$0x4] =	stream.indirect.gather [hbm4b:s1+s31], $0x80, s30, s31, $0xb8;
	[tilespmem:$0x1E080] =	vst v63  }
0x93: {  	s7 =	simm.s32 $0x1A0  }
0x94: {  	[tilespmem:s20], [sflag:$0x8] =	stream.indirect.gather [hbm4b:s1+s31], $0x80, s7, s31, $0xb8;
	[tilespmem:$0x1E080] =	vst v63  }
0x95: {  	_ =	swait.ge [sflag:s21], $0x1000  }
0x96: {  	[sflag:s21] =	ssyncset.done $0x0  }
0x97: {  	[sflag:s21] =	ssyncadd.s32 $0xFFFFF000  }
0x98: {  	_ =	swait.ge [sflag:s22], $0x1000  }
0x99: {  	[sflag:s22] =	ssyncset.done $0x0  }
0x9a: {  	[sflag:s22] =	ssyncadd.s32 $0xFFFFF000  }
0x9b: {  	_ =	swait.ge [sflag:s23], $0x2000  }
0x9c: {  	[sflag:s23] =	ssyncset.done $0x0  }
0x9d: {  	s19 =	simm.s32 $0x1480;
	[sflag:s23] =	ssyncadd.s32 $0xFFFFE000  }
0x9e: {  	[spmem:s2] =	stream.indirect.scatter.add.f32 [tilespmem:s11], [sflag:$0xA], $0x80, s19, s16, $0xb8;
	[tilespmem:$0x1E080] =	vst v63  }
0x9f: {  	s30 =	simm.s32 $0x200  }
0xa0: {  	[tilespmem:s28], [sflag:$0x1] =	stream.indirect.gather [hbm4b:s1+s31], $0x80, s30, s31, $0xb8;
	[tilespmem:$0x1E080] =	vst v63  }
0xa1: {  	s7 =	simm.s32 $0x220  }
0xa2: {  	[tilespmem:s0], [sflag:$0x5] =	stream.indirect.gather [hbm4b:s1+s31], $0x80, s7, s31, $0xb8;
	[tilespmem:$0x1E080] =	vst v63  }
0xa3: {  	_ =	swait.ge [sflag:s10], $0x1000  }
0xa4: {  	[sflag:s10] =	ssyncset.done $0x0  }
0xa5: {  	[sflag:s10] =	ssyncadd.s32 $0xFFFFF000  }
0xa6: {  	_ =	swait.ge [sflag:s12], $0x1000  }
0xa7: {  	[sflag:s12] =	ssyncset.done $0x0  }
0xa8: {  	[sflag:s12] =	ssyncadd.s32 $0xFFFFF000  }
0xa9: {  	_ =	swait.ge [sflag:s14], $0x2000  }
0xaa: {  	[sflag:s14] =	ssyncset.done $0x0  }
0xab: {  	s19 =	simm.s32 $0x1500;
	[sflag:s14] =	ssyncadd.s32 $0xFFFFE000  }
0xac: {  	[spmem:s2] =	stream.indirect.scatter.add.f32 [tilespmem:s15], [sflag:$0xB], $0x80, s19, s16, $0xb8;
	[tilespmem:$0x1E080] =	vst v63  }
0xad: {  	s30 =	simm.s32 $0x280  }
0xae: {  	[tilespmem:s11], [sflag:$0x2] =	stream.indirect.gather [hbm4b:s1+s31], $0x80, s30, s31, $0xb8;
	[tilespmem:$0x1E080] =	vst v63  }
0xaf: {  	s5 =	simm.s32 $0x2A0  }
0xb0: {  	[tilespmem:s13], [sflag:$0x6] =	stream.indirect.gather [hbm4b:s1+s31], $0x80, s5, s31, $0xb8;
	[tilespmem:$0x1E080] =	vst v63  }
0xb1: {  	_ =	swait.ge [sflag:s24], $0x1000  }
0xb2: {  	[sflag:s24] =	ssyncset.done $0x0  }
0xb3: {  	[sflag:s24] =	ssyncadd.s32 $0xFFFFF000  }
0xb4: {  	_ =	swait.ge [sflag:s25], $0x1000  }
0xb5: {  	[sflag:s25] =	ssyncset.done $0x0  }
0xb6: {  	[sflag:s25] =	ssyncadd.s32 $0xFFFFF000  }
0xb7: {  	_ =	swait.ge [sflag:s26], $0x2000  }
0xb8: {  	[sflag:s26] =	ssyncset.done $0x0  }
0xb9: {  	s7 =	simm.s32 $0x1580;
	[sflag:s26] =	ssyncadd.s32 $0xFFFFE000  }
0xba: {  	[spmem:s2] =	stream.indirect.scatter.add.f32 [tilespmem:s18], [sflag:$0xC], $0x80, s7, s16, $0xb8;
	[tilespmem:$0x1E080] =	vst v63  }
0xbb: {  	s19 =	simm.s32 $0x300  }
0xbc: {  	[tilespmem:s15], [sflag:$0x3] =	stream.indirect.gather [hbm4b:s1+s31], $0x80, s19, s31, $0xb8;
	[tilespmem:$0x1E080] =	vst v63  }
0xbd: {  	s30 =	simm.s32 $0x320  }
0xbe: {  	[tilespmem:s6], [sflag:$0x7] =	stream.indirect.gather [hbm4b:s1+s31], $0x80, s30, s31, $0xb8;
	[tilespmem:$0x1E080] =	vst v63  }
.LBB2_4:
0xbf: {  	_ =	swait.ge [sflag:s8], $0x1000  }
0xc0: {  	[sflag:s8] =	ssyncset.done $0x0  }
0xc1: {  	[sflag:s8] =	ssyncadd.s32 $0xFFFFF000  }
0xc2: {  	_ =	swait.ge [sflag:s9], $0x1000  }
0xc3: {  	[sflag:s9] =	ssyncset.done $0x0  }
0xc4: {  	[sflag:s9] =	ssyncadd.s32 $0xFFFFF000  }
0xc5: {  	_ =	swait.ge [sflag:s4], $0x2000  }
0xc6: {  	s19 =	sshra.s32 s17, $0x2;
	[sflag:s4] =	ssyncset.done $0x0  }
0xc7: {  	s7 =	sadd.s32 $0x1600, s19;
	[sflag:s4] =	ssyncadd.s32 $0xFFFFE000  }
0xc8: {  	[spmem:s2] =	stream.indirect.scatter.add.f32 [tilespmem:s28], [sflag:$0x9], $0x80, s7, s16, $0xb8;
	[tilespmem:$0x1E080] =	vst v63  }
0xc9: {  	s5 =	sadd.s32 $0x380, s19  }
0xca: {  	[tilespmem:s18], [sflag:$0x4] =	stream.indirect.gather [hbm4b:s1+s31], $0x80, s5, s31, $0xb8;
	[tilespmem:$0x1E080] =	vst v63  }
0xcb: {  	s30 =	sadd.s32 $0x3A0, s19  }
0xcc: {  	[tilespmem:s20], [sflag:$0x8] =	stream.indirect.gather [hbm4b:s1+s31], $0x80, s30, s31, $0xb8;
	[tilespmem:$0x1E080] =	vst v63  }
0xcd: {  	_ =	swait.ge [sflag:s21], $0x1000  }
0xce: {  	[sflag:s21] =	ssyncset.done $0x0  }
0xcf: {  	[sflag:s21] =	ssyncadd.s32 $0xFFFFF000  }
0xd0: {  	_ =	swait.ge [sflag:s22], $0x1000  }
0xd1: {  	[sflag:s22] =	ssyncset.done $0x0  }
0xd2: {  	[sflag:s22] =	ssyncadd.s32 $0xFFFFF000  }
0xd3: {  	_ =	swait.ge [sflag:s23], $0x2000  }
0xd4: {  	p2 =	seq.s32 s17, $0x4000;
	[sflag:s23] =	ssyncset.done $0x0  }
0xd5: {  	s0 =	sadd.s32 $0x1680, s19;
	s7 =	sshra.s32 @!p2 s17, $0x2;
	[sflag:s23] =	ssyncadd.s32 $0xFFFFE000  }
0xd6: {  	[spmem:s2] =	stream.indirect.scatter.add.f32 [tilespmem:s11], [sflag:$0xA], $0x80, s0, s16, $0xb8;
	[tilespmem:$0x1E080] =	vst v63  }
0xd7: {  	s5 =	sadd.s32 @!p2 $0x400, s7;
	s30 =	simm.s32 @!p2 $0x20;
	s0 =	simm.s32 @!p2 $0x2800  }
0xd8: {  	[tilespmem:s0], [sflag:$0x1] =	stream.indirect.gather @!p2 [hbm4b:s1+s30], $0x80, s5, s30, $0xb8;
	[tilespmem:$0x1E080] =	vst v63  }
0xd9: {  	s0 =	sadd.s32 @!p2 $0x420, s7;
	s5 =	simm.s32 @!p2 $0x3800  }
0xda: {  	[tilespmem:s5], [sflag:$0x5] =	stream.indirect.gather @!p2 [hbm4b:s1+s30], $0x80, s0, s30, $0xb8;
	[tilespmem:$0x1E080] =	vst v63  }
0xdb: {  	_ =	swait.ge [sflag:s10], $0x1000  }
0xdc: {  	[sflag:s10] =	ssyncset.done $0x0  }
0xdd: {  	[sflag:s10] =	ssyncadd.s32 $0xFFFFF000  }
0xde: {  	_ =	swait.ge [sflag:s12], $0x1000  }
0xdf: {  	[sflag:s12] =	ssyncset.done $0x0  }
0xe0: {  	[sflag:s12] =	ssyncadd.s32 $0xFFFFF000  }
0xe1: {  	_ =	swait.ge [sflag:s14], $0x2000  }
0xe2: {  	[sflag:s14] =	ssyncset.done $0x0  }
0xe3: {  	s5 =	sadd.s32 $0x1700, s19;
	[sflag:s14] =	ssyncadd.s32 $0xFFFFE000  }
0xe4: {  	[spmem:s2] =	stream.indirect.scatter.add.f32 [tilespmem:s15], [sflag:$0xB], $0x80, s5, s16, $0xb8;
	[tilespmem:$0x1E080] =	vst v63  }
0xe5: {  	s0 =	sadd.s32 @!p2 $0x480, s7;
	s5 =	simm.s32 @!p2 $0x4800  }
0xe6: {  	[tilespmem:s5], [sflag:$0x2] =	stream.indirect.gather @!p2 [hbm4b:s1+s30], $0x80, s0, s30, $0xb8;
	[tilespmem:$0x1E080] =	vst v63  }
0xe7: {  	s0 =	sadd.s32 @!p2 $0x4A0, s7;
	s5 =	simm.s32 @!p2 $0x5800  }
0xe8: {  	[tilespmem:s5], [sflag:$0x6] =	stream.indirect.gather @!p2 [hbm4b:s1+s30], $0x80, s0, s30, $0xb8;
	[tilespmem:$0x1E080] =	vst v63  }
0xe9: {  	_ =	swait.ge [sflag:s24], $0x1000  }
0xea: {  	[sflag:s24] =	ssyncset.done $0x0  }
0xeb: {  	[sflag:s24] =	ssyncadd.s32 $0xFFFFF000  }
0xec: {  	_ =	swait.ge [sflag:s25], $0x1000  }
0xed: {  	[sflag:s25] =	ssyncset.done $0x0  }
.Ltmp3:
0xee: {  	[sflag:s25] =	ssyncadd.s32 $0xFFFFF000;
	(pc) =	sbr.rel @p2 .LBB2_6-.Ltmp3, $4  }
0xef: {  	_ =	swait.ge [sflag:s26], $0x2000  }
0xf0: {  	[sflag:s26] =	ssyncset.done $0x0  }
0xf1: {  	s30 =	sadd.s32 $0x1780, s19;
	[sflag:s26] =	ssyncadd.s32 $0xFFFFE000  }
0xf2: {  	[spmem:s2] =	stream.indirect.scatter.add.f32 [tilespmem:s18], [sflag:$0xC], $0x80, s30, s16, $0xb8;
	[tilespmem:$0x1E080] =	vst v63  }
.Ltmp4:
0xf3: {  	(pc) =	sbr.rel .LBB2_4-.Ltmp4, $4  }
0xf4: {  	s0 =	sadd.s32 $0x500, s19  }
0xf5: {  	[tilespmem:s15], [sflag:$0x3] =	stream.indirect.gather [hbm4b:s1+s31], $0x80, s0, s31, $0xb8;
	[tilespmem:$0x1E080] =	vst v63  }
0xf6: {  	s30 =	sadd.s32 $0x520, s19;
	s17 =	sadd.s32 $0x800, s17  }
0xf7: {  	[tilespmem:s6], [sflag:$0x7] =	stream.indirect.gather [hbm4b:s1+s31], $0x80, s30, s31, $0xb8;
	[tilespmem:$0x1E080] =	vst v63  }
.LBB2_6:
.Ltmp5:
0xf8: {  	(pc) =	sbr.rel @p1 .LBB2_17-.Ltmp5, $4  }
0xf9: {  	_ = 	snop  }
0xfa: {  	_ =	swait.ge [sflag:s4], $0x2000  }
0xfb: {  	[sflag:s4] =	ssyncset.done $0x0  }
0xfc: {  	[sflag:s4] =	ssyncadd.s32 $0xFFFFE000  }
0xfd: {  	s17 =	simm.s32 $0x0;
	s0 =	rddreg [dreg:$0x9]  }
0xfe: {  	[tilespmem:s17], [sflag:$0xD] =	stream.linear.gather [hbm4b:s0+s17], $0x1400, $0x38;
	[tilespmem:$0x1E080] =	vst v63  }
0xff: {  	_ =	swait.ge [sflag:s29], $0x1400  }
0x100: {  	[sflag:s29] =	ssyncset.done $0x0  }
0x101: {  	s5 =	simm.s32 $0x1400;
	s7 =	rddreg [dreg:$0xa];
	[sflag:s29] =	ssyncadd.s32 $0xFFFFEC00  }
0x102: {  	[tilespmem:s5], [sflag:$0xD] =	stream.linear.gather [hbm4b:s7+s17], $0x1400, $0x38;
	[tilespmem:$0x1E080] =	vst v63  }
0x103: {  	_ =	swait.ge [sflag:s29], $0x1400  }
0x104: {  	[sflag:s29] =	ssyncset.done $0x0  }
0x105: {  	[sflag:s29] =	ssyncadd.s32 $0xFFFFEC00  }
0x106: {  	[tilespmem:s28], [sflag:$0x1] =	stream.indirect.gather [hbm4b:s1+s31], $0x80, s17, s31, $0xb8;
	[tilespmem:$0x1E080] =	vst v63  }
0x107: {  	s0 =	simm.s32 $0x3800  }
0x108: {  	[tilespmem:s0], [sflag:$0x5] =	stream.indirect.gather [hbm4b:s1+s31], $0x80, s31, s31, $0xb8;
	[tilespmem:$0x1E080] =	vst v63  }
0x109: {  	s7 =	simm.s32 $0x80  }
0x10a: {  	[tilespmem:s11], [sflag:$0x2] =	stream.indirect.gather [hbm4b:s1+s31], $0x80, s7, s31, $0xb8;
	[tilespmem:$0x1E080] =	vst v63  }
0x10b: {  	s19 =	simm.s32 $0xA0  }
0x10c: {  	[tilespmem:s13], [sflag:$0x6] =	stream.indirect.gather [hbm4b:s1+s31], $0x80, s19, s31, $0xb8;
	[tilespmem:$0x1E080] =	vst v63  }
0x10d: {  	s30 =	simm.s32 $0x100  }
0x10e: {  	[tilespmem:s15], [sflag:$0x3] =	stream.indirect.gather [hbm4b:s1+s31], $0x80, s30, s31, $0xb8;
	[tilespmem:$0x1E080] =	vst v63  }
0x10f: {  	s19 =	simm.s32 $0x120  }
0x110: {  	[tilespmem:s6], [sflag:$0x7] =	stream.indirect.gather [hbm4b:s1+s31], $0x80, s19, s31, $0xb8;
	[tilespmem:$0x1E080] =	vst v63  }
0x111: {  	_ =	swait.ge [sflag:s8], $0x1000  }
0x112: {  	[sflag:s8] =	ssyncset.done $0x0  }
0x113: {  	[sflag:s8] =	ssyncadd.s32 $0xFFFFF000  }
0x114: {  	_ =	swait.ge [sflag:s9], $0x1000  }
0x115: {  	[sflag:s9] =	ssyncset.done $0x0  }
0x116: {  	[sflag:s9] =	ssyncadd.s32 $0xFFFFF000  }
0x117: {  	[spmem:s2] =	stream.indirect.scatter.add.f32 [tilespmem:s28], [sflag:$0x9], $0x80, s5, s16, $0xb8;
	[tilespmem:$0x1E080] =	vst v63  }
0x118: {  	s30 =	simm.s32 $0x180  }
0x119: {  	[tilespmem:s18], [sflag:$0x4] =	stream.indirect.gather [hbm4b:s1+s31], $0x80, s30, s31, $0xb8;
	[tilespmem:$0x1E080] =	vst v63  }
0x11a: {  	s7 =	simm.s32 $0x1A0  }
0x11b: {  	[tilespmem:s20], [sflag:$0x8] =	stream.indirect.gather [hbm4b:s1+s31], $0x80, s7, s31, $0xb8;
	[tilespmem:$0x1E080] =	vst v63  }
0x11c: {  	_ =	swait.ge [sflag:s21], $0x1000  }
0x11d: {  	[sflag:s21] =	ssyncset.done $0x0  }
0x11e: {  	[sflag:s21] =	ssyncadd.s32 $0xFFFFF000  }
0x11f: {  	_ =	swait.ge [sflag:s22], $0x1000  }
0x120: {  	[sflag:s22] =	ssyncset.done $0x0  }
0x121: {  	[sflag:s22] =	ssyncadd.s32 $0xFFFFF000  }
0x122: {  	_ =	swait.ge [sflag:s23], $0x2000  }
0x123: {  	[sflag:s23] =	ssyncset.done $0x0  }
0x124: {  	s19 =	simm.s32 $0x1480;
	[sflag:s23] =	ssyncadd.s32 $0xFFFFE000  }
0x125: {  	[spmem:s2] =	stream.indirect.scatter.add.f32 [tilespmem:s11], [sflag:$0xA], $0x80, s19, s16, $0xb8;
	[tilespmem:$0x1E080] =	vst v63  }
0x126: {  	s30 =	simm.s32 $0x200  }
0x127: {  	[tilespmem:s28], [sflag:$0x1] =	stream.indirect.gather [hbm4b:s1+s31], $0x80, s30, s31, $0xb8;
	[tilespmem:$0x1E080] =	vst v63  }
0x128: {  	s7 =	simm.s32 $0x220  }
0x129: {  	[tilespmem:s0], [sflag:$0x5] =	stream.indirect.gather [hbm4b:s1+s31], $0x80, s7, s31, $0xb8;
	[tilespmem:$0x1E080] =	vst v63  }
0x12a: {  	_ =	swait.ge [sflag:s10], $0x1000  }
0x12b: {  	[sflag:s10] =	ssyncset.done $0x0  }
0x12c: {  	[sflag:s10] =	ssyncadd.s32 $0xFFFFF000  }
0x12d: {  	_ =	swait.ge [sflag:s12], $0x1000  }
0x12e: {  	[sflag:s12] =	ssyncset.done $0x0  }
0x12f: {  	[sflag:s12] =	ssyncadd.s32 $0xFFFFF000  }
0x130: {  	_ =	swait.ge [sflag:s14], $0x2000  }
0x131: {  	[sflag:s14] =	ssyncset.done $0x0  }
0x132: {  	s19 =	simm.s32 $0x1500;
	[sflag:s14] =	ssyncadd.s32 $0xFFFFE000  }
0x133: {  	[spmem:s2] =	stream.indirect.scatter.add.f32 [tilespmem:s15], [sflag:$0xB], $0x80, s19, s16, $0xb8;
	[tilespmem:$0x1E080] =	vst v63  }
0x134: {  	s30 =	simm.s32 $0x280  }
0x135: {  	[tilespmem:s11], [sflag:$0x2] =	stream.indirect.gather [hbm4b:s1+s31], $0x80, s30, s31, $0xb8;
	[tilespmem:$0x1E080] =	vst v63  }
0x136: {  	s5 =	simm.s32 $0x2A0  }
0x137: {  	[tilespmem:s13], [sflag:$0x6] =	stream.indirect.gather [hbm4b:s1+s31], $0x80, s5, s31, $0xb8;
	[tilespmem:$0x1E080] =	vst v63  }
0x138: {  	_ =	swait.ge [sflag:s24], $0x1000  }
0x139: {  	[sflag:s24] =	ssyncset.done $0x0  }
0x13a: {  	[sflag:s24] =	ssyncadd.s32 $0xFFFFF000  }
0x13b: {  	_ =	swait.ge [sflag:s25], $0x1000  }
0x13c: {  	[sflag:s25] =	ssyncset.done $0x0  }
0x13d: {  	[sflag:s25] =	ssyncadd.s32 $0xFFFFF000  }
0x13e: {  	_ =	swait.ge [sflag:s26], $0x2000  }
0x13f: {  	[sflag:s26] =	ssyncset.done $0x0  }
0x140: {  	s7 =	simm.s32 $0x1580;
	[sflag:s26] =	ssyncadd.s32 $0xFFFFE000  }
0x141: {  	[spmem:s2] =	stream.indirect.scatter.add.f32 [tilespmem:s18], [sflag:$0xC], $0x80, s7, s16, $0xb8;
	[tilespmem:$0x1E080] =	vst v63  }
0x142: {  	s19 =	simm.s32 $0x300  }
0x143: {  	[tilespmem:s15], [sflag:$0x3] =	stream.indirect.gather [hbm4b:s1+s31], $0x80, s19, s31, $0xb8;
	[tilespmem:$0x1E080] =	vst v63  }
0x144: {  	s30 =	simm.s32 $0x320  }
0x145: {  	[tilespmem:s6], [sflag:$0x7] =	stream.indirect.gather [hbm4b:s1+s31], $0x80, s30, s31, $0xb8;
	[tilespmem:$0x1E080] =	vst v63  }
.LBB2_8:
0x146: {  	_ =	swait.ge [sflag:s8], $0x1000  }
0x147: {  	[sflag:s8] =	ssyncset.done $0x0  }
0x148: {  	[sflag:s8] =	ssyncadd.s32 $0xFFFFF000  }
0x149: {  	_ =	swait.ge [sflag:s9], $0x1000  }
0x14a: {  	[sflag:s9] =	ssyncset.done $0x0  }
0x14b: {  	[sflag:s9] =	ssyncadd.s32 $0xFFFFF000  }
0x14c: {  	_ =	swait.ge [sflag:s4], $0x2000  }
0x14d: {  	s19 =	sshra.s32 s17, $0x2;
	[sflag:s4] =	ssyncset.done $0x0  }
0x14e: {  	s0 =	sadd.s32 $0x1600, s19;
	[sflag:s4] =	ssyncadd.s32 $0xFFFFE000  }
0x14f: {  	[spmem:s2] =	stream.indirect.scatter.add.f32 [tilespmem:s28], [sflag:$0x9], $0x80, s0, s16, $0xb8;
	[tilespmem:$0x1E080] =	vst v63  }
0x150: {  	s30 =	sadd.s32 $0x380, s19  }
0x151: {  	[tilespmem:s18], [sflag:$0x4] =	stream.indirect.gather [hbm4b:s1+s31], $0x80, s30, s31, $0xb8;
	[tilespmem:$0x1E080] =	vst v63  }
0x152: {  	s5 =	sadd.s32 $0x3A0, s19  }
0x153: {  	[tilespmem:s20], [sflag:$0x8] =	stream.indirect.gather [hbm4b:s1+s31], $0x80, s5, s31, $0xb8;
	[tilespmem:$0x1E080] =	vst v63  }
0x154: {  	_ =	swait.ge [sflag:s21], $0x1000  }
0x155: {  	[sflag:s21] =	ssyncset.done $0x0  }
0x156: {  	[sflag:s21] =	ssyncadd.s32 $0xFFFFF000  }
0x157: {  	_ =	swait.ge [sflag:s22], $0x1000  }
0x158: {  	[sflag:s22] =	ssyncset.done $0x0  }
0x159: {  	[sflag:s22] =	ssyncadd.s32 $0xFFFFF000  }
0x15a: {  	_ =	swait.ge [sflag:s23], $0x2000  }
0x15b: {  	p2 =	seq.s32 s17, $0x4000;
	[sflag:s23] =	ssyncset.done $0x0  }
0x15c: {  	s7 =	sadd.s32 $0x1680, s19;
	s0 =	sshra.s32 @!p2 s17, $0x2;
	[sflag:s23] =	ssyncadd.s32 $0xFFFFE000  }
0x15d: {  	[spmem:s2] =	stream.indirect.scatter.add.f32 [tilespmem:s11], [sflag:$0xA], $0x80, s7, s16, $0xb8;
	[tilespmem:$0x1E080] =	vst v63  }
0x15e: {  	s30 =	simm.s32 @!p2 $0x2800;
	s5 =	sadd.s32 @!p2 $0x400, s0;
	s7 =	simm.s32 @!p2 $0x20  }
0x15f: {  	[tilespmem:s30], [sflag:$0x1] =	stream.indirect.gather @!p2 [hbm4b:s1+s7], $0x80, s5, s7, $0xb8;
	[tilespmem:$0x1E080] =	vst v63  }
0x160: {  	s5 =	sadd.s32 @!p2 $0x420, s0;
	s30 =	simm.s32 @!p2 $0x3800  }
0x161: {  	[tilespmem:s30], [sflag:$0x5] =	stream.indirect.gather @!p2 [hbm4b:s1+s7], $0x80, s5, s7, $0xb8;
	[tilespmem:$0x1E080] =	vst v63  }
0x162: {  	_ =	swait.ge [sflag:s10], $0x1000  }
0x163: {  	[sflag:s10] =	ssyncset.done $0x0  }
0x164: {  	[sflag:s10] =	ssyncadd.s32 $0xFFFFF000  }
0x165: {  	_ =	swait.ge [sflag:s12], $0x1000  }
0x166: {  	[sflag:s12] =	ssyncset.done $0x0  }
0x167: {  	[sflag:s12] =	ssyncadd.s32 $0xFFFFF000  }
0x168: {  	_ =	swait.ge [sflag:s14], $0x2000  }
0x169: {  	[sflag:s14] =	ssyncset.done $0x0  }
0x16a: {  	s30 =	sadd.s32 $0x1700, s19;
	[sflag:s14] =	ssyncadd.s32 $0xFFFFE000  }
0x16b: {  	[spmem:s2] =	stream.indirect.scatter.add.f32 [tilespmem:s15], [sflag:$0xB], $0x80, s30, s16, $0xb8;
	[tilespmem:$0x1E080] =	vst v63  }
0x16c: {  	s5 =	sadd.s32 @!p2 $0x480, s0;
	s30 =	simm.s32 @!p2 $0x4800  }
0x16d: {  	[tilespmem:s30], [sflag:$0x2] =	stream.indirect.gather @!p2 [hbm4b:s1+s7], $0x80, s5, s7, $0xb8;
	[tilespmem:$0x1E080] =	vst v63  }
0x16e: {  	s0 =	sadd.s32 @!p2 $0x4A0, s0;
	s5 =	simm.s32 @!p2 $0x5800  }
0x16f: {  	[tilespmem:s5], [sflag:$0x6] =	stream.indirect.gather @!p2 [hbm4b:s1+s7], $0x80, s0, s7, $0xb8;
	[tilespmem:$0x1E080] =	vst v63  }
0x170: {  	_ =	swait.ge [sflag:s24], $0x1000  }
0x171: {  	[sflag:s24] =	ssyncset.done $0x0  }
0x172: {  	[sflag:s24] =	ssyncadd.s32 $0xFFFFF000  }
0x173: {  	_ =	swait.ge [sflag:s25], $0x1000  }
0x174: {  	[sflag:s25] =	ssyncset.done $0x0  }
.Ltmp6:
0x175: {  	[sflag:s25] =	ssyncadd.s32 $0xFFFFF000;
	(pc) =	sbr.rel @p2 .LBB2_10-.Ltmp6, $4  }
0x176: {  	_ =	swait.ge [sflag:s26], $0x2000  }
0x177: {  	[sflag:s26] =	ssyncset.done $0x0  }
0x178: {  	s30 =	sadd.s32 $0x1780, s19;
	[sflag:s26] =	ssyncadd.s32 $0xFFFFE000  }
0x179: {  	[spmem:s2] =	stream.indirect.scatter.add.f32 [tilespmem:s18], [sflag:$0xC], $0x80, s30, s16, $0xb8;
	[tilespmem:$0x1E080] =	vst v63  }
.Ltmp7:
0x17a: {  	(pc) =	sbr.rel .LBB2_8-.Ltmp7, $4  }
0x17b: {  	s0 =	sadd.s32 $0x500, s19  }
0x17c: {  	[tilespmem:s15], [sflag:$0x3] =	stream.indirect.gather [hbm4b:s1+s31], $0x80, s0, s31, $0xb8;
	[tilespmem:$0x1E080] =	vst v63  }
0x17d: {  	s30 =	sadd.s32 $0x520, s19;
	s17 =	sadd.s32 $0x800, s17  }
0x17e: {  	[tilespmem:s6], [sflag:$0x7] =	stream.indirect.gather [hbm4b:s1+s31], $0x80, s30, s31, $0xb8;
	[tilespmem:$0x1E080] =	vst v63  }
.LBB2_10:
0x17f: {  	_ =	swait.ge [sflag:s4], $0x2000  }
0x180: {  	[sflag:s4] =	ssyncset.done $0x0  }
0x181: {  	s17 =	simm.s32 $0x0;
	s0 =	rddreg [dreg:$0xb];
	[sflag:s4] =	ssyncadd.s32 $0xFFFFE000  }
0x182: {  	[tilespmem:s17], [sflag:$0xD] =	stream.linear.gather [hbm4b:s0+s17], $0x1400, $0x38;
	[tilespmem:$0x1E080] =	vst v63  }
0x183: {  	_ =	swait.ge [sflag:s29], $0x1400  }
0x184: {  	[sflag:s29] =	ssyncset.done $0x0  }
0x185: {  	s5 =	simm.s32 $0x1400;
	s7 =	rddreg [dreg:$0xc];
	[sflag:s29] =	ssyncadd.s32 $0xFFFFEC00  }
0x186: {  	[tilespmem:s5], [sflag:$0xD] =	stream.linear.gather [hbm4b:s7+s17], $0x1400, $0x38;
	[tilespmem:$0x1E080] =	vst v63  }
0x187: {  	_ =	swait.ge [sflag:s29], $0x1400  }
0x188: {  	[sflag:s29] =	ssyncset.done $0x0  }
0x189: {  	[sflag:s29] =	ssyncadd.s32 $0xFFFFEC00  }
0x18a: {  	[tilespmem:s28], [sflag:$0x1] =	stream.indirect.gather [hbm4b:s1+s31], $0x80, s17, s31, $0xb8;
	[tilespmem:$0x1E080] =	vst v63  }
0x18b: {  	s0 =	simm.s32 $0x3800  }
0x18c: {  	[tilespmem:s0], [sflag:$0x5] =	stream.indirect.gather [hbm4b:s1+s31], $0x80, s31, s31, $0xb8;
	[tilespmem:$0x1E080] =	vst v63  }
0x18d: {  	s7 =	simm.s32 $0x80  }
0x18e: {  	[tilespmem:s11], [sflag:$0x2] =	stream.indirect.gather [hbm4b:s1+s31], $0x80, s7, s31, $0xb8;
	[tilespmem:$0x1E080] =	vst v63  }
0x18f: {  	s19 =	simm.s32 $0xA0  }
0x190: {  	[tilespmem:s13], [sflag:$0x6] =	stream.indirect.gather [hbm4b:s1+s31], $0x80, s19, s31, $0xb8;
	[tilespmem:$0x1E080] =	vst v63  }
0x191: {  	s30 =	simm.s32 $0x100  }
0x192: {  	[tilespmem:s15], [sflag:$0x3] =	stream.indirect.gather [hbm4b:s1+s31], $0x80, s30, s31, $0xb8;
	[tilespmem:$0x1E080] =	vst v63  }
0x193: {  	s19 =	simm.s32 $0x120  }
0x194: {  	[tilespmem:s6], [sflag:$0x7] =	stream.indirect.gather [hbm4b:s1+s31], $0x80, s19, s31, $0xb8;
	[tilespmem:$0x1E080] =	vst v63  }
0x195: {  	_ =	swait.ge [sflag:s8], $0x1000  }
0x196: {  	[sflag:s8] =	ssyncset.done $0x0  }
0x197: {  	[sflag:s8] =	ssyncadd.s32 $0xFFFFF000  }
0x198: {  	_ =	swait.ge [sflag:s9], $0x1000  }
0x199: {  	[sflag:s9] =	ssyncset.done $0x0  }
0x19a: {  	[sflag:s9] =	ssyncadd.s32 $0xFFFFF000  }
0x19b: {  	[spmem:s2] =	stream.indirect.scatter.add.f32 [tilespmem:s28], [sflag:$0x9], $0x80, s5, s16, $0xb8;
	[tilespmem:$0x1E080] =	vst v63  }
0x19c: {  	s30 =	simm.s32 $0x180  }
0x19d: {  	[tilespmem:s18], [sflag:$0x4] =	stream.indirect.gather [hbm4b:s1+s31], $0x80, s30, s31, $0xb8;
	[tilespmem:$0x1E080] =	vst v63  }
0x19e: {  	s7 =	simm.s32 $0x1A0  }
0x19f: {  	[tilespmem:s20], [sflag:$0x8] =	stream.indirect.gather [hbm4b:s1+s31], $0x80, s7, s31, $0xb8;
	[tilespmem:$0x1E080] =	vst v63  }
0x1a0: {  	_ =	swait.ge [sflag:s21], $0x1000  }
0x1a1: {  	[sflag:s21] =	ssyncset.done $0x0  }
0x1a2: {  	[sflag:s21] =	ssyncadd.s32 $0xFFFFF000  }
0x1a3: {  	_ =	swait.ge [sflag:s22], $0x1000  }
0x1a4: {  	[sflag:s22] =	ssyncset.done $0x0  }
0x1a5: {  	[sflag:s22] =	ssyncadd.s32 $0xFFFFF000  }
0x1a6: {  	_ =	swait.ge [sflag:s23], $0x2000  }
0x1a7: {  	[sflag:s23] =	ssyncset.done $0x0  }
0x1a8: {  	s19 =	simm.s32 $0x1480;
	[sflag:s23] =	ssyncadd.s32 $0xFFFFE000  }
0x1a9: {  	[spmem:s2] =	stream.indirect.scatter.add.f32 [tilespmem:s11], [sflag:$0xA], $0x80, s19, s16, $0xb8;
	[tilespmem:$0x1E080] =	vst v63  }
0x1aa: {  	s30 =	simm.s32 $0x200  }
0x1ab: {  	[tilespmem:s28], [sflag:$0x1] =	stream.indirect.gather [hbm4b:s1+s31], $0x80, s30, s31, $0xb8;
	[tilespmem:$0x1E080] =	vst v63  }
0x1ac: {  	s7 =	simm.s32 $0x220  }
0x1ad: {  	[tilespmem:s0], [sflag:$0x5] =	stream.indirect.gather [hbm4b:s1+s31], $0x80, s7, s31, $0xb8;
	[tilespmem:$0x1E080] =	vst v63  }
0x1ae: {  	_ =	swait.ge [sflag:s10], $0x1000  }
0x1af: {  	[sflag:s10] =	ssyncset.done $0x0  }
0x1b0: {  	[sflag:s10] =	ssyncadd.s32 $0xFFFFF000  }
0x1b1: {  	_ =	swait.ge [sflag:s12], $0x1000  }
0x1b2: {  	[sflag:s12] =	ssyncset.done $0x0  }
0x1b3: {  	[sflag:s12] =	ssyncadd.s32 $0xFFFFF000  }
0x1b4: {  	_ =	swait.ge [sflag:s14], $0x2000  }
0x1b5: {  	[sflag:s14] =	ssyncset.done $0x0  }
0x1b6: {  	s19 =	simm.s32 $0x1500;
	[sflag:s14] =	ssyncadd.s32 $0xFFFFE000  }
0x1b7: {  	[spmem:s2] =	stream.indirect.scatter.add.f32 [tilespmem:s15], [sflag:$0xB], $0x80, s19, s16, $0xb8;
	[tilespmem:$0x1E080] =	vst v63  }
0x1b8: {  	s30 =	simm.s32 $0x280  }
0x1b9: {  	[tilespmem:s11], [sflag:$0x2] =	stream.indirect.gather [hbm4b:s1+s31], $0x80, s30, s31, $0xb8;
	[tilespmem:$0x1E080] =	vst v63  }
0x1ba: {  	s5 =	simm.s32 $0x2A0  }
0x1bb: {  	[tilespmem:s13], [sflag:$0x6] =	stream.indirect.gather [hbm4b:s1+s31], $0x80, s5, s31, $0xb8;
	[tilespmem:$0x1E080] =	vst v63  }
0x1bc: {  	_ =	swait.ge [sflag:s24], $0x1000  }
0x1bd: {  	[sflag:s24] =	ssyncset.done $0x0  }
0x1be: {  	[sflag:s24] =	ssyncadd.s32 $0xFFFFF000  }
0x1bf: {  	_ =	swait.ge [sflag:s25], $0x1000  }
0x1c0: {  	[sflag:s25] =	ssyncset.done $0x0  }
0x1c1: {  	[sflag:s25] =	ssyncadd.s32 $0xFFFFF000  }
0x1c2: {  	_ =	swait.ge [sflag:s26], $0x2000  }
0x1c3: {  	[sflag:s26] =	ssyncset.done $0x0  }
0x1c4: {  	s7 =	simm.s32 $0x1580;
	[sflag:s26] =	ssyncadd.s32 $0xFFFFE000  }
0x1c5: {  	[spmem:s2] =	stream.indirect.scatter.add.f32 [tilespmem:s18], [sflag:$0xC], $0x80, s7, s16, $0xb8;
	[tilespmem:$0x1E080] =	vst v63  }
0x1c6: {  	s19 =	simm.s32 $0x300  }
0x1c7: {  	[tilespmem:s15], [sflag:$0x3] =	stream.indirect.gather [hbm4b:s1+s31], $0x80, s19, s31, $0xb8;
	[tilespmem:$0x1E080] =	vst v63  }
0x1c8: {  	s30 =	simm.s32 $0x320  }
0x1c9: {  	[tilespmem:s6], [sflag:$0x7] =	stream.indirect.gather [hbm4b:s1+s31], $0x80, s30, s31, $0xb8;
	[tilespmem:$0x1E080] =	vst v63  }
.LBB2_11:
0x1ca: {  	_ =	swait.ge [sflag:s8], $0x1000  }
0x1cb: {  	[sflag:s8] =	ssyncset.done $0x0  }
0x1cc: {  	[sflag:s8] =	ssyncadd.s32 $0xFFFFF000  }
0x1cd: {  	_ =	swait.ge [sflag:s9], $0x1000  }
0x1ce: {  	[sflag:s9] =	ssyncset.done $0x0  }
0x1cf: {  	[sflag:s9] =	ssyncadd.s32 $0xFFFFF000  }
0x1d0: {  	_ =	swait.ge [sflag:s4], $0x2000  }
0x1d1: {  	s19 =	sshra.s32 s17, $0x2;
	[sflag:s4] =	ssyncset.done $0x0  }
0x1d2: {  	s0 =	sadd.s32 $0x1600, s19;
	[sflag:s4] =	ssyncadd.s32 $0xFFFFE000  }
0x1d3: {  	[spmem:s2] =	stream.indirect.scatter.add.f32 [tilespmem:s28], [sflag:$0x9], $0x80, s0, s16, $0xb8;
	[tilespmem:$0x1E080] =	vst v63  }
0x1d4: {  	s30 =	sadd.s32 $0x380, s19  }
0x1d5: {  	[tilespmem:s18], [sflag:$0x4] =	stream.indirect.gather [hbm4b:s1+s31], $0x80, s30, s31, $0xb8;
	[tilespmem:$0x1E080] =	vst v63  }
0x1d6: {  	s5 =	sadd.s32 $0x3A0, s19  }
0x1d7: {  	[tilespmem:s20], [sflag:$0x8] =	stream.indirect.gather [hbm4b:s1+s31], $0x80, s5, s31, $0xb8;
	[tilespmem:$0x1E080] =	vst v63  }
0x1d8: {  	_ =	swait.ge [sflag:s21], $0x1000  }
0x1d9: {  	[sflag:s21] =	ssyncset.done $0x0  }
0x1da: {  	[sflag:s21] =	ssyncadd.s32 $0xFFFFF000  }
0x1db: {  	_ =	swait.ge [sflag:s22], $0x1000  }
0x1dc: {  	[sflag:s22] =	ssyncset.done $0x0  }
0x1dd: {  	[sflag:s22] =	ssyncadd.s32 $0xFFFFF000  }
0x1de: {  	_ =	swait.ge [sflag:s23], $0x2000  }
0x1df: {  	p2 =	seq.s32 s17, $0x4000;
	[sflag:s23] =	ssyncset.done $0x0  }
0x1e0: {  	s7 =	sadd.s32 $0x1680, s19;
	s0 =	sshra.s32 @!p2 s17, $0x2;
	[sflag:s23] =	ssyncadd.s32 $0xFFFFE000  }
0x1e1: {  	[spmem:s2] =	stream.indirect.scatter.add.f32 [tilespmem:s11], [sflag:$0xA], $0x80, s7, s16, $0xb8;
	[tilespmem:$0x1E080] =	vst v63  }
0x1e2: {  	s30 =	simm.s32 @!p2 $0x2800;
	s5 =	sadd.s32 @!p2 $0x400, s0;
	s7 =	simm.s32 @!p2 $0x20  }
0x1e3: {  	[tilespmem:s30], [sflag:$0x1] =	stream.indirect.gather @!p2 [hbm4b:s1+s7], $0x80, s5, s7, $0xb8;
	[tilespmem:$0x1E080] =	vst v63  }
0x1e4: {  	s5 =	sadd.s32 @!p2 $0x420, s0;
	s30 =	simm.s32 @!p2 $0x3800  }
0x1e5: {  	[tilespmem:s30], [sflag:$0x5] =	stream.indirect.gather @!p2 [hbm4b:s1+s7], $0x80, s5, s7, $0xb8;
	[tilespmem:$0x1E080] =	vst v63  }
0x1e6: {  	_ =	swait.ge [sflag:s10], $0x1000  }
0x1e7: {  	[sflag:s10] =	ssyncset.done $0x0  }
0x1e8: {  	[sflag:s10] =	ssyncadd.s32 $0xFFFFF000  }
0x1e9: {  	_ =	swait.ge [sflag:s12], $0x1000  }
0x1ea: {  	[sflag:s12] =	ssyncset.done $0x0  }
0x1eb: {  	[sflag:s12] =	ssyncadd.s32 $0xFFFFF000  }
0x1ec: {  	_ =	swait.ge [sflag:s14], $0x2000  }
0x1ed: {  	[sflag:s14] =	ssyncset.done $0x0  }
0x1ee: {  	s30 =	sadd.s32 $0x1700, s19;
	[sflag:s14] =	ssyncadd.s32 $0xFFFFE000  }
0x1ef: {  	[spmem:s2] =	stream.indirect.scatter.add.f32 [tilespmem:s15], [sflag:$0xB], $0x80, s30, s16, $0xb8;
	[tilespmem:$0x1E080] =	vst v63  }
0x1f0: {  	s5 =	sadd.s32 @!p2 $0x480, s0;
	s30 =	simm.s32 @!p2 $0x4800  }
0x1f1: {  	[tilespmem:s30], [sflag:$0x2] =	stream.indirect.gather @!p2 [hbm4b:s1+s7], $0x80, s5, s7, $0xb8;
	[tilespmem:$0x1E080] =	vst v63  }
0x1f2: {  	s0 =	sadd.s32 @!p2 $0x4A0, s0;
	s5 =	simm.s32 @!p2 $0x5800  }
0x1f3: {  	[tilespmem:s5], [sflag:$0x6] =	stream.indirect.gather @!p2 [hbm4b:s1+s7], $0x80, s0, s7, $0xb8;
	[tilespmem:$0x1E080] =	vst v63  }
0x1f4: {  	_ =	swait.ge [sflag:s24], $0x1000  }
0x1f5: {  	[sflag:s24] =	ssyncset.done $0x0  }
0x1f6: {  	[sflag:s24] =	ssyncadd.s32 $0xFFFFF000  }
0x1f7: {  	_ =	swait.ge [sflag:s25], $0x1000  }
0x1f8: {  	[sflag:s25] =	ssyncset.done $0x0  }
.Ltmp8:
0x1f9: {  	[sflag:s25] =	ssyncadd.s32 $0xFFFFF000;
	(pc) =	sbr.rel @p2 .LBB2_13-.Ltmp8, $4  }
0x1fa: {  	_ =	swait.ge [sflag:s26], $0x2000  }
0x1fb: {  	[sflag:s26] =	ssyncset.done $0x0  }
0x1fc: {  	s30 =	sadd.s32 $0x1780, s19;
	[sflag:s26] =	ssyncadd.s32 $0xFFFFE000  }
0x1fd: {  	[spmem:s2] =	stream.indirect.scatter.add.f32 [tilespmem:s18], [sflag:$0xC], $0x80, s30, s16, $0xb8;
	[tilespmem:$0x1E080] =	vst v63  }
.Ltmp9:
0x1fe: {  	(pc) =	sbr.rel .LBB2_11-.Ltmp9, $4  }
0x1ff: {  	s0 =	sadd.s32 $0x500, s19  }
0x200: {  	[tilespmem:s15], [sflag:$0x3] =	stream.indirect.gather [hbm4b:s1+s31], $0x80, s0, s31, $0xb8;
	[tilespmem:$0x1E080] =	vst v63  }
0x201: {  	s30 =	sadd.s32 $0x520, s19;
	s17 =	sadd.s32 $0x800, s17  }
0x202: {  	[tilespmem:s6], [sflag:$0x7] =	stream.indirect.gather [hbm4b:s1+s31], $0x80, s30, s31, $0xb8;
	[tilespmem:$0x1E080] =	vst v63  }
.LBB2_13:
0x203: {  	_ =	swait.ge [sflag:s4], $0x2000  }
0x204: {  	[sflag:s4] =	ssyncset.done $0x0  }
0x205: {  	s17 =	simm.s32 $0x0;
	s0 =	rddreg [dreg:$0xd];
	[sflag:s4] =	ssyncadd.s32 $0xFFFFE000  }
0x206: {  	[tilespmem:s17], [sflag:$0xD] =	stream.linear.gather [hbm4b:s0+s17], $0x1400, $0x38;
	[tilespmem:$0x1E080] =	vst v63  }
0x207: {  	_ =	swait.ge [sflag:s29], $0x1400  }
0x208: {  	[sflag:s29] =	ssyncset.done $0x0  }
0x209: {  	s5 =	simm.s32 $0x1400;
	s7 =	rddreg [dreg:$0xe];
	[sflag:s29] =	ssyncadd.s32 $0xFFFFEC00  }
0x20a: {  	[tilespmem:s5], [sflag:$0xD] =	stream.linear.gather [hbm4b:s7+s17], $0x1400, $0x38;
	[tilespmem:$0x1E080] =	vst v63  }
0x20b: {  	_ =	swait.ge [sflag:s29], $0x1400  }
0x20c: {  	[sflag:s29] =	ssyncset.done $0x0  }
0x20d: {  	[sflag:s29] =	ssyncadd.s32 $0xFFFFEC00  }
0x20e: {  	[tilespmem:s28], [sflag:$0x1] =	stream.indirect.gather [hbm4b:s1+s31], $0x80, s17, s31, $0xb8;
	[tilespmem:$0x1E080] =	vst v63  }
0x20f: {  	s0 =	simm.s32 $0x3800  }
0x210: {  	[tilespmem:s0], [sflag:$0x5] =	stream.indirect.gather [hbm4b:s1+s31], $0x80, s31, s31, $0xb8;
	[tilespmem:$0x1E080] =	vst v63  }
0x211: {  	s7 =	simm.s32 $0x80  }
0x212: {  	[tilespmem:s11], [sflag:$0x2] =	stream.indirect.gather [hbm4b:s1+s31], $0x80, s7, s31, $0xb8;
	[tilespmem:$0x1E080] =	vst v63  }
0x213: {  	s19 =	simm.s32 $0xA0  }
0x214: {  	[tilespmem:s13], [sflag:$0x6] =	stream.indirect.gather [hbm4b:s1+s31], $0x80, s19, s31, $0xb8;
	[tilespmem:$0x1E080] =	vst v63  }
0x215: {  	s30 =	simm.s32 $0x100  }
0x216: {  	[tilespmem:s15], [sflag:$0x3] =	stream.indirect.gather [hbm4b:s1+s31], $0x80, s30, s31, $0xb8;
	[tilespmem:$0x1E080] =	vst v63  }
0x217: {  	s19 =	simm.s32 $0x120  }
0x218: {  	[tilespmem:s6], [sflag:$0x7] =	stream.indirect.gather [hbm4b:s1+s31], $0x80, s19, s31, $0xb8;
	[tilespmem:$0x1E080] =	vst v63  }
0x219: {  	_ =	swait.ge [sflag:s8], $0x1000  }
0x21a: {  	[sflag:s8] =	ssyncset.done $0x0  }
0x21b: {  	[sflag:s8] =	ssyncadd.s32 $0xFFFFF000  }
0x21c: {  	_ =	swait.ge [sflag:s9], $0x1000  }
0x21d: {  	[sflag:s9] =	ssyncset.done $0x0  }
0x21e: {  	[sflag:s9] =	ssyncadd.s32 $0xFFFFF000  }
0x21f: {  	[spmem:s2] =	stream.indirect.scatter.add.f32 [tilespmem:s28], [sflag:$0x9], $0x80, s5, s16, $0xb8;
	[tilespmem:$0x1E080] =	vst v63  }
0x220: {  	s30 =	simm.s32 $0x180  }
0x221: {  	[tilespmem:s18], [sflag:$0x4] =	stream.indirect.gather [hbm4b:s1+s31], $0x80, s30, s31, $0xb8;
	[tilespmem:$0x1E080] =	vst v63  }
0x222: {  	s7 =	simm.s32 $0x1A0  }
0x223: {  	[tilespmem:s20], [sflag:$0x8] =	stream.indirect.gather [hbm4b:s1+s31], $0x80, s7, s31, $0xb8;
	[tilespmem:$0x1E080] =	vst v63  }
0x224: {  	_ =	swait.ge [sflag:s21], $0x1000  }
0x225: {  	[sflag:s21] =	ssyncset.done $0x0  }
0x226: {  	[sflag:s21] =	ssyncadd.s32 $0xFFFFF000  }
0x227: {  	_ =	swait.ge [sflag:s22], $0x1000  }
0x228: {  	[sflag:s22] =	ssyncset.done $0x0  }
0x229: {  	[sflag:s22] =	ssyncadd.s32 $0xFFFFF000  }
0x22a: {  	_ =	swait.ge [sflag:s23], $0x2000  }
0x22b: {  	[sflag:s23] =	ssyncset.done $0x0  }
0x22c: {  	s19 =	simm.s32 $0x1480;
	[sflag:s23] =	ssyncadd.s32 $0xFFFFE000  }
0x22d: {  	[spmem:s2] =	stream.indirect.scatter.add.f32 [tilespmem:s11], [sflag:$0xA], $0x80, s19, s16, $0xb8;
	[tilespmem:$0x1E080] =	vst v63  }
0x22e: {  	s30 =	simm.s32 $0x200  }
0x22f: {  	[tilespmem:s28], [sflag:$0x1] =	stream.indirect.gather [hbm4b:s1+s31], $0x80, s30, s31, $0xb8;
	[tilespmem:$0x1E080] =	vst v63  }
0x230: {  	s7 =	simm.s32 $0x220  }
0x231: {  	[tilespmem:s0], [sflag:$0x5] =	stream.indirect.gather [hbm4b:s1+s31], $0x80, s7, s31, $0xb8;
	[tilespmem:$0x1E080] =	vst v63  }
0x232: {  	_ =	swait.ge [sflag:s10], $0x1000  }
0x233: {  	[sflag:s10] =	ssyncset.done $0x0  }
0x234: {  	[sflag:s10] =	ssyncadd.s32 $0xFFFFF000  }
0x235: {  	_ =	swait.ge [sflag:s12], $0x1000  }
0x236: {  	[sflag:s12] =	ssyncset.done $0x0  }
0x237: {  	[sflag:s12] =	ssyncadd.s32 $0xFFFFF000  }
0x238: {  	_ =	swait.ge [sflag:s14], $0x2000  }
0x239: {  	[sflag:s14] =	ssyncset.done $0x0  }
0x23a: {  	s19 =	simm.s32 $0x1500;
	[sflag:s14] =	ssyncadd.s32 $0xFFFFE000  }
0x23b: {  	[spmem:s2] =	stream.indirect.scatter.add.f32 [tilespmem:s15], [sflag:$0xB], $0x80, s19, s16, $0xb8;
	[tilespmem:$0x1E080] =	vst v63  }
0x23c: {  	s30 =	simm.s32 $0x280  }
0x23d: {  	[tilespmem:s11], [sflag:$0x2] =	stream.indirect.gather [hbm4b:s1+s31], $0x80, s30, s31, $0xb8;
	[tilespmem:$0x1E080] =	vst v63  }
0x23e: {  	s5 =	simm.s32 $0x2A0  }
0x23f: {  	[tilespmem:s13], [sflag:$0x6] =	stream.indirect.gather [hbm4b:s1+s31], $0x80, s5, s31, $0xb8;
	[tilespmem:$0x1E080] =	vst v63  }
0x240: {  	_ =	swait.ge [sflag:s24], $0x1000  }
0x241: {  	[sflag:s24] =	ssyncset.done $0x0  }
0x242: {  	[sflag:s24] =	ssyncadd.s32 $0xFFFFF000  }
0x243: {  	_ =	swait.ge [sflag:s25], $0x1000  }
0x244: {  	[sflag:s25] =	ssyncset.done $0x0  }
0x245: {  	[sflag:s25] =	ssyncadd.s32 $0xFFFFF000  }
0x246: {  	_ =	swait.ge [sflag:s26], $0x2000  }
0x247: {  	[sflag:s26] =	ssyncset.done $0x0  }
0x248: {  	s7 =	simm.s32 $0x1580;
	[sflag:s26] =	ssyncadd.s32 $0xFFFFE000  }
0x249: {  	[spmem:s2] =	stream.indirect.scatter.add.f32 [tilespmem:s18], [sflag:$0xC], $0x80, s7, s16, $0xb8;
	[tilespmem:$0x1E080] =	vst v63  }
0x24a: {  	s19 =	simm.s32 $0x300  }
0x24b: {  	[tilespmem:s15], [sflag:$0x3] =	stream.indirect.gather [hbm4b:s1+s31], $0x80, s19, s31, $0xb8;
	[tilespmem:$0x1E080] =	vst v63  }
0x24c: {  	s30 =	simm.s32 $0x320  }
0x24d: {  	[tilespmem:s6], [sflag:$0x7] =	stream.indirect.gather [hbm4b:s1+s31], $0x80, s30, s31, $0xb8;
	[tilespmem:$0x1E080] =	vst v63  }
.LBB2_14:
0x24e: {  	_ =	swait.ge [sflag:s8], $0x1000  }
0x24f: {  	[sflag:s8] =	ssyncset.done $0x0  }
0x250: {  	[sflag:s8] =	ssyncadd.s32 $0xFFFFF000  }
0x251: {  	_ =	swait.ge [sflag:s9], $0x1000  }
0x252: {  	[sflag:s9] =	ssyncset.done $0x0  }
0x253: {  	[sflag:s9] =	ssyncadd.s32 $0xFFFFF000  }
0x254: {  	_ =	swait.ge [sflag:s4], $0x2000  }
0x255: {  	s19 =	sshra.s32 s17, $0x2;
	[sflag:s4] =	ssyncset.done $0x0  }
0x256: {  	s0 =	sadd.s32 $0x1600, s19;
	[sflag:s4] =	ssyncadd.s32 $0xFFFFE000  }
0x257: {  	[spmem:s2] =	stream.indirect.scatter.add.f32 [tilespmem:s28], [sflag:$0x9], $0x80, s0, s16, $0xb8;
	[tilespmem:$0x1E080] =	vst v63  }
0x258: {  	s30 =	sadd.s32 $0x380, s19  }
0x259: {  	[tilespmem:s18], [sflag:$0x4] =	stream.indirect.gather [hbm4b:s1+s31], $0x80, s30, s31, $0xb8;
	[tilespmem:$0x1E080] =	vst v63  }
0x25a: {  	s5 =	sadd.s32 $0x3A0, s19  }
0x25b: {  	[tilespmem:s20], [sflag:$0x8] =	stream.indirect.gather [hbm4b:s1+s31], $0x80, s5, s31, $0xb8;
	[tilespmem:$0x1E080] =	vst v63  }
0x25c: {  	_ =	swait.ge [sflag:s21], $0x1000  }
0x25d: {  	[sflag:s21] =	ssyncset.done $0x0  }
0x25e: {  	[sflag:s21] =	ssyncadd.s32 $0xFFFFF000  }
0x25f: {  	_ =	swait.ge [sflag:s22], $0x1000  }
0x260: {  	[sflag:s22] =	ssyncset.done $0x0  }
0x261: {  	[sflag:s22] =	ssyncadd.s32 $0xFFFFF000  }
0x262: {  	_ =	swait.ge [sflag:s23], $0x2000  }
0x263: {  	p2 =	seq.s32 s17, $0x4000;
	[sflag:s23] =	ssyncset.done $0x0  }
0x264: {  	s7 =	sadd.s32 $0x1680, s19;
	s0 =	sshra.s32 @!p2 s17, $0x2;
	[sflag:s23] =	ssyncadd.s32 $0xFFFFE000  }
0x265: {  	[spmem:s2] =	stream.indirect.scatter.add.f32 [tilespmem:s11], [sflag:$0xA], $0x80, s7, s16, $0xb8;
	[tilespmem:$0x1E080] =	vst v63  }
0x266: {  	s30 =	simm.s32 @!p2 $0x2800;
	s5 =	sadd.s32 @!p2 $0x400, s0;
	s7 =	simm.s32 @!p2 $0x20  }
0x267: {  	[tilespmem:s30], [sflag:$0x1] =	stream.indirect.gather @!p2 [hbm4b:s1+s7], $0x80, s5, s7, $0xb8;
	[tilespmem:$0x1E080] =	vst v63  }
0x268: {  	s5 =	sadd.s32 @!p2 $0x420, s0;
	s30 =	simm.s32 @!p2 $0x3800  }
0x269: {  	[tilespmem:s30], [sflag:$0x5] =	stream.indirect.gather @!p2 [hbm4b:s1+s7], $0x80, s5, s7, $0xb8;
	[tilespmem:$0x1E080] =	vst v63  }
0x26a: {  	_ =	swait.ge [sflag:s10], $0x1000  }
0x26b: {  	[sflag:s10] =	ssyncset.done $0x0  }
0x26c: {  	[sflag:s10] =	ssyncadd.s32 $0xFFFFF000  }
0x26d: {  	_ =	swait.ge [sflag:s12], $0x1000  }
0x26e: {  	[sflag:s12] =	ssyncset.done $0x0  }
0x26f: {  	[sflag:s12] =	ssyncadd.s32 $0xFFFFF000  }
0x270: {  	_ =	swait.ge [sflag:s14], $0x2000  }
0x271: {  	[sflag:s14] =	ssyncset.done $0x0  }
0x272: {  	s30 =	sadd.s32 $0x1700, s19;
	[sflag:s14] =	ssyncadd.s32 $0xFFFFE000  }
0x273: {  	[spmem:s2] =	stream.indirect.scatter.add.f32 [tilespmem:s15], [sflag:$0xB], $0x80, s30, s16, $0xb8;
	[tilespmem:$0x1E080] =	vst v63  }
0x274: {  	s5 =	sadd.s32 @!p2 $0x480, s0;
	s30 =	simm.s32 @!p2 $0x4800  }
0x275: {  	[tilespmem:s30], [sflag:$0x2] =	stream.indirect.gather @!p2 [hbm4b:s1+s7], $0x80, s5, s7, $0xb8;
	[tilespmem:$0x1E080] =	vst v63  }
0x276: {  	s0 =	sadd.s32 @!p2 $0x4A0, s0;
	s5 =	simm.s32 @!p2 $0x5800  }
0x277: {  	[tilespmem:s5], [sflag:$0x6] =	stream.indirect.gather @!p2 [hbm4b:s1+s7], $0x80, s0, s7, $0xb8;
	[tilespmem:$0x1E080] =	vst v63  }
0x278: {  	_ =	swait.ge [sflag:s24], $0x1000  }
0x279: {  	[sflag:s24] =	ssyncset.done $0x0  }
0x27a: {  	[sflag:s24] =	ssyncadd.s32 $0xFFFFF000  }
0x27b: {  	_ =	swait.ge [sflag:s25], $0x1000  }
0x27c: {  	[sflag:s25] =	ssyncset.done $0x0  }
.Ltmp10:
0x27d: {  	[sflag:s25] =	ssyncadd.s32 $0xFFFFF000;
	(pc) =	sbr.rel @p2 .LBB2_16-.Ltmp10, $4  }
0x27e: {  	_ =	swait.ge [sflag:s26], $0x2000  }
0x27f: {  	[sflag:s26] =	ssyncset.done $0x0  }
0x280: {  	s30 =	sadd.s32 $0x1780, s19;
	[sflag:s26] =	ssyncadd.s32 $0xFFFFE000  }
0x281: {  	[spmem:s2] =	stream.indirect.scatter.add.f32 [tilespmem:s18], [sflag:$0xC], $0x80, s30, s16, $0xb8;
	[tilespmem:$0x1E080] =	vst v63  }
.Ltmp11:
0x282: {  	(pc) =	sbr.rel .LBB2_14-.Ltmp11, $4  }
0x283: {  	s0 =	sadd.s32 $0x500, s19  }
0x284: {  	[tilespmem:s15], [sflag:$0x3] =	stream.indirect.gather [hbm4b:s1+s31], $0x80, s0, s31, $0xb8;
	[tilespmem:$0x1E080] =	vst v63  }
0x285: {  	s30 =	sadd.s32 $0x520, s19;
	s17 =	sadd.s32 $0x800, s17  }
0x286: {  	[tilespmem:s6], [sflag:$0x7] =	stream.indirect.gather [hbm4b:s1+s31], $0x80, s30, s31, $0xb8;
	[tilespmem:$0x1E080] =	vst v63  }
.LBB2_18:
0x287: {  	_ =	sfence.sel $0x180000  }
0x288: {  	[bflag:$0x0] =	sbarrier.arrive $0xFFFF  }
0x289: {  	_ =	strace $0x90000047  }
0x28a: {  	[bflag:$0x2] =	sbarrier.arrive $0xFFFF  }
0x28b: {  	s0 =	rddreg [dreg:$0x3]  }
0x28c: {  	s0 =	sadd.s32 @!p0 $0x100000, s0  }
0x28d: {  	[sflag:s0] =	ssyncadd.tile.s32 @!p0 $0x1;
	_ =	shalt  }
.Lfunc_end2:
_tile_overlayer_lowered:
.L_overlay_start_2:
0x28e: {  	(tag) =	ssettag $0x2  }
0x28f: {  	s0 =	rddreg [dreg:$0x0];
	s2 =	stileid.u32  }
0x290: {  	s1 =	rddreg [dreg:$0x1];
	p0 =	sne.s32 s2, $0x0  }
0x291: {  	s3 =	rddreg [dreg:$0x2];
	[bflag:$0x3] =	sbarrier.arrive $0xFFFF;
	s2 =	simm.s32 @!p0 $0x1C0D  }
0x292: {  	[timem:s3], [sflag:s2] =	dma.local @!p0 [hbm:s0], s1  }
0x293: {  	s0 =	simm.s32 @!p0 $0xD  }
0x294: {  	_ =	swait.ge @!p0 [sflag:s0], s1  }
0x295: {  	s1 =	ssub.s32 @!p0 $0x0, s1;
	[sflag:s0] =	ssyncset.done @!p0 $0x0  }
0x296: {  	[sflag:s0] =	ssyncadd.s32 @!p0 s1  }
0x297: {  	[bflag:$0x3] =	sbarrier.arrive $0xFFFF  }
0x298: {  	_ =	shalt  }

// kernel: kernel.9.cloned.1.call-start
scs
__scs_entry_jumppad:
0x0: {  	(pc) =	sbr.rel $0x88, $3  }
0x1: {  	(tag) =	ssettag $0x0;
	lr =	simm.s32 $0x1  }
0x2: {  	[smem:$0x3F95] =	sst lr;
	_ =	strace $0xD0000000  }
0x3: {  	_ = 	snop  }
0x4: {  	_ = 	snop  }
0x5: {  	_ = 	snop  }
0x6: {  	_ = 	snop  }
0x7: {  	_ = 	snop  }
__scs_overlays_trampoline_lowered:
0x8: {  	[smem:$0x3FA4] =	sst s0  }
0x9: {  	[smem:$0x3FA5] =	sst s1  }
0xa: {  	[smem:$0x3FA6] =	sst s2  }
0xb: {  	[smem:$0x3FA7] =	sst s3  }
0xc: {  	[smem:$0x3FA8] =	sst s4  }
0xd: {  	[smem:$0x3FA9] =	sst s5  }
0xe: {  	[smem:$0x3FAA] =	sst s6  }
0xf: {  	[smem:$0x3FAB] =	sst s7  }
0x10: {  	[smem:$0x3FAC] =	sst s8  }
0x11: {  	[smem:$0x3FAD] =	sst s9;
	s0 =	simm.s32 @!p0 $0x0  }
0x12: {  	s1 =	sld [smem:$0x3F93];
	s0 =	simm.s32 @p0 $0x1  }
0x13: {  	[smem:$0x3FAE] =	sst s0;
	s0 =	simm.s32 @!p1 $0x0  }
0x14: {  	s2 =	sld [smem:$0x3F92];
	s0 =	simm.s32 @p1 $0x1  }
0x15: {  	[smem:$0x3FAF] =	sst s0;
	s0 =	simm.s32 @!p2 $0x0  }
0x16: {  	s3 =	sld [smem:$0x3FDB];
	s0 =	simm.s32 @p2 $0x1  }
0x17: {  	s4 =	simm.s32 $0x1BF5;
	[smem:$0x3FB1] =	sst s0  }
0x18: {  	s0 =	sld [smem:$0x3F94];
	_ =	swait.ge [sflag:s4], $0x0  }
0x19: {  	s7 =	sld [smem:$0x3F95]  }
0x1a: {  	s8 =	sadd.s32 $0xFFFFE003, lr  }
0x1b: {  	s9 =	sadd.s32 $0xFFFFFEF7, lr;
	s5 =	simm.s32 $0xFFFFFFFF;
	p2 =	slt.u32 s8, $0xFFFFF086  }
0x1c: {  	p1 =	slt.u32 s9, $0xF7A;
	s5 =	simm.s32 @!p2 $0x0  }
0x1d: {  	s5 =	simm.s32 @p1 $0x1;
	p0 =	seq.s32 s7, s2  }
0x1e: {  	s7 =	smul.u32 @!p0 $0xF7A, s2;
	p2 =	seq.s32 @!p0 s5, $0x0  }
0x1f: {  	s9 =	smul.u32 $0xF7A, s1;
	s8 =	simm.s32 @!p0 $0x1BF5;
	p2 =	por !p2, p0  }
0x20: {  	[sflag:s8] =	ssyncset.s32 @!p0 $0xFFFFF086;
	s6 =	sadd.s32 @!p0 s3, s7;
	s7 =	simm.s32 @!p0 $0x108  }
0x21: {  	s3 =	sadd.s32 s3, s9;
	s6 =	sadd.s32 @!p0 $0x88, s6;
	s7 =	simm.s32 @p2 $0x1082  }
0x22: {  	[simem:s7], [sflag:s8] =	dma.local @!p0 [hbm:s6], $0xF7A  }
0x23: {  	s9 =	sor.u32 $0xD0000000, s2;
	s6 =	simm.s32 $0x108;
	_ =	swait.ge @!p0 [sflag:s8], $0x0  }
0x24: {  	s3 =	sadd.s32 $0x88, s3;
	s6 =	simm.s32 @!p1 $0x1082;
	[sflag:s4] =	ssyncset.s32 $0xFFFFF086  }
0x25: {  	[simem:s6], [sflag:s4] =	dma.local [hbm:s3], $0xF7A  }
0x26: {  	[smem:$0x3F95] =	sst s1;
	(tag) =	ssettag s2;
	_ =	strace s9  }
0x27: {  	s1 =	sld [smem:$0x3FA5]  }
0x28: {  	s2 =	sld [smem:$0x3FA6]  }
0x29: {  	s4 =	sld [smem:$0x3FA8]  }
0x2a: {  	p0 =	seq.s32 s5, $0x0;
	s5 =	sld [smem:$0x3FA9]  }
0x2b: {  	s6 =	sld [smem:$0x3FAA]  }
0x2c: {  	s7 =	sld [smem:$0x3FAB]  }
0x2d: {  	s3 =	simm.s32 $0x108;
	s8 =	sld [smem:$0x3FAC]  }
0x2e: {  	s3 =	simm.s32 @!p0 $0x1082;
	s9 =	sld [smem:$0x3FAD]  }
0x2f: {  	lr =	sadd.s32 s0, s3;
	s0 =	sld [smem:$0x3FA4]  }
0x30: {  	s3 =	sld [smem:$0x3FA7]  }
0x31: {  	[smem:$0x3FB0] =	sst s10  }
0x32: {  	s10 =	sld [smem:$0x3FAE];
	_ =	sdelay $0x3  }
0x33: {  	p0 =	seq.s32 s10, $0x1;
	s10 =	sld [smem:$0x3FB0];
	_ =	sdelay $0x3  }
0x34: {  	[smem:$0x3FB0] =	sst s10  }
0x35: {  	s10 =	sld [smem:$0x3FAF];
	_ =	sdelay $0x3  }
0x36: {  	p1 =	seq.s32 s10, $0x1;
	s10 =	sld [smem:$0x3FB0];
	_ =	sdelay $0x3  }
0x37: {  	[smem:$0x3FB0] =	sst s10  }
0x38: {  	s10 =	sld [smem:$0x3FB1]  }
0x39: {  	_ = 	snop;
	(pc) =	sbr.ind lr, $3  }
0x3a: {  	_ = 	snop  }
0x3b: {  	_ = 	snop  }
0x3c: {  	p2 =	seq.s32 s10, $0x1;
	s10 =	sld [smem:$0x3FB0]  }
0x3d: {  	_ =	shalt  }
0x3e: {  	_ =	shalt  }
0x3f: {  	_ =	shalt  }
0x40: {  	_ =	shalt  }
0x41: {  	_ =	shalt  }
0x42: {  	_ =	shalt  }
0x43: {  	_ =	shalt  }
0x44: {  	_ =	shalt  }
0x45: {  	_ =	shalt  }
0x46: {  	_ =	shalt  }
0x47: {  	_ =	shalt  }
0x48: {  	_ =	shalt  }
0x49: {  	_ =	shalt  }
0x4a: {  	_ =	shalt  }
0x4b: {  	_ =	shalt  }
0x4c: {  	_ =	shalt  }
0x4d: {  	_ =	shalt  }
0x4e: {  	_ =	shalt  }
0x4f: {  	_ =	shalt  }
0x50: {  	_ =	shalt  }
0x51: {  	_ =	shalt  }
0x52: {  	_ =	shalt  }
0x53: {  	_ =	shalt  }
0x54: {  	_ =	shalt  }
0x55: {  	_ =	shalt  }
0x56: {  	_ =	shalt  }
0x57: {  	_ =	shalt  }
0x58: {  	_ =	shalt  }
0x59: {  	_ =	shalt  }
0x5a: {  	_ =	shalt  }
0x5b: {  	_ =	shalt  }
0x5c: {  	_ =	shalt  }
0x5d: {  	_ =	shalt  }
0x5e: {  	_ =	shalt  }
0x5f: {  	_ =	shalt  }
0x60: {  	_ =	shalt  }
0x61: {  	_ =	shalt  }
0x62: {  	_ =	shalt  }
0x63: {  	_ =	shalt  }
0x64: {  	_ =	shalt  }
0x65: {  	_ =	shalt  }
0x66: {  	_ =	shalt  }
0x67: {  	_ =	shalt  }
0x68: {  	_ =	shalt  }
0x69: {  	_ =	shalt  }
0x6a: {  	_ =	shalt  }
0x6b: {  	_ =	shalt  }
0x6c: {  	_ =	shalt  }
0x6d: {  	_ =	shalt  }
0x6e: {  	_ =	shalt  }
0x6f: {  	_ =	shalt  }
0x70: {  	_ =	shalt  }
0x71: {  	_ =	shalt  }
0x72: {  	_ =	shalt  }
0x73: {  	_ =	shalt  }
0x74: {  	_ =	shalt  }
0x75: {  	_ =	shalt  }
0x76: {  	_ =	shalt  }
0x77: {  	_ =	shalt  }
0x78: {  	_ =	shalt  }
0x79: {  	_ =	shalt  }
0x7a: {  	_ =	shalt  }
0x7b: {  	_ =	shalt  }
0x7c: {  	_ =	shalt  }
0x7d: {  	_ =	shalt  }
0x7e: {  	_ =	shalt  }
0x7f: {  	_ =	shalt  }
0x80: {  	_ =	shalt  }
0x81: {  	_ =	shalt  }
0x82: {  	_ =	shalt  }
0x83: {  	_ =	shalt  }
0x84: {  	_ =	shalt  }
0x85: {  	_ =	shalt  }
0x86: {  	_ =	shalt  }
0x87: {  	_ =	shalt  }
.Lfunc_end0:
.L_simem_size_0:
called_computation.1_lowered:
.L_overlay_start_0:
0x88: {  	s2 =	sld [smem:$0x3FD9]  }
0x89: {  	s3 =	sld [smem:$0x3FFE];
	_ =	sdelay $0x1  }
0x8a: {  	s1 =	srdreg.scid  }
0x8b: {  	s0 =	sand.u32 $0x1, s1  }
0x8c: {  	s16 =	sshll.u32 s0, $0xA;
	s2 =	sadd.s32 s3, s2  }
0x8d: {  	s2 =	sadd.s32 s2, s16  }
0x8e: {  	[smem:$0x3FBC] =	sst s2  }
0x8f: {  	_ = 	snop  }
0x90: {  	(tm) =	ssettm $0x1  }
0x91: {  	s17 =	sld [smem:$0x3FFB];
	_ =	sdelay $0x3  }
0x92: {  	_ =	strace s17  }
0x93: {  	s2 =	sld [smem:$0x3FFC];
	_ =	sdelay $0x3  }
0x94: {  	_ =	strace s2  }
0x95: {  	s2 =	sld [smem:$0x3FFD];
	_ =	sdelay $0x3  }
0x96: {  	_ =	strace s2  }
0x97: {  	_ =	strace $0x8FFFFFFF  }
0x98: {  	s18 =	sld [smem:$0x3FDB];
	_ =	sdelay $0x1  }
0x99: {  	s19 =	simm.s32 $_scs_section_size  }
0x9a: {  	s4 =	simm.s32 $_size__tile_overlayer_lowered;
	s5 =	simm.s32 $_tile_overlayer_lowered  }
0x9b: {  	s22 =	simm.s32 $0x1BFF;
	s21 =	sshll.u32 s5, $0x1;
	s2 =	sadd.s32 s19, s18  }
0x9c: {  	s6 =	simm.s32 $0x0;
	s20 =	sshll.u32 s4, $0x1;
	s4 =	sadd.s32 s21, s2  }
0x9d: {  	[timem:s6], [sflag:s22] =	dma.local [hbm:s4], s20  }
0x9e: {  	_ =	swait.ge [sflag:s22], s20  }
0x9f: {  	s3 =	ssub.s32 $0x0, s20;
	[sflag:s22] =	ssyncset.done $0x0  }
0xa0: {  	[sflag:s22] =	ssyncadd.s32 s3;
	_ =	sdelay $0x1  }
0xa1: {  	s23 =	simm.s32 $0x1B8B  }
0xa2: {  	_ =	swait.ge [sflag:s23], $0x1  }
0xa3: {  	[sflag:s23] =	ssyncset.done $0x0  }
0xa4: {  	s25 =	simm.s32 $0x1B8E;
	s24 =	sld [smem:$0x3FFE];
	[sflag:s23] =	ssyncadd.s32 $0xFFFFFFFF  }
0xa5: {  	s26 =	simm.s32 $execute0_lowered;
	[smem:$0x3FD2] =	sst s25  }
0xa6: {  	s4 =	sshll.u32 s26, $0x1;
	_ =	strace $0x80000049;
	[dreg:$0x1] =	wrdreg $0xFFFFFFFF  }
0xa7: {  	s28 =	simm.s32 $_size_execute0_lowered;
	s2 =	sadd.s32 s2, s4;
	[dreg:$0x0] =	wrdreg $0x0  }
0xa8: {  	s4 =	sshll.u32 s28, $0x1;
	[dreg:$0x2] =	wrdreg s2  }
0xa9: {  	[dreg:$0x3] =	wrdreg s4  }
0xaa: {  	[dreg:$0x4] =	wrdreg $0xC0  }
0xab: {  	_ =	task [dreg:s6], $0x5FFFF  }
0xac: {  	[dreg:$0x1] =	wrdreg $0xFFFFFFFF  }
0xad: {  	[dreg:$0x0] =	wrdreg $0x60  }
0xae: {  	[dreg:$0x2] =	wrdreg s24  }
0xaf: {  	[dreg:$0x3] =	wrdreg $0xA8000  }
0xb0: {  	[dreg:$0x4] =	wrdreg $0x9  }
0xb1: {  	_ =	task.clear_ibuf [dreg:s6], $0x5FFFF;
	_ =	strace $0x90000049  }
0xb2: {  	s29 =	simm.s32 $0x9;
	_ =	strace $0x8000004B  }
0xb3: {  	_ =	swait.ge [sflag:s29], $0x1  }
0xb4: {  	[sflag:s29] =	ssyncadd.s32 $0xFFFFFFFF  }
0xb5: {  	_ =	strace $0x9000004B  }
0xb6: {  	_ =	sfence  }
0xb7: {  	s30 =	sld [smem:$0x0];
	_ =	sdelay $0x2  }
0xb8: {  	s31 =	sshll.u32 s1, $0xD;
	s1 =	sshrl.u32 s1, $0x2  }
0xb9: {  	s3 =	sand.u32 $0x4000, s31;
	s1 =	sadd.s32 s1, s30  }
0xba: {  	s0 =	sor.u32 s3, s0;
	s1 =	sshll.u32 s1, $0x11  }
0xbb: {  	s0 =	sor.u32 s1, s0  }
0xbc: {  	s0 =	sadd.s32 $0x8F2B, s0  }
0xbd: {  	[sflag:s0] =	ssyncadd.remote.s32 $0x1  }
0xbe: {  	_ =	sfence.sel $0xFFFF  }
0xbf: {  	[dreg:$0x0] =	wrdreg $0xFFFFFFFF;
	(pc) =	sbr.abs _section_cstart, $3  }
0xc0: {  	[dreg:$0x1] =	wrdreg $0xFFFFFFFF  }
0xc1: {  	_ =	task.clear_ibuf [dreg:s6], $0x2FFFF;
	_ =	strace $0x9FFFFFFF  }
0xc2: {  	(tm) =	ssettm $0x7FFFFFFF  }
0xc3: {  	_ =	shalt  }
tec
execute0_lowered:
.L_overlay_start_1:
0x0: {  	(tag) =	ssettag $0x1  }
0x1: {  	s0 =	rddreg [dreg:$0x0]  }
0x2: {  	s1 =	rddreg [dreg:$0x1];
	s2 =	simm.s32 $0x0;
	s4 =	srdreg.scid  }
0x3: {  	s15 =	stileid.u32;
	s28 =	simm.s32 $0x2800;
	s29 =	simm.s32 $0xD  }
0x4: {  	s31 =	simm.s32 $0x20;
	[smem:$0x7FF] =	sst s2;
	s3 =	sadd.s32 $0x29800, s0  }
0x5: {  	s6 =	sadd.s32 $0x2400, s0;
	s4 =	sand.u32 $0x1, s4;
	s8 =	sadd.s32 $0x15E00, s0  }
0x6: {  	s7 =	smul.u32 $0x4E000, s15;
	s0 =	sadd.s32 $0x50A00, s0;
	s30 =	sadd.s32 $0x138000, s1  }
0x7: {  	s14 =	smul.u32 $0x13800, s15;
	p0 =	sne.s32 s15, $0x0;
	_ =	strace $0x8000004A  }
0x8: {  	s5 =	sshll.u32 s4, $0x4;
	s9 =	ssub.s32 $0x2, s4;
	s4 =	smul.u32 $0x138800, s4  }
0x9: {  	[dreg:$0x5] =	wrdreg s30;
	s10 =	sor.u32 s15, s5;
	s17 =	sshrl.u32 s9, $0x1  }
0xa: {  	s7 =	sshrl.u32 s7, $0x2;
	s15 =	simm.s32 $0x6800;
	s11 =	smul.u32 $0xA00, s10  }
0xb: {  	s9 =	ssub.s32 s9, s17;
	s7 =	sadd.s32 s7, s1;
	s12 =	smul.u32 $0x5000, s10  }
0xc: {  	s26 =	sadd.s32 s14, s4;
	s4 =	sshrl.u32 s4, $0x3;
	p1 =	seq.s32 s10, $0x1F  }
0xd: {  	s10 =	simm.s32 $0x3;
	s18 =	sadd.s32 $0x12000, s7;
	[dreg:$0x3] =	wrdreg s7  }
0xe: {  	s14 =	sshrl.u32 s26, $0x3;
	s26 =	sadd.s32 $0x10000, s7;
	[dreg:$0x4] =	wrdreg s18  }
0xf: {  	s19 =	sadd.s32 s6, s11;
	s20 =	sadd.s32 s8, s11;
	[dreg:$0x18] =	wrdreg s26  }
0x10: {  	s21 =	sshrl.u32 s12, $0x3;
	s17 =	sadd.s32 s0, s14;
	[dreg:$0x6] =	wrdreg s19  }
0x11: {  	s0 =	sadd.s32 s0, s4;
	s18 =	smax.u32 s9, $0x1;
	[dreg:$0x7] =	wrdreg s20  }
0x12: {  	s9 =	simm.s32 $0x5;
	s14 =	simm.s32 $0xA;
	[dreg:$0xe] =	wrdreg s17  }
0x13: {  	s26 =	simm.s32 $0xB;
	s0 =	sadd.s32 $0x27000, s0;
	[dreg:$0x10] =	wrdreg s18  }
0x14: {  	s12 =	sadd.s32 $0x280, s21;
	s19 =	sadd.s32 $0x2000, s7;
	[dreg:$0xf] =	wrdreg s0  }
0x15: {  	s13 =	sadd.s32 $0x500, s21;
	s20 =	sadd.s32 $0x4000, s7;
	[dreg:$0x11] =	wrdreg s19  }
0x16: {  	s11 =	sadd.s32 $0x780, s21;
	s21 =	sadd.s32 $0x6000, s7;
	[dreg:$0x12] =	wrdreg s20  }
0x17: {  	s4 =	simm.s32 $0xC;
	s22 =	sadd.s32 s6, s12;
	[dreg:$0x13] =	wrdreg s21  }
0x18: {  	s18 =	simm.s32 $0x8800;
	s23 =	sadd.s32 s8, s12;
	[dreg:$0x8] =	wrdreg s22  }
0x19: {  	s24 =	sadd.s32 s6, s13;
	s25 =	sadd.s32 s8, s13;
	[dreg:$0x9] =	wrdreg s23  }
0x1a: {  	s13 =	sadd.s32 s6, s11;
	s16 =	sadd.s32 s8, s11;
	[dreg:$0xa] =	wrdreg s24  }
0x1b: {  	s11 =	simm.s32 $0x4800;
	s6 =	simm.s32 $0x7800;
	[dreg:$0xb] =	wrdreg s25  }
0x1c: {  	s8 =	simm.s32 $0x1;
	s20 =	simm.s32 $0x9800;
	[dreg:$0xc] =	wrdreg s13  }
0x1d: {  	s21 =	simm.s32 $0x2;
	[dreg:$0xd] =	wrdreg s16;
	s22 =	sadd.s32 $0x8000, s7  }
.Ltmp0:
0x1e: {  	s23 =	sadd.s32 $0xA000, s7;
	[dreg:$0x14] =	wrdreg s22;
	(pc) =	sbr.rel .LBB2_1-.Ltmp0, $4  }
0x1f: {  	s12 =	simm.s32 $0x7;
	s24 =	sadd.s32 $0xC000, s7;
	[dreg:$0x15] =	wrdreg s23  }
0x20: {  	s25 =	sadd.s32 $0xE000, s7;
	s13 =	simm.s32 $0x5800;
	[dreg:$0x16] =	wrdreg s24  }
0x21: {  	s16 =	simm.s32 $0x40;
	[dreg:$0x17] =	wrdreg s25;
	s22 =	simm.s32 $0x6  }
0x22: {  	v0 =	vimm.f32 $0.0e+00;
	s23 =	simm.s32 $0x9;
	s24 =	simm.s32 $0x4;
	s25 =	simm.s32 $0x8  }
.LBB2_16:
0x23: {  	_ =	swait.ge [sflag:s4], $0x2000  }
0x24: {  	[sflag:s4] =	ssyncset.done $0x0  }
0x25: {  	[sflag:s4] =	ssyncadd.s32 $0xFFFFE000  }
.LBB2_17:
0x26: {  	s0 =	stileid.u32;
	[bflag:$0x0] =	sbarrier.arrive $0xFFFF  }
0x27: {  	s0 =	sshll.u32 s0, $0x6;
	s7 =	rddreg [dreg:$0x3]  }
0x28: {  	s17 =	rddreg [dreg:$0xe];
	s0 =	sor.u32 $0x1C0D, s0;
	s5 =	sshrl.u32 s7, $0x3  }
0x29: {  	[hbm:s17], [sflag:s0] =	dma.local [spmem:s5], $0x2700  }
0x2a: {  	_ =	swait.ge [sflag:s29], $0x2700  }
0x2b: {  	[sflag:s29] =	ssyncset.done $0x0;
	s30 =	rddreg [dreg:$0x5]  }
0x2c: {  	s17 =	rddreg [dreg:$0xf];
	[sflag:s29] =	ssyncadd.s32 $0xFFFFD900;
	s5 =	sshrl.u32 @!p0 s30, $0x3  }
0x2d: {  	[hbm:s17], [sflag:s0] =	dma.local @!p0 [spmem:s5], $0x100  }
0x2e: {  	s0 =	simm.s32 @!p0 $0xD  }
0x2f: {  	_ =	swait.ge @!p0 [sflag:s0], $0x100  }
0x30: {  	s2 =	sadd.s32 $0x1, s2;
	s19 =	rddreg [dreg:$0x10]  }
0x31: {  	p2 =	sne.s32 s2, s19  }
.Ltmp1:
0x32: {  	_ = 	snop;
	(pc) =	sbr.rel @!p2 .LBB2_18-.Ltmp1, $3  }
0x33: {  	_ =	sdelay $0x1  }
0x34: {  	[sflag:s0] =	ssyncset.done @!p0 $0x0  }
0x35: {  	[sflag:s0] =	ssyncadd.s32 @!p0 $0xFFFFFF00  }
.LBB2_1:
0x36: {  	s17 =	simm.s32 $0x0;
	s19 =	simm.s32 $0x200  }
.LBB2_2:
0x37: {  	p2 =	sne.s32 s19, $0x7E00;
	[tilespmem:s17+$0x2870] =	vst v0  }
0x38: {  	[tilespmem:s17+$0x2800] =	vst v0  }
0x39: {  	[tilespmem:s17+$0x2810] =	vst v0  }
.Ltmp2:
0x3a: {  	[tilespmem:s17+$0x2820] =	vst v0;
	(pc) =	sbr.rel @p2 .LBB2_2-.Ltmp2, $4  }
0x3b: {  	[tilespmem:s17+$0x2830] =	vst v0  }
0x3c: {  	[tilespmem:s17+$0x2840] =	vst v0  }
0x3d: {  	[tilespmem:s17+$0x2850] =	vst v0  }
0x3e: {  	[tilespmem:s17+$0x2860] =	vst v0;
	s17 =	sshra.s32 s19, $0x2;
	s19 =	sadd.s32 $0x200, s19  }
0x3f: {  	[tilespmem:s17+$0x2870] =	vst v0  }
0x40: {  	[tilespmem:s17+$0x2800] =	vst v0  }
0x41: {  	[tilespmem:s17+$0x2810] =	vst v0  }
0x42: {  	[tilespmem:s17+$0x2820] =	vst v0  }
0x43: {  	[tilespmem:s17+$0x2830] =	vst v0  }
0x44: {  	[tilespmem:s17+$0x2840] =	vst v0  }
0x45: {  	[tilespmem:s17+$0x2850] =	vst v0  }
0x46: {  	[tilespmem:s17+$0x2860] =	vst v0  }
0x47: {  	[spmem:s7] =	stream.linear.scatter [tilespmem:s28], [sflag:$0xD], $0x2000, $0x38;
	[tilespmem:$0x1E080] =	vst v63  }
0x48: {  	_ =	swait.ge [sflag:s29], $0x2000  }
0x49: {  	[sflag:s29] =	ssyncset.done $0x0  }
0x4a: {  	s0 =	rddreg [dreg:$0x11];
	[sflag:s29] =	ssyncadd.s32 $0xFFFFE000  }
0x4b: {  	[spmem:s0] =	stream.linear.scatter [tilespmem:s28], [sflag:$0xD], $0x2000, $0x38;
	[tilespmem:$0x1E080] =	vst v63  }
0x4c: {  	_ =	swait.ge [sflag:s29], $0x2000  }
0x4d: {  	[sflag:s29] =	ssyncset.done $0x0  }
0x4e: {  	s7 =	rddreg [dreg:$0x12];
	[sflag:s29] =	ssyncadd.s32 $0xFFFFE000  }
0x4f: {  	[spmem:s7] =	stream.linear.scatter [tilespmem:s28], [sflag:$0xD], $0x2000, $0x38;
	[tilespmem:$0x1E080] =	vst v63  }
0x50: {  	_ =	swait.ge [sflag:s29], $0x2000  }
0x51: {  	[sflag:s29] =	ssyncset.done $0x0  }
0x52: {  	s17 =	rddreg [dreg:$0x13];
	[sflag:s29] =	ssyncadd.s32 $0xFFFFE000  }
0x53: {  	[spmem:s17] =	stream.linear.scatter [tilespmem:s28], [sflag:$0xD], $0x2000, $0x38;
	[tilespmem:$0x1E080] =	vst v63  }
0x54: {  	_ =	swait.ge [sflag:s29], $0x2000  }
0x55: {  	[sflag:s29] =	ssyncset.done $0x0  }
0x56: {  	s19 =	rddreg [dreg:$0x14];
	[sflag:s29] =	ssyncadd.s32 $0xFFFFE000  }
0x57: {  	[spmem:s19] =	stream.linear.scatter [tilespmem:s28], [sflag:$0xD], $0x2000, $0x38;
	[tilespmem:$0x1E080] =	vst v63  }
0x58: {  	_ =	swait.ge [sflag:s29], $0x2000  }
0x59: {  	[sflag:s29] =	ssyncset.done $0x0  }
0x5a: {  	s5 =	rddreg [dreg:$0x15];
	[sflag:s29] =	ssyncadd.s32 $0xFFFFE000  }
0x5b: {  	[spmem:s5] =	stream.linear.scatter [tilespmem:s28], [sflag:$0xD], $0x2000, $0x38;
	[tilespmem:$0x1E080] =	vst v63  }
0x5c: {  	_ =	swait.ge [sflag:s29], $0x2000  }
0x5d: {  	[sflag:s29] =	ssyncset.done $0x0  }
0x5e: {  	s7 =	rddreg [dreg:$0x16];
	[sflag:s29] =	ssyncadd.s32 $0xFFFFE000  }
0x5f: {  	[spmem:s7] =	stream.linear.scatter [tilespmem:s28], [sflag:$0xD], $0x2000, $0x38;
	[tilespmem:$0x1E080] =	vst v63  }
0x60: {  	_ =	swait.ge [sflag:s29], $0x2000  }
0x61: {  	[sflag:s29] =	ssyncset.done $0x0  }
0x62: {  	s17 =	rddreg [dreg:$0x17];
	[sflag:s29] =	ssyncadd.s32 $0xFFFFE000  }
0x63: {  	[spmem:s17] =	stream.linear.scatter [tilespmem:s28], [sflag:$0xD], $0x2000, $0x38;
	[tilespmem:$0x1E080] =	vst v63  }
0x64: {  	_ =	swait.ge [sflag:s29], $0x2000  }
0x65: {  	[sflag:s29] =	ssyncset.done $0x0  }
0x66: {  	s19 =	rddreg [dreg:$0x18];
	[sflag:s29] =	ssyncadd.s32 $0xFFFFE000  }
0x67: {  	[spmem:s19] =	stream.linear.scatter [tilespmem:s28], [sflag:$0xD], $0x2000, $0x38;
	[tilespmem:$0x1E080] =	vst v63  }
0x68: {  	_ =	swait.ge [sflag:s29], $0x2000  }
0x69: {  	[sflag:s29] =	ssyncset.done $0x0  }
0x6a: {  	s5 =	rddreg [dreg:$0x4];
	[sflag:s29] =	ssyncadd.s32 $0xFFFFE000  }
0x6b: {  	[spmem:s5] =	stream.linear.scatter [tilespmem:s28], [sflag:$0xD], $0x1800, $0x38;
	[tilespmem:$0x1E080] =	vst v63  }
0x6c: {  	_ =	swait.ge [sflag:s29], $0x1800  }
0x6d: {  	[sflag:s29] =	ssyncset.done $0x0  }
0x6e: {  	s17 =	simm.s32 @!p0 $0x2800;
	[sflag:s29] =	ssyncadd.s32 $0xFFFFE800  }
0x6f: {  	[spmem:s30] =	stream.linear.scatter @!p0 [tilespmem:s17], [sflag:$0xD], $0x800, $0x38;
	[tilespmem:$0x1E080] =	vst v63  }
0x70: {  	s17 =	simm.s32 @!p0 $0xD  }
0x71: {  	_ =	swait.ge @!p0 [sflag:s17], $0x800  }
0x72: {  	[sflag:s17] =	ssyncset.done @!p0 $0x0  }
0x73: {  	[sflag:s17] =	ssyncadd.s32 @!p0 $0xFFFFF800  }
0x74: {  	[bflag:$0x0] =	sbarrier.arrive $0xFFFF  }
0x75: {  	s17 =	simm.s32 $0x0;
	s7 =	rddreg [dreg:$0x6]  }
0x76: {  	[tilespmem:s17], [sflag:$0xD] =	stream.linear.gather [hbm4b:s7+s17], $0x1400, $0x38;
	[tilespmem:$0x1E080] =	vst v63  }
0x77: {  	_ =	swait.ge [sflag:s29], $0x1400  }
0x78: {  	[sflag:s29] =	ssyncset.done $0x0  }
0x79: {  	s5 =	simm.s32 $0x1400;
	s19 =	rddreg [dreg:$0x7];
	[sflag:s29] =	ssyncadd.s32 $0xFFFFEC00  }
0x7a: {  	[tilespmem:s5], [sflag:$0xD] =	stream.linear.gather [hbm4b:s19+s17], $0x1400, $0x38;
	[tilespmem:$0x1E080] =	vst v63  }
0x7b: {  	_ =	swait.ge [sflag:s29], $0x1400  }
0x7c: {  	[sflag:s29] =	ssyncset.done $0x0  }
0x7d: {  	[sflag:s29] =	ssyncadd.s32 $0xFFFFEC00  }
0x7e: {  	[tilespmem:s28], [sflag:$0x1] =	stream.indirect.gather [hbm4b:s3+s31], $0x80, s17, s31, $0xb8;
	[tilespmem:$0x1E080] =	vst v63  }
0x7f: {  	s0 =	simm.s32 $0x3800  }
0x80: {  	[tilespmem:s0], [sflag:$0x5] =	stream.indirect.gather [hbm4b:s3+s31], $0x80, s31, s31, $0xb8;
	[tilespmem:$0x1E080] =	vst v63  }
0x81: {  	s30 =	simm.s32 $0x80  }
0x82: {  	[tilespmem:s11], [sflag:$0x2] =	stream.indirect.gather [hbm4b:s3+s31], $0x80, s30, s31, $0xb8;
	[tilespmem:$0x1E080] =	vst v63  }
0x83: {  	s19 =	simm.s32 $0xA0  }
0x84: {  	[tilespmem:s13], [sflag:$0x6] =	stream.indirect.gather [hbm4b:s3+s31], $0x80, s19, s31, $0xb8;
	[tilespmem:$0x1E080] =	vst v63  }
0x85: {  	s30 =	simm.s32 $0x100  }
0x86: {  	[tilespmem:s15], [sflag:$0x3] =	stream.indirect.gather [hbm4b:s3+s31], $0x80, s30, s31, $0xb8;
	[tilespmem:$0x1E080] =	vst v63  }
0x87: {  	s19 =	simm.s32 $0x120  }
0x88: {  	[tilespmem:s6], [sflag:$0x7] =	stream.indirect.gather [hbm4b:s3+s31], $0x80, s19, s31, $0xb8;
	[tilespmem:$0x1E080] =	vst v63  }
0x89: {  	_ =	swait.ge [sflag:s8], $0x1000  }
0x8a: {  	[sflag:s8] =	ssyncset.done $0x0  }
0x8b: {  	[sflag:s8] =	ssyncadd.s32 $0xFFFFF000  }
0x8c: {  	_ =	swait.ge [sflag:s9], $0x1000  }
0x8d: {  	[sflag:s9] =	ssyncset.done $0x0  }
0x8e: {  	[sflag:s9] =	ssyncadd.s32 $0xFFFFF000  }
0x8f: {  	[spmem:s1] =	stream.indirect.scatter.add.f32 [tilespmem:s28], [sflag:$0x9], $0x80, s5, s16, $0xb8;
	[tilespmem:$0x1E080] =	vst v63  }
0x90: {  	s30 =	simm.s32 $0x180  }
0x91: {  	[tilespmem:s18], [sflag:$0x4] =	stream.indirect.gather [hbm4b:s3+s31], $0x80, s30, s31, $0xb8;
	[tilespmem:$0x1E080] =	vst v63  }
0x92: {  	s7 =	simm.s32 $0x1A0  }
0x93: {  	[tilespmem:s20], [sflag:$0x8] =	stream.indirect.gather [hbm4b:s3+s31], $0x80, s7, s31, $0xb8;
	[tilespmem:$0x1E080] =	vst v63  }
0x94: {  	_ =	swait.ge [sflag:s21], $0x1000  }
0x95: {  	[sflag:s21] =	ssyncset.done $0x0  }
0x96: {  	[sflag:s21] =	ssyncadd.s32 $0xFFFFF000  }
0x97: {  	_ =	swait.ge [sflag:s22], $0x1000  }
0x98: {  	[sflag:s22] =	ssyncset.done $0x0  }
0x99: {  	[sflag:s22] =	ssyncadd.s32 $0xFFFFF000  }
0x9a: {  	_ =	swait.ge [sflag:s23], $0x2000  }
0x9b: {  	[sflag:s23] =	ssyncset.done $0x0  }
0x9c: {  	s19 =	simm.s32 $0x1480;
	[sflag:s23] =	ssyncadd.s32 $0xFFFFE000  }
0x9d: {  	[spmem:s1] =	stream.indirect.scatter.add.f32 [tilespmem:s11], [sflag:$0xA], $0x80, s19, s16, $0xb8;
	[tilespmem:$0x1E080] =	vst v63  }
0x9e: {  	s30 =	simm.s32 $0x200  }
0x9f: {  	[tilespmem:s28], [sflag:$0x1] =	stream.indirect.gather [hbm4b:s3+s31], $0x80, s30, s31, $0xb8;
	[tilespmem:$0x1E080] =	vst v63  }
0xa0: {  	s7 =	simm.s32 $0x220  }
0xa1: {  	[tilespmem:s0], [sflag:$0x5] =	stream.indirect.gather [hbm4b:s3+s31], $0x80, s7, s31, $0xb8;
	[tilespmem:$0x1E080] =	vst v63  }
0xa2: {  	_ =	swait.ge [sflag:s10], $0x1000  }
0xa3: {  	[sflag:s10] =	ssyncset.done $0x0  }
0xa4: {  	[sflag:s10] =	ssyncadd.s32 $0xFFFFF000  }
0xa5: {  	_ =	swait.ge [sflag:s12], $0x1000  }
0xa6: {  	[sflag:s12] =	ssyncset.done $0x0  }
0xa7: {  	[sflag:s12] =	ssyncadd.s32 $0xFFFFF000  }
0xa8: {  	_ =	swait.ge [sflag:s14], $0x2000  }
0xa9: {  	[sflag:s14] =	ssyncset.done $0x0  }
0xaa: {  	s19 =	simm.s32 $0x1500;
	[sflag:s14] =	ssyncadd.s32 $0xFFFFE000  }
0xab: {  	[spmem:s1] =	stream.indirect.scatter.add.f32 [tilespmem:s15], [sflag:$0xB], $0x80, s19, s16, $0xb8;
	[tilespmem:$0x1E080] =	vst v63  }
0xac: {  	s30 =	simm.s32 $0x280  }
0xad: {  	[tilespmem:s11], [sflag:$0x2] =	stream.indirect.gather [hbm4b:s3+s31], $0x80, s30, s31, $0xb8;
	[tilespmem:$0x1E080] =	vst v63  }
0xae: {  	s5 =	simm.s32 $0x2A0  }
0xaf: {  	[tilespmem:s13], [sflag:$0x6] =	stream.indirect.gather [hbm4b:s3+s31], $0x80, s5, s31, $0xb8;
	[tilespmem:$0x1E080] =	vst v63  }
0xb0: {  	_ =	swait.ge [sflag:s24], $0x1000  }
0xb1: {  	[sflag:s24] =	ssyncset.done $0x0  }
0xb2: {  	[sflag:s24] =	ssyncadd.s32 $0xFFFFF000  }
0xb3: {  	_ =	swait.ge [sflag:s25], $0x1000  }
0xb4: {  	[sflag:s25] =	ssyncset.done $0x0  }
0xb5: {  	[sflag:s25] =	ssyncadd.s32 $0xFFFFF000  }
0xb6: {  	_ =	swait.ge [sflag:s26], $0x2000  }
0xb7: {  	[sflag:s26] =	ssyncset.done $0x0  }
0xb8: {  	s7 =	simm.s32 $0x1580;
	[sflag:s26] =	ssyncadd.s32 $0xFFFFE000  }
0xb9: {  	[spmem:s1] =	stream.indirect.scatter.add.f32 [tilespmem:s18], [sflag:$0xC], $0x80, s7, s16, $0xb8;
	[tilespmem:$0x1E080] =	vst v63  }
0xba: {  	s19 =	simm.s32 $0x300  }
0xbb: {  	[tilespmem:s15], [sflag:$0x3] =	stream.indirect.gather [hbm4b:s3+s31], $0x80, s19, s31, $0xb8;
	[tilespmem:$0x1E080] =	vst v63  }
0xbc: {  	s30 =	simm.s32 $0x320  }
0xbd: {  	[tilespmem:s6], [sflag:$0x7] =	stream.indirect.gather [hbm4b:s3+s31], $0x80, s30, s31, $0xb8;
	[tilespmem:$0x1E080] =	vst v63  }
.LBB2_4:
0xbe: {  	_ =	swait.ge [sflag:s8], $0x1000  }
0xbf: {  	[sflag:s8] =	ssyncset.done $0x0  }
0xc0: {  	[sflag:s8] =	ssyncadd.s32 $0xFFFFF000  }
0xc1: {  	_ =	swait.ge [sflag:s9], $0x1000  }
0xc2: {  	[sflag:s9] =	ssyncset.done $0x0  }
0xc3: {  	[sflag:s9] =	ssyncadd.s32 $0xFFFFF000  }
0xc4: {  	_ =	swait.ge [sflag:s4], $0x2000  }
0xc5: {  	s19 =	sshra.s32 s17, $0x2;
	[sflag:s4] =	ssyncset.done $0x0  }
0xc6: {  	s7 =	sadd.s32 $0x1600, s19;
	[sflag:s4] =	ssyncadd.s32 $0xFFFFE000  }
0xc7: {  	[spmem:s1] =	stream.indirect.scatter.add.f32 [tilespmem:s28], [sflag:$0x9], $0x80, s7, s16, $0xb8;
	[tilespmem:$0x1E080] =	vst v63  }
0xc8: {  	s5 =	sadd.s32 $0x380, s19  }
0xc9: {  	[tilespmem:s18], [sflag:$0x4] =	stream.indirect.gather [hbm4b:s3+s31], $0x80, s5, s31, $0xb8;
	[tilespmem:$0x1E080] =	vst v63  }
0xca: {  	s30 =	sadd.s32 $0x3A0, s19  }
0xcb: {  	[tilespmem:s20], [sflag:$0x8] =	stream.indirect.gather [hbm4b:s3+s31], $0x80, s30, s31, $0xb8;
	[tilespmem:$0x1E080] =	vst v63  }
0xcc: {  	_ =	swait.ge [sflag:s21], $0x1000  }
0xcd: {  	[sflag:s21] =	ssyncset.done $0x0  }
0xce: {  	[sflag:s21] =	ssyncadd.s32 $0xFFFFF000  }
0xcf: {  	_ =	swait.ge [sflag:s22], $0x1000  }
0xd0: {  	[sflag:s22] =	ssyncset.done $0x0  }
0xd1: {  	[sflag:s22] =	ssyncadd.s32 $0xFFFFF000  }
0xd2: {  	_ =	swait.ge [sflag:s23], $0x2000  }
0xd3: {  	p2 =	seq.s32 s17, $0x4000;
	[sflag:s23] =	ssyncset.done $0x0  }
0xd4: {  	s0 =	sadd.s32 $0x1680, s19;
	s7 =	sshra.s32 @!p2 s17, $0x2;
	[sflag:s23] =	ssyncadd.s32 $0xFFFFE000  }
0xd5: {  	[spmem:s1] =	stream.indirect.scatter.add.f32 [tilespmem:s11], [sflag:$0xA], $0x80, s0, s16, $0xb8;
	[tilespmem:$0x1E080] =	vst v63  }
0xd6: {  	s5 =	sadd.s32 @!p2 $0x400, s7;
	s30 =	simm.s32 @!p2 $0x20;
	s0 =	simm.s32 @!p2 $0x2800  }
0xd7: {  	[tilespmem:s0], [sflag:$0x1] =	stream.indirect.gather @!p2 [hbm4b:s3+s30], $0x80, s5, s30, $0xb8;
	[tilespmem:$0x1E080] =	vst v63  }
0xd8: {  	s0 =	sadd.s32 @!p2 $0x420, s7;
	s5 =	simm.s32 @!p2 $0x3800  }
0xd9: {  	[tilespmem:s5], [sflag:$0x5] =	stream.indirect.gather @!p2 [hbm4b:s3+s30], $0x80, s0, s30, $0xb8;
	[tilespmem:$0x1E080] =	vst v63  }
0xda: {  	_ =	swait.ge [sflag:s10], $0x1000  }
0xdb: {  	[sflag:s10] =	ssyncset.done $0x0  }
0xdc: {  	[sflag:s10] =	ssyncadd.s32 $0xFFFFF000  }
0xdd: {  	_ =	swait.ge [sflag:s12], $0x1000  }
0xde: {  	[sflag:s12] =	ssyncset.done $0x0  }
0xdf: {  	[sflag:s12] =	ssyncadd.s32 $0xFFFFF000  }
0xe0: {  	_ =	swait.ge [sflag:s14], $0x2000  }
0xe1: {  	[sflag:s14] =	ssyncset.done $0x0  }
0xe2: {  	s5 =	sadd.s32 $0x1700, s19;
	[sflag:s14] =	ssyncadd.s32 $0xFFFFE000  }
0xe3: {  	[spmem:s1] =	stream.indirect.scatter.add.f32 [tilespmem:s15], [sflag:$0xB], $0x80, s5, s16, $0xb8;
	[tilespmem:$0x1E080] =	vst v63  }
0xe4: {  	s0 =	sadd.s32 @!p2 $0x480, s7;
	s5 =	simm.s32 @!p2 $0x4800  }
0xe5: {  	[tilespmem:s5], [sflag:$0x2] =	stream.indirect.gather @!p2 [hbm4b:s3+s30], $0x80, s0, s30, $0xb8;
	[tilespmem:$0x1E080] =	vst v63  }
0xe6: {  	s0 =	sadd.s32 @!p2 $0x4A0, s7;
	s5 =	simm.s32 @!p2 $0x5800  }
0xe7: {  	[tilespmem:s5], [sflag:$0x6] =	stream.indirect.gather @!p2 [hbm4b:s3+s30], $0x80, s0, s30, $0xb8;
	[tilespmem:$0x1E080] =	vst v63  }
0xe8: {  	_ =	swait.ge [sflag:s24], $0x1000  }
0xe9: {  	[sflag:s24] =	ssyncset.done $0x0  }
0xea: {  	[sflag:s24] =	ssyncadd.s32 $0xFFFFF000  }
0xeb: {  	_ =	swait.ge [sflag:s25], $0x1000  }
0xec: {  	[sflag:s25] =	ssyncset.done $0x0  }
.Ltmp3:
0xed: {  	[sflag:s25] =	ssyncadd.s32 $0xFFFFF000;
	(pc) =	sbr.rel @p2 .LBB2_6-.Ltmp3, $4  }
0xee: {  	_ =	swait.ge [sflag:s26], $0x2000  }
0xef: {  	[sflag:s26] =	ssyncset.done $0x0  }
0xf0: {  	s30 =	sadd.s32 $0x1780, s19;
	[sflag:s26] =	ssyncadd.s32 $0xFFFFE000  }
0xf1: {  	[spmem:s1] =	stream.indirect.scatter.add.f32 [tilespmem:s18], [sflag:$0xC], $0x80, s30, s16, $0xb8;
	[tilespmem:$0x1E080] =	vst v63  }
.Ltmp4:
0xf2: {  	(pc) =	sbr.rel .LBB2_4-.Ltmp4, $4  }
0xf3: {  	s0 =	sadd.s32 $0x500, s19  }
0xf4: {  	[tilespmem:s15], [sflag:$0x3] =	stream.indirect.gather [hbm4b:s3+s31], $0x80, s0, s31, $0xb8;
	[tilespmem:$0x1E080] =	vst v63  }
0xf5: {  	s30 =	sadd.s32 $0x520, s19;
	s17 =	sadd.s32 $0x800, s17  }
0xf6: {  	[tilespmem:s6], [sflag:$0x7] =	stream.indirect.gather [hbm4b:s3+s31], $0x80, s30, s31, $0xb8;
	[tilespmem:$0x1E080] =	vst v63  }
.LBB2_6:
.Ltmp5:
0xf7: {  	(pc) =	sbr.rel @p1 .LBB2_17-.Ltmp5, $4  }
0xf8: {  	_ = 	snop  }
0xf9: {  	_ =	swait.ge [sflag:s4], $0x2000  }
0xfa: {  	[sflag:s4] =	ssyncset.done $0x0  }
0xfb: {  	[sflag:s4] =	ssyncadd.s32 $0xFFFFE000  }
0xfc: {  	s17 =	simm.s32 $0x0;
	s0 =	rddreg [dreg:$0x8]  }
0xfd: {  	[tilespmem:s17], [sflag:$0xD] =	stream.linear.gather [hbm4b:s0+s17], $0x1400, $0x38;
	[tilespmem:$0x1E080] =	vst v63  }
0xfe: {  	_ =	swait.ge [sflag:s29], $0x1400  }
0xff: {  	[sflag:s29] =	ssyncset.done $0x0  }
0x100: {  	s5 =	simm.s32 $0x1400;
	s7 =	rddreg [dreg:$0x9];
	[sflag:s29] =	ssyncadd.s32 $0xFFFFEC00  }
0x101: {  	[tilespmem:s5], [sflag:$0xD] =	stream.linear.gather [hbm4b:s7+s17], $0x1400, $0x38;
	[tilespmem:$0x1E080] =	vst v63  }
0x102: {  	_ =	swait.ge [sflag:s29], $0x1400  }
0x103: {  	[sflag:s29] =	ssyncset.done $0x0  }
0x104: {  	[sflag:s29] =	ssyncadd.s32 $0xFFFFEC00  }
0x105: {  	[tilespmem:s28], [sflag:$0x1] =	stream.indirect.gather [hbm4b:s3+s31], $0x80, s17, s31, $0xb8;
	[tilespmem:$0x1E080] =	vst v63  }
0x106: {  	s0 =	simm.s32 $0x3800  }
0x107: {  	[tilespmem:s0], [sflag:$0x5] =	stream.indirect.gather [hbm4b:s3+s31], $0x80, s31, s31, $0xb8;
	[tilespmem:$0x1E080] =	vst v63  }
0x108: {  	s7 =	simm.s32 $0x80  }
0x109: {  	[tilespmem:s11], [sflag:$0x2] =	stream.indirect.gather [hbm4b:s3+s31], $0x80, s7, s31, $0xb8;
	[tilespmem:$0x1E080] =	vst v63  }
0x10a: {  	s19 =	simm.s32 $0xA0  }
0x10b: {  	[tilespmem:s13], [sflag:$0x6] =	stream.indirect.gather [hbm4b:s3+s31], $0x80, s19, s31, $0xb8;
	[tilespmem:$0x1E080] =	vst v63  }
0x10c: {  	s30 =	simm.s32 $0x100  }
0x10d: {  	[tilespmem:s15], [sflag:$0x3] =	stream.indirect.gather [hbm4b:s3+s31], $0x80, s30, s31, $0xb8;
	[tilespmem:$0x1E080] =	vst v63  }
0x10e: {  	s19 =	simm.s32 $0x120  }
0x10f: {  	[tilespmem:s6], [sflag:$0x7] =	stream.indirect.gather [hbm4b:s3+s31], $0x80, s19, s31, $0xb8;
	[tilespmem:$0x1E080] =	vst v63  }
0x110: {  	_ =	swait.ge [sflag:s8], $0x1000  }
0x111: {  	[sflag:s8] =	ssyncset.done $0x0  }
0x112: {  	[sflag:s8] =	ssyncadd.s32 $0xFFFFF000  }
0x113: {  	_ =	swait.ge [sflag:s9], $0x1000  }
0x114: {  	[sflag:s9] =	ssyncset.done $0x0  }
0x115: {  	[sflag:s9] =	ssyncadd.s32 $0xFFFFF000  }
0x116: {  	[spmem:s1] =	stream.indirect.scatter.add.f32 [tilespmem:s28], [sflag:$0x9], $0x80, s5, s16, $0xb8;
	[tilespmem:$0x1E080] =	vst v63  }
0x117: {  	s30 =	simm.s32 $0x180  }
0x118: {  	[tilespmem:s18], [sflag:$0x4] =	stream.indirect.gather [hbm4b:s3+s31], $0x80, s30, s31, $0xb8;
	[tilespmem:$0x1E080] =	vst v63  }
0x119: {  	s7 =	simm.s32 $0x1A0  }
0x11a: {  	[tilespmem:s20], [sflag:$0x8] =	stream.indirect.gather [hbm4b:s3+s31], $0x80, s7, s31, $0xb8;
	[tilespmem:$0x1E080] =	vst v63  }
0x11b: {  	_ =	swait.ge [sflag:s21], $0x1000  }
0x11c: {  	[sflag:s21] =	ssyncset.done $0x0  }
0x11d: {  	[sflag:s21] =	ssyncadd.s32 $0xFFFFF000  }
0x11e: {  	_ =	swait.ge [sflag:s22], $0x1000  }
0x11f: {  	[sflag:s22] =	ssyncset.done $0x0  }
0x120: {  	[sflag:s22] =	ssyncadd.s32 $0xFFFFF000  }
0x121: {  	_ =	swait.ge [sflag:s23], $0x2000  }
0x122: {  	[sflag:s23] =	ssyncset.done $0x0  }
0x123: {  	s19 =	simm.s32 $0x1480;
	[sflag:s23] =	ssyncadd.s32 $0xFFFFE000  }
0x124: {  	[spmem:s1] =	stream.indirect.scatter.add.f32 [tilespmem:s11], [sflag:$0xA], $0x80, s19, s16, $0xb8;
	[tilespmem:$0x1E080] =	vst v63  }
0x125: {  	s30 =	simm.s32 $0x200  }
0x126: {  	[tilespmem:s28], [sflag:$0x1] =	stream.indirect.gather [hbm4b:s3+s31], $0x80, s30, s31, $0xb8;
	[tilespmem:$0x1E080] =	vst v63  }
0x127: {  	s7 =	simm.s32 $0x220  }
0x128: {  	[tilespmem:s0], [sflag:$0x5] =	stream.indirect.gather [hbm4b:s3+s31], $0x80, s7, s31, $0xb8;
	[tilespmem:$0x1E080] =	vst v63  }
0x129: {  	_ =	swait.ge [sflag:s10], $0x1000  }
0x12a: {  	[sflag:s10] =	ssyncset.done $0x0  }
0x12b: {  	[sflag:s10] =	ssyncadd.s32 $0xFFFFF000  }
0x12c: {  	_ =	swait.ge [sflag:s12], $0x1000  }
0x12d: {  	[sflag:s12] =	ssyncset.done $0x0  }
0x12e: {  	[sflag:s12] =	ssyncadd.s32 $0xFFFFF000  }
0x12f: {  	_ =	swait.ge [sflag:s14], $0x2000  }
0x130: {  	[sflag:s14] =	ssyncset.done $0x0  }
0x131: {  	s19 =	simm.s32 $0x1500;
	[sflag:s14] =	ssyncadd.s32 $0xFFFFE000  }
0x132: {  	[spmem:s1] =	stream.indirect.scatter.add.f32 [tilespmem:s15], [sflag:$0xB], $0x80, s19, s16, $0xb8;
	[tilespmem:$0x1E080] =	vst v63  }
0x133: {  	s30 =	simm.s32 $0x280  }
0x134: {  	[tilespmem:s11], [sflag:$0x2] =	stream.indirect.gather [hbm4b:s3+s31], $0x80, s30, s31, $0xb8;
	[tilespmem:$0x1E080] =	vst v63  }
0x135: {  	s5 =	simm.s32 $0x2A0  }
0x136: {  	[tilespmem:s13], [sflag:$0x6] =	stream.indirect.gather [hbm4b:s3+s31], $0x80, s5, s31, $0xb8;
	[tilespmem:$0x1E080] =	vst v63  }
0x137: {  	_ =	swait.ge [sflag:s24], $0x1000  }
0x138: {  	[sflag:s24] =	ssyncset.done $0x0  }
0x139: {  	[sflag:s24] =	ssyncadd.s32 $0xFFFFF000  }
0x13a: {  	_ =	swait.ge [sflag:s25], $0x1000  }
0x13b: {  	[sflag:s25] =	ssyncset.done $0x0  }
0x13c: {  	[sflag:s25] =	ssyncadd.s32 $0xFFFFF000  }
0x13d: {  	_ =	swait.ge [sflag:s26], $0x2000  }
0x13e: {  	[sflag:s26] =	ssyncset.done $0x0  }
0x13f: {  	s7 =	simm.s32 $0x1580;
	[sflag:s26] =	ssyncadd.s32 $0xFFFFE000  }
0x140: {  	[spmem:s1] =	stream.indirect.scatter.add.f32 [tilespmem:s18], [sflag:$0xC], $0x80, s7, s16, $0xb8;
	[tilespmem:$0x1E080] =	vst v63  }
0x141: {  	s19 =	simm.s32 $0x300  }
0x142: {  	[tilespmem:s15], [sflag:$0x3] =	stream.indirect.gather [hbm4b:s3+s31], $0x80, s19, s31, $0xb8;
	[tilespmem:$0x1E080] =	vst v63  }
0x143: {  	s30 =	simm.s32 $0x320  }
0x144: {  	[tilespmem:s6], [sflag:$0x7] =	stream.indirect.gather [hbm4b:s3+s31], $0x80, s30, s31, $0xb8;
	[tilespmem:$0x1E080] =	vst v63  }
.LBB2_8:
0x145: {  	_ =	swait.ge [sflag:s8], $0x1000  }
0x146: {  	[sflag:s8] =	ssyncset.done $0x0  }
0x147: {  	[sflag:s8] =	ssyncadd.s32 $0xFFFFF000  }
0x148: {  	_ =	swait.ge [sflag:s9], $0x1000  }
0x149: {  	[sflag:s9] =	ssyncset.done $0x0  }
0x14a: {  	[sflag:s9] =	ssyncadd.s32 $0xFFFFF000  }
0x14b: {  	_ =	swait.ge [sflag:s4], $0x2000  }
0x14c: {  	s19 =	sshra.s32 s17, $0x2;
	[sflag:s4] =	ssyncset.done $0x0  }
0x14d: {  	s0 =	sadd.s32 $0x1600, s19;
	[sflag:s4] =	ssyncadd.s32 $0xFFFFE000  }
0x14e: {  	[spmem:s1] =	stream.indirect.scatter.add.f32 [tilespmem:s28], [sflag:$0x9], $0x80, s0, s16, $0xb8;
	[tilespmem:$0x1E080] =	vst v63  }
0x14f: {  	s30 =	sadd.s32 $0x380, s19  }
0x150: {  	[tilespmem:s18], [sflag:$0x4] =	stream.indirect.gather [hbm4b:s3+s31], $0x80, s30, s31, $0xb8;
	[tilespmem:$0x1E080] =	vst v63  }
0x151: {  	s5 =	sadd.s32 $0x3A0, s19  }
0x152: {  	[tilespmem:s20], [sflag:$0x8] =	stream.indirect.gather [hbm4b:s3+s31], $0x80, s5, s31, $0xb8;
	[tilespmem:$0x1E080] =	vst v63  }
0x153: {  	_ =	swait.ge [sflag:s21], $0x1000  }
0x154: {  	[sflag:s21] =	ssyncset.done $0x0  }
0x155: {  	[sflag:s21] =	ssyncadd.s32 $0xFFFFF000  }
0x156: {  	_ =	swait.ge [sflag:s22], $0x1000  }
0x157: {  	[sflag:s22] =	ssyncset.done $0x0  }
0x158: {  	[sflag:s22] =	ssyncadd.s32 $0xFFFFF000  }
0x159: {  	_ =	swait.ge [sflag:s23], $0x2000  }
0x15a: {  	p2 =	seq.s32 s17, $0x4000;
	[sflag:s23] =	ssyncset.done $0x0  }
0x15b: {  	s7 =	sadd.s32 $0x1680, s19;
	s0 =	sshra.s32 @!p2 s17, $0x2;
	[sflag:s23] =	ssyncadd.s32 $0xFFFFE000  }
0x15c: {  	[spmem:s1] =	stream.indirect.scatter.add.f32 [tilespmem:s11], [sflag:$0xA], $0x80, s7, s16, $0xb8;
	[tilespmem:$0x1E080] =	vst v63  }
0x15d: {  	s30 =	simm.s32 @!p2 $0x2800;
	s5 =	sadd.s32 @!p2 $0x400, s0;
	s7 =	simm.s32 @!p2 $0x20  }
0x15e: {  	[tilespmem:s30], [sflag:$0x1] =	stream.indirect.gather @!p2 [hbm4b:s3+s7], $0x80, s5, s7, $0xb8;
	[tilespmem:$0x1E080] =	vst v63  }
0x15f: {  	s5 =	sadd.s32 @!p2 $0x420, s0;
	s30 =	simm.s32 @!p2 $0x3800  }
0x160: {  	[tilespmem:s30], [sflag:$0x5] =	stream.indirect.gather @!p2 [hbm4b:s3+s7], $0x80, s5, s7, $0xb8;
	[tilespmem:$0x1E080] =	vst v63  }
0x161: {  	_ =	swait.ge [sflag:s10], $0x1000  }
0x162: {  	[sflag:s10] =	ssyncset.done $0x0  }
0x163: {  	[sflag:s10] =	ssyncadd.s32 $0xFFFFF000  }
0x164: {  	_ =	swait.ge [sflag:s12], $0x1000  }
0x165: {  	[sflag:s12] =	ssyncset.done $0x0  }
0x166: {  	[sflag:s12] =	ssyncadd.s32 $0xFFFFF000  }
0x167: {  	_ =	swait.ge [sflag:s14], $0x2000  }
0x168: {  	[sflag:s14] =	ssyncset.done $0x0  }
0x169: {  	s30 =	sadd.s32 $0x1700, s19;
	[sflag:s14] =	ssyncadd.s32 $0xFFFFE000  }
0x16a: {  	[spmem:s1] =	stream.indirect.scatter.add.f32 [tilespmem:s15], [sflag:$0xB], $0x80, s30, s16, $0xb8;
	[tilespmem:$0x1E080] =	vst v63  }
0x16b: {  	s5 =	sadd.s32 @!p2 $0x480, s0;
	s30 =	simm.s32 @!p2 $0x4800  }
0x16c: {  	[tilespmem:s30], [sflag:$0x2] =	stream.indirect.gather @!p2 [hbm4b:s3+s7], $0x80, s5, s7, $0xb8;
	[tilespmem:$0x1E080] =	vst v63  }
0x16d: {  	s0 =	sadd.s32 @!p2 $0x4A0, s0;
	s5 =	simm.s32 @!p2 $0x5800  }
0x16e: {  	[tilespmem:s5], [sflag:$0x6] =	stream.indirect.gather @!p2 [hbm4b:s3+s7], $0x80, s0, s7, $0xb8;
	[tilespmem:$0x1E080] =	vst v63  }
0x16f: {  	_ =	swait.ge [sflag:s24], $0x1000  }
0x170: {  	[sflag:s24] =	ssyncset.done $0x0  }
0x171: {  	[sflag:s24] =	ssyncadd.s32 $0xFFFFF000  }
0x172: {  	_ =	swait.ge [sflag:s25], $0x1000  }
0x173: {  	[sflag:s25] =	ssyncset.done $0x0  }
.Ltmp6:
0x174: {  	[sflag:s25] =	ssyncadd.s32 $0xFFFFF000;
	(pc) =	sbr.rel @p2 .LBB2_10-.Ltmp6, $4  }
0x175: {  	_ =	swait.ge [sflag:s26], $0x2000  }
0x176: {  	[sflag:s26] =	ssyncset.done $0x0  }
0x177: {  	s30 =	sadd.s32 $0x1780, s19;
	[sflag:s26] =	ssyncadd.s32 $0xFFFFE000  }
0x178: {  	[spmem:s1] =	stream.indirect.scatter.add.f32 [tilespmem:s18], [sflag:$0xC], $0x80, s30, s16, $0xb8;
	[tilespmem:$0x1E080] =	vst v63  }
.Ltmp7:
0x179: {  	(pc) =	sbr.rel .LBB2_8-.Ltmp7, $4  }
0x17a: {  	s0 =	sadd.s32 $0x500, s19  }
0x17b: {  	[tilespmem:s15], [sflag:$0x3] =	stream.indirect.gather [hbm4b:s3+s31], $0x80, s0, s31, $0xb8;
	[tilespmem:$0x1E080] =	vst v63  }
0x17c: {  	s30 =	sadd.s32 $0x520, s19;
	s17 =	sadd.s32 $0x800, s17  }
0x17d: {  	[tilespmem:s6], [sflag:$0x7] =	stream.indirect.gather [hbm4b:s3+s31], $0x80, s30, s31, $0xb8;
	[tilespmem:$0x1E080] =	vst v63  }
.LBB2_10:
0x17e: {  	_ =	swait.ge [sflag:s4], $0x2000  }
0x17f: {  	[sflag:s4] =	ssyncset.done $0x0  }
0x180: {  	s17 =	simm.s32 $0x0;
	s0 =	rddreg [dreg:$0xa];
	[sflag:s4] =	ssyncadd.s32 $0xFFFFE000  }
0x181: {  	[tilespmem:s17], [sflag:$0xD] =	stream.linear.gather [hbm4b:s0+s17], $0x1400, $0x38;
	[tilespmem:$0x1E080] =	vst v63  }
0x182: {  	_ =	swait.ge [sflag:s29], $0x1400  }
0x183: {  	[sflag:s29] =	ssyncset.done $0x0  }
0x184: {  	s5 =	simm.s32 $0x1400;
	s7 =	rddreg [dreg:$0xb];
	[sflag:s29] =	ssyncadd.s32 $0xFFFFEC00  }
0x185: {  	[tilespmem:s5], [sflag:$0xD] =	stream.linear.gather [hbm4b:s7+s17], $0x1400, $0x38;
	[tilespmem:$0x1E080] =	vst v63  }
0x186: {  	_ =	swait.ge [sflag:s29], $0x1400  }
0x187: {  	[sflag:s29] =	ssyncset.done $0x0  }
0x188: {  	[sflag:s29] =	ssyncadd.s32 $0xFFFFEC00  }
0x189: {  	[tilespmem:s28], [sflag:$0x1] =	stream.indirect.gather [hbm4b:s3+s31], $0x80, s17, s31, $0xb8;
	[tilespmem:$0x1E080] =	vst v63  }
0x18a: {  	s0 =	simm.s32 $0x3800  }
0x18b: {  	[tilespmem:s0], [sflag:$0x5] =	stream.indirect.gather [hbm4b:s3+s31], $0x80, s31, s31, $0xb8;
	[tilespmem:$0x1E080] =	vst v63  }
0x18c: {  	s7 =	simm.s32 $0x80  }
0x18d: {  	[tilespmem:s11], [sflag:$0x2] =	stream.indirect.gather [hbm4b:s3+s31], $0x80, s7, s31, $0xb8;
	[tilespmem:$0x1E080] =	vst v63  }
0x18e: {  	s19 =	simm.s32 $0xA0  }
0x18f: {  	[tilespmem:s13], [sflag:$0x6] =	stream.indirect.gather [hbm4b:s3+s31], $0x80, s19, s31, $0xb8;
	[tilespmem:$0x1E080] =	vst v63  }
0x190: {  	s30 =	simm.s32 $0x100  }
0x191: {  	[tilespmem:s15], [sflag:$0x3] =	stream.indirect.gather [hbm4b:s3+s31], $0x80, s30, s31, $0xb8;
	[tilespmem:$0x1E080] =	vst v63  }
0x192: {  	s19 =	simm.s32 $0x120  }
0x193: {  	[tilespmem:s6], [sflag:$0x7] =	stream.indirect.gather [hbm4b:s3+s31], $0x80, s19, s31, $0xb8;
	[tilespmem:$0x1E080] =	vst v63  }
0x194: {  	_ =	swait.ge [sflag:s8], $0x1000  }
0x195: {  	[sflag:s8] =	ssyncset.done $0x0  }
0x196: {  	[sflag:s8] =	ssyncadd.s32 $0xFFFFF000  }
0x197: {  	_ =	swait.ge [sflag:s9], $0x1000  }
0x198: {  	[sflag:s9] =	ssyncset.done $0x0  }
0x199: {  	[sflag:s9] =	ssyncadd.s32 $0xFFFFF000  }
0x19a: {  	[spmem:s1] =	stream.indirect.scatter.add.f32 [tilespmem:s28], [sflag:$0x9], $0x80, s5, s16, $0xb8;
	[tilespmem:$0x1E080] =	vst v63  }
0x19b: {  	s30 =	simm.s32 $0x180  }
0x19c: {  	[tilespmem:s18], [sflag:$0x4] =	stream.indirect.gather [hbm4b:s3+s31], $0x80, s30, s31, $0xb8;
	[tilespmem:$0x1E080] =	vst v63  }
0x19d: {  	s7 =	simm.s32 $0x1A0  }
0x19e: {  	[tilespmem:s20], [sflag:$0x8] =	stream.indirect.gather [hbm4b:s3+s31], $0x80, s7, s31, $0xb8;
	[tilespmem:$0x1E080] =	vst v63  }
0x19f: {  	_ =	swait.ge [sflag:s21], $0x1000  }
0x1a0: {  	[sflag:s21] =	ssyncset.done $0x0  }
0x1a1: {  	[sflag:s21] =	ssyncadd.s32 $0xFFFFF000  }
0x1a2: {  	_ =	swait.ge [sflag:s22], $0x1000  }
0x1a3: {  	[sflag:s22] =	ssyncset.done $0x0  }
0x1a4: {  	[sflag:s22] =	ssyncadd.s32 $0xFFFFF000  }
0x1a5: {  	_ =	swait.ge [sflag:s23], $0x2000  }
0x1a6: {  	[sflag:s23] =	ssyncset.done $0x0  }
0x1a7: {  	s19 =	simm.s32 $0x1480;
	[sflag:s23] =	ssyncadd.s32 $0xFFFFE000  }
0x1a8: {  	[spmem:s1] =	stream.indirect.scatter.add.f32 [tilespmem:s11], [sflag:$0xA], $0x80, s19, s16, $0xb8;
	[tilespmem:$0x1E080] =	vst v63  }
0x1a9: {  	s30 =	simm.s32 $0x200  }
0x1aa: {  	[tilespmem:s28], [sflag:$0x1] =	stream.indirect.gather [hbm4b:s3+s31], $0x80, s30, s31, $0xb8;
	[tilespmem:$0x1E080] =	vst v63  }
0x1ab: {  	s7 =	simm.s32 $0x220  }
0x1ac: {  	[tilespmem:s0], [sflag:$0x5] =	stream.indirect.gather [hbm4b:s3+s31], $0x80, s7, s31, $0xb8;
	[tilespmem:$0x1E080] =	vst v63  }
0x1ad: {  	_ =	swait.ge [sflag:s10], $0x1000  }
0x1ae: {  	[sflag:s10] =	ssyncset.done $0x0  }
0x1af: {  	[sflag:s10] =	ssyncadd.s32 $0xFFFFF000  }
0x1b0: {  	_ =	swait.ge [sflag:s12], $0x1000  }
0x1b1: {  	[sflag:s12] =	ssyncset.done $0x0  }
0x1b2: {  	[sflag:s12] =	ssyncadd.s32 $0xFFFFF000  }
0x1b3: {  	_ =	swait.ge [sflag:s14], $0x2000  }
0x1b4: {  	[sflag:s14] =	ssyncset.done $0x0  }
0x1b5: {  	s19 =	simm.s32 $0x1500;
	[sflag:s14] =	ssyncadd.s32 $0xFFFFE000  }
0x1b6: {  	[spmem:s1] =	stream.indirect.scatter.add.f32 [tilespmem:s15], [sflag:$0xB], $0x80, s19, s16, $0xb8;
	[tilespmem:$0x1E080] =	vst v63  }
0x1b7: {  	s30 =	simm.s32 $0x280  }
0x1b8: {  	[tilespmem:s11], [sflag:$0x2] =	stream.indirect.gather [hbm4b:s3+s31], $0x80, s30, s31, $0xb8;
	[tilespmem:$0x1E080] =	vst v63  }
0x1b9: {  	s5 =	simm.s32 $0x2A0  }
0x1ba: {  	[tilespmem:s13], [sflag:$0x6] =	stream.indirect.gather [hbm4b:s3+s31], $0x80, s5, s31, $0xb8;
	[tilespmem:$0x1E080] =	vst v63  }
0x1bb: {  	_ =	swait.ge [sflag:s24], $0x1000  }
0x1bc: {  	[sflag:s24] =	ssyncset.done $0x0  }
0x1bd: {  	[sflag:s24] =	ssyncadd.s32 $0xFFFFF000  }
0x1be: {  	_ =	swait.ge [sflag:s25], $0x1000  }
0x1bf: {  	[sflag:s25] =	ssyncset.done $0x0  }
0x1c0: {  	[sflag:s25] =	ssyncadd.s32 $0xFFFFF000  }
0x1c1: {  	_ =	swait.ge [sflag:s26], $0x2000  }
0x1c2: {  	[sflag:s26] =	ssyncset.done $0x0  }
0x1c3: {  	s7 =	simm.s32 $0x1580;
	[sflag:s26] =	ssyncadd.s32 $0xFFFFE000  }
0x1c4: {  	[spmem:s1] =	stream.indirect.scatter.add.f32 [tilespmem:s18], [sflag:$0xC], $0x80, s7, s16, $0xb8;
	[tilespmem:$0x1E080] =	vst v63  }
0x1c5: {  	s19 =	simm.s32 $0x300  }
0x1c6: {  	[tilespmem:s15], [sflag:$0x3] =	stream.indirect.gather [hbm4b:s3+s31], $0x80, s19, s31, $0xb8;
	[tilespmem:$0x1E080] =	vst v63  }
0x1c7: {  	s30 =	simm.s32 $0x320  }
0x1c8: {  	[tilespmem:s6], [sflag:$0x7] =	stream.indirect.gather [hbm4b:s3+s31], $0x80, s30, s31, $0xb8;
	[tilespmem:$0x1E080] =	vst v63  }
.LBB2_11:
0x1c9: {  	_ =	swait.ge [sflag:s8], $0x1000  }
0x1ca: {  	[sflag:s8] =	ssyncset.done $0x0  }
0x1cb: {  	[sflag:s8] =	ssyncadd.s32 $0xFFFFF000  }
0x1cc: {  	_ =	swait.ge [sflag:s9], $0x1000  }
0x1cd: {  	[sflag:s9] =	ssyncset.done $0x0  }
0x1ce: {  	[sflag:s9] =	ssyncadd.s32 $0xFFFFF000  }
0x1cf: {  	_ =	swait.ge [sflag:s4], $0x2000  }
0x1d0: {  	s19 =	sshra.s32 s17, $0x2;
	[sflag:s4] =	ssyncset.done $0x0  }
0x1d1: {  	s0 =	sadd.s32 $0x1600, s19;
	[sflag:s4] =	ssyncadd.s32 $0xFFFFE000  }
0x1d2: {  	[spmem:s1] =	stream.indirect.scatter.add.f32 [tilespmem:s28], [sflag:$0x9], $0x80, s0, s16, $0xb8;
	[tilespmem:$0x1E080] =	vst v63  }
0x1d3: {  	s30 =	sadd.s32 $0x380, s19  }
0x1d4: {  	[tilespmem:s18], [sflag:$0x4] =	stream.indirect.gather [hbm4b:s3+s31], $0x80, s30, s31, $0xb8;
	[tilespmem:$0x1E080] =	vst v63  }
0x1d5: {  	s5 =	sadd.s32 $0x3A0, s19  }
0x1d6: {  	[tilespmem:s20], [sflag:$0x8] =	stream.indirect.gather [hbm4b:s3+s31], $0x80, s5, s31, $0xb8;
	[tilespmem:$0x1E080] =	vst v63  }
0x1d7: {  	_ =	swait.ge [sflag:s21], $0x1000  }
0x1d8: {  	[sflag:s21] =	ssyncset.done $0x0  }
0x1d9: {  	[sflag:s21] =	ssyncadd.s32 $0xFFFFF000  }
0x1da: {  	_ =	swait.ge [sflag:s22], $0x1000  }
0x1db: {  	[sflag:s22] =	ssyncset.done $0x0  }
0x1dc: {  	[sflag:s22] =	ssyncadd.s32 $0xFFFFF000  }
0x1dd: {  	_ =	swait.ge [sflag:s23], $0x2000  }
0x1de: {  	p2 =	seq.s32 s17, $0x4000;
	[sflag:s23] =	ssyncset.done $0x0  }
0x1df: {  	s7 =	sadd.s32 $0x1680, s19;
	s0 =	sshra.s32 @!p2 s17, $0x2;
	[sflag:s23] =	ssyncadd.s32 $0xFFFFE000  }
0x1e0: {  	[spmem:s1] =	stream.indirect.scatter.add.f32 [tilespmem:s11], [sflag:$0xA], $0x80, s7, s16, $0xb8;
	[tilespmem:$0x1E080] =	vst v63  }
0x1e1: {  	s30 =	simm.s32 @!p2 $0x2800;
	s5 =	sadd.s32 @!p2 $0x400, s0;
	s7 =	simm.s32 @!p2 $0x20  }
0x1e2: {  	[tilespmem:s30], [sflag:$0x1] =	stream.indirect.gather @!p2 [hbm4b:s3+s7], $0x80, s5, s7, $0xb8;
	[tilespmem:$0x1E080] =	vst v63  }
0x1e3: {  	s5 =	sadd.s32 @!p2 $0x420, s0;
	s30 =	simm.s32 @!p2 $0x3800  }
0x1e4: {  	[tilespmem:s30], [sflag:$0x5] =	stream.indirect.gather @!p2 [hbm4b:s3+s7], $0x80, s5, s7, $0xb8;
	[tilespmem:$0x1E080] =	vst v63  }
0x1e5: {  	_ =	swait.ge [sflag:s10], $0x1000  }
0x1e6: {  	[sflag:s10] =	ssyncset.done $0x0  }
0x1e7: {  	[sflag:s10] =	ssyncadd.s32 $0xFFFFF000  }
0x1e8: {  	_ =	swait.ge [sflag:s12], $0x1000  }
0x1e9: {  	[sflag:s12] =	ssyncset.done $0x0  }
0x1ea: {  	[sflag:s12] =	ssyncadd.s32 $0xFFFFF000  }
0x1eb: {  	_ =	swait.ge [sflag:s14], $0x2000  }
0x1ec: {  	[sflag:s14] =	ssyncset.done $0x0  }
0x1ed: {  	s30 =	sadd.s32 $0x1700, s19;
	[sflag:s14] =	ssyncadd.s32 $0xFFFFE000  }
0x1ee: {  	[spmem:s1] =	stream.indirect.scatter.add.f32 [tilespmem:s15], [sflag:$0xB], $0x80, s30, s16, $0xb8;
	[tilespmem:$0x1E080] =	vst v63  }
0x1ef: {  	s5 =	sadd.s32 @!p2 $0x480, s0;
	s30 =	simm.s32 @!p2 $0x4800  }
0x1f0: {  	[tilespmem:s30], [sflag:$0x2] =	stream.indirect.gather @!p2 [hbm4b:s3+s7], $0x80, s5, s7, $0xb8;
	[tilespmem:$0x1E080] =	vst v63  }
0x1f1: {  	s0 =	sadd.s32 @!p2 $0x4A0, s0;
	s5 =	simm.s32 @!p2 $0x5800  }
0x1f2: {  	[tilespmem:s5], [sflag:$0x6] =	stream.indirect.gather @!p2 [hbm4b:s3+s7], $0x80, s0, s7, $0xb8;
	[tilespmem:$0x1E080] =	vst v63  }
0x1f3: {  	_ =	swait.ge [sflag:s24], $0x1000  }
0x1f4: {  	[sflag:s24] =	ssyncset.done $0x0  }
0x1f5: {  	[sflag:s24] =	ssyncadd.s32 $0xFFFFF000  }
0x1f6: {  	_ =	swait.ge [sflag:s25], $0x1000  }
0x1f7: {  	[sflag:s25] =	ssyncset.done $0x0  }
.Ltmp8:
0x1f8: {  	[sflag:s25] =	ssyncadd.s32 $0xFFFFF000;
	(pc) =	sbr.rel @p2 .LBB2_13-.Ltmp8, $4  }
0x1f9: {  	_ =	swait.ge [sflag:s26], $0x2000  }
0x1fa: {  	[sflag:s26] =	ssyncset.done $0x0  }
0x1fb: {  	s30 =	sadd.s32 $0x1780, s19;
	[sflag:s26] =	ssyncadd.s32 $0xFFFFE000  }
0x1fc: {  	[spmem:s1] =	stream.indirect.scatter.add.f32 [tilespmem:s18], [sflag:$0xC], $0x80, s30, s16, $0xb8;
	[tilespmem:$0x1E080] =	vst v63  }
.Ltmp9:
0x1fd: {  	(pc) =	sbr.rel .LBB2_11-.Ltmp9, $4  }
0x1fe: {  	s0 =	sadd.s32 $0x500, s19  }
0x1ff: {  	[tilespmem:s15], [sflag:$0x3] =	stream.indirect.gather [hbm4b:s3+s31], $0x80, s0, s31, $0xb8;
	[tilespmem:$0x1E080] =	vst v63  }
0x200: {  	s30 =	sadd.s32 $0x520, s19;
	s17 =	sadd.s32 $0x800, s17  }
0x201: {  	[tilespmem:s6], [sflag:$0x7] =	stream.indirect.gather [hbm4b:s3+s31], $0x80, s30, s31, $0xb8;
	[tilespmem:$0x1E080] =	vst v63  }
.LBB2_13:
0x202: {  	_ =	swait.ge [sflag:s4], $0x2000  }
0x203: {  	[sflag:s4] =	ssyncset.done $0x0  }
0x204: {  	s17 =	simm.s32 $0x0;
	s0 =	rddreg [dreg:$0xc];
	[sflag:s4] =	ssyncadd.s32 $0xFFFFE000  }
0x205: {  	[tilespmem:s17], [sflag:$0xD] =	stream.linear.gather [hbm4b:s0+s17], $0x1400, $0x38;
	[tilespmem:$0x1E080] =	vst v63  }
0x206: {  	_ =	swait.ge [sflag:s29], $0x1400  }
0x207: {  	[sflag:s29] =	ssyncset.done $0x0  }
0x208: {  	s5 =	simm.s32 $0x1400;
	s7 =	rddreg [dreg:$0xd];
	[sflag:s29] =	ssyncadd.s32 $0xFFFFEC00  }
0x209: {  	[tilespmem:s5], [sflag:$0xD] =	stream.linear.gather [hbm4b:s7+s17], $0x1400, $0x38;
	[tilespmem:$0x1E080] =	vst v63  }
0x20a: {  	_ =	swait.ge [sflag:s29], $0x1400  }
0x20b: {  	[sflag:s29] =	ssyncset.done $0x0  }
0x20c: {  	[sflag:s29] =	ssyncadd.s32 $0xFFFFEC00  }
0x20d: {  	[tilespmem:s28], [sflag:$0x1] =	stream.indirect.gather [hbm4b:s3+s31], $0x80, s17, s31, $0xb8;
	[tilespmem:$0x1E080] =	vst v63  }
0x20e: {  	s0 =	simm.s32 $0x3800  }
0x20f: {  	[tilespmem:s0], [sflag:$0x5] =	stream.indirect.gather [hbm4b:s3+s31], $0x80, s31, s31, $0xb8;
	[tilespmem:$0x1E080] =	vst v63  }
0x210: {  	s7 =	simm.s32 $0x80  }
0x211: {  	[tilespmem:s11], [sflag:$0x2] =	stream.indirect.gather [hbm4b:s3+s31], $0x80, s7, s31, $0xb8;
	[tilespmem:$0x1E080] =	vst v63  }
0x212: {  	s19 =	simm.s32 $0xA0  }
0x213: {  	[tilespmem:s13], [sflag:$0x6] =	stream.indirect.gather [hbm4b:s3+s31], $0x80, s19, s31, $0xb8;
	[tilespmem:$0x1E080] =	vst v63  }
0x214: {  	s30 =	simm.s32 $0x100  }
0x215: {  	[tilespmem:s15], [sflag:$0x3] =	stream.indirect.gather [hbm4b:s3+s31], $0x80, s30, s31, $0xb8;
	[tilespmem:$0x1E080] =	vst v63  }
0x216: {  	s19 =	simm.s32 $0x120  }
0x217: {  	[tilespmem:s6], [sflag:$0x7] =	stream.indirect.gather [hbm4b:s3+s31], $0x80, s19, s31, $0xb8;
	[tilespmem:$0x1E080] =	vst v63  }
0x218: {  	_ =	swait.ge [sflag:s8], $0x1000  }
0x219: {  	[sflag:s8] =	ssyncset.done $0x0  }
0x21a: {  	[sflag:s8] =	ssyncadd.s32 $0xFFFFF000  }
0x21b: {  	_ =	swait.ge [sflag:s9], $0x1000  }
0x21c: {  	[sflag:s9] =	ssyncset.done $0x0  }
0x21d: {  	[sflag:s9] =	ssyncadd.s32 $0xFFFFF000  }
0x21e: {  	[spmem:s1] =	stream.indirect.scatter.add.f32 [tilespmem:s28], [sflag:$0x9], $0x80, s5, s16, $0xb8;
	[tilespmem:$0x1E080] =	vst v63  }
0x21f: {  	s30 =	simm.s32 $0x180  }
0x220: {  	[tilespmem:s18], [sflag:$0x4] =	stream.indirect.gather [hbm4b:s3+s31], $0x80, s30, s31, $0xb8;
	[tilespmem:$0x1E080] =	vst v63  }
0x221: {  	s7 =	simm.s32 $0x1A0  }
0x222: {  	[tilespmem:s20], [sflag:$0x8] =	stream.indirect.gather [hbm4b:s3+s31], $0x80, s7, s31, $0xb8;
	[tilespmem:$0x1E080] =	vst v63  }
0x223: {  	_ =	swait.ge [sflag:s21], $0x1000  }
0x224: {  	[sflag:s21] =	ssyncset.done $0x0  }
0x225: {  	[sflag:s21] =	ssyncadd.s32 $0xFFFFF000  }
0x226: {  	_ =	swait.ge [sflag:s22], $0x1000  }
0x227: {  	[sflag:s22] =	ssyncset.done $0x0  }
0x228: {  	[sflag:s22] =	ssyncadd.s32 $0xFFFFF000  }
0x229: {  	_ =	swait.ge [sflag:s23], $0x2000  }
0x22a: {  	[sflag:s23] =	ssyncset.done $0x0  }
0x22b: {  	s19 =	simm.s32 $0x1480;
	[sflag:s23] =	ssyncadd.s32 $0xFFFFE000  }
0x22c: {  	[spmem:s1] =	stream.indirect.scatter.add.f32 [tilespmem:s11], [sflag:$0xA], $0x80, s19, s16, $0xb8;
	[tilespmem:$0x1E080] =	vst v63  }
0x22d: {  	s30 =	simm.s32 $0x200  }
0x22e: {  	[tilespmem:s28], [sflag:$0x1] =	stream.indirect.gather [hbm4b:s3+s31], $0x80, s30, s31, $0xb8;
	[tilespmem:$0x1E080] =	vst v63  }
0x22f: {  	s7 =	simm.s32 $0x220  }
0x230: {  	[tilespmem:s0], [sflag:$0x5] =	stream.indirect.gather [hbm4b:s3+s31], $0x80, s7, s31, $0xb8;
	[tilespmem:$0x1E080] =	vst v63  }
0x231: {  	_ =	swait.ge [sflag:s10], $0x1000  }
0x232: {  	[sflag:s10] =	ssyncset.done $0x0  }
0x233: {  	[sflag:s10] =	ssyncadd.s32 $0xFFFFF000  }
0x234: {  	_ =	swait.ge [sflag:s12], $0x1000  }
0x235: {  	[sflag:s12] =	ssyncset.done $0x0  }
0x236: {  	[sflag:s12] =	ssyncadd.s32 $0xFFFFF000  }
0x237: {  	_ =	swait.ge [sflag:s14], $0x2000  }
0x238: {  	[sflag:s14] =	ssyncset.done $0x0  }
0x239: {  	s19 =	simm.s32 $0x1500;
	[sflag:s14] =	ssyncadd.s32 $0xFFFFE000  }
0x23a: {  	[spmem:s1] =	stream.indirect.scatter.add.f32 [tilespmem:s15], [sflag:$0xB], $0x80, s19, s16, $0xb8;
	[tilespmem:$0x1E080] =	vst v63  }
0x23b: {  	s30 =	simm.s32 $0x280  }
0x23c: {  	[tilespmem:s11], [sflag:$0x2] =	stream.indirect.gather [hbm4b:s3+s31], $0x80, s30, s31, $0xb8;
	[tilespmem:$0x1E080] =	vst v63  }
0x23d: {  	s5 =	simm.s32 $0x2A0  }
0x23e: {  	[tilespmem:s13], [sflag:$0x6] =	stream.indirect.gather [hbm4b:s3+s31], $0x80, s5, s31, $0xb8;
	[tilespmem:$0x1E080] =	vst v63  }
0x23f: {  	_ =	swait.ge [sflag:s24], $0x1000  }
0x240: {  	[sflag:s24] =	ssyncset.done $0x0  }
0x241: {  	[sflag:s24] =	ssyncadd.s32 $0xFFFFF000  }
0x242: {  	_ =	swait.ge [sflag:s25], $0x1000  }
0x243: {  	[sflag:s25] =	ssyncset.done $0x0  }
0x244: {  	[sflag:s25] =	ssyncadd.s32 $0xFFFFF000  }
0x245: {  	_ =	swait.ge [sflag:s26], $0x2000  }
0x246: {  	[sflag:s26] =	ssyncset.done $0x0  }
0x247: {  	s7 =	simm.s32 $0x1580;
	[sflag:s26] =	ssyncadd.s32 $0xFFFFE000  }
0x248: {  	[spmem:s1] =	stream.indirect.scatter.add.f32 [tilespmem:s18], [sflag:$0xC], $0x80, s7, s16, $0xb8;
	[tilespmem:$0x1E080] =	vst v63  }
0x249: {  	s19 =	simm.s32 $0x300  }
0x24a: {  	[tilespmem:s15], [sflag:$0x3] =	stream.indirect.gather [hbm4b:s3+s31], $0x80, s19, s31, $0xb8;
	[tilespmem:$0x1E080] =	vst v63  }
0x24b: {  	s30 =	simm.s32 $0x320  }
0x24c: {  	[tilespmem:s6], [sflag:$0x7] =	stream.indirect.gather [hbm4b:s3+s31], $0x80, s30, s31, $0xb8;
	[tilespmem:$0x1E080] =	vst v63  }
.LBB2_14:
0x24d: {  	_ =	swait.ge [sflag:s8], $0x1000  }
0x24e: {  	[sflag:s8] =	ssyncset.done $0x0  }
0x24f: {  	[sflag:s8] =	ssyncadd.s32 $0xFFFFF000  }
0x250: {  	_ =	swait.ge [sflag:s9], $0x1000  }
0x251: {  	[sflag:s9] =	ssyncset.done $0x0  }
0x252: {  	[sflag:s9] =	ssyncadd.s32 $0xFFFFF000  }
0x253: {  	_ =	swait.ge [sflag:s4], $0x2000  }
0x254: {  	s19 =	sshra.s32 s17, $0x2;
	[sflag:s4] =	ssyncset.done $0x0  }
0x255: {  	s0 =	sadd.s32 $0x1600, s19;
	[sflag:s4] =	ssyncadd.s32 $0xFFFFE000  }
0x256: {  	[spmem:s1] =	stream.indirect.scatter.add.f32 [tilespmem:s28], [sflag:$0x9], $0x80, s0, s16, $0xb8;
	[tilespmem:$0x1E080] =	vst v63  }
0x257: {  	s30 =	sadd.s32 $0x380, s19  }
0x258: {  	[tilespmem:s18], [sflag:$0x4] =	stream.indirect.gather [hbm4b:s3+s31], $0x80, s30, s31, $0xb8;
	[tilespmem:$0x1E080] =	vst v63  }
0x259: {  	s5 =	sadd.s32 $0x3A0, s19  }
0x25a: {  	[tilespmem:s20], [sflag:$0x8] =	stream.indirect.gather [hbm4b:s3+s31], $0x80, s5, s31, $0xb8;
	[tilespmem:$0x1E080] =	vst v63  }
0x25b: {  	_ =	swait.ge [sflag:s21], $0x1000  }
0x25c: {  	[sflag:s21] =	ssyncset.done $0x0  }
0x25d: {  	[sflag:s21] =	ssyncadd.s32 $0xFFFFF000  }
0x25e: {  	_ =	swait.ge [sflag:s22], $0x1000  }
0x25f: {  	[sflag:s22] =	ssyncset.done $0x0  }
0x260: {  	[sflag:s22] =	ssyncadd.s32 $0xFFFFF000  }
0x261: {  	_ =	swait.ge [sflag:s23], $0x2000  }
0x262: {  	p2 =	seq.s32 s17, $0x4000;
	[sflag:s23] =	ssyncset.done $0x0  }
0x263: {  	s7 =	sadd.s32 $0x1680, s19;
	s0 =	sshra.s32 @!p2 s17, $0x2;
	[sflag:s23] =	ssyncadd.s32 $0xFFFFE000  }
0x264: {  	[spmem:s1] =	stream.indirect.scatter.add.f32 [tilespmem:s11], [sflag:$0xA], $0x80, s7, s16, $0xb8;
	[tilespmem:$0x1E080] =	vst v63  }
0x265: {  	s30 =	simm.s32 @!p2 $0x2800;
	s5 =	sadd.s32 @!p2 $0x400, s0;
	s7 =	simm.s32 @!p2 $0x20  }
0x266: {  	[tilespmem:s30], [sflag:$0x1] =	stream.indirect.gather @!p2 [hbm4b:s3+s7], $0x80, s5, s7, $0xb8;
	[tilespmem:$0x1E080] =	vst v63  }
0x267: {  	s5 =	sadd.s32 @!p2 $0x420, s0;
	s30 =	simm.s32 @!p2 $0x3800  }
0x268: {  	[tilespmem:s30], [sflag:$0x5] =	stream.indirect.gather @!p2 [hbm4b:s3+s7], $0x80, s5, s7, $0xb8;
	[tilespmem:$0x1E080] =	vst v63  }
0x269: {  	_ =	swait.ge [sflag:s10], $0x1000  }
0x26a: {  	[sflag:s10] =	ssyncset.done $0x0  }
0x26b: {  	[sflag:s10] =	ssyncadd.s32 $0xFFFFF000  }
0x26c: {  	_ =	swait.ge [sflag:s12], $0x1000  }
0x26d: {  	[sflag:s12] =	ssyncset.done $0x0  }
0x26e: {  	[sflag:s12] =	ssyncadd.s32 $0xFFFFF000  }
0x26f: {  	_ =	swait.ge [sflag:s14], $0x2000  }
0x270: {  	[sflag:s14] =	ssyncset.done $0x0  }
0x271: {  	s30 =	sadd.s32 $0x1700, s19;
	[sflag:s14] =	ssyncadd.s32 $0xFFFFE000  }
0x272: {  	[spmem:s1] =	stream.indirect.scatter.add.f32 [tilespmem:s15], [sflag:$0xB], $0x80, s30, s16, $0xb8;
	[tilespmem:$0x1E080] =	vst v63  }
0x273: {  	s5 =	sadd.s32 @!p2 $0x480, s0;
	s30 =	simm.s32 @!p2 $0x4800  }
0x274: {  	[tilespmem:s30], [sflag:$0x2] =	stream.indirect.gather @!p2 [hbm4b:s3+s7], $0x80, s5, s7, $0xb8;
	[tilespmem:$0x1E080] =	vst v63  }
0x275: {  	s0 =	sadd.s32 @!p2 $0x4A0, s0;
	s5 =	simm.s32 @!p2 $0x5800  }
0x276: {  	[tilespmem:s5], [sflag:$0x6] =	stream.indirect.gather @!p2 [hbm4b:s3+s7], $0x80, s0, s7, $0xb8;
	[tilespmem:$0x1E080] =	vst v63  }
0x277: {  	_ =	swait.ge [sflag:s24], $0x1000  }
0x278: {  	[sflag:s24] =	ssyncset.done $0x0  }
0x279: {  	[sflag:s24] =	ssyncadd.s32 $0xFFFFF000  }
0x27a: {  	_ =	swait.ge [sflag:s25], $0x1000  }
0x27b: {  	[sflag:s25] =	ssyncset.done $0x0  }
.Ltmp10:
0x27c: {  	[sflag:s25] =	ssyncadd.s32 $0xFFFFF000;
	(pc) =	sbr.rel @p2 .LBB2_16-.Ltmp10, $4  }
0x27d: {  	_ =	swait.ge [sflag:s26], $0x2000  }
0x27e: {  	[sflag:s26] =	ssyncset.done $0x0  }
0x27f: {  	s30 =	sadd.s32 $0x1780, s19;
	[sflag:s26] =	ssyncadd.s32 $0xFFFFE000  }
0x280: {  	[spmem:s1] =	stream.indirect.scatter.add.f32 [tilespmem:s18], [sflag:$0xC], $0x80, s30, s16, $0xb8;
	[tilespmem:$0x1E080] =	vst v63  }
.Ltmp11:
0x281: {  	(pc) =	sbr.rel .LBB2_14-.Ltmp11, $4  }
0x282: {  	s0 =	sadd.s32 $0x500, s19  }
0x283: {  	[tilespmem:s15], [sflag:$0x3] =	stream.indirect.gather [hbm4b:s3+s31], $0x80, s0, s31, $0xb8;
	[tilespmem:$0x1E080] =	vst v63  }
0x284: {  	s30 =	sadd.s32 $0x520, s19;
	s17 =	sadd.s32 $0x800, s17  }
0x285: {  	[tilespmem:s6], [sflag:$0x7] =	stream.indirect.gather [hbm4b:s3+s31], $0x80, s30, s31, $0xb8;
	[tilespmem:$0x1E080] =	vst v63  }
.LBB2_18:
0x286: {  	_ =	sfence.sel $0x180000  }
0x287: {  	[bflag:$0x0] =	sbarrier.arrive $0xFFFF  }
0x288: {  	_ =	strace $0x9000004A  }
0x289: {  	[bflag:$0x2] =	sbarrier.arrive $0xFFFF  }
0x28a: {  	s0 =	rddreg [dreg:$0x2]  }
0x28b: {  	s0 =	sadd.s32 @!p0 $0x100000, s0  }
0x28c: {  	[sflag:s0] =	ssyncadd.tile.s32 @!p0 $0x1;
	_ =	shalt  }
.Lfunc_end2:
_tile_overlayer_lowered:
.L_overlay_start_2:
0x28d: {  	(tag) =	ssettag $0x2  }
0x28e: {  	s0 =	rddreg [dreg:$0x0];
	s2 =	stileid.u32  }
0x28f: {  	s1 =	rddreg [dreg:$0x1];
	p0 =	sne.s32 s2, $0x0  }
0x290: {  	s3 =	rddreg [dreg:$0x2];
	[bflag:$0x3] =	sbarrier.arrive $0xFFFF;
	s2 =	simm.s32 @!p0 $0x1C0D  }
0x291: {  	[timem:s3], [sflag:s2] =	dma.local @!p0 [hbm:s0], s1  }
0x292: {  	s0 =	simm.s32 @!p0 $0xD  }
0x293: {  	_ =	swait.ge @!p0 [sflag:s0], s1  }
0x294: {  	s1 =	ssub.s32 @!p0 $0x0, s1;
	[sflag:s0] =	ssyncset.done @!p0 $0x0  }
0x295: {  	[sflag:s0] =	ssyncadd.s32 @!p0 s1  }
0x296: {  	[bflag:$0x3] =	sbarrier.arrive $0xFFFF  }
0x297: {  	_ =	shalt  }

</sc_bundles>
